<compile_context>
chip_gen: v7x
topology: tpu7x:2x2x1
jax: 0.10.2.dev20260603
libtpu: 0.0.44.dev20260713+nightly
codegen_flags: <defaults>
</compile_context>

<pallas_src>
import functools

import jax
import jax.numpy as jnp
import numpy as np
from jax import lax
from jax.experimental import pallas as pl
from jax.experimental.pallas import tpu as pltpu
from jax.experimental.pallas import tpu_sc as plsc

N_NODES = 10000
N_EDGES = 320000
D_NODE = 128
D_EDGE = 16

_NC, _NS = 2, 16
_NW = _NC * _NS
_CH = 128
_NCHUNK = N_EDGES // _CH
_SLOTS = -(-_NCHUNK // _NW)
_ZCH = 40
_NZ = N_NODES // _ZCH
_ZSLOTS = -(-_NZ // _NS)

_MESH = dict(core_axis_name="c", subcore_axis_name="s")


def _sc_gather(node_features, row, col, off, n_e):
    n_chunk = n_e // _CH
    slots = -(-n_chunk // _NW)

    nring = 2

    @functools.partial(
        pl.kernel,
        out_type=(
            jax.ShapeDtypeStruct((n_e, D_NODE), jnp.float32),
            jax.ShapeDtypeStruct((n_e, D_NODE), jnp.float32),
        ),
        scratch_types=[
            pltpu.VMEM((nring, _CH), jnp.int32),
            pltpu.VMEM((nring, _CH), jnp.int32),
            pltpu.VMEM((nring, _CH, D_NODE), jnp.float32),
            pltpu.VMEM((nring, _CH, D_NODE), jnp.float32),
        ]
        + [pltpu.SemaphoreType.DMA] * nring,
        mesh=plsc.VectorSubcoreMesh(**_MESH),
    )
    def gather_k(nf, row_h, col_h, src_o, tgt_o, idx_r, idx_c, buf_s, buf_t,
                 *sems):
        wid = lax.axis_index("s") * _NC + lax.axis_index("c")

        def body(gg, c):
            for r in range(nring):
                g = nring * gg + r
                c0 = wid + _NW * g
                c1 = c0 - _NW
                cl = c0 - nring * _NW

                @pl.when((g >= nring) & (cl < n_chunk))
                def _():
                    base = cl * _CH
                    pltpu.make_async_copy(
                        src_o.at[pl.ds(base, _CH)], buf_s.at[r], sems[r]).wait()
                    pltpu.make_async_copy(
                        tgt_o.at[pl.ds(base, _CH)], buf_t.at[r], sems[r]).wait()

                @pl.when(c0 < n_chunk)
                def _():
                    gbase = (off + c0) * _CH
                    pltpu.sync_copy(row_h.at[pl.ds(gbase, _CH)], idx_r.at[r])
                    pltpu.sync_copy(col_h.at[pl.ds(gbase, _CH)], idx_c.at[r])
                    pltpu.async_copy(nf.at[idx_r.at[r]], buf_s.at[r], sems[r])
                    pltpu.async_copy(nf.at[idx_c.at[r]], buf_t.at[r], sems[r])

                @pl.when((g >= 1) & (c1 < n_chunk))
                def _():
                    q = (r - 1) % nring
                    base = c1 * _CH
                    pltpu.make_async_copy(
                        nf.at[idx_r.at[q]], buf_s.at[q], sems[q]).wait()
                    pltpu.make_async_copy(
                        nf.at[idx_c.at[q]], buf_t.at[q], sems[q]).wait()
                    pltpu.async_copy(
                        buf_s.at[q], src_o.at[pl.ds(base, _CH)], sems[q])
                    pltpu.async_copy(
                        buf_t.at[q], tgt_o.at[pl.ds(base, _CH)], sems[q])

            return c

        lax.fori_loop(0, (slots + nring) // nring + 1, body, 0)

    return gather_k(node_features, row, col)


def _sc_scatter(e_out, col, off):
    n_e = e_out.shape[0]
    n_chunk = n_e // _CH
    slots = -(-n_chunk // _NW)

    @functools.partial(
        pl.kernel,
        out_type=jax.ShapeDtypeStruct((_NC, N_NODES, D_NODE), jnp.float32),
        scratch_types=[
            pltpu.VMEM((2, _CH), jnp.int32),
            pltpu.VMEM((2, _CH, D_NODE), jnp.float32),
            pltpu.VMEM((_ZCH, D_NODE), jnp.float32),
            pltpu.VMEM_SHARED((N_NODES, D_NODE), jnp.float32),
            pltpu.SemaphoreType.DMA,
            pltpu.SemaphoreType.DMA,
        ],
        mesh=plsc.VectorSubcoreMesh(**_MESH),
    )
    def scatter_k(eout_h, col_h, agg_o, idx_c, buf, zbuf, agg_sh, sem0, sem1):
        cid = lax.axis_index("c")
        sid = lax.axis_index("s")
        wid = sid * _NC + cid

        def zrow(i, c):
            def zcol(j, c2):
                zbuf[i, pl.ds(j * 16, 16)] = jnp.zeros((16,), jnp.float32)
                return c2

            return lax.fori_loop(0, D_NODE // 16, zcol, c)

        lax.fori_loop(0, _ZCH, zrow, 0)

        def zcp(k, c):
            zc = sid + _NS * k

            @pl.when(zc < _NZ)
            def _():
                pltpu.sync_copy(zbuf, agg_sh.at[pl.ds(zc * _ZCH, _ZCH)])

            return c

        lax.fori_loop(0, _ZSLOTS, zcp, 0)
        plsc.subcore_barrier()

        sems = (sem0, sem1)

        def body(gg, c):
            for r in range(2):
                g = 2 * gg + r
                c0 = wid + _NW * g
                c1 = c0 - _NW

                @pl.when(c0 < n_chunk)
                def _():
                    base = c0 * _CH
                    pltpu.async_copy(
                        col_h.at[pl.ds((off + c0) * _CH, _CH)], idx_c.at[r],
                        sems[r])
                    pltpu.async_copy(
                        eout_h.at[pl.ds(base, _CH)], buf.at[r], sems[r])

                @pl.when((g >= 1) & (c1 < n_chunk))
                def _():
                    q = 1 - r
                    base = c1 * _CH
                    pltpu.make_async_copy(
                        col_h.at[pl.ds((off + c1) * _CH, _CH)], idx_c.at[q],
                        sems[q]).wait()
                    pltpu.make_async_copy(
                        eout_h.at[pl.ds(base, _CH)], buf.at[q], sems[q]).wait()
                    pltpu.sync_copy(buf.at[q], agg_sh.at[idx_c.at[q]], add=True)

            return c

        lax.fori_loop(0, (slots + 1 + 1) // 2, body, 0)
        plsc.subcore_barrier()

        def cp(k, c):
            zc = sid + _NS * k

            @pl.when(zc < _NZ)
            def _():
                off = zc * _ZCH
                pltpu.sync_copy(agg_sh.at[pl.ds(off, _ZCH)], zbuf)
                pltpu.sync_copy(zbuf, agg_o.at[cid, pl.ds(off, _ZCH)])

            return c

        lax.fori_loop(0, _ZSLOTS, cp, 0)

    return scatter_k(e_out, col)


def _rowsum(x):
    return jnp.sum(x, axis=1, keepdims=True)


def _ln_gelu(x, g, b, m=None):
    if m is None:
        m = _rowsum(x) * (1.0 / x.shape[1])
    c = x - m
    v = _rowsum(c * c) * (1.0 / x.shape[1])
    y = c * lax.rsqrt(v + 1e-5) * g + b
    return 0.5 * y * (1.0 + lax.erf(y * (1.0 / np.sqrt(2.0))))


_DA = D_NODE + 8


_BE = 2000


def _edge_body(src, tgt, ef, wsd, wtd, we, wdc, eb1, eg1, ebt1,
               ew2, eb2, eg2, ebt2, out):
    s = src[...]
    t = tgt[...]
    st = _rowsum(s * t)
    ss = _rowsum(s * s)
    tt = _rowsum(t * t)
    d2 = jnp.maximum(ss + tt - 2.0 * st, 0.0)
    dist = jnp.sqrt(d2 + 1e-12)
    cos = st / (jnp.sqrt(ss + 1e-12) * jnp.sqrt(tt + 1e-12))
    h = jnp.dot(s, wsd[...], preferred_element_type=jnp.float32)
    h = h + jnp.dot(t, wtd[...], preferred_element_type=jnp.float32)
    h = h + jnp.dot(ef[...], we[...], preferred_element_type=jnp.float32)
    h = h + dist * wdc[0:1, :] + cos * wdc[1:2, :] + eb1[...]
    h = _ln_gelu(h, eg1[...], ebt1[...])
    h2 = jnp.dot(h, ew2[...], preferred_element_type=jnp.float32) + eb2[...]
    out[...] = _ln_gelu(h2, eg2[...], ebt2[...])


def _edge_mlp(src, tgt, ef, wsd, wtd, we, wdc, eb1, eg1, ebt1,
              ew2, eb2, eg2, ebt2, blk_off):
    n_blk = src.shape[0] // _BE
    row_spec = pl.BlockSpec((_BE, D_NODE), lambda i: (i, 0))
    const = lambda shape: pl.BlockSpec(shape, lambda i: (0, 0))
    return pl.pallas_call(
        _edge_body,
        grid=(n_blk,),
        in_specs=[
            row_spec,
            row_spec,
            pl.BlockSpec((_BE, D_EDGE), lambda i: (blk_off + i, 0)),
            const((D_NODE, D_NODE)),
            const((D_NODE, D_NODE)),
            const((D_EDGE, D_NODE)),
            const((2, D_NODE)),
            const((1, D_NODE)),
            const((1, D_NODE)),
            const((1, D_NODE)),
            const((D_NODE, D_NODE)),
            const((1, D_NODE)),
            const((1, D_NODE)),
            const((1, D_NODE)),
        ],
        out_specs=row_spec,
        out_shape=jax.ShapeDtypeStruct((src.shape[0], D_NODE), jnp.float32),
    )(src, tgt, ef, wsd, wtd, we, wdc, eb1, eg1, ebt1, ew2, eb2, eg2, ebt2)


_BN = 1000


def _node_mlp(nf, agg_list, nwx, nwa, nb1, ng1, nbt1, nw2, nb2, ng2, nbt2):
    n_parts = len(agg_list)
    n_blk = N_NODES // _BN
    row_spec = pl.BlockSpec((_BN, D_NODE), lambda i: (i, 0))
    const = lambda shape: pl.BlockSpec(shape, lambda i: (0, 0))

    def body(*refs):
        nf_r = refs[0]
        aggs = refs[1:1 + n_parts]
        (nwx_r, nwa_r, nb1_r, ng1_r, nbt1_r, nw2_r, nb2_r, ng2_r, nbt2_r,
         out) = refs[1 + n_parts:]
        x = nf_r[...]
        a = aggs[0][0] + aggs[0][1]
        for ar in aggs[1:]:
            a = a + ar[0] + ar[1]
        h = jnp.dot(x, nwx_r[...], preferred_element_type=jnp.float32)
        h = h + jnp.dot(a, nwa_r[...], preferred_element_type=jnp.float32)
        h = h + nb1_r[...]
        h = _ln_gelu(h, ng1_r[...], nbt1_r[...])
        h2 = jnp.dot(h, nw2_r[...], preferred_element_type=jnp.float32)
        h2 = h2 + nb2_r[...]
        out[...] = _ln_gelu(h2, ng2_r[...], nbt2_r[...])

    return pl.pallas_call(
        body,
        grid=(n_blk,),
        in_specs=[row_spec]
        + [pl.BlockSpec((_NC, _BN, D_NODE), lambda i: (0, i, 0))] * n_parts
        + [
            const((D_NODE, D_NODE)),
            const((D_NODE, D_NODE)),
            const((1, D_NODE)),
            const((1, D_NODE)),
            const((1, D_NODE)),
            const((D_NODE, D_NODE)),
            const((1, D_NODE)),
            const((1, D_NODE)),
            const((1, D_NODE)),
        ],
        out_specs=row_spec,
        out_shape=jax.ShapeDtypeStruct((N_NODES, D_NODE), jnp.float32),
    )(nf, *agg_list, nwx, nwa, nb1, ng1, nbt1, nw2, nb2, ng2, nbt2)


def kernel(node_features, edge_features,
           eW1, eb1, eg1, ebt1, eW2, eb2, eg2, ebt2,
           nW1, nb1, ng1, nbt1, nW2, nb2, ng2, nbt2,
           edge_index):
    ei = edge_index.astype(jnp.int32)
    row = ei[0]
    col = ei[1]

    wsd = eW1[0:D_NODE] + eW1[2 * D_NODE:3 * D_NODE]
    wtd = eW1[D_NODE:2 * D_NODE] - eW1[2 * D_NODE:3 * D_NODE]
    wdc = eW1[3 * D_NODE:3 * D_NODE + 2]
    we = eW1[3 * D_NODE + 2:]

    splits = (160000, 160000)
    e_parts = []
    aggs = []
    base = 0
    for part in splits:
        off = base // _CH
        src_h, tgt_h = _sc_gather(node_features, row, col, off, part)
        e_h = _edge_mlp(
            src_h, tgt_h, edge_features, wsd, wtd, we, wdc,
            eb1.reshape(1, -1), eg1.reshape(1, -1), ebt1.reshape(1, -1),
            eW2, eb2.reshape(1, -1), eg2.reshape(1, -1), ebt2.reshape(1, -1),
            base // _BE)
        e_parts.append(e_h)
        aggs.append(_sc_scatter(e_h, col, off))
        base += part
    e_out = jnp.concatenate(e_parts, axis=0)
    x_out = _node_mlp(
        node_features, aggs, nW1[0:D_NODE], nW1[D_NODE:],
        nb1.reshape(1, -1), ng1.reshape(1, -1), nbt1.reshape(1, -1),
        nW2, nb2.reshape(1, -1), ng2.reshape(1, -1), nbt2.reshape(1, -1))
    return (x_out, e_out)

# --- scband reference (transcript-rebuilt; emitter-appended) ---
"""Pipeline reference for scband-qc-gem-18854906429825 (READ-ONLY COPY).

The authoritative reference and input builder live on the scoring server;
editing this copy changes nothing except your own understanding.
"""

import jax, jax.numpy as jnp
import numpy as np

N_NODES = 10000
N_EDGES = 320000
D_NODE = 128
D_EDGE = 16
H_EDGE = 128
O_EDGE = 128
H_NODE = 128
O_NODE = 128
EDGE_IN = D_NODE * 3 + 1 + 1 + D_EDGE  # 402
NODE_IN = D_NODE + O_EDGE  # 256


def _ln(x, g, b):
    m = jnp.mean(x, axis=-1, keepdims=True)
    v = jnp.var(x, axis=-1, keepdims=True)
    return (x - m) / jnp.sqrt(v + 1e-5) * g + b


def setup_inputs(seed: int = 0) -> dict:
    key = jax.random.key(seed)
    ks = jax.random.split(key, 12)
    node_features = jax.random.normal(ks[0], (N_NODES, D_NODE), dtype=jnp.float32)
    edge_index = jax.random.randint(ks[1], (2, N_EDGES), 0, N_NODES, dtype=jnp.int64)
    edge_features = jax.random.normal(ks[2], (N_EDGES, D_EDGE), dtype=jnp.float32)
    def lin(k, fan_in, fan_out):
        bound = 1.0 / np.sqrt(fan_in)
        k1, k2 = jax.random.split(k)
        W = jax.random.uniform(k1, (fan_in, fan_out), minval=-bound, maxval=bound, dtype=jnp.float32)
        b = jax.random.uniform(k2, (fan_out,), minval=-bound, maxval=bound, dtype=jnp.float32)
        return W, b
    eW1, eb1 = lin(ks[3], EDGE_IN, H_EDGE)
    eW2, eb2 = lin(ks[4], H_EDGE, O_EDGE)
    nW1, nb1 = lin(ks[5], NODE_IN, H_NODE)
    nW2, nb2 = lin(ks[6], H_NODE, O_NODE)
    return {
        'node_features': node_features,
        'edge_features': edge_features,
        'eW1': eW1, 'eb1': eb1, 'eg1': jnp.ones((H_EDGE,), jnp.float32), 'ebt1': jnp.zeros((H_EDGE,), jnp.float32),
        'eW2': eW2, 'eb2': eb2, 'eg2': jnp.ones((O_EDGE,), jnp.float32), 'ebt2': jnp.zeros((O_EDGE,), jnp.float32),
        'nW1': nW1, 'nb1': nb1, 'ng1': jnp.ones((H_NODE,), jnp.float32), 'nbt1': jnp.zeros((H_NODE,), jnp.float32),
        'nW2': nW2, 'nb2': nb2, 'ng2': jnp.ones((O_NODE,), jnp.float32), 'nbt2': jnp.zeros((O_NODE,), jnp.float32),
        'edge_index': edge_index,
    }


def reference(node_features, edge_features,
              eW1, eb1, eg1, ebt1, eW2, eb2, eg2, ebt2,
              nW1, nb1, ng1, nbt1, nW2, nb2, ng2, nbt2,
              edge_index):
    row = edge_index[0]
    col = edge_index[1]
    src = jnp.take(node_features, row, axis=0)
    tgt = jnp.take(node_features, col, axis=0)
    # node2node_diff: feature difference + distance + cosine similarity (dim = D_NODE + 2)
    diff = src - tgt
    dist = jnp.sqrt(jnp.sum(diff * diff, axis=1, keepdims=True) + 1e-12)
    sn = jnp.sqrt(jnp.sum(src * src, axis=1, keepdims=True) + 1e-12)
    tn = jnp.sqrt(jnp.sum(tgt * tgt, axis=1, keepdims=True) + 1e-12)
    cos = jnp.sum(src * tgt, axis=1, keepdims=True) / (sn * tn)
    direct_info = jnp.concatenate([diff, dist, cos], axis=1)
    # edge_model
    e_in = jnp.concatenate([src, tgt, direct_info, edge_features], axis=1)
    h = jax.nn.gelu(_ln(e_in @ eW1 + eb1, eg1, ebt1), approximate=False)
    e_out = jax.nn.gelu(_ln(h @ eW2 + eb2, eg2, ebt2), approximate=False)
    # node_model: unsorted_segment_sum over destination nodes (col)
    agg = jax.ops.segment_sum(e_out, col, num_segments=node_features.shape[0])
    n_in = jnp.concatenate([node_features, agg], axis=1)
    h2 = jax.nn.gelu(_ln(n_in @ nW1 + nb1, ng1, nbt1), approximate=False)
    x_out = jax.nn.gelu(_ln(h2 @ nW2 + nb2, ng2, nbt2), approximate=False)
    return (x_out, e_out)

if __name__ == "__main__":
    import jax
    _d = setup_inputs()
    print(jax.jit(kernel)(*tuple(_d.values())))

</pallas_src>

<mosaic_0001>
#map = affine_map<(d0, d1) -> (0, 0)>
#map1 = affine_map<(d0, d1) -> (0)>
module attributes {stable_mosaic.version = 14 : i64} {
  func.func @gather_k(%arg0: i32, %arg1: i32, %arg2: memref<10000x128xf32, #tpu.memory_space<hbm>>, %arg3: memref<320000xi32, #tpu.memory_space<hbm>>, %arg4: memref<320000xi32, #tpu.memory_space<hbm>>, %arg5: memref<160000x128xf32, #tpu.memory_space<hbm>>, %arg6: memref<160000x128xf32, #tpu.memory_space<hbm>>, %arg7: memref<2x128xi32, #tpu.memory_space<vmem>>, %arg8: memref<2x128xi32, #tpu.memory_space<vmem>>, %arg9: memref<2x128x128xf32, #tpu.memory_space<vmem>>, %arg10: memref<2x128x128xf32, #tpu.memory_space<vmem>>, %arg11: memref<!tpu.dma_semaphore, #tpu.memory_space<semaphore_mem>>, %arg12: memref<!tpu.dma_semaphore, #tpu.memory_space<semaphore_mem>>) attributes {dimension_semantics = [#tpu.dimension_semantics<core_parallel>, #tpu.dimension_semantics<subcore_parallel>], iteration_bounds = array<i64: 2, 16>, scalar_prefetch = 0 : i64, scratch_operands = 6 : i64, tpu.core_type = #tpu.core_type<sc_vector_subcore>, window_params = [{transform_indices = #map}, {transform_indices = #map1}, {transform_indices = #map1}, {transform_indices = #map}, {transform_indices = #map}]} {
    %mul3A = arith.constant 2 : i32
    %mul3A_0 = arith.muli %arg1, %mul3A : i32
    %add3A = arith.addi %mul3A_0, %arg0 : i32
    %scan3A = arith.constant 0 : i32
    %scan3A_1 = arith.constant 0 : i32
    %scan3A_2 = arith.constant 22 : i32
    %scan3A_3 = arith.addi %scan3A_1, %scan3A_2 : i32
    %scan3A_4 = arith.constant 1 : i32
    scf.for %scan3A_6 = %scan3A_1 to %scan3A_3 step %scan3A_4  : i32 {
      %mul3A_7 = arith.constant 2 : i32
      %mul3A_8 = arith.muli %mul3A_7, %scan3A_6 : i32
      %add3A_9 = arith.constant 0 : i32
      %add3A_10 = arith.addi %mul3A_8, %add3A_9 : i32
      %mul3A_11 = arith.constant 32 : i32
      %mul3A_12 = arith.muli %mul3A_11, %add3A_10 : i32
      %add3A_13 = arith.addi %add3A, %mul3A_12 : i32
      %sub3A = arith.constant 32 : i32
      %sub3A_14 = arith.subi %add3A_13, %sub3A : i32
      %sub3A_15 = arith.constant 64 : i32
      %sub3A_16 = arith.subi %add3A_13, %sub3A_15 : i32
      %ge3A = arith.constant 2 : i32
      %ge3A_17 = arith.cmpi sge, %add3A_10, %ge3A : i32
      %lt3A = arith.constant 1250 : i32
      %lt3A_18 = arith.cmpi slt, %sub3A_16, %lt3A : i32
      %and3A = arith.andi %ge3A_17, %lt3A_18 : i1
      %convert_element_type3A = arith.extui %and3A : i1 to i32
      %cond3A = arith.constant 0 : i32
      %cond3A_19 = arith.cmpi ne, %convert_element_type3A, %cond3A : i32
      scf.if %cond3A_19 {
        %mul3A_65 = arith.constant 128 : i32
        %mul3A_66 = arith.muli %sub3A_16, %mul3A_65 : i32
        %dma_wait3A = arith.constant 0 : i32
        %dma_wait3A_67 = arith.constant 0 : i32
        %dma_wait3A_68 = arith.constant 0 : i32
        %dma_wait3A_69 = tpu.memref_slice %arg9[%dma_wait3A, %dma_wait3A_67, %dma_wait3A_68] : memref<2x128x128xf32, #tpu.memory_space<vmem>> -> memref<1x128x128xf32, #tpu.memory_space<vmem>>
        %dma_wait3A_70 = tpu.memref_squeeze %dma_wait3A_69 : memref<1x128x128xf32, #tpu.memory_space<vmem>> -> memref<128x128xf32, #tpu.memory_space<vmem>>
        %dma_wait3A_71 = arith.constant 0 : i32
        %dma_wait3A_72 = tpu.memref_slice %arg5[%mul3A_66, %dma_wait3A_71] : memref<160000x128xf32, #tpu.memory_space<hbm>> -> memref<128x128xf32, #tpu.memory_space<hbm>>
        %dma_wait3A_73 = arith.constant 0 : i32
        %dma_wait3A_74 = arith.constant 0 : i32
        %dma_wait3A_75 = tpu.memref_slice %arg9[%dma_wait3A, %dma_wait3A_73, %dma_wait3A_74] : memref<2x128x128xf32, #tpu.memory_space<vmem>> -> memref<1x128x128xf32, #tpu.memory_space<vmem>>
        %dma_wait3A_76 = tpu.memref_squeeze %dma_wait3A_75 : memref<1x128x128xf32, #tpu.memory_space<vmem>> -> memref<128x128xf32, #tpu.memory_space<vmem>>
        %dma_wait3A_77 = arith.constant 0 : i32
        %dma_wait3A_78 = tpu.memref_slice %arg5[%mul3A_66, %dma_wait3A_77] : memref<160000x128xf32, #tpu.memory_space<hbm>> -> memref<128x128xf32, #tpu.memory_space<hbm>>
        tpu.wait_dma2 semaphore(%arg11 : memref<!tpu.dma_semaphore, #tpu.memory_space<semaphore_mem>>) src(%dma_wait3A_78 : memref<128x128xf32, #tpu.memory_space<hbm>>) dst(%dma_wait3A_76 : memref<128x128xf32, #tpu.memory_space<vmem>>)
        %dma_wait3A_79 = arith.constant 0 : i32
        %dma_wait3A_80 = arith.constant 0 : i32
        %dma_wait3A_81 = arith.constant 0 : i32
        %dma_wait3A_82 = tpu.memref_slice %arg10[%dma_wait3A_79, %dma_wait3A_80, %dma_wait3A_81] : memref<2x128x128xf32, #tpu.memory_space<vmem>> -> memref<1x128x128xf32, #tpu.memory_space<vmem>>
        %dma_wait3A_83 = tpu.memref_squeeze %dma_wait3A_82 : memref<1x128x128xf32, #tpu.memory_space<vmem>> -> memref<128x128xf32, #tpu.memory_space<vmem>>
        %dma_wait3A_84 = arith.constant 0 : i32
        %dma_wait3A_85 = tpu.memref_slice %arg6[%mul3A_66, %dma_wait3A_84] : memref<160000x128xf32, #tpu.memory_space<hbm>> -> memref<128x128xf32, #tpu.memory_space<hbm>>
        %dma_wait3A_86 = arith.constant 0 : i32
        %dma_wait3A_87 = arith.constant 0 : i32
        %dma_wait3A_88 = tpu.memref_slice %arg10[%dma_wait3A_79, %dma_wait3A_86, %dma_wait3A_87] : memref<2x128x128xf32, #tpu.memory_space<vmem>> -> memref<1x128x128xf32, #tpu.memory_space<vmem>>
        %dma_wait3A_89 = tpu.memref_squeeze %dma_wait3A_88 : memref<1x128x128xf32, #tpu.memory_space<vmem>> -> memref<128x128xf32, #tpu.memory_space<vmem>>
        %dma_wait3A_90 = arith.constant 0 : i32
        %dma_wait3A_91 = tpu.memref_slice %arg6[%mul3A_66, %dma_wait3A_90] : memref<160000x128xf32, #tpu.memory_space<hbm>> -> memref<128x128xf32, #tpu.memory_space<hbm>>
        tpu.wait_dma2 semaphore(%arg11 : memref<!tpu.dma_semaphore, #tpu.memory_space<semaphore_mem>>) src(%dma_wait3A_91 : memref<128x128xf32, #tpu.memory_space<hbm>>) dst(%dma_wait3A_89 : memref<128x128xf32, #tpu.memory_space<vmem>>)
      } else {
      }
      %lt3A_20 = arith.constant 1250 : i32
      %lt3A_21 = arith.cmpi slt, %add3A_13, %lt3A_20 : i32
      %convert_element_type3A_22 = arith.extui %lt3A_21 : i1 to i32
      %cond3A_23 = arith.constant 0 : i32
      %cond3A_24 = arith.cmpi ne, %convert_element_type3A_22, %cond3A_23 : i32
      scf.if %cond3A_24 {
        %add3A_65 = arith.constant 0 : i32
        %add3A_66 = arith.addi %add3A_65, %add3A_13 : i32
        %mul3A_67 = arith.constant 128 : i32
        %mul3A_68 = arith.muli %add3A_66, %mul3A_67 : i32
        %run_scoped3A = arith.constant 0 : i32
        "tpu.region"() ({
          %run_scoped3A_93 = tpu.sem_alloc : memref<!tpu.dma_semaphore, #tpu.memory_space<semaphore_mem>>
          %dma_start3A_94 = arith.constant 0 : i32
          %dma_start3A_95 = tpu.memref_slice %arg7[%run_scoped3A, %dma_start3A_94] : memref<2x128xi32, #tpu.memory_space<vmem>> -> memref<1x128xi32, #tpu.memory_space<vmem>>
          %dma_start3A_96 = tpu.memref_squeeze %dma_start3A_95 : memref<1x128xi32, #tpu.memory_space<vmem>> -> memref<128xi32, #tpu.memory_space<vmem>>
          %dma_start3A_97 = tpu.memref_slice %arg3[%mul3A_68] : memref<320000xi32, #tpu.memory_space<hbm>> -> memref<128xi32, #tpu.memory_space<hbm>>
          %dma_start3A_98 = arith.constant 0 : i32
          %dma_start3A_99 = tpu.memref_slice %arg7[%run_scoped3A, %dma_start3A_98] : memref<2x128xi32, #tpu.memory_space<vmem>> -> memref<1x128xi32, #tpu.memory_space<vmem>>
          %dma_start3A_100 = tpu.memref_squeeze %dma_start3A_99 : memref<1x128xi32, #tpu.memory_space<vmem>> -> memref<128xi32, #tpu.memory_space<vmem>>
          %dma_start3A_101 = tpu.memref_slice %arg3[%mul3A_68] : memref<320000xi32, #tpu.memory_space<hbm>> -> memref<128xi32, #tpu.memory_space<hbm>>
          tpu.enqueue_dma source(%dma_start3A_101 : memref<128xi32, #tpu.memory_space<hbm>>) target(%dma_start3A_100 : memref<128xi32, #tpu.memory_space<vmem>>) target_semaphore(%run_scoped3A_93 : memref<!tpu.dma_semaphore, #tpu.memory_space<semaphore_mem>>)
          %dma_wait3A = arith.constant 0 : i32
          %dma_wait3A_102 = tpu.memref_slice %arg7[%run_scoped3A, %dma_wait3A] : memref<2x128xi32, #tpu.memory_space<vmem>> -> memref<1x128xi32, #tpu.memory_space<vmem>>
          %dma_wait3A_103 = tpu.memref_squeeze %dma_wait3A_102 : memref<1x128xi32, #tpu.memory_space<vmem>> -> memref<128xi32, #tpu.memory_space<vmem>>
          %dma_wait3A_104 = tpu.memref_slice %arg3[%mul3A_68] : memref<320000xi32, #tpu.memory_space<hbm>> -> memref<128xi32, #tpu.memory_space<hbm>>
          %dma_wait3A_105 = arith.constant 0 : i32
          %dma_wait3A_106 = tpu.memref_slice %arg7[%run_scoped3A, %dma_wait3A_105] : memref<2x128xi32, #tpu.memory_space<vmem>> -> memref<1x128xi32, #tpu.memory_space<vmem>>
          %dma_wait3A_107 = tpu.memref_squeeze %dma_wait3A_106 : memref<1x128xi32, #tpu.memory_space<vmem>> -> memref<128xi32, #tpu.memory_space<vmem>>
          %dma_wait3A_108 = tpu.memref_slice %arg3[%mul3A_68] : memref<320000xi32, #tpu.memory_space<hbm>> -> memref<128xi32, #tpu.memory_space<hbm>>
          tpu.wait_dma2 semaphore(%run_scoped3A_93 : memref<!tpu.dma_semaphore, #tpu.memory_space<semaphore_mem>>) src(%dma_wait3A_108 : memref<128xi32, #tpu.memory_space<hbm>>) dst(%dma_wait3A_107 : memref<128xi32, #tpu.memory_space<vmem>>)
          tpu.yield
        }) : () -> ()
        %run_scoped3A_69 = arith.constant 0 : i32
        "tpu.region"() ({
          %run_scoped3A_93 = tpu.sem_alloc : memref<!tpu.dma_semaphore, #tpu.memory_space<semaphore_mem>>
          %dma_start3A_94 = arith.constant 0 : i32
          %dma_start3A_95 = tpu.memref_slice %arg8[%run_scoped3A_69, %dma_start3A_94] : memref<2x128xi32, #tpu.memory_space<vmem>> -> memref<1x128xi32, #tpu.memory_space<vmem>>
          %dma_start3A_96 = tpu.memref_squeeze %dma_start3A_95 : memref<1x128xi32, #tpu.memory_space<vmem>> -> memref<128xi32, #tpu.memory_space<vmem>>
          %dma_start3A_97 = tpu.memref_slice %arg4[%mul3A_68] : memref<320000xi32, #tpu.memory_space<hbm>> -> memref<128xi32, #tpu.memory_space<hbm>>
          %dma_start3A_98 = arith.constant 0 : i32
          %dma_start3A_99 = tpu.memref_slice %arg8[%run_scoped3A_69, %dma_start3A_98] : memref<2x128xi32, #tpu.memory_space<vmem>> -> memref<1x128xi32, #tpu.memory_space<vmem>>
          %dma_start3A_100 = tpu.memref_squeeze %dma_start3A_99 : memref<1x128xi32, #tpu.memory_space<vmem>> -> memref<128xi32, #tpu.memory_space<vmem>>
          %dma_start3A_101 = tpu.memref_slice %arg4[%mul3A_68] : memref<320000xi32, #tpu.memory_space<hbm>> -> memref<128xi32, #tpu.memory_space<hbm>>
          tpu.enqueue_dma source(%dma_start3A_101 : memref<128xi32, #tpu.memory_space<hbm>>) target(%dma_start3A_100 : memref<128xi32, #tpu.memory_space<vmem>>) target_semaphore(%run_scoped3A_93 : memref<!tpu.dma_semaphore, #tpu.memory_space<semaphore_mem>>)
          %dma_wait3A = arith.constant 0 : i32
          %dma_wait3A_102 = tpu.memref_slice %arg8[%run_scoped3A_69, %dma_wait3A] : memref<2x128xi32, #tpu.memory_space<vmem>> -> memref<1x128xi32, #tpu.memory_space<vmem>>
          %dma_wait3A_103 = tpu.memref_squeeze %dma_wait3A_102 : memref<1x128xi32, #tpu.memory_space<vmem>> -> memref<128xi32, #tpu.memory_space<vmem>>
          %dma_wait3A_104 = tpu.memref_slice %arg4[%mul3A_68] : memref<320000xi32, #tpu.memory_space<hbm>> -> memref<128xi32, #tpu.memory_space<hbm>>
          %dma_wait3A_105 = arith.constant 0 : i32
          %dma_wait3A_106 = tpu.memref_slice %arg8[%run_scoped3A_69, %dma_wait3A_105] : memref<2x128xi32, #tpu.memory_space<vmem>> -> memref<1x128xi32, #tpu.memory_space<vmem>>
          %dma_wait3A_107 = tpu.memref_squeeze %dma_wait3A_106 : memref<1x128xi32, #tpu.memory_space<vmem>> -> memref<128xi32, #tpu.memory_space<vmem>>
          %dma_wait3A_108 = tpu.memref_slice %arg4[%mul3A_68] : memref<320000xi32, #tpu.memory_space<hbm>> -> memref<128xi32, #tpu.memory_space<hbm>>
          tpu.wait_dma2 semaphore(%run_scoped3A_93 : memref<!tpu.dma_semaphore, #tpu.memory_space<semaphore_mem>>) src(%dma_wait3A_108 : memref<128xi32, #tpu.memory_space<hbm>>) dst(%dma_wait3A_107 : memref<128xi32, #tpu.memory_space<vmem>>)
          tpu.yield
        }) : () -> ()
        %dma_start3A = arith.constant 0 : i32
        %dma_start3A_70 = arith.constant 0 : i32
        %dma_start3A_71 = arith.constant 0 : i32
        %dma_start3A_72 = arith.constant 0 : i32
        %dma_start3A_73 = tpu.memref_slice %arg9[%dma_start3A_70, %dma_start3A_71, %dma_start3A_72] : memref<2x128x128xf32, #tpu.memory_space<vmem>> -> memref<1x128x128xf32, #tpu.memory_space<vmem>>
        %dma_start3A_74 = tpu.memref_squeeze %dma_start3A_73 : memref<1x128x128xf32, #tpu.memory_space<vmem>> -> memref<128x128xf32, #tpu.memory_space<vmem>>
        %dma_start3A_75 = arith.constant 0 : i32
        %dma_start3A_76 = tpu.memref_slice %arg7[%dma_start3A, %dma_start3A_75] : memref<2x128xi32, #tpu.memory_space<vmem>> -> memref<1x128xi32, #tpu.memory_space<vmem>>
        %dma_start3A_77 = tpu.memref_squeeze %dma_start3A_76 : memref<1x128xi32, #tpu.memory_space<vmem>> -> memref<128xi32, #tpu.memory_space<vmem>>
        %dma_start3A_78 = arith.constant 0 : i32
        %dma_start3A_79 = arith.constant 0 : i32
        %dma_start3A_80 = tpu.memref_slice %arg2[%dma_start3A_78, %dma_start3A_79] : memref<10000x128xf32, #tpu.memory_space<hbm>> -> memref<10000x128xf32, #tpu.memory_space<hbm>>
        tpu.enqueue_indirect_dma source(%dma_start3A_80 : memref<10000x128xf32, #tpu.memory_space<hbm>>) target(%dma_start3A_74 : memref<128x128xf32, #tpu.memory_space<vmem>>) offsets(%dma_start3A_77 : memref<128xi32, #tpu.memory_space<vmem>>) semaphore(%arg11 : memref<!tpu.dma_semaphore, #tpu.memory_space<semaphore_mem>>)
        %dma_start3A_81 = arith.constant 0 : i32
        %dma_start3A_82 = arith.constant 0 : i32
        %dma_start3A_83 = arith.constant 0 : i32
        %dma_start3A_84 = arith.constant 0 : i32
        %dma_start3A_85 = tpu.memref_slice %arg10[%dma_start3A_82, %dma_start3A_83, %dma_start3A_84] : memref<2x128x128xf32, #tpu.memory_space<vmem>> -> memref<1x128x128xf32, #tpu.memory_space<vmem>>
        %dma_start3A_86 = tpu.memref_squeeze %dma_start3A_85 : memref<1x128x128xf32, #tpu.memory_space<vmem>> -> memref<128x128xf32, #tpu.memory_space<vmem>>
        %dma_start3A_87 = arith.constant 0 : i32
        %dma_start3A_88 = tpu.memref_slice %arg8[%dma_start3A_81, %dma_start3A_87] : memref<2x128xi32, #tpu.memory_space<vmem>> -> memref<1x128xi32, #tpu.memory_space<vmem>>
        %dma_start3A_89 = tpu.memref_squeeze %dma_start3A_88 : memref<1x128xi32, #tpu.memory_space<vmem>> -> memref<128xi32, #tpu.memory_space<vmem>>
        %dma_start3A_90 = arith.constant 0 : i32
        %dma_start3A_91 = arith.constant 0 : i32
        %dma_start3A_92 = tpu.memref_slice %arg2[%dma_start3A_90, %dma_start3A_91] : memref<10000x128xf32, #tpu.memory_space<hbm>> -> memref<10000x128xf32, #tpu.memory_space<hbm>>
        tpu.enqueue_indirect_dma source(%dma_start3A_92 : memref<10000x128xf32, #tpu.memory_space<hbm>>) target(%dma_start3A_86 : memref<128x128xf32, #tpu.memory_space<vmem>>) offsets(%dma_start3A_89 : memref<128xi32, #tpu.memory_space<vmem>>) semaphore(%arg11 : memref<!tpu.dma_semaphore, #tpu.memory_space<semaphore_mem>>)
      } else {
      }
      %ge3A_25 = arith.constant 1 : i32
      %ge3A_26 = arith.cmpi sge, %add3A_10, %ge3A_25 : i32
      %lt3A_27 = arith.constant 1250 : i32
      %lt3A_28 = arith.cmpi slt, %sub3A_14, %lt3A_27 : i32
      %and3A_29 = arith.andi %ge3A_26, %lt3A_28 : i1
      %convert_element_type3A_30 = arith.extui %and3A_29 : i1 to i32
      %cond3A_31 = arith.constant 0 : i32
      %cond3A_32 = arith.cmpi ne, %convert_element_type3A_30, %cond3A_31 : i32
      scf.if %cond3A_32 {
        %mul3A_65 = arith.constant 128 : i32
        %mul3A_66 = arith.muli %sub3A_14, %mul3A_65 : i32
        %dma_wait3A = arith.constant 1 : i32
        %dma_wait3A_67 = arith.constant 1 : i32
        %dma_wait3A_68 = arith.constant 0 : i32
        %dma_wait3A_69 = arith.constant 0 : i32
        %dma_wait3A_70 = tpu.memref_slice %arg9[%dma_wait3A_67, %dma_wait3A_68, %dma_wait3A_69] : memref<2x128x128xf32, #tpu.memory_space<vmem>> -> memref<1x128x128xf32, #tpu.memory_space<vmem>>
        %dma_wait3A_71 = tpu.memref_squeeze %dma_wait3A_70 : memref<1x128x128xf32, #tpu.memory_space<vmem>> -> memref<128x128xf32, #tpu.memory_space<vmem>>
        %dma_wait3A_72 = arith.constant 0 : i32
        %dma_wait3A_73 = tpu.memref_slice %arg7[%dma_wait3A, %dma_wait3A_72] : memref<2x128xi32, #tpu.memory_space<vmem>> -> memref<1x128xi32, #tpu.memory_space<vmem>>
        %dma_wait3A_74 = tpu.memref_squeeze %dma_wait3A_73 : memref<1x128xi32, #tpu.memory_space<vmem>> -> memref<128xi32, #tpu.memory_space<vmem>>
        %dma_wait3A_75 = arith.constant 0 : i32
        %dma_wait3A_76 = arith.constant 0 : i32
        %dma_wait3A_77 = tpu.memref_slice %arg2[%dma_wait3A_75, %dma_wait3A_76] : memref<10000x128xf32, #tpu.memory_space<hbm>> -> memref<10000x128xf32, #tpu.memory_space<hbm>>
        tpu.wait_indirect_dma semaphore(%arg12 : memref<!tpu.dma_semaphore, #tpu.memory_space<semaphore_mem>>) src(%dma_wait3A_77 : memref<10000x128xf32, #tpu.memory_space<hbm>>) dst(%dma_wait3A_71 : memref<128x128xf32, #tpu.memory_space<vmem>>)
        %dma_wait3A_78 = arith.constant 1 : i32
        %dma_wait3A_79 = arith.constant 1 : i32
        %dma_wait3A_80 = arith.constant 0 : i32
        %dma_wait3A_81 = arith.constant 0 : i32
        %dma_wait3A_82 = tpu.memref_slice %arg10[%dma_wait3A_79, %dma_wait3A_80, %dma_wait3A_81] : memref<2x128x128xf32, #tpu.memory_space<vmem>> -> memref<1x128x128xf32, #tpu.memory_space<vmem>>
        %dma_wait3A_83 = tpu.memref_squeeze %dma_wait3A_82 : memref<1x128x128xf32, #tpu.memory_space<vmem>> -> memref<128x128xf32, #tpu.memory_space<vmem>>
        %dma_wait3A_84 = arith.constant 0 : i32
        %dma_wait3A_85 = tpu.memref_slice %arg8[%dma_wait3A_78, %dma_wait3A_84] : memref<2x128xi32, #tpu.memory_space<vmem>> -> memref<1x128xi32, #tpu.memory_space<vmem>>
        %dma_wait3A_86 = tpu.memref_squeeze %dma_wait3A_85 : memref<1x128xi32, #tpu.memory_space<vmem>> -> memref<128xi32, #tpu.memory_space<vmem>>
        %dma_wait3A_87 = arith.constant 0 : i32
        %dma_wait3A_88 = arith.constant 0 : i32
        %dma_wait3A_89 = tpu.memref_slice %arg2[%dma_wait3A_87, %dma_wait3A_88] : memref<10000x128xf32, #tpu.memory_space<hbm>> -> memref<10000x128xf32, #tpu.memory_space<hbm>>
        tpu.wait_indirect_dma semaphore(%arg12 : memref<!tpu.dma_semaphore, #tpu.memory_space<semaphore_mem>>) src(%dma_wait3A_89 : memref<10000x128xf32, #tpu.memory_space<hbm>>) dst(%dma_wait3A_83 : memref<128x128xf32, #tpu.memory_space<vmem>>)
        %dma_start3A = arith.constant 1 : i32
        %dma_start3A_90 = arith.constant 0 : i32
        %dma_start3A_91 = arith.constant 0 : i32
        %dma_start3A_92 = tpu.memref_slice %arg9[%dma_start3A, %dma_start3A_90, %dma_start3A_91] : memref<2x128x128xf32, #tpu.memory_space<vmem>> -> memref<1x128x128xf32, #tpu.memory_space<vmem>>
        %dma_start3A_93 = tpu.memref_squeeze %dma_start3A_92 : memref<1x128x128xf32, #tpu.memory_space<vmem>> -> memref<128x128xf32, #tpu.memory_space<vmem>>
        %dma_start3A_94 = arith.constant 0 : i32
        %dma_start3A_95 = tpu.memref_slice %arg5[%mul3A_66, %dma_start3A_94] : memref<160000x128xf32, #tpu.memory_space<hbm>> -> memref<128x128xf32, #tpu.memory_space<hbm>>
        %dma_start3A_96 = arith.constant 0 : i32
        %dma_start3A_97 = tpu.memref_slice %arg5[%mul3A_66, %dma_start3A_96] : memref<160000x128xf32, #tpu.memory_space<hbm>> -> memref<128x128xf32, #tpu.memory_space<hbm>>
        %dma_start3A_98 = arith.constant 0 : i32
        %dma_start3A_99 = arith.constant 0 : i32
        %dma_start3A_100 = tpu.memref_slice %arg9[%dma_start3A, %dma_start3A_98, %dma_start3A_99] : memref<2x128x128xf32, #tpu.memory_space<vmem>> -> memref<1x128x128xf32, #tpu.memory_space<vmem>>
        %dma_start3A_101 = tpu.memref_squeeze %dma_start3A_100 : memref<1x128x128xf32, #tpu.memory_space<vmem>> -> memref<128x128xf32, #tpu.memory_space<vmem>>
        tpu.enqueue_dma source(%dma_start3A_101 : memref<128x128xf32, #tpu.memory_space<vmem>>) target(%dma_start3A_97 : memref<128x128xf32, #tpu.memory_space<hbm>>) target_semaphore(%arg12 : memref<!tpu.dma_semaphore, #tpu.memory_space<semaphore_mem>>)
        %dma_start3A_102 = arith.constant 1 : i32
        %dma_start3A_103 = arith.constant 0 : i32
        %dma_start3A_104 = arith.constant 0 : i32
        %dma_start3A_105 = tpu.memref_slice %arg10[%dma_start3A_102, %dma_start3A_103, %dma_start3A_104] : memref<2x128x128xf32, #tpu.memory_space<vmem>> -> memref<1x128x128xf32, #tpu.memory_space<vmem>>
        %dma_start3A_106 = tpu.memref_squeeze %dma_start3A_105 : memref<1x128x128xf32, #tpu.memory_space<vmem>> -> memref<128x128xf32, #tpu.memory_space<vmem>>
        %dma_start3A_107 = arith.constant 0 : i32
        %dma_start3A_108 = tpu.memref_slice %arg6[%mul3A_66, %dma_start3A_107] : memref<160000x128xf32, #tpu.memory_space<hbm>> -> memref<128x128xf32, #tpu.memory_space<hbm>>
        %dma_start3A_109 = arith.constant 0 : i32
        %dma_start3A_110 = tpu.memref_slice %arg6[%mul3A_66, %dma_start3A_109] : memref<160000x128xf32, #tpu.memory_space<hbm>> -> memref<128x128xf32, #tpu.memory_space<hbm>>
        %dma_start3A_111 = arith.constant 0 : i32
        %dma_start3A_112 = arith.constant 0 : i32
        %dma_start3A_113 = tpu.memref_slice %arg10[%dma_start3A_102, %dma_start3A_111, %dma_start3A_112] : memref<2x128x128xf32, #tpu.memory_space<vmem>> -> memref<1x128x128xf32, #tpu.memory_space<vmem>>
        %dma_start3A_114 = tpu.memref_squeeze %dma_start3A_113 : memref<1x128x128xf32, #tpu.memory_space<vmem>> -> memref<128x128xf32, #tpu.memory_space<vmem>>
        tpu.enqueue_dma source(%dma_start3A_114 : memref<128x128xf32, #tpu.memory_space<vmem>>) target(%dma_start3A_110 : memref<128x128xf32, #tpu.memory_space<hbm>>) target_semaphore(%arg12 : memref<!tpu.dma_semaphore, #tpu.memory_space<semaphore_mem>>)
      } else {
      }
      %mul3A_33 = arith.constant 2 : i32
      %mul3A_34 = arith.muli %mul3A_33, %scan3A_6 : i32
      %add3A_35 = arith.constant 1 : i32
      %add3A_36 = arith.addi %mul3A_34, %add3A_35 : i32
      %mul3A_37 = arith.constant 32 : i32
      %mul3A_38 = arith.muli %mul3A_37, %add3A_36 : i32
      %add3A_39 = arith.addi %add3A, %mul3A_38 : i32
      %sub3A_40 = arith.constant 32 : i32
      %sub3A_41 = arith.subi %add3A_39, %sub3A_40 : i32
      %sub3A_42 = arith.constant 64 : i32
      %sub3A_43 = arith.subi %add3A_39, %sub3A_42 : i32
      %ge3A_44 = arith.constant 2 : i32
      %ge3A_45 = arith.cmpi sge, %add3A_36, %ge3A_44 : i32
      %lt3A_46 = arith.constant 1250 : i32
      %lt3A_47 = arith.cmpi slt, %sub3A_43, %lt3A_46 : i32
      %and3A_48 = arith.andi %ge3A_45, %lt3A_47 : i1
      %convert_element_type3A_49 = arith.extui %and3A_48 : i1 to i32
      %cond3A_50 = arith.constant 0 : i32
      %cond3A_51 = arith.cmpi ne, %convert_element_type3A_49, %cond3A_50 : i32
      scf.if %cond3A_51 {
        %mul3A_65 = arith.constant 128 : i32
        %mul3A_66 = arith.muli %sub3A_43, %mul3A_65 : i32
        %dma_wait3A = arith.constant 1 : i32
        %dma_wait3A_67 = arith.constant 0 : i32
        %dma_wait3A_68 = arith.constant 0 : i32
        %dma_wait3A_69 = tpu.memref_slice %arg9[%dma_wait3A, %dma_wait3A_67, %dma_wait3A_68] : memref<2x128x128xf32, #tpu.memory_space<vmem>> -> memref<1x128x128xf32, #tpu.memory_space<vmem>>
        %dma_wait3A_70 = tpu.memref_squeeze %dma_wait3A_69 : memref<1x128x128xf32, #tpu.memory_space<vmem>> -> memref<128x128xf32, #tpu.memory_space<vmem>>
        %dma_wait3A_71 = arith.constant 0 : i32
        %dma_wait3A_72 = tpu.memref_slice %arg5[%mul3A_66, %dma_wait3A_71] : memref<160000x128xf32, #tpu.memory_space<hbm>> -> memref<128x128xf32, #tpu.memory_space<hbm>>
        %dma_wait3A_73 = arith.constant 0 : i32
        %dma_wait3A_74 = arith.constant 0 : i32
        %dma_wait3A_75 = tpu.memref_slice %arg9[%dma_wait3A, %dma_wait3A_73, %dma_wait3A_74] : memref<2x128x128xf32, #tpu.memory_space<vmem>> -> memref<1x128x128xf32, #tpu.memory_space<vmem>>
        %dma_wait3A_76 = tpu.memref_squeeze %dma_wait3A_75 : memref<1x128x128xf32, #tpu.memory_space<vmem>> -> memref<128x128xf32, #tpu.memory_space<vmem>>
        %dma_wait3A_77 = arith.constant 0 : i32
        %dma_wait3A_78 = tpu.memref_slice %arg5[%mul3A_66, %dma_wait3A_77] : memref<160000x128xf32, #tpu.memory_space<hbm>> -> memref<128x128xf32, #tpu.memory_space<hbm>>
        tpu.wait_dma2 semaphore(%arg12 : memref<!tpu.dma_semaphore, #tpu.memory_space<semaphore_mem>>) src(%dma_wait3A_78 : memref<128x128xf32, #tpu.memory_space<hbm>>) dst(%dma_wait3A_76 : memref<128x128xf32, #tpu.memory_space<vmem>>)
        %dma_wait3A_79 = arith.constant 1 : i32
        %dma_wait3A_80 = arith.constant 0 : i32
        %dma_wait3A_81 = arith.constant 0 : i32
        %dma_wait3A_82 = tpu.memref_slice %arg10[%dma_wait3A_79, %dma_wait3A_80, %dma_wait3A_81] : memref<2x128x128xf32, #tpu.memory_space<vmem>> -> memref<1x128x128xf32, #tpu.memory_space<vmem>>
        %dma_wait3A_83 = tpu.memref_squeeze %dma_wait3A_82 : memref<1x128x128xf32, #tpu.memory_space<vmem>> -> memref<128x128xf32, #tpu.memory_space<vmem>>
        %dma_wait3A_84 = arith.constant 0 : i32
        %dma_wait3A_85 = tpu.memref_slice %arg6[%mul3A_66, %dma_wait3A_84] : memref<160000x128xf32, #tpu.memory_space<hbm>> -> memref<128x128xf32, #tpu.memory_space<hbm>>
        %dma_wait3A_86 = arith.constant 0 : i32
        %dma_wait3A_87 = arith.constant 0 : i32
        %dma_wait3A_88 = tpu.memref_slice %arg10[%dma_wait3A_79, %dma_wait3A_86, %dma_wait3A_87] : memref<2x128x128xf32, #tpu.memory_space<vmem>> -> memref<1x128x128xf32, #tpu.memory_space<vmem>>
        %dma_wait3A_89 = tpu.memref_squeeze %dma_wait3A_88 : memref<1x128x128xf32, #tpu.memory_space<vmem>> -> memref<128x128xf32, #tpu.memory_space<vmem>>
        %dma_wait3A_90 = arith.constant 0 : i32
        %dma_wait3A_91 = tpu.memref_slice %arg6[%mul3A_66, %dma_wait3A_90] : memref<160000x128xf32, #tpu.memory_space<hbm>> -> memref<128x128xf32, #tpu.memory_space<hbm>>
        tpu.wait_dma2 semaphore(%arg12 : memref<!tpu.dma_semaphore, #tpu.memory_space<semaphore_mem>>) src(%dma_wait3A_91 : memref<128x128xf32, #tpu.memory_space<hbm>>) dst(%dma_wait3A_89 : memref<128x128xf32, #tpu.memory_space<vmem>>)
      } else {
      }
      %lt3A_52 = arith.constant 1250 : i32
      %lt3A_53 = arith.cmpi slt, %add3A_39, %lt3A_52 : i32
      %convert_element_type3A_54 = arith.extui %lt3A_53 : i1 to i32
      %cond3A_55 = arith.constant 0 : i32
      %cond3A_56 = arith.cmpi ne, %convert_element_type3A_54, %cond3A_55 : i32
      scf.if %cond3A_56 {
        %add3A_65 = arith.constant 0 : i32
        %add3A_66 = arith.addi %add3A_65, %add3A_39 : i32
        %mul3A_67 = arith.constant 128 : i32
        %mul3A_68 = arith.muli %add3A_66, %mul3A_67 : i32
        %run_scoped3A = arith.constant 1 : i32
        "tpu.region"() ({
          %run_scoped3A_93 = tpu.sem_alloc : memref<!tpu.dma_semaphore, #tpu.memory_space<semaphore_mem>>
          %dma_start3A_94 = arith.constant 0 : i32
          %dma_start3A_95 = tpu.memref_slice %arg7[%run_scoped3A, %dma_start3A_94] : memref<2x128xi32, #tpu.memory_space<vmem>> -> memref<1x128xi32, #tpu.memory_space<vmem>>
          %dma_start3A_96 = tpu.memref_squeeze %dma_start3A_95 : memref<1x128xi32, #tpu.memory_space<vmem>> -> memref<128xi32, #tpu.memory_space<vmem>>
          %dma_start3A_97 = tpu.memref_slice %arg3[%mul3A_68] : memref<320000xi32, #tpu.memory_space<hbm>> -> memref<128xi32, #tpu.memory_space<hbm>>
          %dma_start3A_98 = arith.constant 0 : i32
          %dma_start3A_99 = tpu.memref_slice %arg7[%run_scoped3A, %dma_start3A_98] : memref<2x128xi32, #tpu.memory_space<vmem>> -> memref<1x128xi32, #tpu.memory_space<vmem>>
          %dma_start3A_100 = tpu.memref_squeeze %dma_start3A_99 : memref<1x128xi32, #tpu.memory_space<vmem>> -> memref<128xi32, #tpu.memory_space<vmem>>
          %dma_start3A_101 = tpu.memref_slice %arg3[%mul3A_68] : memref<320000xi32, #tpu.memory_space<hbm>> -> memref<128xi32, #tpu.memory_space<hbm>>
          tpu.enqueue_dma source(%dma_start3A_101 : memref<128xi32, #tpu.memory_space<hbm>>) target(%dma_start3A_100 : memref<128xi32, #tpu.memory_space<vmem>>) target_semaphore(%run_scoped3A_93 : memref<!tpu.dma_semaphore, #tpu.memory_space<semaphore_mem>>)
          %dma_wait3A = arith.constant 0 : i32
          %dma_wait3A_102 = tpu.memref_slice %arg7[%run_scoped3A, %dma_wait3A] : memref<2x128xi32, #tpu.memory_space<vmem>> -> memref<1x128xi32, #tpu.memory_space<vmem>>
          %dma_wait3A_103 = tpu.memref_squeeze %dma_wait3A_102 : memref<1x128xi32, #tpu.memory_space<vmem>> -> memref<128xi32, #tpu.memory_space<vmem>>
          %dma_wait3A_104 = tpu.memref_slice %arg3[%mul3A_68] : memref<320000xi32, #tpu.memory_space<hbm>> -> memref<128xi32, #tpu.memory_space<hbm>>
          %dma_wait3A_105 = arith.constant 0 : i32
          %dma_wait3A_106 = tpu.memref_slice %arg7[%run_scoped3A, %dma_wait3A_105] : memref<2x128xi32, #tpu.memory_space<vmem>> -> memref<1x128xi32, #tpu.memory_space<vmem>>
          %dma_wait3A_107 = tpu.memref_squeeze %dma_wait3A_106 : memref<1x128xi32, #tpu.memory_space<vmem>> -> memref<128xi32, #tpu.memory_space<vmem>>
          %dma_wait3A_108 = tpu.memref_slice %arg3[%mul3A_68] : memref<320000xi32, #tpu.memory_space<hbm>> -> memref<128xi32, #tpu.memory_space<hbm>>
          tpu.wait_dma2 semaphore(%run_scoped3A_93 : memref<!tpu.dma_semaphore, #tpu.memory_space<semaphore_mem>>) src(%dma_wait3A_108 : memref<128xi32, #tpu.memory_space<hbm>>) dst(%dma_wait3A_107 : memref<128xi32, #tpu.memory_space<vmem>>)
          tpu.yield
        }) : () -> ()
        %run_scoped3A_69 = arith.constant 1 : i32
        "tpu.region"() ({
          %run_scoped3A_93 = tpu.sem_alloc : memref<!tpu.dma_semaphore, #tpu.memory_space<semaphore_mem>>
          %dma_start3A_94 = arith.constant 0 : i32
          %dma_start3A_95 = tpu.memref_slice %arg8[%run_scoped3A_69, %dma_start3A_94] : memref<2x128xi32, #tpu.memory_space<vmem>> -> memref<1x128xi32, #tpu.memory_space<vmem>>
          %dma_start3A_96 = tpu.memref_squeeze %dma_start3A_95 : memref<1x128xi32, #tpu.memory_space<vmem>> -> memref<128xi32, #tpu.memory_space<vmem>>
          %dma_start3A_97 = tpu.memref_slice %arg4[%mul3A_68] : memref<320000xi32, #tpu.memory_space<hbm>> -> memref<128xi32, #tpu.memory_space<hbm>>
          %dma_start3A_98 = arith.constant 0 : i32
          %dma_start3A_99 = tpu.memref_slice %arg8[%run_scoped3A_69, %dma_start3A_98] : memref<2x128xi32, #tpu.memory_space<vmem>> -> memref<1x128xi32, #tpu.memory_space<vmem>>
          %dma_start3A_100 = tpu.memref_squeeze %dma_start3A_99 : memref<1x128xi32, #tpu.memory_space<vmem>> -> memref<128xi32, #tpu.memory_space<vmem>>
          %dma_start3A_101 = tpu.memref_slice %arg4[%mul3A_68] : memref<320000xi32, #tpu.memory_space<hbm>> -> memref<128xi32, #tpu.memory_space<hbm>>
          tpu.enqueue_dma source(%dma_start3A_101 : memref<128xi32, #tpu.memory_space<hbm>>) target(%dma_start3A_100 : memref<128xi32, #tpu.memory_space<vmem>>) target_semaphore(%run_scoped3A_93 : memref<!tpu.dma_semaphore, #tpu.memory_space<semaphore_mem>>)
          %dma_wait3A = arith.constant 0 : i32
          %dma_wait3A_102 = tpu.memref_slice %arg8[%run_scoped3A_69, %dma_wait3A] : memref<2x128xi32, #tpu.memory_space<vmem>> -> memref<1x128xi32, #tpu.memory_space<vmem>>
          %dma_wait3A_103 = tpu.memref_squeeze %dma_wait3A_102 : memref<1x128xi32, #tpu.memory_space<vmem>> -> memref<128xi32, #tpu.memory_space<vmem>>
          %dma_wait3A_104 = tpu.memref_slice %arg4[%mul3A_68] : memref<320000xi32, #tpu.memory_space<hbm>> -> memref<128xi32, #tpu.memory_space<hbm>>
          %dma_wait3A_105 = arith.constant 0 : i32
          %dma_wait3A_106 = tpu.memref_slice %arg8[%run_scoped3A_69, %dma_wait3A_105] : memref<2x128xi32, #tpu.memory_space<vmem>> -> memref<1x128xi32, #tpu.memory_space<vmem>>
          %dma_wait3A_107 = tpu.memref_squeeze %dma_wait3A_106 : memref<1x128xi32, #tpu.memory_space<vmem>> -> memref<128xi32, #tpu.memory_space<vmem>>
          %dma_wait3A_108 = tpu.memref_slice %arg4[%mul3A_68] : memref<320000xi32, #tpu.memory_space<hbm>> -> memref<128xi32, #tpu.memory_space<hbm>>
          tpu.wait_dma2 semaphore(%run_scoped3A_93 : memref<!tpu.dma_semaphore, #tpu.memory_space<semaphore_mem>>) src(%dma_wait3A_108 : memref<128xi32, #tpu.memory_space<hbm>>) dst(%dma_wait3A_107 : memref<128xi32, #tpu.memory_space<vmem>>)
          tpu.yield
        }) : () -> ()
        %dma_start3A = arith.constant 1 : i32
        %dma_start3A_70 = arith.constant 1 : i32
        %dma_start3A_71 = arith.constant 0 : i32
        %dma_start3A_72 = arith.constant 0 : i32
        %dma_start3A_73 = tpu.memref_slice %arg9[%dma_start3A_70, %dma_start3A_71, %dma_start3A_72] : memref<2x128x128xf32, #tpu.memory_space<vmem>> -> memref<1x128x128xf32, #tpu.memory_space<vmem>>
        %dma_start3A_74 = tpu.memref_squeeze %dma_start3A_73 : memref<1x128x128xf32, #tpu.memory_space<vmem>> -> memref<128x128xf32, #tpu.memory_space<vmem>>
        %dma_start3A_75 = arith.constant 0 : i32
        %dma_start3A_76 = tpu.memref_slice %arg7[%dma_start3A, %dma_start3A_75] : memref<2x128xi32, #tpu.memory_space<vmem>> -> memref<1x128xi32, #tpu.memory_space<vmem>>
        %dma_start3A_77 = tpu.memref_squeeze %dma_start3A_76 : memref<1x128xi32, #tpu.memory_space<vmem>> -> memref<128xi32, #tpu.memory_space<vmem>>
        %dma_start3A_78 = arith.constant 0 : i32
        %dma_start3A_79 = arith.constant 0 : i32
        %dma_start3A_80 = tpu.memref_slice %arg2[%dma_start3A_78, %dma_start3A_79] : memref<10000x128xf32, #tpu.memory_space<hbm>> -> memref<10000x128xf32, #tpu.memory_space<hbm>>
        tpu.enqueue_indirect_dma source(%dma_start3A_80 : memref<10000x128xf32, #tpu.memory_space<hbm>>) target(%dma_start3A_74 : memref<128x128xf32, #tpu.memory_space<vmem>>) offsets(%dma_start3A_77 : memref<128xi32, #tpu.memory_space<vmem>>) semaphore(%arg12 : memref<!tpu.dma_semaphore, #tpu.memory_space<semaphore_mem>>)
        %dma_start3A_81 = arith.constant 1 : i32
        %dma_start3A_82 = arith.constant 1 : i32
        %dma_start3A_83 = arith.constant 0 : i32
        %dma_start3A_84 = arith.constant 0 : i32
        %dma_start3A_85 = tpu.memref_slice %arg10[%dma_start3A_82, %dma_start3A_83, %dma_start3A_84] : memref<2x128x128xf32, #tpu.memory_space<vmem>> -> memref<1x128x128xf32, #tpu.memory_space<vmem>>
        %dma_start3A_86 = tpu.memref_squeeze %dma_start3A_85 : memref<1x128x128xf32, #tpu.memory_space<vmem>> -> memref<128x128xf32, #tpu.memory_space<vmem>>
        %dma_start3A_87 = arith.constant 0 : i32
        %dma_start3A_88 = tpu.memref_slice %arg8[%dma_start3A_81, %dma_start3A_87] : memref<2x128xi32, #tpu.memory_space<vmem>> -> memref<1x128xi32, #tpu.memory_space<vmem>>
        %dma_start3A_89 = tpu.memref_squeeze %dma_start3A_88 : memref<1x128xi32, #tpu.memory_space<vmem>> -> memref<128xi32, #tpu.memory_space<vmem>>
        %dma_start3A_90 = arith.constant 0 : i32
        %dma_start3A_91 = arith.constant 0 : i32
        %dma_start3A_92 = tpu.memref_slice %arg2[%dma_start3A_90, %dma_start3A_91] : memref<10000x128xf32, #tpu.memory_space<hbm>> -> memref<10000x128xf32, #tpu.memory_space<hbm>>
        tpu.enqueue_indirect_dma source(%dma_start3A_92 : memref<10000x128xf32, #tpu.memory_space<hbm>>) target(%dma_start3A_86 : memref<128x128xf32, #tpu.memory_space<vmem>>) offsets(%dma_start3A_89 : memref<128xi32, #tpu.memory_space<vmem>>) semaphore(%arg12 : memref<!tpu.dma_semaphore, #tpu.memory_space<semaphore_mem>>)
      } else {
      }
      %ge3A_57 = arith.constant 1 : i32
      %ge3A_58 = arith.cmpi sge, %add3A_36, %ge3A_57 : i32
      %lt3A_59 = arith.constant 1250 : i32
      %lt3A_60 = arith.cmpi slt, %sub3A_41, %lt3A_59 : i32
      %and3A_61 = arith.andi %ge3A_58, %lt3A_60 : i1
      %convert_element_type3A_62 = arith.extui %and3A_61 : i1 to i32
      %cond3A_63 = arith.constant 0 : i32
      %cond3A_64 = arith.cmpi ne, %convert_element_type3A_62, %cond3A_63 : i32
      scf.if %cond3A_64 {
        %mul3A_65 = arith.constant 128 : i32
        %mul3A_66 = arith.muli %sub3A_41, %mul3A_65 : i32
        %dma_wait3A = arith.constant 0 : i32
        %dma_wait3A_67 = arith.constant 0 : i32
        %dma_wait3A_68 = arith.constant 0 : i32
        %dma_wait3A_69 = arith.constant 0 : i32
        %dma_wait3A_70 = tpu.memref_slice %arg9[%dma_wait3A_67, %dma_wait3A_68, %dma_wait3A_69] : memref<2x128x128xf32, #tpu.memory_space<vmem>> -> memref<1x128x128xf32, #tpu.memory_space<vmem>>
        %dma_wait3A_71 = tpu.memref_squeeze %dma_wait3A_70 : memref<1x128x128xf32, #tpu.memory_space<vmem>> -> memref<128x128xf32, #tpu.memory_space<vmem>>
        %dma_wait3A_72 = arith.constant 0 : i32
        %dma_wait3A_73 = tpu.memref_slice %arg7[%dma_wait3A, %dma_wait3A_72] : memref<2x128xi32, #tpu.memory_space<vmem>> -> memref<1x128xi32, #tpu.memory_space<vmem>>
        %dma_wait3A_74 = tpu.memref_squeeze %dma_wait3A_73 : memref<1x128xi32, #tpu.memory_space<vmem>> -> memref<128xi32, #tpu.memory_space<vmem>>
        %dma_wait3A_75 = arith.constant 0 : i32
        %dma_wait3A_76 = arith.constant 0 : i32
        %dma_wait3A_77 = tpu.memref_slice %arg2[%dma_wait3A_75, %dma_wait3A_76] : memref<10000x128xf32, #tpu.memory_space<hbm>> -> memref<10000x128xf32, #tpu.memory_space<hbm>>
        tpu.wait_indirect_dma semaphore(%arg11 : memref<!tpu.dma_semaphore, #tpu.memory_space<semaphore_mem>>) src(%dma_wait3A_77 : memref<10000x128xf32, #tpu.memory_space<hbm>>) dst(%dma_wait3A_71 : memref<128x128xf32, #tpu.memory_space<vmem>>)
        %dma_wait3A_78 = arith.constant 0 : i32
        %dma_wait3A_79 = arith.constant 0 : i32
        %dma_wait3A_80 = arith.constant 0 : i32
        %dma_wait3A_81 = arith.constant 0 : i32
        %dma_wait3A_82 = tpu.memref_slice %arg10[%dma_wait3A_79, %dma_wait3A_80, %dma_wait3A_81] : memref<2x128x128xf32, #tpu.memory_space<vmem>> -> memref<1x128x128xf32, #tpu.memory_space<vmem>>
        %dma_wait3A_83 = tpu.memref_squeeze %dma_wait3A_82 : memref<1x128x128xf32, #tpu.memory_space<vmem>> -> memref<128x128xf32, #tpu.memory_space<vmem>>
        %dma_wait3A_84 = arith.constant 0 : i32
        %dma_wait3A_85 = tpu.memref_slice %arg8[%dma_wait3A_78, %dma_wait3A_84] : memref<2x128xi32, #tpu.memory_space<vmem>> -> memref<1x128xi32, #tpu.memory_space<vmem>>
        %dma_wait3A_86 = tpu.memref_squeeze %dma_wait3A_85 : memref<1x128xi32, #tpu.memory_space<vmem>> -> memref<128xi32, #tpu.memory_space<vmem>>
        %dma_wait3A_87 = arith.constant 0 : i32
        %dma_wait3A_88 = arith.constant 0 : i32
        %dma_wait3A_89 = tpu.memref_slice %arg2[%dma_wait3A_87, %dma_wait3A_88] : memref<10000x128xf32, #tpu.memory_space<hbm>> -> memref<10000x128xf32, #tpu.memory_space<hbm>>
        tpu.wait_indirect_dma semaphore(%arg11 : memref<!tpu.dma_semaphore, #tpu.memory_space<semaphore_mem>>) src(%dma_wait3A_89 : memref<10000x128xf32, #tpu.memory_space<hbm>>) dst(%dma_wait3A_83 : memref<128x128xf32, #tpu.memory_space<vmem>>)
        %dma_start3A = arith.constant 0 : i32
        %dma_start3A_90 = arith.constant 0 : i32
        %dma_start3A_91 = arith.constant 0 : i32
        %dma_start3A_92 = tpu.memref_slice %arg9[%dma_start3A, %dma_start3A_90, %dma_start3A_91] : memref<2x128x128xf32, #tpu.memory_space<vmem>> -> memref<1x128x128xf32, #tpu.memory_space<vmem>>
        %dma_start3A_93 = tpu.memref_squeeze %dma_start3A_92 : memref<1x128x128xf32, #tpu.memory_space<vmem>> -> memref<128x128xf32, #tpu.memory_space<vmem>>
        %dma_start3A_94 = arith.constant 0 : i32
        %dma_start3A_95 = tpu.memref_slice %arg5[%mul3A_66, %dma_start3A_94] : memref<160000x128xf32, #tpu.memory_space<hbm>> -> memref<128x128xf32, #tpu.memory_space<hbm>>
        %dma_start3A_96 = arith.constant 0 : i32
        %dma_start3A_97 = tpu.memref_slice %arg5[%mul3A_66, %dma_start3A_96] : memref<160000x128xf32, #tpu.memory_space<hbm>> -> memref<128x128xf32, #tpu.memory_space<hbm>>
        %dma_start3A_98 = arith.constant 0 : i32
        %dma_start3A_99 = arith.constant 0 : i32
        %dma_start3A_100 = tpu.memref_slice %arg9[%dma_start3A, %dma_start3A_98, %dma_start3A_99] : memref<2x128x128xf32, #tpu.memory_space<vmem>> -> memref<1x128x128xf32, #tpu.memory_space<vmem>>
        %dma_start3A_101 = tpu.memref_squeeze %dma_start3A_100 : memref<1x128x128xf32, #tpu.memory_space<vmem>> -> memref<128x128xf32, #tpu.memory_space<vmem>>
        tpu.enqueue_dma source(%dma_start3A_101 : memref<128x128xf32, #tpu.memory_space<vmem>>) target(%dma_start3A_97 : memref<128x128xf32, #tpu.memory_space<hbm>>) target_semaphore(%arg11 : memref<!tpu.dma_semaphore, #tpu.memory_space<semaphore_mem>>)
        %dma_start3A_102 = arith.constant 0 : i32
        %dma_start3A_103 = arith.constant 0 : i32
        %dma_start3A_104 = arith.constant 0 : i32
        %dma_start3A_105 = tpu.memref_slice %arg10[%dma_start3A_102, %dma_start3A_103, %dma_start3A_104] : memref<2x128x128xf32, #tpu.memory_space<vmem>> -> memref<1x128x128xf32, #tpu.memory_space<vmem>>
        %dma_start3A_106 = tpu.memref_squeeze %dma_start3A_105 : memref<1x128x128xf32, #tpu.memory_space<vmem>> -> memref<128x128xf32, #tpu.memory_space<vmem>>
        %dma_start3A_107 = arith.constant 0 : i32
        %dma_start3A_108 = tpu.memref_slice %arg6[%mul3A_66, %dma_start3A_107] : memref<160000x128xf32, #tpu.memory_space<hbm>> -> memref<128x128xf32, #tpu.memory_space<hbm>>
        %dma_start3A_109 = arith.constant 0 : i32
        %dma_start3A_110 = tpu.memref_slice %arg6[%mul3A_66, %dma_start3A_109] : memref<160000x128xf32, #tpu.memory_space<hbm>> -> memref<128x128xf32, #tpu.memory_space<hbm>>
        %dma_start3A_111 = arith.constant 0 : i32
        %dma_start3A_112 = arith.constant 0 : i32
        %dma_start3A_113 = tpu.memref_slice %arg10[%dma_start3A_102, %dma_start3A_111, %dma_start3A_112] : memref<2x128x128xf32, #tpu.memory_space<vmem>> -> memref<1x128x128xf32, #tpu.memory_space<vmem>>
        %dma_start3A_114 = tpu.memref_squeeze %dma_start3A_113 : memref<1x128x128xf32, #tpu.memory_space<vmem>> -> memref<128x128xf32, #tpu.memory_space<vmem>>
        tpu.enqueue_dma source(%dma_start3A_114 : memref<128x128xf32, #tpu.memory_space<vmem>>) target(%dma_start3A_110 : memref<128x128xf32, #tpu.memory_space<hbm>>) target_semaphore(%arg11 : memref<!tpu.dma_semaphore, #tpu.memory_space<semaphore_mem>>)
      } else {
      }
    }
    %scan3A_5 = arith.constant 22 : i32
    return
  }
}

#map = affine_map<(d0, d1) -> (0, 0)>
#map1 = affine_map<(d0, d1) -> (0)>
module attributes {stable_mosaic.version = 14 : i64} {
  func.func @gather_k(%arg0: i32, %arg1: i32, %arg2: memref<10000x128xf32, #tpu.memory_space<hbm>>, %arg3: memref<320000xi32, #tpu.memory_space<hbm>>, %arg4: memref<320000xi32, #tpu.memory_space<hbm>>, %arg5: memref<160000x128xf32, #tpu.memory_space<hbm>>, %arg6: memref<160000x128xf32, #tpu.memory_space<hbm>>, %arg7: memref<2x128xi32, #tpu.memory_space<vmem>>, %arg8: memref<2x128xi32, #tpu.memory_space<vmem>>, %arg9: memref<2x128x128xf32, #tpu.memory_space<vmem>>, %arg10: memref<2x128x128xf32, #tpu.memory_space<vmem>>, %arg11: memref<!tpu.dma_semaphore, #tpu.memory_space<semaphore_mem>>, %arg12: memref<!tpu.dma_semaphore, #tpu.memory_space<semaphore_mem>>) attributes {dimension_semantics = [#tpu.dimension_semantics<core_parallel>, #tpu.dimension_semantics<subcore_parallel>], iteration_bounds = array<i64: 2, 16>, scalar_prefetch = 0 : i64, scratch_operands = 6 : i64, tpu.core_type = #tpu.core_type<sc_vector_subcore>, window_params = [{transform_indices = #map}, {transform_indices = #map1}, {transform_indices = #map1}, {transform_indices = #map}, {transform_indices = #map}]} {
    %mul3A = arith.constant 2 : i32
    %mul3A_0 = arith.muli %arg1, %mul3A : i32
    %add3A = arith.addi %mul3A_0, %arg0 : i32
    %scan3A = arith.constant 0 : i32
    %scan3A_1 = arith.constant 0 : i32
    %scan3A_2 = arith.constant 22 : i32
    %scan3A_3 = arith.addi %scan3A_1, %scan3A_2 : i32
    %scan3A_4 = arith.constant 1 : i32
    scf.for %scan3A_6 = %scan3A_1 to %scan3A_3 step %scan3A_4  : i32 {
      %mul3A_7 = arith.constant 2 : i32
      %mul3A_8 = arith.muli %mul3A_7, %scan3A_6 : i32
      %add3A_9 = arith.constant 0 : i32
      %add3A_10 = arith.addi %mul3A_8, %add3A_9 : i32
      %mul3A_11 = arith.constant 32 : i32
      %mul3A_12 = arith.muli %mul3A_11, %add3A_10 : i32
      %add3A_13 = arith.addi %add3A, %mul3A_12 : i32
      %sub3A = arith.constant 32 : i32
      %sub3A_14 = arith.subi %add3A_13, %sub3A : i32
      %sub3A_15 = arith.constant 64 : i32
      %sub3A_16 = arith.subi %add3A_13, %sub3A_15 : i32
      %ge3A = arith.constant 2 : i32
      %ge3A_17 = arith.cmpi sge, %add3A_10, %ge3A : i32
      %lt3A = arith.constant 1250 : i32
      %lt3A_18 = arith.cmpi slt, %sub3A_16, %lt3A : i32
      %and3A = arith.andi %ge3A_17, %lt3A_18 : i1
      %convert_element_type3A = arith.extui %and3A : i1 to i32
      %cond3A = arith.constant 0 : i32
      %cond3A_19 = arith.cmpi ne, %convert_element_type3A, %cond3A : i32
      scf.if %cond3A_19 {
        %mul3A_65 = arith.constant 128 : i32
        %mul3A_66 = arith.muli %sub3A_16, %mul3A_65 : i32
        %dma_wait3A = arith.constant 0 : i32
        %dma_wait3A_67 = arith.constant 0 : i32
        %dma_wait3A_68 = arith.constant 0 : i32
        %dma_wait3A_69 = tpu.memref_slice %arg9[%dma_wait3A, %dma_wait3A_67, %dma_wait3A_68] : memref<2x128x128xf32, #tpu.memory_space<vmem>> -> memref<1x128x128xf32, #tpu.memory_space<vmem>>
        %dma_wait3A_70 = tpu.memref_squeeze %dma_wait3A_69 : memref<1x128x128xf32, #tpu.memory_space<vmem>> -> memref<128x128xf32, #tpu.memory_space<vmem>>
        %dma_wait3A_71 = arith.constant 0 : i32
        %dma_wait3A_72 = tpu.memref_slice %arg5[%mul3A_66, %dma_wait3A_71] : memref<160000x128xf32, #tpu.memory_space<hbm>> -> memref<128x128xf32, #tpu.memory_space<hbm>>
        %dma_wait3A_73 = arith.constant 0 : i32
        %dma_wait3A_74 = arith.constant 0 : i32
        %dma_wait3A_75 = tpu.memref_slice %arg9[%dma_wait3A, %dma_wait3A_73, %dma_wait3A_74] : memref<2x128x128xf32, #tpu.memory_space<vmem>> -> memref<1x128x128xf32, #tpu.memory_space<vmem>>
        %dma_wait3A_76 = tpu.memref_squeeze %dma_wait3A_75 : memref<1x128x128xf32, #tpu.memory_space<vmem>> -> memref<128x128xf32, #tpu.memory_space<vmem>>
        %dma_wait3A_77 = arith.constant 0 : i32
        %dma_wait3A_78 = tpu.memref_slice %arg5[%mul3A_66, %dma_wait3A_77] : memref<160000x128xf32, #tpu.memory_space<hbm>> -> memref<128x128xf32, #tpu.memory_space<hbm>>
        tpu.wait_dma2 semaphore(%arg11 : memref<!tpu.dma_semaphore, #tpu.memory_space<semaphore_mem>>) src(%dma_wait3A_78 : memref<128x128xf32, #tpu.memory_space<hbm>>) dst(%dma_wait3A_76 : memref<128x128xf32, #tpu.memory_space<vmem>>)
        %dma_wait3A_79 = arith.constant 0 : i32
        %dma_wait3A_80 = arith.constant 0 : i32
        %dma_wait3A_81 = arith.constant 0 : i32
        %dma_wait3A_82 = tpu.memref_slice %arg10[%dma_wait3A_79, %dma_wait3A_80, %dma_wait3A_81] : memref<2x128x128xf32, #tpu.memory_space<vmem>> -> memref<1x128x128xf32, #tpu.memory_space<vmem>>
        %dma_wait3A_83 = tpu.memref_squeeze %dma_wait3A_82 : memref<1x128x128xf32, #tpu.memory_space<vmem>> -> memref<128x128xf32, #tpu.memory_space<vmem>>
        %dma_wait3A_84 = arith.constant 0 : i32
        %dma_wait3A_85 = tpu.memref_slice %arg6[%mul3A_66, %dma_wait3A_84] : memref<160000x128xf32, #tpu.memory_space<hbm>> -> memref<128x128xf32, #tpu.memory_space<hbm>>
        %dma_wait3A_86 = arith.constant 0 : i32
        %dma_wait3A_87 = arith.constant 0 : i32
        %dma_wait3A_88 = tpu.memref_slice %arg10[%dma_wait3A_79, %dma_wait3A_86, %dma_wait3A_87] : memref<2x128x128xf32, #tpu.memory_space<vmem>> -> memref<1x128x128xf32, #tpu.memory_space<vmem>>
        %dma_wait3A_89 = tpu.memref_squeeze %dma_wait3A_88 : memref<1x128x128xf32, #tpu.memory_space<vmem>> -> memref<128x128xf32, #tpu.memory_space<vmem>>
        %dma_wait3A_90 = arith.constant 0 : i32
        %dma_wait3A_91 = tpu.memref_slice %arg6[%mul3A_66, %dma_wait3A_90] : memref<160000x128xf32, #tpu.memory_space<hbm>> -> memref<128x128xf32, #tpu.memory_space<hbm>>
        tpu.wait_dma2 semaphore(%arg11 : memref<!tpu.dma_semaphore, #tpu.memory_space<semaphore_mem>>) src(%dma_wait3A_91 : memref<128x128xf32, #tpu.memory_space<hbm>>) dst(%dma_wait3A_89 : memref<128x128xf32, #tpu.memory_space<vmem>>)
      } else {
      }
      %lt3A_20 = arith.constant 1250 : i32
      %lt3A_21 = arith.cmpi slt, %add3A_13, %lt3A_20 : i32
      %convert_element_type3A_22 = arith.extui %lt3A_21 : i1 to i32
      %cond3A_23 = arith.constant 0 : i32
      %cond3A_24 = arith.cmpi ne, %convert_element_type3A_22, %cond3A_23 : i32
      scf.if %cond3A_24 {
        %add3A_65 = arith.constant 1250 : i32
        %add3A_66 = arith.addi %add3A_65, %add3A_13 : i32
        %mul3A_67 = arith.constant 128 : i32
        %mul3A_68 = arith.muli %add3A_66, %mul3A_67 : i32
        %run_scoped3A = arith.constant 0 : i32
        "tpu.region"() ({
          %run_scoped3A_93 = tpu.sem_alloc : memref<!tpu.dma_semaphore, #tpu.memory_space<semaphore_mem>>
          %dma_start3A_94 = arith.constant 0 : i32
          %dma_start3A_95 = tpu.memref_slice %arg7[%run_scoped3A, %dma_start3A_94] : memref<2x128xi32, #tpu.memory_space<vmem>> -> memref<1x128xi32, #tpu.memory_space<vmem>>
          %dma_start3A_96 = tpu.memref_squeeze %dma_start3A_95 : memref<1x128xi32, #tpu.memory_space<vmem>> -> memref<128xi32, #tpu.memory_space<vmem>>
          %dma_start3A_97 = tpu.memref_slice %arg3[%mul3A_68] : memref<320000xi32, #tpu.memory_space<hbm>> -> memref<128xi32, #tpu.memory_space<hbm>>
          %dma_start3A_98 = arith.constant 0 : i32
          %dma_start3A_99 = tpu.memref_slice %arg7[%run_scoped3A, %dma_start3A_98] : memref<2x128xi32, #tpu.memory_space<vmem>> -> memref<1x128xi32, #tpu.memory_space<vmem>>
          %dma_start3A_100 = tpu.memref_squeeze %dma_start3A_99 : memref<1x128xi32, #tpu.memory_space<vmem>> -> memref<128xi32, #tpu.memory_space<vmem>>
          %dma_start3A_101 = tpu.memref_slice %arg3[%mul3A_68] : memref<320000xi32, #tpu.memory_space<hbm>> -> memref<128xi32, #tpu.memory_space<hbm>>
          tpu.enqueue_dma source(%dma_start3A_101 : memref<128xi32, #tpu.memory_space<hbm>>) target(%dma_start3A_100 : memref<128xi32, #tpu.memory_space<vmem>>) target_semaphore(%run_scoped3A_93 : memref<!tpu.dma_semaphore, #tpu.memory_space<semaphore_mem>>)
          %dma_wait3A = arith.constant 0 : i32
          %dma_wait3A_102 = tpu.memref_slice %arg7[%run_scoped3A, %dma_wait3A] : memref<2x128xi32, #tpu.memory_space<vmem>> -> memref<1x128xi32, #tpu.memory_space<vmem>>
          %dma_wait3A_103 = tpu.memref_squeeze %dma_wait3A_102 : memref<1x128xi32, #tpu.memory_space<vmem>> -> memref<128xi32, #tpu.memory_space<vmem>>
          %dma_wait3A_104 = tpu.memref_slice %arg3[%mul3A_68] : memref<320000xi32, #tpu.memory_space<hbm>> -> memref<128xi32, #tpu.memory_space<hbm>>
          %dma_wait3A_105 = arith.constant 0 : i32
          %dma_wait3A_106 = tpu.memref_slice %arg7[%run_scoped3A, %dma_wait3A_105] : memref<2x128xi32, #tpu.memory_space<vmem>> -> memref<1x128xi32, #tpu.memory_space<vmem>>
          %dma_wait3A_107 = tpu.memref_squeeze %dma_wait3A_106 : memref<1x128xi32, #tpu.memory_space<vmem>> -> memref<128xi32, #tpu.memory_space<vmem>>
          %dma_wait3A_108 = tpu.memref_slice %arg3[%mul3A_68] : memref<320000xi32, #tpu.memory_space<hbm>> -> memref<128xi32, #tpu.memory_space<hbm>>
          tpu.wait_dma2 semaphore(%run_scoped3A_93 : memref<!tpu.dma_semaphore, #tpu.memory_space<semaphore_mem>>) src(%dma_wait3A_108 : memref<128xi32, #tpu.memory_space<hbm>>) dst(%dma_wait3A_107 : memref<128xi32, #tpu.memory_space<vmem>>)
          tpu.yield
        }) : () -> ()
        %run_scoped3A_69 = arith.constant 0 : i32
        "tpu.region"() ({
          %run_scoped3A_93 = tpu.sem_alloc : memref<!tpu.dma_semaphore, #tpu.memory_space<semaphore_mem>>
          %dma_start3A_94 = arith.constant 0 : i32
          %dma_start3A_95 = tpu.memref_slice %arg8[%run_scoped3A_69, %dma_start3A_94] : memref<2x128xi32, #tpu.memory_space<vmem>> -> memref<1x128xi32, #tpu.memory_space<vmem>>
          %dma_start3A_96 = tpu.memref_squeeze %dma_start3A_95 : memref<1x128xi32, #tpu.memory_space<vmem>> -> memref<128xi32, #tpu.memory_space<vmem>>
          %dma_start3A_97 = tpu.memref_slice %arg4[%mul3A_68] : memref<320000xi32, #tpu.memory_space<hbm>> -> memref<128xi32, #tpu.memory_space<hbm>>
          %dma_start3A_98 = arith.constant 0 : i32
          %dma_start3A_99 = tpu.memref_slice %arg8[%run_scoped3A_69, %dma_start3A_98] : memref<2x128xi32, #tpu.memory_space<vmem>> -> memref<1x128xi32, #tpu.memory_space<vmem>>
          %dma_start3A_100 = tpu.memref_squeeze %dma_start3A_99 : memref<1x128xi32, #tpu.memory_space<vmem>> -> memref<128xi32, #tpu.memory_space<vmem>>
          %dma_start3A_101 = tpu.memref_slice %arg4[%mul3A_68] : memref<320000xi32, #tpu.memory_space<hbm>> -> memref<128xi32, #tpu.memory_space<hbm>>
          tpu.enqueue_dma source(%dma_start3A_101 : memref<128xi32, #tpu.memory_space<hbm>>) target(%dma_start3A_100 : memref<128xi32, #tpu.memory_space<vmem>>) target_semaphore(%run_scoped3A_93 : memref<!tpu.dma_semaphore, #tpu.memory_space<semaphore_mem>>)
          %dma_wait3A = arith.constant 0 : i32
          %dma_wait3A_102 = tpu.memref_slice %arg8[%run_scoped3A_69, %dma_wait3A] : memref<2x128xi32, #tpu.memory_space<vmem>> -> memref<1x128xi32, #tpu.memory_space<vmem>>
          %dma_wait3A_103 = tpu.memref_squeeze %dma_wait3A_102 : memref<1x128xi32, #tpu.memory_space<vmem>> -> memref<128xi32, #tpu.memory_space<vmem>>
          %dma_wait3A_104 = tpu.memref_slice %arg4[%mul3A_68] : memref<320000xi32, #tpu.memory_space<hbm>> -> memref<128xi32, #tpu.memory_space<hbm>>
          %dma_wait3A_105 = arith.constant 0 : i32
          %dma_wait3A_106 = tpu.memref_slice %arg8[%run_scoped3A_69, %dma_wait3A_105] : memref<2x128xi32, #tpu.memory_space<vmem>> -> memref<1x128xi32, #tpu.memory_space<vmem>>
          %dma_wait3A_107 = tpu.memref_squeeze %dma_wait3A_106 : memref<1x128xi32, #tpu.memory_space<vmem>> -> memref<128xi32, #tpu.memory_space<vmem>>
          %dma_wait3A_108 = tpu.memref_slice %arg4[%mul3A_68] : memref<320000xi32, #tpu.memory_space<hbm>> -> memref<128xi32, #tpu.memory_space<hbm>>
          tpu.wait_dma2 semaphore(%run_scoped3A_93 : memref<!tpu.dma_semaphore, #tpu.memory_space<semaphore_mem>>) src(%dma_wait3A_108 : memref<128xi32, #tpu.memory_space<hbm>>) dst(%dma_wait3A_107 : memref<128xi32, #tpu.memory_space<vmem>>)
          tpu.yield
        }) : () -> ()
        %dma_start3A = arith.constant 0 : i32
        %dma_start3A_70 = arith.constant 0 : i32
        %dma_start3A_71 = arith.constant 0 : i32
        %dma_start3A_72 = arith.constant 0 : i32
        %dma_start3A_73 = tpu.memref_slice %arg9[%dma_start3A_70, %dma_start3A_71, %dma_start3A_72] : memref<2x128x128xf32, #tpu.memory_space<vmem>> -> memref<1x128x128xf32, #tpu.memory_space<vmem>>
        %dma_start3A_74 = tpu.memref_squeeze %dma_start3A_73 : memref<1x128x128xf32, #tpu.memory_space<vmem>> -> memref<128x128xf32, #tpu.memory_space<vmem>>
        %dma_start3A_75 = arith.constant 0 : i32
        %dma_start3A_76 = tpu.memref_slice %arg7[%dma_start3A, %dma_start3A_75] : memref<2x128xi32, #tpu.memory_space<vmem>> -> memref<1x128xi32, #tpu.memory_space<vmem>>
        %dma_start3A_77 = tpu.memref_squeeze %dma_start3A_76 : memref<1x128xi32, #tpu.memory_space<vmem>> -> memref<128xi32, #tpu.memory_space<vmem>>
        %dma_start3A_78 = arith.constant 0 : i32
        %dma_start3A_79 = arith.constant 0 : i32
        %dma_start3A_80 = tpu.memref_slice %arg2[%dma_start3A_78, %dma_start3A_79] : memref<10000x128xf32, #tpu.memory_space<hbm>> -> memref<10000x128xf32, #tpu.memory_space<hbm>>
        tpu.enqueue_indirect_dma source(%dma_start3A_80 : memref<10000x128xf32, #tpu.memory_space<hbm>>) target(%dma_start3A_74 : memref<128x128xf32, #tpu.memory_space<vmem>>) offsets(%dma_start3A_77 : memref<128xi32, #tpu.memory_space<vmem>>) semaphore(%arg11 : memref<!tpu.dma_semaphore, #tpu.memory_space<semaphore_mem>>)
        %dma_start3A_81 = arith.constant 0 : i32
        %dma_start3A_82 = arith.constant 0 : i32
        %dma_start3A_83 = arith.constant 0 : i32
        %dma_start3A_84 = arith.constant 0 : i32
        %dma_start3A_85 = tpu.memref_slice %arg10[%dma_start3A_82, %dma_start3A_83, %dma_start3A_84] : memref<2x128x128xf32, #tpu.memory_space<vmem>> -> memref<1x128x128xf32, #tpu.memory_space<vmem>>
        %dma_start3A_86 = tpu.memref_squeeze %dma_start3A_85 : memref<1x128x128xf32, #tpu.memory_space<vmem>> -> memref<128x128xf32, #tpu.memory_space<vmem>>
        %dma_start3A_87 = arith.constant 0 : i32
        %dma_start3A_88 = tpu.memref_slice %arg8[%dma_start3A_81, %dma_start3A_87] : memref<2x128xi32, #tpu.memory_space<vmem>> -> memref<1x128xi32, #tpu.memory_space<vmem>>
        %dma_start3A_89 = tpu.memref_squeeze %dma_start3A_88 : memref<1x128xi32, #tpu.memory_space<vmem>> -> memref<128xi32, #tpu.memory_space<vmem>>
        %dma_start3A_90 = arith.constant 0 : i32
        %dma_start3A_91 = arith.constant 0 : i32
        %dma_start3A_92 = tpu.memref_slice %arg2[%dma_start3A_90, %dma_start3A_91] : memref<10000x128xf32, #tpu.memory_space<hbm>> -> memref<10000x128xf32, #tpu.memory_space<hbm>>
        tpu.enqueue_indirect_dma source(%dma_start3A_92 : memref<10000x128xf32, #tpu.memory_space<hbm>>) target(%dma_start3A_86 : memref<128x128xf32, #tpu.memory_space<vmem>>) offsets(%dma_start3A_89 : memref<128xi32, #tpu.memory_space<vmem>>) semaphore(%arg11 : memref<!tpu.dma_semaphore, #tpu.memory_space<semaphore_mem>>)
      } else {
      }
      %ge3A_25 = arith.constant 1 : i32
      %ge3A_26 = arith.cmpi sge, %add3A_10, %ge3A_25 : i32
      %lt3A_27 = arith.constant 1250 : i32
      %lt3A_28 = arith.cmpi slt, %sub3A_14, %lt3A_27 : i32
      %and3A_29 = arith.andi %ge3A_26, %lt3A_28 : i1
      %convert_element_type3A_30 = arith.extui %and3A_29 : i1 to i32
      %cond3A_31 = arith.constant 0 : i32
      %cond3A_32 = arith.cmpi ne, %convert_element_type3A_30, %cond3A_31 : i32
      scf.if %cond3A_32 {
        %mul3A_65 = arith.constant 128 : i32
        %mul3A_66 = arith.muli %sub3A_14, %mul3A_65 : i32
        %dma_wait3A = arith.constant 1 : i32
        %dma_wait3A_67 = arith.constant 1 : i32
        %dma_wait3A_68 = arith.constant 0 : i32
        %dma_wait3A_69 = arith.constant 0 : i32
        %dma_wait3A_70 = tpu.memref_slice %arg9[%dma_wait3A_67, %dma_wait3A_68, %dma_wait3A_69] : memref<2x128x128xf32, #tpu.memory_space<vmem>> -> memref<1x128x128xf32, #tpu.memory_space<vmem>>
        %dma_wait3A_71 = tpu.memref_squeeze %dma_wait3A_70 : memref<1x128x128xf32, #tpu.memory_space<vmem>> -> memref<128x128xf32, #tpu.memory_space<vmem>>
        %dma_wait3A_72 = arith.constant 0 : i32
        %dma_wait3A_73 = tpu.memref_slice %arg7[%dma_wait3A, %dma_wait3A_72] : memref<2x128xi32, #tpu.memory_space<vmem>> -> memref<1x128xi32, #tpu.memory_space<vmem>>
        %dma_wait3A_74 = tpu.memref_squeeze %dma_wait3A_73 : memref<1x128xi32, #tpu.memory_space<vmem>> -> memref<128xi32, #tpu.memory_space<vmem>>
        %dma_wait3A_75 = arith.constant 0 : i32
        %dma_wait3A_76 = arith.constant 0 : i32
        %dma_wait3A_77 = tpu.memref_slice %arg2[%dma_wait3A_75, %dma_wait3A_76] : memref<10000x128xf32, #tpu.memory_space<hbm>> -> memref<10000x128xf32, #tpu.memory_space<hbm>>
        tpu.wait_indirect_dma semaphore(%arg12 : memref<!tpu.dma_semaphore, #tpu.memory_space<semaphore_mem>>) src(%dma_wait3A_77 : memref<10000x128xf32, #tpu.memory_space<hbm>>) dst(%dma_wait3A_71 : memref<128x128xf32, #tpu.memory_space<vmem>>)
        %dma_wait3A_78 = arith.constant 1 : i32
        %dma_wait3A_79 = arith.constant 1 : i32
        %dma_wait3A_80 = arith.constant 0 : i32
        %dma_wait3A_81 = arith.constant 0 : i32
        %dma_wait3A_82 = tpu.memref_slice %arg10[%dma_wait3A_79, %dma_wait3A_80, %dma_wait3A_81] : memref<2x128x128xf32, #tpu.memory_space<vmem>> -> memref<1x128x128xf32, #tpu.memory_space<vmem>>
        %dma_wait3A_83 = tpu.memref_squeeze %dma_wait3A_82 : memref<1x128x128xf32, #tpu.memory_space<vmem>> -> memref<128x128xf32, #tpu.memory_space<vmem>>
        %dma_wait3A_84 = arith.constant 0 : i32
        %dma_wait3A_85 = tpu.memref_slice %arg8[%dma_wait3A_78, %dma_wait3A_84] : memref<2x128xi32, #tpu.memory_space<vmem>> -> memref<1x128xi32, #tpu.memory_space<vmem>>
        %dma_wait3A_86 = tpu.memref_squeeze %dma_wait3A_85 : memref<1x128xi32, #tpu.memory_space<vmem>> -> memref<128xi32, #tpu.memory_space<vmem>>
        %dma_wait3A_87 = arith.constant 0 : i32
        %dma_wait3A_88 = arith.constant 0 : i32
        %dma_wait3A_89 = tpu.memref_slice %arg2[%dma_wait3A_87, %dma_wait3A_88] : memref<10000x128xf32, #tpu.memory_space<hbm>> -> memref<10000x128xf32, #tpu.memory_space<hbm>>
        tpu.wait_indirect_dma semaphore(%arg12 : memref<!tpu.dma_semaphore, #tpu.memory_space<semaphore_mem>>) src(%dma_wait3A_89 : memref<10000x128xf32, #tpu.memory_space<hbm>>) dst(%dma_wait3A_83 : memref<128x128xf32, #tpu.memory_space<vmem>>)
        %dma_start3A = arith.constant 1 : i32
        %dma_start3A_90 = arith.constant 0 : i32
        %dma_start3A_91 = arith.constant 0 : i32
        %dma_start3A_92 = tpu.memref_slice %arg9[%dma_start3A, %dma_start3A_90, %dma_start3A_91] : memref<2x128x128xf32, #tpu.memory_space<vmem>> -> memref<1x128x128xf32, #tpu.memory_space<vmem>>
        %dma_start3A_93 = tpu.memref_squeeze %dma_start3A_92 : memref<1x128x128xf32, #tpu.memory_space<vmem>> -> memref<128x128xf32, #tpu.memory_space<vmem>>
        %dma_start3A_94 = arith.constant 0 : i32
        %dma_start3A_95 = tpu.memref_slice %arg5[%mul3A_66, %dma_start3A_94] : memref<160000x128xf32, #tpu.memory_space<hbm>> -> memref<128x128xf32, #tpu.memory_space<hbm>>
        %dma_start3A_96 = arith.constant 0 : i32
        %dma_start3A_97 = tpu.memref_slice %arg5[%mul3A_66, %dma_start3A_96] : memref<160000x128xf32, #tpu.memory_space<hbm>> -> memref<128x128xf32, #tpu.memory_space<hbm>>
        %dma_start3A_98 = arith.constant 0 : i32
        %dma_start3A_99 = arith.constant 0 : i32
        %dma_start3A_100 = tpu.memref_slice %arg9[%dma_start3A, %dma_start3A_98, %dma_start3A_99] : memref<2x128x128xf32, #tpu.memory_space<vmem>> -> memref<1x128x128xf32, #tpu.memory_space<vmem>>
        %dma_start3A_101 = tpu.memref_squeeze %dma_start3A_100 : memref<1x128x128xf32, #tpu.memory_space<vmem>> -> memref<128x128xf32, #tpu.memory_space<vmem>>
        tpu.enqueue_dma source(%dma_start3A_101 : memref<128x128xf32, #tpu.memory_space<vmem>>) target(%dma_start3A_97 : memref<128x128xf32, #tpu.memory_space<hbm>>) target_semaphore(%arg12 : memref<!tpu.dma_semaphore, #tpu.memory_space<semaphore_mem>>)
        %dma_start3A_102 = arith.constant 1 : i32
        %dma_start3A_103 = arith.constant 0 : i32
        %dma_start3A_104 = arith.constant 0 : i32
        %dma_start3A_105 = tpu.memref_slice %arg10[%dma_start3A_102, %dma_start3A_103, %dma_start3A_104] : memref<2x128x128xf32, #tpu.memory_space<vmem>> -> memref<1x128x128xf32, #tpu.memory_space<vmem>>
        %dma_start3A_106 = tpu.memref_squeeze %dma_start3A_105 : memref<1x128x128xf32, #tpu.memory_space<vmem>> -> memref<128x128xf32, #tpu.memory_space<vmem>>
        %dma_start3A_107 = arith.constant 0 : i32
        %dma_start3A_108 = tpu.memref_slice %arg6[%mul3A_66, %dma_start3A_107] : memref<160000x128xf32, #tpu.memory_space<hbm>> -> memref<128x128xf32, #tpu.memory_space<hbm>>
        %dma_start3A_109 = arith.constant 0 : i32
        %dma_start3A_110 = tpu.memref_slice %arg6[%mul3A_66, %dma_start3A_109] : memref<160000x128xf32, #tpu.memory_space<hbm>> -> memref<128x128xf32, #tpu.memory_space<hbm>>
        %dma_start3A_111 = arith.constant 0 : i32
        %dma_start3A_112 = arith.constant 0 : i32
        %dma_start3A_113 = tpu.memref_slice %arg10[%dma_start3A_102, %dma_start3A_111, %dma_start3A_112] : memref<2x128x128xf32, #tpu.memory_space<vmem>> -> memref<1x128x128xf32, #tpu.memory_space<vmem>>
        %dma_start3A_114 = tpu.memref_squeeze %dma_start3A_113 : memref<1x128x128xf32, #tpu.memory_space<vmem>> -> memref<128x128xf32, #tpu.memory_space<vmem>>
        tpu.enqueue_dma source(%dma_start3A_114 : memref<128x128xf32, #tpu.memory_space<vmem>>) target(%dma_start3A_110 : memref<128x128xf32, #tpu.memory_space<hbm>>) target_semaphore(%arg12 : memref<!tpu.dma_semaphore, #tpu.memory_space<semaphore_mem>>)
      } else {
      }
      %mul3A_33 = arith.constant 2 : i32
      %mul3A_34 = arith.muli %mul3A_33, %scan3A_6 : i32
      %add3A_35 = arith.constant 1 : i32
      %add3A_36 = arith.addi %mul3A_34, %add3A_35 : i32
      %mul3A_37 = arith.constant 32 : i32
      %mul3A_38 = arith.muli %mul3A_37, %add3A_36 : i32
      %add3A_39 = arith.addi %add3A, %mul3A_38 : i32
      %sub3A_40 = arith.constant 32 : i32
      %sub3A_41 = arith.subi %add3A_39, %sub3A_40 : i32
      %sub3A_42 = arith.constant 64 : i32
      %sub3A_43 = arith.subi %add3A_39, %sub3A_42 : i32
      %ge3A_44 = arith.constant 2 : i32
      %ge3A_45 = arith.cmpi sge, %add3A_36, %ge3A_44 : i32
      %lt3A_46 = arith.constant 1250 : i32
      %lt3A_47 = arith.cmpi slt, %sub3A_43, %lt3A_46 : i32
      %and3A_48 = arith.andi %ge3A_45, %lt3A_47 : i1
      %convert_element_type3A_49 = arith.extui %and3A_48 : i1 to i32
      %cond3A_50 = arith.constant 0 : i32
      %cond3A_51 = arith.cmpi ne, %convert_element_type3A_49, %cond3A_50 : i32
      scf.if %cond3A_51 {
        %mul3A_65 = arith.constant 128 : i32
        %mul3A_66 = arith.muli %sub3A_43, %mul3A_65 : i32
        %dma_wait3A = arith.constant 1 : i32
        %dma_wait3A_67 = arith.constant 0 : i32
        %dma_wait3A_68 = arith.constant 0 : i32
        %dma_wait3A_69 = tpu.memref_slice %arg9[%dma_wait3A, %dma_wait3A_67, %dma_wait3A_68] : memref<2x128x128xf32, #tpu.memory_space<vmem>> -> memref<1x128x128xf32, #tpu.memory_space<vmem>>
        %dma_wait3A_70 = tpu.memref_squeeze %dma_wait3A_69 : memref<1x128x128xf32, #tpu.memory_space<vmem>> -> memref<128x128xf32, #tpu.memory_space<vmem>>
        %dma_wait3A_71 = arith.constant 0 : i32
        %dma_wait3A_72 = tpu.memref_slice %arg5[%mul3A_66, %dma_wait3A_71] : memref<160000x128xf32, #tpu.memory_space<hbm>> -> memref<128x128xf32, #tpu.memory_space<hbm>>
        %dma_wait3A_73 = arith.constant 0 : i32
        %dma_wait3A_74 = arith.constant 0 : i32
        %dma_wait3A_75 = tpu.memref_slice %arg9[%dma_wait3A, %dma_wait3A_73, %dma_wait3A_74] : memref<2x128x128xf32, #tpu.memory_space<vmem>> -> memref<1x128x128xf32, #tpu.memory_space<vmem>>
        %dma_wait3A_76 = tpu.memref_squeeze %dma_wait3A_75 : memref<1x128x128xf32, #tpu.memory_space<vmem>> -> memref<128x128xf32, #tpu.memory_space<vmem>>
        %dma_wait3A_77 = arith.constant 0 : i32
        %dma_wait3A_78 = tpu.memref_slice %arg5[%mul3A_66, %dma_wait3A_77] : memref<160000x128xf32, #tpu.memory_space<hbm>> -> memref<128x128xf32, #tpu.memory_space<hbm>>
        tpu.wait_dma2 semaphore(%arg12 : memref<!tpu.dma_semaphore, #tpu.memory_space<semaphore_mem>>) src(%dma_wait3A_78 : memref<128x128xf32, #tpu.memory_space<hbm>>) dst(%dma_wait3A_76 : memref<128x128xf32, #tpu.memory_space<vmem>>)
        %dma_wait3A_79 = arith.constant 1 : i32
        %dma_wait3A_80 = arith.constant 0 : i32
        %dma_wait3A_81 = arith.constant 0 : i32
        %dma_wait3A_82 = tpu.memref_slice %arg10[%dma_wait3A_79, %dma_wait3A_80, %dma_wait3A_81] : memref<2x128x128xf32, #tpu.memory_space<vmem>> -> memref<1x128x128xf32, #tpu.memory_space<vmem>>
        %dma_wait3A_83 = tpu.memref_squeeze %dma_wait3A_82 : memref<1x128x128xf32, #tpu.memory_space<vmem>> -> memref<128x128xf32, #tpu.memory_space<vmem>>
        %dma_wait3A_84 = arith.constant 0 : i32
        %dma_wait3A_85 = tpu.memref_slice %arg6[%mul3A_66, %dma_wait3A_84] : memref<160000x128xf32, #tpu.memory_space<hbm>> -> memref<128x128xf32, #tpu.memory_space<hbm>>
        %dma_wait3A_86 = arith.constant 0 : i32
        %dma_wait3A_87 = arith.constant 0 : i32
        %dma_wait3A_88 = tpu.memref_slice %arg10[%dma_wait3A_79, %dma_wait3A_86, %dma_wait3A_87] : memref<2x128x128xf32, #tpu.memory_space<vmem>> -> memref<1x128x128xf32, #tpu.memory_space<vmem>>
        %dma_wait3A_89 = tpu.memref_squeeze %dma_wait3A_88 : memref<1x128x128xf32, #tpu.memory_space<vmem>> -> memref<128x128xf32, #tpu.memory_space<vmem>>
        %dma_wait3A_90 = arith.constant 0 : i32
        %dma_wait3A_91 = tpu.memref_slice %arg6[%mul3A_66, %dma_wait3A_90] : memref<160000x128xf32, #tpu.memory_space<hbm>> -> memref<128x128xf32, #tpu.memory_space<hbm>>
        tpu.wait_dma2 semaphore(%arg12 : memref<!tpu.dma_semaphore, #tpu.memory_space<semaphore_mem>>) src(%dma_wait3A_91 : memref<128x128xf32, #tpu.memory_space<hbm>>) dst(%dma_wait3A_89 : memref<128x128xf32, #tpu.memory_space<vmem>>)
      } else {
      }
      %lt3A_52 = arith.constant 1250 : i32
      %lt3A_53 = arith.cmpi slt, %add3A_39, %lt3A_52 : i32
      %convert_element_type3A_54 = arith.extui %lt3A_53 : i1 to i32
      %cond3A_55 = arith.constant 0 : i32
      %cond3A_56 = arith.cmpi ne, %convert_element_type3A_54, %cond3A_55 : i32
      scf.if %cond3A_56 {
        %add3A_65 = arith.constant 1250 : i32
        %add3A_66 = arith.addi %add3A_65, %add3A_39 : i32
        %mul3A_67 = arith.constant 128 : i32
        %mul3A_68 = arith.muli %add3A_66, %mul3A_67 : i32
        %run_scoped3A = arith.constant 1 : i32
        "tpu.region"() ({
          %run_scoped3A_93 = tpu.sem_alloc : memref<!tpu.dma_semaphore, #tpu.memory_space<semaphore_mem>>
          %dma_start3A_94 = arith.constant 0 : i32
          %dma_start3A_95 = tpu.memref_slice %arg7[%run_scoped3A, %dma_start3A_94] : memref<2x128xi32, #tpu.memory_space<vmem>> -> memref<1x128xi32, #tpu.memory_space<vmem>>
          %dma_start3A_96 = tpu.memref_squeeze %dma_start3A_95 : memref<1x128xi32, #tpu.memory_space<vmem>> -> memref<128xi32, #tpu.memory_space<vmem>>
          %dma_start3A_97 = tpu.memref_slice %arg3[%mul3A_68] : memref<320000xi32, #tpu.memory_space<hbm>> -> memref<128xi32, #tpu.memory_space<hbm>>
          %dma_start3A_98 = arith.constant 0 : i32
          %dma_start3A_99 = tpu.memref_slice %arg7[%run_scoped3A, %dma_start3A_98] : memref<2x128xi32, #tpu.memory_space<vmem>> -> memref<1x128xi32, #tpu.memory_space<vmem>>
          %dma_start3A_100 = tpu.memref_squeeze %dma_start3A_99 : memref<1x128xi32, #tpu.memory_space<vmem>> -> memref<128xi32, #tpu.memory_space<vmem>>
          %dma_start3A_101 = tpu.memref_slice %arg3[%mul3A_68] : memref<320000xi32, #tpu.memory_space<hbm>> -> memref<128xi32, #tpu.memory_space<hbm>>
          tpu.enqueue_dma source(%dma_start3A_101 : memref<128xi32, #tpu.memory_space<hbm>>) target(%dma_start3A_100 : memref<128xi32, #tpu.memory_space<vmem>>) target_semaphore(%run_scoped3A_93 : memref<!tpu.dma_semaphore, #tpu.memory_space<semaphore_mem>>)
          %dma_wait3A = arith.constant 0 : i32
          %dma_wait3A_102 = tpu.memref_slice %arg7[%run_scoped3A, %dma_wait3A] : memref<2x128xi32, #tpu.memory_space<vmem>> -> memref<1x128xi32, #tpu.memory_space<vmem>>
          %dma_wait3A_103 = tpu.memref_squeeze %dma_wait3A_102 : memref<1x128xi32, #tpu.memory_space<vmem>> -> memref<128xi32, #tpu.memory_space<vmem>>
          %dma_wait3A_104 = tpu.memref_slice %arg3[%mul3A_68] : memref<320000xi32, #tpu.memory_space<hbm>> -> memref<128xi32, #tpu.memory_space<hbm>>
          %dma_wait3A_105 = arith.constant 0 : i32
          %dma_wait3A_106 = tpu.memref_slice %arg7[%run_scoped3A, %dma_wait3A_105] : memref<2x128xi32, #tpu.memory_space<vmem>> -> memref<1x128xi32, #tpu.memory_space<vmem>>
          %dma_wait3A_107 = tpu.memref_squeeze %dma_wait3A_106 : memref<1x128xi32, #tpu.memory_space<vmem>> -> memref<128xi32, #tpu.memory_space<vmem>>
          %dma_wait3A_108 = tpu.memref_slice %arg3[%mul3A_68] : memref<320000xi32, #tpu.memory_space<hbm>> -> memref<128xi32, #tpu.memory_space<hbm>>
          tpu.wait_dma2 semaphore(%run_scoped3A_93 : memref<!tpu.dma_semaphore, #tpu.memory_space<semaphore_mem>>) src(%dma_wait3A_108 : memref<128xi32, #tpu.memory_space<hbm>>) dst(%dma_wait3A_107 : memref<128xi32, #tpu.memory_space<vmem>>)
          tpu.yield
        }) : () -> ()
        %run_scoped3A_69 = arith.constant 1 : i32
        "tpu.region"() ({
          %run_scoped3A_93 = tpu.sem_alloc : memref<!tpu.dma_semaphore, #tpu.memory_space<semaphore_mem>>
          %dma_start3A_94 = arith.constant 0 : i32
          %dma_start3A_95 = tpu.memref_slice %arg8[%run_scoped3A_69, %dma_start3A_94] : memref<2x128xi32, #tpu.memory_space<vmem>> -> memref<1x128xi32, #tpu.memory_space<vmem>>
          %dma_start3A_96 = tpu.memref_squeeze %dma_start3A_95 : memref<1x128xi32, #tpu.memory_space<vmem>> -> memref<128xi32, #tpu.memory_space<vmem>>
          %dma_start3A_97 = tpu.memref_slice %arg4[%mul3A_68] : memref<320000xi32, #tpu.memory_space<hbm>> -> memref<128xi32, #tpu.memory_space<hbm>>
          %dma_start3A_98 = arith.constant 0 : i32
          %dma_start3A_99 = tpu.memref_slice %arg8[%run_scoped3A_69, %dma_start3A_98] : memref<2x128xi32, #tpu.memory_space<vmem>> -> memref<1x128xi32, #tpu.memory_space<vmem>>
          %dma_start3A_100 = tpu.memref_squeeze %dma_start3A_99 : memref<1x128xi32, #tpu.memory_space<vmem>> -> memref<128xi32, #tpu.memory_space<vmem>>
          %dma_start3A_101 = tpu.memref_slice %arg4[%mul3A_68] : memref<320000xi32, #tpu.memory_space<hbm>> -> memref<128xi32, #tpu.memory_space<hbm>>
          tpu.enqueue_dma source(%dma_start3A_101 : memref<128xi32, #tpu.memory_space<hbm>>) target(%dma_start3A_100 : memref<128xi32, #tpu.memory_space<vmem>>) target_semaphore(%run_scoped3A_93 : memref<!tpu.dma_semaphore, #tpu.memory_space<semaphore_mem>>)
          %dma_wait3A = arith.constant 0 : i32
          %dma_wait3A_102 = tpu.memref_slice %arg8[%run_scoped3A_69, %dma_wait3A] : memref<2x128xi32, #tpu.memory_space<vmem>> -> memref<1x128xi32, #tpu.memory_space<vmem>>
          %dma_wait3A_103 = tpu.memref_squeeze %dma_wait3A_102 : memref<1x128xi32, #tpu.memory_space<vmem>> -> memref<128xi32, #tpu.memory_space<vmem>>
          %dma_wait3A_104 = tpu.memref_slice %arg4[%mul3A_68] : memref<320000xi32, #tpu.memory_space<hbm>> -> memref<128xi32, #tpu.memory_space<hbm>>
          %dma_wait3A_105 = arith.constant 0 : i32
          %dma_wait3A_106 = tpu.memref_slice %arg8[%run_scoped3A_69, %dma_wait3A_105] : memref<2x128xi32, #tpu.memory_space<vmem>> -> memref<1x128xi32, #tpu.memory_space<vmem>>
          %dma_wait3A_107 = tpu.memref_squeeze %dma_wait3A_106 : memref<1x128xi32, #tpu.memory_space<vmem>> -> memref<128xi32, #tpu.memory_space<vmem>>
          %dma_wait3A_108 = tpu.memref_slice %arg4[%mul3A_68] : memref<320000xi32, #tpu.memory_space<hbm>> -> memref<128xi32, #tpu.memory_space<hbm>>
          tpu.wait_dma2 semaphore(%run_scoped3A_93 : memref<!tpu.dma_semaphore, #tpu.memory_space<semaphore_mem>>) src(%dma_wait3A_108 : memref<128xi32, #tpu.memory_space<hbm>>) dst(%dma_wait3A_107 : memref<128xi32, #tpu.memory_space<vmem>>)
          tpu.yield
        }) : () -> ()
        %dma_start3A = arith.constant 1 : i32
        %dma_start3A_70 = arith.constant 1 : i32
        %dma_start3A_71 = arith.constant 0 : i32
        %dma_start3A_72 = arith.constant 0 : i32
        %dma_start3A_73 = tpu.memref_slice %arg9[%dma_start3A_70, %dma_start3A_71, %dma_start3A_72] : memref<2x128x128xf32, #tpu.memory_space<vmem>> -> memref<1x128x128xf32, #tpu.memory_space<vmem>>
        %dma_start3A_74 = tpu.memref_squeeze %dma_start3A_73 : memref<1x128x128xf32, #tpu.memory_space<vmem>> -> memref<128x128xf32, #tpu.memory_space<vmem>>
        %dma_start3A_75 = arith.constant 0 : i32
        %dma_start3A_76 = tpu.memref_slice %arg7[%dma_start3A, %dma_start3A_75] : memref<2x128xi32, #tpu.memory_space<vmem>> -> memref<1x128xi32, #tpu.memory_space<vmem>>
        %dma_start3A_77 = tpu.memref_squeeze %dma_start3A_76 : memref<1x128xi32, #tpu.memory_space<vmem>> -> memref<128xi32, #tpu.memory_space<vmem>>
        %dma_start3A_78 = arith.constant 0 : i32
        %dma_start3A_79 = arith.constant 0 : i32
        %dma_start3A_80 = tpu.memref_slice %arg2[%dma_start3A_78, %dma_start3A_79] : memref<10000x128xf32, #tpu.memory_space<hbm>> -> memref<10000x128xf32, #tpu.memory_space<hbm>>
        tpu.enqueue_indirect_dma source(%dma_start3A_80 : memref<10000x128xf32, #tpu.memory_space<hbm>>) target(%dma_start3A_74 : memref<128x128xf32, #tpu.memory_space<vmem>>) offsets(%dma_start3A_77 : memref<128xi32, #tpu.memory_space<vmem>>) semaphore(%arg12 : memref<!tpu.dma_semaphore, #tpu.memory_space<semaphore_mem>>)
        %dma_start3A_81 = arith.constant 1 : i32
        %dma_start3A_82 = arith.constant 1 : i32
        %dma_start3A_83 = arith.constant 0 : i32
        %dma_start3A_84 = arith.constant 0 : i32
        %dma_start3A_85 = tpu.memref_slice %arg10[%dma_start3A_82, %dma_start3A_83, %dma_start3A_84] : memref<2x128x128xf32, #tpu.memory_space<vmem>> -> memref<1x128x128xf32, #tpu.memory_space<vmem>>
        %dma_start3A_86 = tpu.memref_squeeze %dma_start3A_85 : memref<1x128x128xf32, #tpu.memory_space<vmem>> -> memref<128x128xf32, #tpu.memory_space<vmem>>
        %dma_start3A_87 = arith.constant 0 : i32
        %dma_start3A_88 = tpu.memref_slice %arg8[%dma_start3A_81, %dma_start3A_87] : memref<2x128xi32, #tpu.memory_space<vmem>> -> memref<1x128xi32, #tpu.memory_space<vmem>>
        %dma_start3A_89 = tpu.memref_squeeze %dma_start3A_88 : memref<1x128xi32, #tpu.memory_space<vmem>> -> memref<128xi32, #tpu.memory_space<vmem>>
        %dma_start3A_90 = arith.constant 0 : i32
        %dma_start3A_91 = arith.constant 0 : i32
        %dma_start3A_92 = tpu.memref_slice %arg2[%dma_start3A_90, %dma_start3A_91] : memref<10000x128xf32, #tpu.memory_space<hbm>> -> memref<10000x128xf32, #tpu.memory_space<hbm>>
        tpu.enqueue_indirect_dma source(%dma_start3A_92 : memref<10000x128xf32, #tpu.memory_space<hbm>>) target(%dma_start3A_86 : memref<128x128xf32, #tpu.memory_space<vmem>>) offsets(%dma_start3A_89 : memref<128xi32, #tpu.memory_space<vmem>>) semaphore(%arg12 : memref<!tpu.dma_semaphore, #tpu.memory_space<semaphore_mem>>)
      } else {
      }
      %ge3A_57 = arith.constant 1 : i32
      %ge3A_58 = arith.cmpi sge, %add3A_36, %ge3A_57 : i32
      %lt3A_59 = arith.constant 1250 : i32
      %lt3A_60 = arith.cmpi slt, %sub3A_41, %lt3A_59 : i32
      %and3A_61 = arith.andi %ge3A_58, %lt3A_60 : i1
      %convert_element_type3A_62 = arith.extui %and3A_61 : i1 to i32
      %cond3A_63 = arith.constant 0 : i32
      %cond3A_64 = arith.cmpi ne, %convert_element_type3A_62, %cond3A_63 : i32
      scf.if %cond3A_64 {
        %mul3A_65 = arith.constant 128 : i32
        %mul3A_66 = arith.muli %sub3A_41, %mul3A_65 : i32
        %dma_wait3A = arith.constant 0 : i32
        %dma_wait3A_67 = arith.constant 0 : i32
        %dma_wait3A_68 = arith.constant 0 : i32
        %dma_wait3A_69 = arith.constant 0 : i32
        %dma_wait3A_70 = tpu.memref_slice %arg9[%dma_wait3A_67, %dma_wait3A_68, %dma_wait3A_69] : memref<2x128x128xf32, #tpu.memory_space<vmem>> -> memref<1x128x128xf32, #tpu.memory_space<vmem>>
        %dma_wait3A_71 = tpu.memref_squeeze %dma_wait3A_70 : memref<1x128x128xf32, #tpu.memory_space<vmem>> -> memref<128x128xf32, #tpu.memory_space<vmem>>
        %dma_wait3A_72 = arith.constant 0 : i32
        %dma_wait3A_73 = tpu.memref_slice %arg7[%dma_wait3A, %dma_wait3A_72] : memref<2x128xi32, #tpu.memory_space<vmem>> -> memref<1x128xi32, #tpu.memory_space<vmem>>
        %dma_wait3A_74 = tpu.memref_squeeze %dma_wait3A_73 : memref<1x128xi32, #tpu.memory_space<vmem>> -> memref<128xi32, #tpu.memory_space<vmem>>
        %dma_wait3A_75 = arith.constant 0 : i32
        %dma_wait3A_76 = arith.constant 0 : i32
        %dma_wait3A_77 = tpu.memref_slice %arg2[%dma_wait3A_75, %dma_wait3A_76] : memref<10000x128xf32, #tpu.memory_space<hbm>> -> memref<10000x128xf32, #tpu.memory_space<hbm>>
        tpu.wait_indirect_dma semaphore(%arg11 : memref<!tpu.dma_semaphore, #tpu.memory_space<semaphore_mem>>) src(%dma_wait3A_77 : memref<10000x128xf32, #tpu.memory_space<hbm>>) dst(%dma_wait3A_71 : memref<128x128xf32, #tpu.memory_space<vmem>>)
        %dma_wait3A_78 = arith.constant 0 : i32
        %dma_wait3A_79 = arith.constant 0 : i32
        %dma_wait3A_80 = arith.constant 0 : i32
        %dma_wait3A_81 = arith.constant 0 : i32
        %dma_wait3A_82 = tpu.memref_slice %arg10[%dma_wait3A_79, %dma_wait3A_80, %dma_wait3A_81] : memref<2x128x128xf32, #tpu.memory_space<vmem>> -> memref<1x128x128xf32, #tpu.memory_space<vmem>>
        %dma_wait3A_83 = tpu.memref_squeeze %dma_wait3A_82 : memref<1x128x128xf32, #tpu.memory_space<vmem>> -> memref<128x128xf32, #tpu.memory_space<vmem>>
        %dma_wait3A_84 = arith.constant 0 : i32
        %dma_wait3A_85 = tpu.memref_slice %arg8[%dma_wait3A_78, %dma_wait3A_84] : memref<2x128xi32, #tpu.memory_space<vmem>> -> memref<1x128xi32, #tpu.memory_space<vmem>>
        %dma_wait3A_86 = tpu.memref_squeeze %dma_wait3A_85 : memref<1x128xi32, #tpu.memory_space<vmem>> -> memref<128xi32, #tpu.memory_space<vmem>>
        %dma_wait3A_87 = arith.constant 0 : i32
        %dma_wait3A_88 = arith.constant 0 : i32
        %dma_wait3A_89 = tpu.memref_slice %arg2[%dma_wait3A_87, %dma_wait3A_88] : memref<10000x128xf32, #tpu.memory_space<hbm>> -> memref<10000x128xf32, #tpu.memory_space<hbm>>
        tpu.wait_indirect_dma semaphore(%arg11 : memref<!tpu.dma_semaphore, #tpu.memory_space<semaphore_mem>>) src(%dma_wait3A_89 : memref<10000x128xf32, #tpu.memory_space<hbm>>) dst(%dma_wait3A_83 : memref<128x128xf32, #tpu.memory_space<vmem>>)
        %dma_start3A = arith.constant 0 : i32
        %dma_start3A_90 = arith.constant 0 : i32
        %dma_start3A_91 = arith.constant 0 : i32
        %dma_start3A_92 = tpu.memref_slice %arg9[%dma_start3A, %dma_start3A_90, %dma_start3A_91] : memref<2x128x128xf32, #tpu.memory_space<vmem>> -> memref<1x128x128xf32, #tpu.memory_space<vmem>>
        %dma_start3A_93 = tpu.memref_squeeze %dma_start3A_92 : memref<1x128x128xf32, #tpu.memory_space<vmem>> -> memref<128x128xf32, #tpu.memory_space<vmem>>
        %dma_start3A_94 = arith.constant 0 : i32
        %dma_start3A_95 = tpu.memref_slice %arg5[%mul3A_66, %dma_start3A_94] : memref<160000x128xf32, #tpu.memory_space<hbm>> -> memref<128x128xf32, #tpu.memory_space<hbm>>
        %dma_start3A_96 = arith.constant 0 : i32
        %dma_start3A_97 = tpu.memref_slice %arg5[%mul3A_66, %dma_start3A_96] : memref<160000x128xf32, #tpu.memory_space<hbm>> -> memref<128x128xf32, #tpu.memory_space<hbm>>
        %dma_start3A_98 = arith.constant 0 : i32
        %dma_start3A_99 = arith.constant 0 : i32
        %dma_start3A_100 = tpu.memref_slice %arg9[%dma_start3A, %dma_start3A_98, %dma_start3A_99] : memref<2x128x128xf32, #tpu.memory_space<vmem>> -> memref<1x128x128xf32, #tpu.memory_space<vmem>>
        %dma_start3A_101 = tpu.memref_squeeze %dma_start3A_100 : memref<1x128x128xf32, #tpu.memory_space<vmem>> -> memref<128x128xf32, #tpu.memory_space<vmem>>
        tpu.enqueue_dma source(%dma_start3A_101 : memref<128x128xf32, #tpu.memory_space<vmem>>) target(%dma_start3A_97 : memref<128x128xf32, #tpu.memory_space<hbm>>) target_semaphore(%arg11 : memref<!tpu.dma_semaphore, #tpu.memory_space<semaphore_mem>>)
        %dma_start3A_102 = arith.constant 0 : i32
        %dma_start3A_103 = arith.constant 0 : i32
        %dma_start3A_104 = arith.constant 0 : i32
        %dma_start3A_105 = tpu.memref_slice %arg10[%dma_start3A_102, %dma_start3A_103, %dma_start3A_104] : memref<2x128x128xf32, #tpu.memory_space<vmem>> -> memref<1x128x128xf32, #tpu.memory_space<vmem>>
        %dma_start3A_106 = tpu.memref_squeeze %dma_start3A_105 : memref<1x128x128xf32, #tpu.memory_space<vmem>> -> memref<128x128xf32, #tpu.memory_space<vmem>>
        %dma_start3A_107 = arith.constant 0 : i32
        %dma_start3A_108 = tpu.memref_slice %arg6[%mul3A_66, %dma_start3A_107] : memref<160000x128xf32, #tpu.memory_space<hbm>> -> memref<128x128xf32, #tpu.memory_space<hbm>>
        %dma_start3A_109 = arith.constant 0 : i32
        %dma_start3A_110 = tpu.memref_slice %arg6[%mul3A_66, %dma_start3A_109] : memref<160000x128xf32, #tpu.memory_space<hbm>> -> memref<128x128xf32, #tpu.memory_space<hbm>>
        %dma_start3A_111 = arith.constant 0 : i32
        %dma_start3A_112 = arith.constant 0 : i32
        %dma_start3A_113 = tpu.memref_slice %arg10[%dma_start3A_102, %dma_start3A_111, %dma_start3A_112] : memref<2x128x128xf32, #tpu.memory_space<vmem>> -> memref<1x128x128xf32, #tpu.memory_space<vmem>>
        %dma_start3A_114 = tpu.memref_squeeze %dma_start3A_113 : memref<1x128x128xf32, #tpu.memory_space<vmem>> -> memref<128x128xf32, #tpu.memory_space<vmem>>
        tpu.enqueue_dma source(%dma_start3A_114 : memref<128x128xf32, #tpu.memory_space<vmem>>) target(%dma_start3A_110 : memref<128x128xf32, #tpu.memory_space<hbm>>) target_semaphore(%arg11 : memref<!tpu.dma_semaphore, #tpu.memory_space<semaphore_mem>>)
      } else {
      }
    }
    %scan3A_5 = arith.constant 22 : i32
    return
  }
}

#map = affine_map<(d0, d1) -> (0, 0)>
#map1 = affine_map<(d0, d1) -> (0)>
#map2 = affine_map<(d0, d1) -> (0, 0, 0)>
module attributes {stable_mosaic.version = 14 : i64} {
  func.func @scatter_k(%arg0: i32, %arg1: i32, %arg2: memref<160000x128xf32, #tpu.memory_space<hbm>>, %arg3: memref<320000xi32, #tpu.memory_space<hbm>>, %arg4: memref<2x10000x128xf32, #tpu.memory_space<hbm>>, %arg5: memref<2x128xi32, #tpu.memory_space<vmem>>, %arg6: memref<2x128x128xf32, #tpu.memory_space<vmem>>, %arg7: memref<40x128xf32, #tpu.memory_space<vmem>>, %arg8: memref<10000x128xf32, #tpu.memory_space<vmem_shared>>, %arg9: memref<!tpu.dma_semaphore, #tpu.memory_space<semaphore_mem>>, %arg10: memref<!tpu.dma_semaphore, #tpu.memory_space<semaphore_mem>>) attributes {dimension_semantics = [#tpu.dimension_semantics<core_parallel>, #tpu.dimension_semantics<subcore_parallel>], iteration_bounds = array<i64: 2, 16>, scalar_prefetch = 0 : i64, scratch_operands = 6 : i64, tpu.core_type = #tpu.core_type<sc_vector_subcore>, window_params = [{transform_indices = #map}, {transform_indices = #map1}, {transform_indices = #map2}]} {
    %mul3A = arith.constant 2 : i32
    %mul3A_0 = arith.muli %arg1, %mul3A : i32
    %add3A = arith.addi %mul3A_0, %arg0 : i32
    %scan3A = arith.constant 0 : i32
    %scan3A_1 = arith.constant 0 : i32
    %scan3A_2 = arith.constant 40 : i32
    %scan3A_3 = arith.addi %scan3A_1, %scan3A_2 : i32
    %scan3A_4 = arith.constant 1 : i32
    scf.for %scan3A_25 = %scan3A_1 to %scan3A_3 step %scan3A_4  : i32 {
      %scan3A_26 = arith.constant 0 : i32
      %scan3A_27 = arith.constant 8 : i32
      %scan3A_28 = arith.addi %scan3A_26, %scan3A_27 : i32
      %scan3A_29 = arith.constant 1 : i32
      scf.for %scan3A_31 = %scan3A_26 to %scan3A_28 step %scan3A_29  : i32 {
        %broadcast_in_dim3A = arith.constant 0.000000e+00 : f32
        %broadcast_in_dim3A_32 = vector.broadcast %broadcast_in_dim3A : f32 to vector<16xf32>
        %mul3A_33 = arith.constant 16 : i32
        %mul3A_34 = arith.muli %scan3A_31, %mul3A_33 : i32
        %swap3A = arith.index_cast %scan3A_25 : i32 to index
        %swap3A_35 = arith.index_cast %mul3A_34 : i32 to index
        %swap3A_36 = tpu.vector_load %arg7[%swap3A, %swap3A_35] {strides = array<i32>} : memref<40x128xf32, #tpu.memory_space<vmem>>, vector<1x16xf32>,
        %swap3A_37 = vector.shape_cast %swap3A_36 : vector<1x16xf32> to vector<16xf32>
        %swap3A_38 = vector.shape_cast %broadcast_in_dim3A_32 : vector<16xf32> to vector<1x16xf32>
        tpu.vector_store %arg7[%swap3A, %swap3A_35], %swap3A_38 {strides = array<i32>} : memref<40x128xf32, #tpu.memory_space<vmem>>, vector<1x16xf32>,
      }
      %scan3A_30 = arith.constant 8 : i32
    }
    %scan3A_5 = arith.constant 40 : i32
    %scan3A_6 = arith.constant 0 : i32
    %scan3A_7 = arith.constant 0 : i32
    %scan3A_8 = arith.constant 16 : i32
    %scan3A_9 = arith.addi %scan3A_7, %scan3A_8 : i32
    %scan3A_10 = arith.constant 1 : i32
    scf.for %scan3A_25 = %scan3A_7 to %scan3A_9 step %scan3A_10  : i32 {
      %mul3A_26 = arith.constant 16 : i32
      %mul3A_27 = arith.muli %mul3A_26, %scan3A_25 : i32
      %add3A_28 = arith.addi %arg1, %mul3A_27 : i32
      %lt3A = arith.constant 250 : i32
      %lt3A_29 = arith.cmpi slt, %add3A_28, %lt3A : i32
      %convert_element_type3A = arith.extui %lt3A_29 : i1 to i32
      %cond3A = arith.constant 0 : i32
      %cond3A_30 = arith.cmpi ne, %convert_element_type3A, %cond3A : i32
      scf.if %cond3A_30 {
        %mul3A_31 = arith.constant 40 : i32
        %mul3A_32 = arith.muli %add3A_28, %mul3A_31 : i32
        "tpu.region"() ({
          %run_scoped3A = tpu.sem_alloc : memref<!tpu.dma_semaphore, #tpu.memory_space<semaphore_mem>>
          %dma_start3A = arith.constant 0 : i32
          %dma_start3A_33 = tpu.memref_slice %arg8[%mul3A_32, %dma_start3A] : memref<10000x128xf32, #tpu.memory_space<vmem_shared>> -> memref<40x128xf32, #tpu.memory_space<vmem_shared>>
          %dma_start3A_34 = arith.constant 0 : i32
          %dma_start3A_35 = tpu.memref_slice %arg8[%mul3A_32, %dma_start3A_34] : memref<10000x128xf32, #tpu.memory_space<vmem_shared>> -> memref<40x128xf32, #tpu.memory_space<vmem_shared>>
          tpu.enqueue_dma source(%arg7 : memref<40x128xf32, #tpu.memory_space<vmem>>) target(%dma_start3A_35 : memref<40x128xf32, #tpu.memory_space<vmem_shared>>) target_semaphore(%run_scoped3A : memref<!tpu.dma_semaphore, #tpu.memory_space<semaphore_mem>>)
          %dma_wait3A = arith.constant 0 : i32
          %dma_wait3A_36 = tpu.memref_slice %arg8[%mul3A_32, %dma_wait3A] : memref<10000x128xf32, #tpu.memory_space<vmem_shared>> -> memref<40x128xf32, #tpu.memory_space<vmem_shared>>
          %dma_wait3A_37 = arith.constant 0 : i32
          %dma_wait3A_38 = tpu.memref_slice %arg8[%mul3A_32, %dma_wait3A_37] : memref<10000x128xf32, #tpu.memory_space<vmem_shared>> -> memref<40x128xf32, #tpu.memory_space<vmem_shared>>
          tpu.wait_dma2 semaphore(%run_scoped3A : memref<!tpu.dma_semaphore, #tpu.memory_space<semaphore_mem>>) src(%arg7 : memref<40x128xf32, #tpu.memory_space<vmem>>) dst(%dma_wait3A_38 : memref<40x128xf32, #tpu.memory_space<vmem_shared>>)
          tpu.yield
        }) : () -> ()
      } else {
      }
    }
    %scan3A_11 = arith.constant 16 : i32
    %barrier3A = arith.constant 0 : index
    tpu.barrier barrier_id(%barrier3A)
    %scan3A_12 = arith.constant 0 : i32
    %scan3A_13 = arith.constant 0 : i32
    %scan3A_14 = arith.constant 21 : i32
    %scan3A_15 = arith.addi %scan3A_13, %scan3A_14 : i32
    %scan3A_16 = arith.constant 1 : i32
    scf.for %scan3A_25 = %scan3A_13 to %scan3A_15 step %scan3A_16  : i32 {
      %mul3A_26 = arith.constant 2 : i32
      %mul3A_27 = arith.muli %mul3A_26, %scan3A_25 : i32
      %add3A_28 = arith.constant 0 : i32
      %add3A_29 = arith.addi %mul3A_27, %add3A_28 : i32
      %mul3A_30 = arith.constant 32 : i32
      %mul3A_31 = arith.muli %mul3A_30, %add3A_29 : i32
      %add3A_32 = arith.addi %add3A, %mul3A_31 : i32
      %sub3A = arith.constant 32 : i32
      %sub3A_33 = arith.subi %add3A_32, %sub3A : i32
      %lt3A = arith.constant 1250 : i32
      %lt3A_34 = arith.cmpi slt, %add3A_32, %lt3A : i32
      %convert_element_type3A = arith.extui %lt3A_34 : i1 to i32
      %cond3A = arith.constant 0 : i32
      %cond3A_35 = arith.cmpi ne, %convert_element_type3A, %cond3A : i32
      scf.if %cond3A_35 {
        %mul3A_64 = arith.constant 128 : i32
        %mul3A_65 = arith.muli %add3A_32, %mul3A_64 : i32
        %add3A_66 = arith.constant 1250 : i32
        %add3A_67 = arith.addi %add3A_66, %add3A_32 : i32
        %mul3A_68 = arith.constant 128 : i32
        %mul3A_69 = arith.muli %add3A_67, %mul3A_68 : i32
        %dma_start3A = arith.constant 0 : i32
        %dma_start3A_70 = arith.constant 0 : i32
        %dma_start3A_71 = tpu.memref_slice %arg5[%dma_start3A, %dma_start3A_70] : memref<2x128xi32, #tpu.memory_space<vmem>> -> memref<1x128xi32, #tpu.memory_space<vmem>>
        %dma_start3A_72 = tpu.memref_squeeze %dma_start3A_71 : memref<1x128xi32, #tpu.memory_space<vmem>> -> memref<128xi32, #tpu.memory_space<vmem>>
        %dma_start3A_73 = tpu.memref_slice %arg3[%mul3A_69] : memref<320000xi32, #tpu.memory_space<hbm>> -> memref<128xi32, #tpu.memory_space<hbm>>
        %dma_start3A_74 = arith.constant 0 : i32
        %dma_start3A_75 = tpu.memref_slice %arg5[%dma_start3A, %dma_start3A_74] : memref<2x128xi32, #tpu.memory_space<vmem>> -> memref<1x128xi32, #tpu.memory_space<vmem>>
        %dma_start3A_76 = tpu.memref_squeeze %dma_start3A_75 : memref<1x128xi32, #tpu.memory_space<vmem>> -> memref<128xi32, #tpu.memory_space<vmem>>
        %dma_start3A_77 = tpu.memref_slice %arg3[%mul3A_69] : memref<320000xi32, #tpu.memory_space<hbm>> -> memref<128xi32, #tpu.memory_space<hbm>>
        tpu.enqueue_dma source(%dma_start3A_77 : memref<128xi32, #tpu.memory_space<hbm>>) target(%dma_start3A_76 : memref<128xi32, #tpu.memory_space<vmem>>) target_semaphore(%arg9 : memref<!tpu.dma_semaphore, #tpu.memory_space<semaphore_mem>>)
        %dma_start3A_78 = arith.constant 0 : i32
        %dma_start3A_79 = arith.constant 0 : i32
        %dma_start3A_80 = arith.constant 0 : i32
        %dma_start3A_81 = tpu.memref_slice %arg6[%dma_start3A_78, %dma_start3A_79, %dma_start3A_80] : memref<2x128x128xf32, #tpu.memory_space<vmem>> -> memref<1x128x128xf32, #tpu.memory_space<vmem>>
        %dma_start3A_82 = tpu.memref_squeeze %dma_start3A_81 : memref<1x128x128xf32, #tpu.memory_space<vmem>> -> memref<128x128xf32, #tpu.memory_space<vmem>>
        %dma_start3A_83 = arith.constant 0 : i32
        %dma_start3A_84 = tpu.memref_slice %arg2[%mul3A_65, %dma_start3A_83] : memref<160000x128xf32, #tpu.memory_space<hbm>> -> memref<128x128xf32, #tpu.memory_space<hbm>>
        %dma_start3A_85 = arith.constant 0 : i32
        %dma_start3A_86 = arith.constant 0 : i32
        %dma_start3A_87 = tpu.memref_slice %arg6[%dma_start3A_78, %dma_start3A_85, %dma_start3A_86] : memref<2x128x128xf32, #tpu.memory_space<vmem>> -> memref<1x128x128xf32, #tpu.memory_space<vmem>>
        %dma_start3A_88 = tpu.memref_squeeze %dma_start3A_87 : memref<1x128x128xf32, #tpu.memory_space<vmem>> -> memref<128x128xf32, #tpu.memory_space<vmem>>
        %dma_start3A_89 = arith.constant 0 : i32
        %dma_start3A_90 = tpu.memref_slice %arg2[%mul3A_65, %dma_start3A_89] : memref<160000x128xf32, #tpu.memory_space<hbm>> -> memref<128x128xf32, #tpu.memory_space<hbm>>
        tpu.enqueue_dma source(%dma_start3A_90 : memref<128x128xf32, #tpu.memory_space<hbm>>) target(%dma_start3A_88 : memref<128x128xf32, #tpu.memory_space<vmem>>) target_semaphore(%arg9 : memref<!tpu.dma_semaphore, #tpu.memory_space<semaphore_mem>>)
      } else {
      }
      %ge3A = arith.constant 1 : i32
      %ge3A_36 = arith.cmpi sge, %add3A_29, %ge3A : i32
      %lt3A_37 = arith.constant 1250 : i32
      %lt3A_38 = arith.cmpi slt, %sub3A_33, %lt3A_37 : i32
      %and3A = arith.andi %ge3A_36, %lt3A_38 : i1
      %convert_element_type3A_39 = arith.extui %and3A : i1 to i32
      %cond3A_40 = arith.constant 0 : i32
      %cond3A_41 = arith.cmpi ne, %convert_element_type3A_39, %cond3A_40 : i32
      scf.if %cond3A_41 {
        %mul3A_64 = arith.constant 128 : i32
        %mul3A_65 = arith.muli %sub3A_33, %mul3A_64 : i32
        %add3A_66 = arith.constant 1250 : i32
        %add3A_67 = arith.addi %add3A_66, %sub3A_33 : i32
        %mul3A_68 = arith.constant 128 : i32
        %mul3A_69 = arith.muli %add3A_67, %mul3A_68 : i32
        %dma_wait3A = arith.constant 1 : i32
        %dma_wait3A_70 = arith.constant 0 : i32
        %dma_wait3A_71 = tpu.memref_slice %arg5[%dma_wait3A, %dma_wait3A_70] : memref<2x128xi32, #tpu.memory_space<vmem>> -> memref<1x128xi32, #tpu.memory_space<vmem>>
        %dma_wait3A_72 = tpu.memref_squeeze %dma_wait3A_71 : memref<1x128xi32, #tpu.memory_space<vmem>> -> memref<128xi32, #tpu.memory_space<vmem>>
        %dma_wait3A_73 = tpu.memref_slice %arg3[%mul3A_69] : memref<320000xi32, #tpu.memory_space<hbm>> -> memref<128xi32, #tpu.memory_space<hbm>>
        %dma_wait3A_74 = arith.constant 0 : i32
        %dma_wait3A_75 = tpu.memref_slice %arg5[%dma_wait3A, %dma_wait3A_74] : memref<2x128xi32, #tpu.memory_space<vmem>> -> memref<1x128xi32, #tpu.memory_space<vmem>>
        %dma_wait3A_76 = tpu.memref_squeeze %dma_wait3A_75 : memref<1x128xi32, #tpu.memory_space<vmem>> -> memref<128xi32, #tpu.memory_space<vmem>>
        %dma_wait3A_77 = tpu.memref_slice %arg3[%mul3A_69] : memref<320000xi32, #tpu.memory_space<hbm>> -> memref<128xi32, #tpu.memory_space<hbm>>
        tpu.wait_dma2 semaphore(%arg10 : memref<!tpu.dma_semaphore, #tpu.memory_space<semaphore_mem>>) src(%dma_wait3A_77 : memref<128xi32, #tpu.memory_space<hbm>>) dst(%dma_wait3A_76 : memref<128xi32, #tpu.memory_space<vmem>>)
        %dma_wait3A_78 = arith.constant 1 : i32
        %dma_wait3A_79 = arith.constant 0 : i32
        %dma_wait3A_80 = arith.constant 0 : i32
        %dma_wait3A_81 = tpu.memref_slice %arg6[%dma_wait3A_78, %dma_wait3A_79, %dma_wait3A_80] : memref<2x128x128xf32, #tpu.memory_space<vmem>> -> memref<1x128x128xf32, #tpu.memory_space<vmem>>
        %dma_wait3A_82 = tpu.memref_squeeze %dma_wait3A_81 : memref<1x128x128xf32, #tpu.memory_space<vmem>> -> memref<128x128xf32, #tpu.memory_space<vmem>>
        %dma_wait3A_83 = arith.constant 0 : i32
        %dma_wait3A_84 = tpu.memref_slice %arg2[%mul3A_65, %dma_wait3A_83] : memref<160000x128xf32, #tpu.memory_space<hbm>> -> memref<128x128xf32, #tpu.memory_space<hbm>>
        %dma_wait3A_85 = arith.constant 0 : i32
        %dma_wait3A_86 = arith.constant 0 : i32
        %dma_wait3A_87 = tpu.memref_slice %arg6[%dma_wait3A_78, %dma_wait3A_85, %dma_wait3A_86] : memref<2x128x128xf32, #tpu.memory_space<vmem>> -> memref<1x128x128xf32, #tpu.memory_space<vmem>>
        %dma_wait3A_88 = tpu.memref_squeeze %dma_wait3A_87 : memref<1x128x128xf32, #tpu.memory_space<vmem>> -> memref<128x128xf32, #tpu.memory_space<vmem>>
        %dma_wait3A_89 = arith.constant 0 : i32
        %dma_wait3A_90 = tpu.memref_slice %arg2[%mul3A_65, %dma_wait3A_89] : memref<160000x128xf32, #tpu.memory_space<hbm>> -> memref<128x128xf32, #tpu.memory_space<hbm>>
        tpu.wait_dma2 semaphore(%arg10 : memref<!tpu.dma_semaphore, #tpu.memory_space<semaphore_mem>>) src(%dma_wait3A_90 : memref<128x128xf32, #tpu.memory_space<hbm>>) dst(%dma_wait3A_88 : memref<128x128xf32, #tpu.memory_space<vmem>>)
        %run_scoped3A = arith.constant 1 : i32
        %run_scoped3A_91 = arith.constant 1 : i32
        "tpu.region"() ({
          %run_scoped3A_92 = tpu.sem_alloc : memref<!tpu.dma_semaphore, #tpu.memory_space<semaphore_mem>>
          %dma_start3A = arith.constant 0 : i32
          %dma_start3A_93 = arith.constant 0 : i32
          %dma_start3A_94 = tpu.memref_slice %arg6[%run_scoped3A, %dma_start3A, %dma_start3A_93] : memref<2x128x128xf32, #tpu.memory_space<vmem>> -> memref<1x128x128xf32, #tpu.memory_space<vmem>>
          %dma_start3A_95 = tpu.memref_squeeze %dma_start3A_94 : memref<1x128x128xf32, #tpu.memory_space<vmem>> -> memref<128x128xf32, #tpu.memory_space<vmem>>
          %dma_start3A_96 = arith.constant 0 : i32
          %dma_start3A_97 = tpu.memref_slice %arg5[%run_scoped3A_91, %dma_start3A_96] : memref<2x128xi32, #tpu.memory_space<vmem>> -> memref<1x128xi32, #tpu.memory_space<vmem>>
          %dma_start3A_98 = tpu.memref_squeeze %dma_start3A_97 : memref<1x128xi32, #tpu.memory_space<vmem>> -> memref<128xi32, #tpu.memory_space<vmem>>
          %dma_start3A_99 = arith.constant 0 : i32
          %dma_start3A_100 = arith.constant 0 : i32
          %dma_start3A_101 = tpu.memref_slice %arg8[%dma_start3A_99, %dma_start3A_100] : memref<10000x128xf32, #tpu.memory_space<vmem_shared>> -> memref<10000x128xf32, #tpu.memory_space<vmem_shared>>
          tpu.enqueue_indirect_dma source(%dma_start3A_95 : memref<128x128xf32, #tpu.memory_space<vmem>>) target(%dma_start3A_101 : memref<10000x128xf32, #tpu.memory_space<vmem_shared>>) offsets(%dma_start3A_98 : memref<128xi32, #tpu.memory_space<vmem>>) semaphore(%run_scoped3A_92 : memref<!tpu.dma_semaphore, #tpu.memory_space<semaphore_mem>>) {add = true}
          %dma_wait3A_102 = arith.constant 0 : i32
          %dma_wait3A_103 = arith.constant 0 : i32
          %dma_wait3A_104 = tpu.memref_slice %arg6[%run_scoped3A, %dma_wait3A_102, %dma_wait3A_103] : memref<2x128x128xf32, #tpu.memory_space<vmem>> -> memref<1x128x128xf32, #tpu.memory_space<vmem>>
          %dma_wait3A_105 = tpu.memref_squeeze %dma_wait3A_104 : memref<1x128x128xf32, #tpu.memory_space<vmem>> -> memref<128x128xf32, #tpu.memory_space<vmem>>
          %dma_wait3A_106 = arith.constant 0 : i32
          %dma_wait3A_107 = tpu.memref_slice %arg5[%run_scoped3A_91, %dma_wait3A_106] : memref<2x128xi32, #tpu.memory_space<vmem>> -> memref<1x128xi32, #tpu.memory_space<vmem>>
          %dma_wait3A_108 = tpu.memref_squeeze %dma_wait3A_107 : memref<1x128xi32, #tpu.memory_space<vmem>> -> memref<128xi32, #tpu.memory_space<vmem>>
          %dma_wait3A_109 = arith.constant 0 : i32
          %dma_wait3A_110 = arith.constant 0 : i32
          %dma_wait3A_111 = tpu.memref_slice %arg8[%dma_wait3A_109, %dma_wait3A_110] : memref<10000x128xf32, #tpu.memory_space<vmem_shared>> -> memref<10000x128xf32, #tpu.memory_space<vmem_shared>>
          tpu.wait_indirect_dma semaphore(%run_scoped3A_92 : memref<!tpu.dma_semaphore, #tpu.memory_space<semaphore_mem>>) src(%dma_wait3A_105 : memref<128x128xf32, #tpu.memory_space<vmem>>) dst(%dma_wait3A_111 : memref<10000x128xf32, #tpu.memory_space<vmem_shared>>)
          tpu.yield
        }) : () -> ()
      } else {
      }
      %mul3A_42 = arith.constant 2 : i32
      %mul3A_43 = arith.muli %mul3A_42, %scan3A_25 : i32
      %add3A_44 = arith.constant 1 : i32
      %add3A_45 = arith.addi %mul3A_43, %add3A_44 : i32
      %mul3A_46 = arith.constant 32 : i32
      %mul3A_47 = arith.muli %mul3A_46, %add3A_45 : i32
      %add3A_48 = arith.addi %add3A, %mul3A_47 : i32
      %sub3A_49 = arith.constant 32 : i32
      %sub3A_50 = arith.subi %add3A_48, %sub3A_49 : i32
      %lt3A_51 = arith.constant 1250 : i32
      %lt3A_52 = arith.cmpi slt, %add3A_48, %lt3A_51 : i32
      %convert_element_type3A_53 = arith.extui %lt3A_52 : i1 to i32
      %cond3A_54 = arith.constant 0 : i32
      %cond3A_55 = arith.cmpi ne, %convert_element_type3A_53, %cond3A_54 : i32
      scf.if %cond3A_55 {
        %mul3A_64 = arith.constant 128 : i32
        %mul3A_65 = arith.muli %add3A_48, %mul3A_64 : i32
        %add3A_66 = arith.constant 1250 : i32
        %add3A_67 = arith.addi %add3A_66, %add3A_48 : i32
        %mul3A_68 = arith.constant 128 : i32
        %mul3A_69 = arith.muli %add3A_67, %mul3A_68 : i32
        %dma_start3A = arith.constant 1 : i32
        %dma_start3A_70 = arith.constant 0 : i32
        %dma_start3A_71 = tpu.memref_slice %arg5[%dma_start3A, %dma_start3A_70] : memref<2x128xi32, #tpu.memory_space<vmem>> -> memref<1x128xi32, #tpu.memory_space<vmem>>
        %dma_start3A_72 = tpu.memref_squeeze %dma_start3A_71 : memref<1x128xi32, #tpu.memory_space<vmem>> -> memref<128xi32, #tpu.memory_space<vmem>>
        %dma_start3A_73 = tpu.memref_slice %arg3[%mul3A_69] : memref<320000xi32, #tpu.memory_space<hbm>> -> memref<128xi32, #tpu.memory_space<hbm>>
        %dma_start3A_74 = arith.constant 0 : i32
        %dma_start3A_75 = tpu.memref_slice %arg5[%dma_start3A, %dma_start3A_74] : memref<2x128xi32, #tpu.memory_space<vmem>> -> memref<1x128xi32, #tpu.memory_space<vmem>>
        %dma_start3A_76 = tpu.memref_squeeze %dma_start3A_75 : memref<1x128xi32, #tpu.memory_space<vmem>> -> memref<128xi32, #tpu.memory_space<vmem>>
        %dma_start3A_77 = tpu.memref_slice %arg3[%mul3A_69] : memref<320000xi32, #tpu.memory_space<hbm>> -> memref<128xi32, #tpu.memory_space<hbm>>
        tpu.enqueue_dma source(%dma_start3A_77 : memref<128xi32, #tpu.memory_space<hbm>>) target(%dma_start3A_76 : memref<128xi32, #tpu.memory_space<vmem>>) target_semaphore(%arg10 : memref<!tpu.dma_semaphore, #tpu.memory_space<semaphore_mem>>)
        %dma_start3A_78 = arith.constant 1 : i32
        %dma_start3A_79 = arith.constant 0 : i32
        %dma_start3A_80 = arith.constant 0 : i32
        %dma_start3A_81 = tpu.memref_slice %arg6[%dma_start3A_78, %dma_start3A_79, %dma_start3A_80] : memref<2x128x128xf32, #tpu.memory_space<vmem>> -> memref<1x128x128xf32, #tpu.memory_space<vmem>>
        %dma_start3A_82 = tpu.memref_squeeze %dma_start3A_81 : memref<1x128x128xf32, #tpu.memory_space<vmem>> -> memref<128x128xf32, #tpu.memory_space<vmem>>
        %dma_start3A_83 = arith.constant 0 : i32
        %dma_start3A_84 = tpu.memref_slice %arg2[%mul3A_65, %dma_start3A_83] : memref<160000x128xf32, #tpu.memory_space<hbm>> -> memref<128x128xf32, #tpu.memory_space<hbm>>
        %dma_start3A_85 = arith.constant 0 : i32
        %dma_start3A_86 = arith.constant 0 : i32
        %dma_start3A_87 = tpu.memref_slice %arg6[%dma_start3A_78, %dma_start3A_85, %dma_start3A_86] : memref<2x128x128xf32, #tpu.memory_space<vmem>> -> memref<1x128x128xf32, #tpu.memory_space<vmem>>
        %dma_start3A_88 = tpu.memref_squeeze %dma_start3A_87 : memref<1x128x128xf32, #tpu.memory_space<vmem>> -> memref<128x128xf32, #tpu.memory_space<vmem>>
        %dma_start3A_89 = arith.constant 0 : i32
        %dma_start3A_90 = tpu.memref_slice %arg2[%mul3A_65, %dma_start3A_89] : memref<160000x128xf32, #tpu.memory_space<hbm>> -> memref<128x128xf32, #tpu.memory_space<hbm>>
        tpu.enqueue_dma source(%dma_start3A_90 : memref<128x128xf32, #tpu.memory_space<hbm>>) target(%dma_start3A_88 : memref<128x128xf32, #tpu.memory_space<vmem>>) target_semaphore(%arg10 : memref<!tpu.dma_semaphore, #tpu.memory_space<semaphore_mem>>)
      } else {
      }
      %ge3A_56 = arith.constant 1 : i32
      %ge3A_57 = arith.cmpi sge, %add3A_45, %ge3A_56 : i32
      %lt3A_58 = arith.constant 1250 : i32
      %lt3A_59 = arith.cmpi slt, %sub3A_50, %lt3A_58 : i32
      %and3A_60 = arith.andi %ge3A_57, %lt3A_59 : i1
      %convert_element_type3A_61 = arith.extui %and3A_60 : i1 to i32
      %cond3A_62 = arith.constant 0 : i32
      %cond3A_63 = arith.cmpi ne, %convert_element_type3A_61, %cond3A_62 : i32
      scf.if %cond3A_63 {
        %mul3A_64 = arith.constant 128 : i32
        %mul3A_65 = arith.muli %sub3A_50, %mul3A_64 : i32
        %add3A_66 = arith.constant 1250 : i32
        %add3A_67 = arith.addi %add3A_66, %sub3A_50 : i32
        %mul3A_68 = arith.constant 128 : i32
        %mul3A_69 = arith.muli %add3A_67, %mul3A_68 : i32
        %dma_wait3A = arith.constant 0 : i32
        %dma_wait3A_70 = arith.constant 0 : i32
        %dma_wait3A_71 = tpu.memref_slice %arg5[%dma_wait3A, %dma_wait3A_70] : memref<2x128xi32, #tpu.memory_space<vmem>> -> memref<1x128xi32, #tpu.memory_space<vmem>>
        %dma_wait3A_72 = tpu.memref_squeeze %dma_wait3A_71 : memref<1x128xi32, #tpu.memory_space<vmem>> -> memref<128xi32, #tpu.memory_space<vmem>>
        %dma_wait3A_73 = tpu.memref_slice %arg3[%mul3A_69] : memref<320000xi32, #tpu.memory_space<hbm>> -> memref<128xi32, #tpu.memory_space<hbm>>
        %dma_wait3A_74 = arith.constant 0 : i32
        %dma_wait3A_75 = tpu.memref_slice %arg5[%dma_wait3A, %dma_wait3A_74] : memref<2x128xi32, #tpu.memory_space<vmem>> -> memref<1x128xi32, #tpu.memory_space<vmem>>
        %dma_wait3A_76 = tpu.memref_squeeze %dma_wait3A_75 : memref<1x128xi32, #tpu.memory_space<vmem>> -> memref<128xi32, #tpu.memory_space<vmem>>
        %dma_wait3A_77 = tpu.memref_slice %arg3[%mul3A_69] : memref<320000xi32, #tpu.memory_space<hbm>> -> memref<128xi32, #tpu.memory_space<hbm>>
        tpu.wait_dma2 semaphore(%arg9 : memref<!tpu.dma_semaphore, #tpu.memory_space<semaphore_mem>>) src(%dma_wait3A_77 : memref<128xi32, #tpu.memory_space<hbm>>) dst(%dma_wait3A_76 : memref<128xi32, #tpu.memory_space<vmem>>)
        %dma_wait3A_78 = arith.constant 0 : i32
        %dma_wait3A_79 = arith.constant 0 : i32
        %dma_wait3A_80 = arith.constant 0 : i32
        %dma_wait3A_81 = tpu.memref_slice %arg6[%dma_wait3A_78, %dma_wait3A_79, %dma_wait3A_80] : memref<2x128x128xf32, #tpu.memory_space<vmem>> -> memref<1x128x128xf32, #tpu.memory_space<vmem>>
        %dma_wait3A_82 = tpu.memref_squeeze %dma_wait3A_81 : memref<1x128x128xf32, #tpu.memory_space<vmem>> -> memref<128x128xf32, #tpu.memory_space<vmem>>
        %dma_wait3A_83 = arith.constant 0 : i32
        %dma_wait3A_84 = tpu.memref_slice %arg2[%mul3A_65, %dma_wait3A_83] : memref<160000x128xf32, #tpu.memory_space<hbm>> -> memref<128x128xf32, #tpu.memory_space<hbm>>
        %dma_wait3A_85 = arith.constant 0 : i32
        %dma_wait3A_86 = arith.constant 0 : i32
        %dma_wait3A_87 = tpu.memref_slice %arg6[%dma_wait3A_78, %dma_wait3A_85, %dma_wait3A_86] : memref<2x128x128xf32, #tpu.memory_space<vmem>> -> memref<1x128x128xf32, #tpu.memory_space<vmem>>
        %dma_wait3A_88 = tpu.memref_squeeze %dma_wait3A_87 : memref<1x128x128xf32, #tpu.memory_space<vmem>> -> memref<128x128xf32, #tpu.memory_space<vmem>>
        %dma_wait3A_89 = arith.constant 0 : i32
        %dma_wait3A_90 = tpu.memref_slice %arg2[%mul3A_65, %dma_wait3A_89] : memref<160000x128xf32, #tpu.memory_space<hbm>> -> memref<128x128xf32, #tpu.memory_space<hbm>>
        tpu.wait_dma2 semaphore(%arg9 : memref<!tpu.dma_semaphore, #tpu.memory_space<semaphore_mem>>) src(%dma_wait3A_90 : memref<128x128xf32, #tpu.memory_space<hbm>>) dst(%dma_wait3A_88 : memref<128x128xf32, #tpu.memory_space<vmem>>)
        %run_scoped3A = arith.constant 0 : i32
        %run_scoped3A_91 = arith.constant 0 : i32
        "tpu.region"() ({
          %run_scoped3A_92 = tpu.sem_alloc : memref<!tpu.dma_semaphore, #tpu.memory_space<semaphore_mem>>
          %dma_start3A = arith.constant 0 : i32
          %dma_start3A_93 = arith.constant 0 : i32
          %dma_start3A_94 = tpu.memref_slice %arg6[%run_scoped3A, %dma_start3A, %dma_start3A_93] : memref<2x128x128xf32, #tpu.memory_space<vmem>> -> memref<1x128x128xf32, #tpu.memory_space<vmem>>
          %dma_start3A_95 = tpu.memref_squeeze %dma_start3A_94 : memref<1x128x128xf32, #tpu.memory_space<vmem>> -> memref<128x128xf32, #tpu.memory_space<vmem>>
          %dma_start3A_96 = arith.constant 0 : i32
          %dma_start3A_97 = tpu.memref_slice %arg5[%run_scoped3A_91, %dma_start3A_96] : memref<2x128xi32, #tpu.memory_space<vmem>> -> memref<1x128xi32, #tpu.memory_space<vmem>>
          %dma_start3A_98 = tpu.memref_squeeze %dma_start3A_97 : memref<1x128xi32, #tpu.memory_space<vmem>> -> memref<128xi32, #tpu.memory_space<vmem>>
          %dma_start3A_99 = arith.constant 0 : i32
          %dma_start3A_100 = arith.constant 0 : i32
          %dma_start3A_101 = tpu.memref_slice %arg8[%dma_start3A_99, %dma_start3A_100] : memref<10000x128xf32, #tpu.memory_space<vmem_shared>> -> memref<10000x128xf32, #tpu.memory_space<vmem_shared>>
          tpu.enqueue_indirect_dma source(%dma_start3A_95 : memref<128x128xf32, #tpu.memory_space<vmem>>) target(%dma_start3A_101 : memref<10000x128xf32, #tpu.memory_space<vmem_shared>>) offsets(%dma_start3A_98 : memref<128xi32, #tpu.memory_space<vmem>>) semaphore(%run_scoped3A_92 : memref<!tpu.dma_semaphore, #tpu.memory_space<semaphore_mem>>) {add = true}
          %dma_wait3A_102 = arith.constant 0 : i32
          %dma_wait3A_103 = arith.constant 0 : i32
          %dma_wait3A_104 = tpu.memref_slice %arg6[%run_scoped3A, %dma_wait3A_102, %dma_wait3A_103] : memref<2x128x128xf32, #tpu.memory_space<vmem>> -> memref<1x128x128xf32, #tpu.memory_space<vmem>>
          %dma_wait3A_105 = tpu.memref_squeeze %dma_wait3A_104 : memref<1x128x128xf32, #tpu.memory_space<vmem>> -> memref<128x128xf32, #tpu.memory_space<vmem>>
          %dma_wait3A_106 = arith.constant 0 : i32
          %dma_wait3A_107 = tpu.memref_slice %arg5[%run_scoped3A_91, %dma_wait3A_106] : memref<2x128xi32, #tpu.memory_space<vmem>> -> memref<1x128xi32, #tpu.memory_space<vmem>>
          %dma_wait3A_108 = tpu.memref_squeeze %dma_wait3A_107 : memref<1x128xi32, #tpu.memory_space<vmem>> -> memref<128xi32, #tpu.memory_space<vmem>>
          %dma_wait3A_109 = arith.constant 0 : i32
          %dma_wait3A_110 = arith.constant 0 : i32
          %dma_wait3A_111 = tpu.memref_slice %arg8[%dma_wait3A_109, %dma_wait3A_110] : memref<10000x128xf32, #tpu.memory_space<vmem_shared>> -> memref<10000x128xf32, #tpu.memory_space<vmem_shared>>
          tpu.wait_indirect_dma semaphore(%run_scoped3A_92 : memref<!tpu.dma_semaphore, #tpu.memory_space<semaphore_mem>>) src(%dma_wait3A_105 : memref<128x128xf32, #tpu.memory_space<vmem>>) dst(%dma_wait3A_111 : memref<10000x128xf32, #tpu.memory_space<vmem_shared>>)
          tpu.yield
        }) : () -> ()
      } else {
      }
    }
    %scan3A_17 = arith.constant 21 : i32
    %barrier3A_18 = arith.constant 0 : index
    tpu.barrier barrier_id(%barrier3A_18)
    %scan3A_19 = arith.constant 0 : i32
    %scan3A_20 = arith.constant 0 : i32
    %scan3A_21 = arith.constant 16 : i32
    %scan3A_22 = arith.addi %scan3A_20, %scan3A_21 : i32
    %scan3A_23 = arith.constant 1 : i32
    scf.for %scan3A_25 = %scan3A_20 to %scan3A_22 step %scan3A_23  : i32 {
      %mul3A_26 = arith.constant 16 : i32
      %mul3A_27 = arith.muli %mul3A_26, %scan3A_25 : i32
      %add3A_28 = arith.addi %arg1, %mul3A_27 : i32
      %lt3A = arith.constant 250 : i32
      %lt3A_29 = arith.cmpi slt, %add3A_28, %lt3A : i32
      %convert_element_type3A = arith.extui %lt3A_29 : i1 to i32
      %cond3A = arith.constant 0 : i32
      %cond3A_30 = arith.cmpi ne, %convert_element_type3A, %cond3A : i32
      scf.if %cond3A_30 {
        %mul3A_31 = arith.constant 40 : i32
        %mul3A_32 = arith.muli %add3A_28, %mul3A_31 : i32
        "tpu.region"() ({
          %run_scoped3A = tpu.sem_alloc : memref<!tpu.dma_semaphore, #tpu.memory_space<semaphore_mem>>
          %dma_start3A = arith.constant 0 : i32
          %dma_start3A_33 = tpu.memref_slice %arg8[%mul3A_32, %dma_start3A] : memref<10000x128xf32, #tpu.memory_space<vmem_shared>> -> memref<40x128xf32, #tpu.memory_space<vmem_shared>>
          %dma_start3A_34 = arith.constant 0 : i32
          %dma_start3A_35 = tpu.memref_slice %arg8[%mul3A_32, %dma_start3A_34] : memref<10000x128xf32, #tpu.memory_space<vmem_shared>> -> memref<40x128xf32, #tpu.memory_space<vmem_shared>>
          tpu.enqueue_dma source(%dma_start3A_35 : memref<40x128xf32, #tpu.memory_space<vmem_shared>>) target(%arg7 : memref<40x128xf32, #tpu.memory_space<vmem>>) target_semaphore(%run_scoped3A : memref<!tpu.dma_semaphore, #tpu.memory_space<semaphore_mem>>)
          %dma_wait3A = arith.constant 0 : i32
          %dma_wait3A_36 = tpu.memref_slice %arg8[%mul3A_32, %dma_wait3A] : memref<10000x128xf32, #tpu.memory_space<vmem_shared>> -> memref<40x128xf32, #tpu.memory_space<vmem_shared>>
          %dma_wait3A_37 = arith.constant 0 : i32
          %dma_wait3A_38 = tpu.memref_slice %arg8[%mul3A_32, %dma_wait3A_37] : memref<10000x128xf32, #tpu.memory_space<vmem_shared>> -> memref<40x128xf32, #tpu.memory_space<vmem_shared>>
          tpu.wait_dma2 semaphore(%run_scoped3A : memref<!tpu.dma_semaphore, #tpu.memory_space<semaphore_mem>>) src(%dma_wait3A_38 : memref<40x128xf32, #tpu.memory_space<vmem_shared>>) dst(%arg7 : memref<40x128xf32, #tpu.memory_space<vmem>>)
          tpu.yield
        }) : () -> ()
        "tpu.region"() ({
          %run_scoped3A = tpu.sem_alloc : memref<!tpu.dma_semaphore, #tpu.memory_space<semaphore_mem>>
          %dma_start3A = arith.constant 0 : i32
          %dma_start3A_33 = tpu.memref_slice %arg4[%arg0, %mul3A_32, %dma_start3A] : memref<2x10000x128xf32, #tpu.memory_space<hbm>> -> memref<1x40x128xf32, #tpu.memory_space<hbm>>
          %dma_start3A_34 = tpu.memref_squeeze %dma_start3A_33 : memref<1x40x128xf32, #tpu.memory_space<hbm>> -> memref<40x128xf32, #tpu.memory_space<hbm>>
          %dma_start3A_35 = arith.constant 0 : i32
          %dma_start3A_36 = tpu.memref_slice %arg4[%arg0, %mul3A_32, %dma_start3A_35] : memref<2x10000x128xf32, #tpu.memory_space<hbm>> -> memref<1x40x128xf32, #tpu.memory_space<hbm>>
          %dma_start3A_37 = tpu.memref_squeeze %dma_start3A_36 : memref<1x40x128xf32, #tpu.memory_space<hbm>> -> memref<40x128xf32, #tpu.memory_space<hbm>>
          tpu.enqueue_dma source(%arg7 : memref<40x128xf32, #tpu.memory_space<vmem>>) target(%dma_start3A_37 : memref<40x128xf32, #tpu.memory_space<hbm>>) target_semaphore(%run_scoped3A : memref<!tpu.dma_semaphore, #tpu.memory_space<semaphore_mem>>)
          %dma_wait3A = arith.constant 0 : i32
          %dma_wait3A_38 = tpu.memref_slice %arg4[%arg0, %mul3A_32, %dma_wait3A] : memref<2x10000x128xf32, #tpu.memory_space<hbm>> -> memref<1x40x128xf32, #tpu.memory_space<hbm>>
          %dma_wait3A_39 = tpu.memref_squeeze %dma_wait3A_38 : memref<1x40x128xf32, #tpu.memory_space<hbm>> -> memref<40x128xf32, #tpu.memory_space<hbm>>
          %dma_wait3A_40 = arith.constant 0 : i32
          %dma_wait3A_41 = tpu.memref_slice %arg4[%arg0, %mul3A_32, %dma_wait3A_40] : memref<2x10000x128xf32, #tpu.memory_space<hbm>> -> memref<1x40x128xf32, #tpu.memory_space<hbm>>
          %dma_wait3A_42 = tpu.memref_squeeze %dma_wait3A_41 : memref<1x40x128xf32, #tpu.memory_space<hbm>> -> memref<40x128xf32, #tpu.memory_space<hbm>>
          tpu.wait_dma2 semaphore(%run_scoped3A : memref<!tpu.dma_semaphore, #tpu.memory_space<semaphore_mem>>) src(%arg7 : memref<40x128xf32, #tpu.memory_space<vmem>>) dst(%dma_wait3A_42 : memref<40x128xf32, #tpu.memory_space<hbm>>)
          tpu.yield
        }) : () -> ()
      } else {
      }
    }
    %scan3A_24 = arith.constant 16 : i32
    return
  }
}

#map = affine_map<(d0, d1) -> (0, 0)>
#map1 = affine_map<(d0, d1) -> (0)>
#map2 = affine_map<(d0, d1) -> (0, 0, 0)>
module attributes {stable_mosaic.version = 14 : i64} {
  func.func @scatter_k(%arg0: i32, %arg1: i32, %arg2: memref<160000x128xf32, #tpu.memory_space<hbm>>, %arg3: memref<320000xi32, #tpu.memory_space<hbm>>, %arg4: memref<2x10000x128xf32, #tpu.memory_space<hbm>>, %arg5: memref<2x128xi32, #tpu.memory_space<vmem>>, %arg6: memref<2x128x128xf32, #tpu.memory_space<vmem>>, %arg7: memref<40x128xf32, #tpu.memory_space<vmem>>, %arg8: memref<10000x128xf32, #tpu.memory_space<vmem_shared>>, %arg9: memref<!tpu.dma_semaphore, #tpu.memory_space<semaphore_mem>>, %arg10: memref<!tpu.dma_semaphore, #tpu.memory_space<semaphore_mem>>) attributes {dimension_semantics = [#tpu.dimension_semantics<core_parallel>, #tpu.dimension_semantics<subcore_parallel>], iteration_bounds = array<i64: 2, 16>, scalar_prefetch = 0 : i64, scratch_operands = 6 : i64, tpu.core_type = #tpu.core_type<sc_vector_subcore>, window_params = [{transform_indices = #map}, {transform_indices = #map1}, {transform_indices = #map2}]} {
    %mul3A = arith.constant 2 : i32
    %mul3A_0 = arith.muli %arg1, %mul3A : i32
    %add3A = arith.addi %mul3A_0, %arg0 : i32
    %scan3A = arith.constant 0 : i32
    %scan3A_1 = arith.constant 0 : i32
    %scan3A_2 = arith.constant 40 : i32
    %scan3A_3 = arith.addi %scan3A_1, %scan3A_2 : i32
    %scan3A_4 = arith.constant 1 : i32
    scf.for %scan3A_25 = %scan3A_1 to %scan3A_3 step %scan3A_4  : i32 {
      %scan3A_26 = arith.constant 0 : i32
      %scan3A_27 = arith.constant 8 : i32
      %scan3A_28 = arith.addi %scan3A_26, %scan3A_27 : i32
      %scan3A_29 = arith.constant 1 : i32
      scf.for %scan3A_31 = %scan3A_26 to %scan3A_28 step %scan3A_29  : i32 {
        %broadcast_in_dim3A = arith.constant 0.000000e+00 : f32
        %broadcast_in_dim3A_32 = vector.broadcast %broadcast_in_dim3A : f32 to vector<16xf32>
        %mul3A_33 = arith.constant 16 : i32
        %mul3A_34 = arith.muli %scan3A_31, %mul3A_33 : i32
        %swap3A = arith.index_cast %scan3A_25 : i32 to index
        %swap3A_35 = arith.index_cast %mul3A_34 : i32 to index
        %swap3A_36 = tpu.vector_load %arg7[%swap3A, %swap3A_35] {strides = array<i32>} : memref<40x128xf32, #tpu.memory_space<vmem>>, vector<1x16xf32>,
        %swap3A_37 = vector.shape_cast %swap3A_36 : vector<1x16xf32> to vector<16xf32>
        %swap3A_38 = vector.shape_cast %broadcast_in_dim3A_32 : vector<16xf32> to vector<1x16xf32>
        tpu.vector_store %arg7[%swap3A, %swap3A_35], %swap3A_38 {strides = array<i32>} : memref<40x128xf32, #tpu.memory_space<vmem>>, vector<1x16xf32>,
      }
      %scan3A_30 = arith.constant 8 : i32
    }
    %scan3A_5 = arith.constant 40 : i32
    %scan3A_6 = arith.constant 0 : i32
    %scan3A_7 = arith.constant 0 : i32
    %scan3A_8 = arith.constant 16 : i32
    %scan3A_9 = arith.addi %scan3A_7, %scan3A_8 : i32
    %scan3A_10 = arith.constant 1 : i32
    scf.for %scan3A_25 = %scan3A_7 to %scan3A_9 step %scan3A_10  : i32 {
      %mul3A_26 = arith.constant 16 : i32
      %mul3A_27 = arith.muli %mul3A_26, %scan3A_25 : i32
      %add3A_28 = arith.addi %arg1, %mul3A_27 : i32
      %lt3A = arith.constant 250 : i32
      %lt3A_29 = arith.cmpi slt, %add3A_28, %lt3A : i32
      %convert_element_type3A = arith.extui %lt3A_29 : i1 to i32
      %cond3A = arith.constant 0 : i32
      %cond3A_30 = arith.cmpi ne, %convert_element_type3A, %cond3A : i32
      scf.if %cond3A_30 {
        %mul3A_31 = arith.constant 40 : i32
        %mul3A_32 = arith.muli %add3A_28, %mul3A_31 : i32
        "tpu.region"() ({
          %run_scoped3A = tpu.sem_alloc : memref<!tpu.dma_semaphore, #tpu.memory_space<semaphore_mem>>
          %dma_start3A = arith.constant 0 : i32
          %dma_start3A_33 = tpu.memref_slice %arg8[%mul3A_32, %dma_start3A] : memref<10000x128xf32, #tpu.memory_space<vmem_shared>> -> memref<40x128xf32, #tpu.memory_space<vmem_shared>>
          %dma_start3A_34 = arith.constant 0 : i32
          %dma_start3A_35 = tpu.memref_slice %arg8[%mul3A_32, %dma_start3A_34] : memref<10000x128xf32, #tpu.memory_space<vmem_shared>> -> memref<40x128xf32, #tpu.memory_space<vmem_shared>>
          tpu.enqueue_dma source(%arg7 : memref<40x128xf32, #tpu.memory_space<vmem>>) target(%dma_start3A_35 : memref<40x128xf32, #tpu.memory_space<vmem_shared>>) target_semaphore(%run_scoped3A : memref<!tpu.dma_semaphore, #tpu.memory_space<semaphore_mem>>)
          %dma_wait3A = arith.constant 0 : i32
          %dma_wait3A_36 = tpu.memref_slice %arg8[%mul3A_32, %dma_wait3A] : memref<10000x128xf32, #tpu.memory_space<vmem_shared>> -> memref<40x128xf32, #tpu.memory_space<vmem_shared>>
          %dma_wait3A_37 = arith.constant 0 : i32
          %dma_wait3A_38 = tpu.memref_slice %arg8[%mul3A_32, %dma_wait3A_37] : memref<10000x128xf32, #tpu.memory_space<vmem_shared>> -> memref<40x128xf32, #tpu.memory_space<vmem_shared>>
          tpu.wait_dma2 semaphore(%run_scoped3A : memref<!tpu.dma_semaphore, #tpu.memory_space<semaphore_mem>>) src(%arg7 : memref<40x128xf32, #tpu.memory_space<vmem>>) dst(%dma_wait3A_38 : memref<40x128xf32, #tpu.memory_space<vmem_shared>>)
          tpu.yield
        }) : () -> ()
      } else {
      }
    }
    %scan3A_11 = arith.constant 16 : i32
    %barrier3A = arith.constant 0 : index
    tpu.barrier barrier_id(%barrier3A)
    %scan3A_12 = arith.constant 0 : i32
    %scan3A_13 = arith.constant 0 : i32
    %scan3A_14 = arith.constant 21 : i32
    %scan3A_15 = arith.addi %scan3A_13, %scan3A_14 : i32
    %scan3A_16 = arith.constant 1 : i32
    scf.for %scan3A_25 = %scan3A_13 to %scan3A_15 step %scan3A_16  : i32 {
      %mul3A_26 = arith.constant 2 : i32
      %mul3A_27 = arith.muli %mul3A_26, %scan3A_25 : i32
      %add3A_28 = arith.constant 0 : i32
      %add3A_29 = arith.addi %mul3A_27, %add3A_28 : i32
      %mul3A_30 = arith.constant 32 : i32
      %mul3A_31 = arith.muli %mul3A_30, %add3A_29 : i32
      %add3A_32 = arith.addi %add3A, %mul3A_31 : i32
      %sub3A = arith.constant 32 : i32
      %sub3A_33 = arith.subi %add3A_32, %sub3A : i32
      %lt3A = arith.constant 1250 : i32
      %lt3A_34 = arith.cmpi slt, %add3A_32, %lt3A : i32
      %convert_element_type3A = arith.extui %lt3A_34 : i1 to i32
      %cond3A = arith.constant 0 : i32
      %cond3A_35 = arith.cmpi ne, %convert_element_type3A, %cond3A : i32
      scf.if %cond3A_35 {
        %mul3A_64 = arith.constant 128 : i32
        %mul3A_65 = arith.muli %add3A_32, %mul3A_64 : i32
        %add3A_66 = arith.constant 0 : i32
        %add3A_67 = arith.addi %add3A_66, %add3A_32 : i32
        %mul3A_68 = arith.constant 128 : i32
        %mul3A_69 = arith.muli %add3A_67, %mul3A_68 : i32
        %dma_start3A = arith.constant 0 : i32
        %dma_start3A_70 = arith.constant 0 : i32
        %dma_start3A_71 = tpu.memref_slice %arg5[%dma_start3A, %dma_start3A_70] : memref<2x128xi32, #tpu.memory_space<vmem>> -> memref<1x128xi32, #tpu.memory_space<vmem>>
        %dma_start3A_72 = tpu.memref_squeeze %dma_start3A_71 : memref<1x128xi32, #tpu.memory_space<vmem>> -> memref<128xi32, #tpu.memory_space<vmem>>
        %dma_start3A_73 = tpu.memref_slice %arg3[%mul3A_69] : memref<320000xi32, #tpu.memory_space<hbm>> -> memref<128xi32, #tpu.memory_space<hbm>>
        %dma_start3A_74 = arith.constant 0 : i32
        %dma_start3A_75 = tpu.memref_slice %arg5[%dma_start3A, %dma_start3A_74] : memref<2x128xi32, #tpu.memory_space<vmem>> -> memref<1x128xi32, #tpu.memory_space<vmem>>
        %dma_start3A_76 = tpu.memref_squeeze %dma_start3A_75 : memref<1x128xi32, #tpu.memory_space<vmem>> -> memref<128xi32, #tpu.memory_space<vmem>>
        %dma_start3A_77 = tpu.memref_slice %arg3[%mul3A_69] : memref<320000xi32, #tpu.memory_space<hbm>> -> memref<128xi32, #tpu.memory_space<hbm>>
        tpu.enqueue_dma source(%dma_start3A_77 : memref<128xi32, #tpu.memory_space<hbm>>) target(%dma_start3A_76 : memref<128xi32, #tpu.memory_space<vmem>>) target_semaphore(%arg9 : memref<!tpu.dma_semaphore, #tpu.memory_space<semaphore_mem>>)
        %dma_start3A_78 = arith.constant 0 : i32
        %dma_start3A_79 = arith.constant 0 : i32
        %dma_start3A_80 = arith.constant 0 : i32
        %dma_start3A_81 = tpu.memref_slice %arg6[%dma_start3A_78, %dma_start3A_79, %dma_start3A_80] : memref<2x128x128xf32, #tpu.memory_space<vmem>> -> memref<1x128x128xf32, #tpu.memory_space<vmem>>
        %dma_start3A_82 = tpu.memref_squeeze %dma_start3A_81 : memref<1x128x128xf32, #tpu.memory_space<vmem>> -> memref<128x128xf32, #tpu.memory_space<vmem>>
        %dma_start3A_83 = arith.constant 0 : i32
        %dma_start3A_84 = tpu.memref_slice %arg2[%mul3A_65, %dma_start3A_83] : memref<160000x128xf32, #tpu.memory_space<hbm>> -> memref<128x128xf32, #tpu.memory_space<hbm>>
        %dma_start3A_85 = arith.constant 0 : i32
        %dma_start3A_86 = arith.constant 0 : i32
        %dma_start3A_87 = tpu.memref_slice %arg6[%dma_start3A_78, %dma_start3A_85, %dma_start3A_86] : memref<2x128x128xf32, #tpu.memory_space<vmem>> -> memref<1x128x128xf32, #tpu.memory_space<vmem>>
        %dma_start3A_88 = tpu.memref_squeeze %dma_start3A_87 : memref<1x128x128xf32, #tpu.memory_space<vmem>> -> memref<128x128xf32, #tpu.memory_space<vmem>>
        %dma_start3A_89 = arith.constant 0 : i32
        %dma_start3A_90 = tpu.memref_slice %arg2[%mul3A_65, %dma_start3A_89] : memref<160000x128xf32, #tpu.memory_space<hbm>> -> memref<128x128xf32, #tpu.memory_space<hbm>>
        tpu.enqueue_dma source(%dma_start3A_90 : memref<128x128xf32, #tpu.memory_space<hbm>>) target(%dma_start3A_88 : memref<128x128xf32, #tpu.memory_space<vmem>>) target_semaphore(%arg9 : memref<!tpu.dma_semaphore, #tpu.memory_space<semaphore_mem>>)
      } else {
      }
      %ge3A = arith.constant 1 : i32
      %ge3A_36 = arith.cmpi sge, %add3A_29, %ge3A : i32
      %lt3A_37 = arith.constant 1250 : i32
      %lt3A_38 = arith.cmpi slt, %sub3A_33, %lt3A_37 : i32
      %and3A = arith.andi %ge3A_36, %lt3A_38 : i1
      %convert_element_type3A_39 = arith.extui %and3A : i1 to i32
      %cond3A_40 = arith.constant 0 : i32
      %cond3A_41 = arith.cmpi ne, %convert_element_type3A_39, %cond3A_40 : i32
      scf.if %cond3A_41 {
        %mul3A_64 = arith.constant 128 : i32
        %mul3A_65 = arith.muli %sub3A_33, %mul3A_64 : i32
        %add3A_66 = arith.constant 0 : i32
        %add3A_67 = arith.addi %add3A_66, %sub3A_33 : i32
        %mul3A_68 = arith.constant 128 : i32
        %mul3A_69 = arith.muli %add3A_67, %mul3A_68 : i32
        %dma_wait3A = arith.constant 1 : i32
        %dma_wait3A_70 = arith.constant 0 : i32
        %dma_wait3A_71 = tpu.memref_slice %arg5[%dma_wait3A, %dma_wait3A_70] : memref<2x128xi32, #tpu.memory_space<vmem>> -> memref<1x128xi32, #tpu.memory_space<vmem>>
        %dma_wait3A_72 = tpu.memref_squeeze %dma_wait3A_71 : memref<1x128xi32, #tpu.memory_space<vmem>> -> memref<128xi32, #tpu.memory_space<vmem>>
        %dma_wait3A_73 = tpu.memref_slice %arg3[%mul3A_69] : memref<320000xi32, #tpu.memory_space<hbm>> -> memref<128xi32, #tpu.memory_space<hbm>>
        %dma_wait3A_74 = arith.constant 0 : i32
        %dma_wait3A_75 = tpu.memref_slice %arg5[%dma_wait3A, %dma_wait3A_74] : memref<2x128xi32, #tpu.memory_space<vmem>> -> memref<1x128xi32, #tpu.memory_space<vmem>>
        %dma_wait3A_76 = tpu.memref_squeeze %dma_wait3A_75 : memref<1x128xi32, #tpu.memory_space<vmem>> -> memref<128xi32, #tpu.memory_space<vmem>>
        %dma_wait3A_77 = tpu.memref_slice %arg3[%mul3A_69] : memref<320000xi32, #tpu.memory_space<hbm>> -> memref<128xi32, #tpu.memory_space<hbm>>
        tpu.wait_dma2 semaphore(%arg10 : memref<!tpu.dma_semaphore, #tpu.memory_space<semaphore_mem>>) src(%dma_wait3A_77 : memref<128xi32, #tpu.memory_space<hbm>>) dst(%dma_wait3A_76 : memref<128xi32, #tpu.memory_space<vmem>>)
        %dma_wait3A_78 = arith.constant 1 : i32
        %dma_wait3A_79 = arith.constant 0 : i32
        %dma_wait3A_80 = arith.constant 0 : i32
        %dma_wait3A_81 = tpu.memref_slice %arg6[%dma_wait3A_78, %dma_wait3A_79, %dma_wait3A_80] : memref<2x128x128xf32, #tpu.memory_space<vmem>> -> memref<1x128x128xf32, #tpu.memory_space<vmem>>
        %dma_wait3A_82 = tpu.memref_squeeze %dma_wait3A_81 : memref<1x128x128xf32, #tpu.memory_space<vmem>> -> memref<128x128xf32, #tpu.memory_space<vmem>>
        %dma_wait3A_83 = arith.constant 0 : i32
        %dma_wait3A_84 = tpu.memref_slice %arg2[%mul3A_65, %dma_wait3A_83] : memref<160000x128xf32, #tpu.memory_space<hbm>> -> memref<128x128xf32, #tpu.memory_space<hbm>>
        %dma_wait3A_85 = arith.constant 0 : i32
        %dma_wait3A_86 = arith.constant 0 : i32
        %dma_wait3A_87 = tpu.memref_slice %arg6[%dma_wait3A_78, %dma_wait3A_85, %dma_wait3A_86] : memref<2x128x128xf32, #tpu.memory_space<vmem>> -> memref<1x128x128xf32, #tpu.memory_space<vmem>>
        %dma_wait3A_88 = tpu.memref_squeeze %dma_wait3A_87 : memref<1x128x128xf32, #tpu.memory_space<vmem>> -> memref<128x128xf32, #tpu.memory_space<vmem>>
        %dma_wait3A_89 = arith.constant 0 : i32
        %dma_wait3A_90 = tpu.memref_slice %arg2[%mul3A_65, %dma_wait3A_89] : memref<160000x128xf32, #tpu.memory_space<hbm>> -> memref<128x128xf32, #tpu.memory_space<hbm>>
        tpu.wait_dma2 semaphore(%arg10 : memref<!tpu.dma_semaphore, #tpu.memory_space<semaphore_mem>>) src(%dma_wait3A_90 : memref<128x128xf32, #tpu.memory_space<hbm>>) dst(%dma_wait3A_88 : memref<128x128xf32, #tpu.memory_space<vmem>>)
        %run_scoped3A = arith.constant 1 : i32
        %run_scoped3A_91 = arith.constant 1 : i32
        "tpu.region"() ({
          %run_scoped3A_92 = tpu.sem_alloc : memref<!tpu.dma_semaphore, #tpu.memory_space<semaphore_mem>>
          %dma_start3A = arith.constant 0 : i32
          %dma_start3A_93 = arith.constant 0 : i32
          %dma_start3A_94 = tpu.memref_slice %arg6[%run_scoped3A, %dma_start3A, %dma_start3A_93] : memref<2x128x128xf32, #tpu.memory_space<vmem>> -> memref<1x128x128xf32, #tpu.memory_space<vmem>>
          %dma_start3A_95 = tpu.memref_squeeze %dma_start3A_94 : memref<1x128x128xf32, #tpu.memory_space<vmem>> -> memref<128x128xf32, #tpu.memory_space<vmem>>
          %dma_start3A_96 = arith.constant 0 : i32
          %dma_start3A_97 = tpu.memref_slice %arg5[%run_scoped3A_91, %dma_start3A_96] : memref<2x128xi32, #tpu.memory_space<vmem>> -> memref<1x128xi32, #tpu.memory_space<vmem>>
          %dma_start3A_98 = tpu.memref_squeeze %dma_start3A_97 : memref<1x128xi32, #tpu.memory_space<vmem>> -> memref<128xi32, #tpu.memory_space<vmem>>
          %dma_start3A_99 = arith.constant 0 : i32
          %dma_start3A_100 = arith.constant 0 : i32
          %dma_start3A_101 = tpu.memref_slice %arg8[%dma_start3A_99, %dma_start3A_100] : memref<10000x128xf32, #tpu.memory_space<vmem_shared>> -> memref<10000x128xf32, #tpu.memory_space<vmem_shared>>
          tpu.enqueue_indirect_dma source(%dma_start3A_95 : memref<128x128xf32, #tpu.memory_space<vmem>>) target(%dma_start3A_101 : memref<10000x128xf32, #tpu.memory_space<vmem_shared>>) offsets(%dma_start3A_98 : memref<128xi32, #tpu.memory_space<vmem>>) semaphore(%run_scoped3A_92 : memref<!tpu.dma_semaphore, #tpu.memory_space<semaphore_mem>>) {add = true}
          %dma_wait3A_102 = arith.constant 0 : i32
          %dma_wait3A_103 = arith.constant 0 : i32
          %dma_wait3A_104 = tpu.memref_slice %arg6[%run_scoped3A, %dma_wait3A_102, %dma_wait3A_103] : memref<2x128x128xf32, #tpu.memory_space<vmem>> -> memref<1x128x128xf32, #tpu.memory_space<vmem>>
          %dma_wait3A_105 = tpu.memref_squeeze %dma_wait3A_104 : memref<1x128x128xf32, #tpu.memory_space<vmem>> -> memref<128x128xf32, #tpu.memory_space<vmem>>
          %dma_wait3A_106 = arith.constant 0 : i32
          %dma_wait3A_107 = tpu.memref_slice %arg5[%run_scoped3A_91, %dma_wait3A_106] : memref<2x128xi32, #tpu.memory_space<vmem>> -> memref<1x128xi32, #tpu.memory_space<vmem>>
          %dma_wait3A_108 = tpu.memref_squeeze %dma_wait3A_107 : memref<1x128xi32, #tpu.memory_space<vmem>> -> memref<128xi32, #tpu.memory_space<vmem>>
          %dma_wait3A_109 = arith.constant 0 : i32
          %dma_wait3A_110 = arith.constant 0 : i32
          %dma_wait3A_111 = tpu.memref_slice %arg8[%dma_wait3A_109, %dma_wait3A_110] : memref<10000x128xf32, #tpu.memory_space<vmem_shared>> -> memref<10000x128xf32, #tpu.memory_space<vmem_shared>>
          tpu.wait_indirect_dma semaphore(%run_scoped3A_92 : memref<!tpu.dma_semaphore, #tpu.memory_space<semaphore_mem>>) src(%dma_wait3A_105 : memref<128x128xf32, #tpu.memory_space<vmem>>) dst(%dma_wait3A_111 : memref<10000x128xf32, #tpu.memory_space<vmem_shared>>)
          tpu.yield
        }) : () -> ()
      } else {
      }
      %mul3A_42 = arith.constant 2 : i32
      %mul3A_43 = arith.muli %mul3A_42, %scan3A_25 : i32
      %add3A_44 = arith.constant 1 : i32
      %add3A_45 = arith.addi %mul3A_43, %add3A_44 : i32
      %mul3A_46 = arith.constant 32 : i32
      %mul3A_47 = arith.muli %mul3A_46, %add3A_45 : i32
      %add3A_48 = arith.addi %add3A, %mul3A_47 : i32
      %sub3A_49 = arith.constant 32 : i32
      %sub3A_50 = arith.subi %add3A_48, %sub3A_49 : i32
      %lt3A_51 = arith.constant 1250 : i32
      %lt3A_52 = arith.cmpi slt, %add3A_48, %lt3A_51 : i32
      %convert_element_type3A_53 = arith.extui %lt3A_52 : i1 to i32
      %cond3A_54 = arith.constant 0 : i32
      %cond3A_55 = arith.cmpi ne, %convert_element_type3A_53, %cond3A_54 : i32
      scf.if %cond3A_55 {
        %mul3A_64 = arith.constant 128 : i32
        %mul3A_65 = arith.muli %add3A_48, %mul3A_64 : i32
        %add3A_66 = arith.constant 0 : i32
        %add3A_67 = arith.addi %add3A_66, %add3A_48 : i32
        %mul3A_68 = arith.constant 128 : i32
        %mul3A_69 = arith.muli %add3A_67, %mul3A_68 : i32
        %dma_start3A = arith.constant 1 : i32
        %dma_start3A_70 = arith.constant 0 : i32
        %dma_start3A_71 = tpu.memref_slice %arg5[%dma_start3A, %dma_start3A_70] : memref<2x128xi32, #tpu.memory_space<vmem>> -> memref<1x128xi32, #tpu.memory_space<vmem>>
        %dma_start3A_72 = tpu.memref_squeeze %dma_start3A_71 : memref<1x128xi32, #tpu.memory_space<vmem>> -> memref<128xi32, #tpu.memory_space<vmem>>
        %dma_start3A_73 = tpu.memref_slice %arg3[%mul3A_69] : memref<320000xi32, #tpu.memory_space<hbm>> -> memref<128xi32, #tpu.memory_space<hbm>>
        %dma_start3A_74 = arith.constant 0 : i32
        %dma_start3A_75 = tpu.memref_slice %arg5[%dma_start3A, %dma_start3A_74] : memref<2x128xi32, #tpu.memory_space<vmem>> -> memref<1x128xi32, #tpu.memory_space<vmem>>
        %dma_start3A_76 = tpu.memref_squeeze %dma_start3A_75 : memref<1x128xi32, #tpu.memory_space<vmem>> -> memref<128xi32, #tpu.memory_space<vmem>>
        %dma_start3A_77 = tpu.memref_slice %arg3[%mul3A_69] : memref<320000xi32, #tpu.memory_space<hbm>> -> memref<128xi32, #tpu.memory_space<hbm>>
        tpu.enqueue_dma source(%dma_start3A_77 : memref<128xi32, #tpu.memory_space<hbm>>) target(%dma_start3A_76 : memref<128xi32, #tpu.memory_space<vmem>>) target_semaphore(%arg10 : memref<!tpu.dma_semaphore, #tpu.memory_space<semaphore_mem>>)
        %dma_start3A_78 = arith.constant 1 : i32
        %dma_start3A_79 = arith.constant 0 : i32
        %dma_start3A_80 = arith.constant 0 : i32
        %dma_start3A_81 = tpu.memref_slice %arg6[%dma_start3A_78, %dma_start3A_79, %dma_start3A_80] : memref<2x128x128xf32, #tpu.memory_space<vmem>> -> memref<1x128x128xf32, #tpu.memory_space<vmem>>
        %dma_start3A_82 = tpu.memref_squeeze %dma_start3A_81 : memref<1x128x128xf32, #tpu.memory_space<vmem>> -> memref<128x128xf32, #tpu.memory_space<vmem>>
        %dma_start3A_83 = arith.constant 0 : i32
        %dma_start3A_84 = tpu.memref_slice %arg2[%mul3A_65, %dma_start3A_83] : memref<160000x128xf32, #tpu.memory_space<hbm>> -> memref<128x128xf32, #tpu.memory_space<hbm>>
        %dma_start3A_85 = arith.constant 0 : i32
        %dma_start3A_86 = arith.constant 0 : i32
        %dma_start3A_87 = tpu.memref_slice %arg6[%dma_start3A_78, %dma_start3A_85, %dma_start3A_86] : memref<2x128x128xf32, #tpu.memory_space<vmem>> -> memref<1x128x128xf32, #tpu.memory_space<vmem>>
        %dma_start3A_88 = tpu.memref_squeeze %dma_start3A_87 : memref<1x128x128xf32, #tpu.memory_space<vmem>> -> memref<128x128xf32, #tpu.memory_space<vmem>>
        %dma_start3A_89 = arith.constant 0 : i32
        %dma_start3A_90 = tpu.memref_slice %arg2[%mul3A_65, %dma_start3A_89] : memref<160000x128xf32, #tpu.memory_space<hbm>> -> memref<128x128xf32, #tpu.memory_space<hbm>>
        tpu.enqueue_dma source(%dma_start3A_90 : memref<128x128xf32, #tpu.memory_space<hbm>>) target(%dma_start3A_88 : memref<128x128xf32, #tpu.memory_space<vmem>>) target_semaphore(%arg10 : memref<!tpu.dma_semaphore, #tpu.memory_space<semaphore_mem>>)
      } else {
      }
      %ge3A_56 = arith.constant 1 : i32
      %ge3A_57 = arith.cmpi sge, %add3A_45, %ge3A_56 : i32
      %lt3A_58 = arith.constant 1250 : i32
      %lt3A_59 = arith.cmpi slt, %sub3A_50, %lt3A_58 : i32
      %and3A_60 = arith.andi %ge3A_57, %lt3A_59 : i1
      %convert_element_type3A_61 = arith.extui %and3A_60 : i1 to i32
      %cond3A_62 = arith.constant 0 : i32
      %cond3A_63 = arith.cmpi ne, %convert_element_type3A_61, %cond3A_62 : i32
      scf.if %cond3A_63 {
        %mul3A_64 = arith.constant 128 : i32
        %mul3A_65 = arith.muli %sub3A_50, %mul3A_64 : i32
        %add3A_66 = arith.constant 0 : i32
        %add3A_67 = arith.addi %add3A_66, %sub3A_50 : i32
        %mul3A_68 = arith.constant 128 : i32
        %mul3A_69 = arith.muli %add3A_67, %mul3A_68 : i32
        %dma_wait3A = arith.constant 0 : i32
        %dma_wait3A_70 = arith.constant 0 : i32
        %dma_wait3A_71 = tpu.memref_slice %arg5[%dma_wait3A, %dma_wait3A_70] : memref<2x128xi32, #tpu.memory_space<vmem>> -> memref<1x128xi32, #tpu.memory_space<vmem>>
        %dma_wait3A_72 = tpu.memref_squeeze %dma_wait3A_71 : memref<1x128xi32, #tpu.memory_space<vmem>> -> memref<128xi32, #tpu.memory_space<vmem>>
        %dma_wait3A_73 = tpu.memref_slice %arg3[%mul3A_69] : memref<320000xi32, #tpu.memory_space<hbm>> -> memref<128xi32, #tpu.memory_space<hbm>>
        %dma_wait3A_74 = arith.constant 0 : i32
        %dma_wait3A_75 = tpu.memref_slice %arg5[%dma_wait3A, %dma_wait3A_74] : memref<2x128xi32, #tpu.memory_space<vmem>> -> memref<1x128xi32, #tpu.memory_space<vmem>>
        %dma_wait3A_76 = tpu.memref_squeeze %dma_wait3A_75 : memref<1x128xi32, #tpu.memory_space<vmem>> -> memref<128xi32, #tpu.memory_space<vmem>>
        %dma_wait3A_77 = tpu.memref_slice %arg3[%mul3A_69] : memref<320000xi32, #tpu.memory_space<hbm>> -> memref<128xi32, #tpu.memory_space<hbm>>
        tpu.wait_dma2 semaphore(%arg9 : memref<!tpu.dma_semaphore, #tpu.memory_space<semaphore_mem>>) src(%dma_wait3A_77 : memref<128xi32, #tpu.memory_space<hbm>>) dst(%dma_wait3A_76 : memref<128xi32, #tpu.memory_space<vmem>>)
        %dma_wait3A_78 = arith.constant 0 : i32
        %dma_wait3A_79 = arith.constant 0 : i32
        %dma_wait3A_80 = arith.constant 0 : i32
        %dma_wait3A_81 = tpu.memref_slice %arg6[%dma_wait3A_78, %dma_wait3A_79, %dma_wait3A_80] : memref<2x128x128xf32, #tpu.memory_space<vmem>> -> memref<1x128x128xf32, #tpu.memory_space<vmem>>
        %dma_wait3A_82 = tpu.memref_squeeze %dma_wait3A_81 : memref<1x128x128xf32, #tpu.memory_space<vmem>> -> memref<128x128xf32, #tpu.memory_space<vmem>>
        %dma_wait3A_83 = arith.constant 0 : i32
        %dma_wait3A_84 = tpu.memref_slice %arg2[%mul3A_65, %dma_wait3A_83] : memref<160000x128xf32, #tpu.memory_space<hbm>> -> memref<128x128xf32, #tpu.memory_space<hbm>>
        %dma_wait3A_85 = arith.constant 0 : i32
        %dma_wait3A_86 = arith.constant 0 : i32
        %dma_wait3A_87 = tpu.memref_slice %arg6[%dma_wait3A_78, %dma_wait3A_85, %dma_wait3A_86] : memref<2x128x128xf32, #tpu.memory_space<vmem>> -> memref<1x128x128xf32, #tpu.memory_space<vmem>>
        %dma_wait3A_88 = tpu.memref_squeeze %dma_wait3A_87 : memref<1x128x128xf32, #tpu.memory_space<vmem>> -> memref<128x128xf32, #tpu.memory_space<vmem>>
        %dma_wait3A_89 = arith.constant 0 : i32
        %dma_wait3A_90 = tpu.memref_slice %arg2[%mul3A_65, %dma_wait3A_89] : memref<160000x128xf32, #tpu.memory_space<hbm>> -> memref<128x128xf32, #tpu.memory_space<hbm>>
        tpu.wait_dma2 semaphore(%arg9 : memref<!tpu.dma_semaphore, #tpu.memory_space<semaphore_mem>>) src(%dma_wait3A_90 : memref<128x128xf32, #tpu.memory_space<hbm>>) dst(%dma_wait3A_88 : memref<128x128xf32, #tpu.memory_space<vmem>>)
        %run_scoped3A = arith.constant 0 : i32
        %run_scoped3A_91 = arith.constant 0 : i32
        "tpu.region"() ({
          %run_scoped3A_92 = tpu.sem_alloc : memref<!tpu.dma_semaphore, #tpu.memory_space<semaphore_mem>>
          %dma_start3A = arith.constant 0 : i32
          %dma_start3A_93 = arith.constant 0 : i32
          %dma_start3A_94 = tpu.memref_slice %arg6[%run_scoped3A, %dma_start3A, %dma_start3A_93] : memref<2x128x128xf32, #tpu.memory_space<vmem>> -> memref<1x128x128xf32, #tpu.memory_space<vmem>>
          %dma_start3A_95 = tpu.memref_squeeze %dma_start3A_94 : memref<1x128x128xf32, #tpu.memory_space<vmem>> -> memref<128x128xf32, #tpu.memory_space<vmem>>
          %dma_start3A_96 = arith.constant 0 : i32
          %dma_start3A_97 = tpu.memref_slice %arg5[%run_scoped3A_91, %dma_start3A_96] : memref<2x128xi32, #tpu.memory_space<vmem>> -> memref<1x128xi32, #tpu.memory_space<vmem>>
          %dma_start3A_98 = tpu.memref_squeeze %dma_start3A_97 : memref<1x128xi32, #tpu.memory_space<vmem>> -> memref<128xi32, #tpu.memory_space<vmem>>
          %dma_start3A_99 = arith.constant 0 : i32
          %dma_start3A_100 = arith.constant 0 : i32
          %dma_start3A_101 = tpu.memref_slice %arg8[%dma_start3A_99, %dma_start3A_100] : memref<10000x128xf32, #tpu.memory_space<vmem_shared>> -> memref<10000x128xf32, #tpu.memory_space<vmem_shared>>
          tpu.enqueue_indirect_dma source(%dma_start3A_95 : memref<128x128xf32, #tpu.memory_space<vmem>>) target(%dma_start3A_101 : memref<10000x128xf32, #tpu.memory_space<vmem_shared>>) offsets(%dma_start3A_98 : memref<128xi32, #tpu.memory_space<vmem>>) semaphore(%run_scoped3A_92 : memref<!tpu.dma_semaphore, #tpu.memory_space<semaphore_mem>>) {add = true}
          %dma_wait3A_102 = arith.constant 0 : i32
          %dma_wait3A_103 = arith.constant 0 : i32
          %dma_wait3A_104 = tpu.memref_slice %arg6[%run_scoped3A, %dma_wait3A_102, %dma_wait3A_103] : memref<2x128x128xf32, #tpu.memory_space<vmem>> -> memref<1x128x128xf32, #tpu.memory_space<vmem>>
          %dma_wait3A_105 = tpu.memref_squeeze %dma_wait3A_104 : memref<1x128x128xf32, #tpu.memory_space<vmem>> -> memref<128x128xf32, #tpu.memory_space<vmem>>
          %dma_wait3A_106 = arith.constant 0 : i32
          %dma_wait3A_107 = tpu.memref_slice %arg5[%run_scoped3A_91, %dma_wait3A_106] : memref<2x128xi32, #tpu.memory_space<vmem>> -> memref<1x128xi32, #tpu.memory_space<vmem>>
          %dma_wait3A_108 = tpu.memref_squeeze %dma_wait3A_107 : memref<1x128xi32, #tpu.memory_space<vmem>> -> memref<128xi32, #tpu.memory_space<vmem>>
          %dma_wait3A_109 = arith.constant 0 : i32
          %dma_wait3A_110 = arith.constant 0 : i32
          %dma_wait3A_111 = tpu.memref_slice %arg8[%dma_wait3A_109, %dma_wait3A_110] : memref<10000x128xf32, #tpu.memory_space<vmem_shared>> -> memref<10000x128xf32, #tpu.memory_space<vmem_shared>>
          tpu.wait_indirect_dma semaphore(%run_scoped3A_92 : memref<!tpu.dma_semaphore, #tpu.memory_space<semaphore_mem>>) src(%dma_wait3A_105 : memref<128x128xf32, #tpu.memory_space<vmem>>) dst(%dma_wait3A_111 : memref<10000x128xf32, #tpu.memory_space<vmem_shared>>)
          tpu.yield
        }) : () -> ()
      } else {
      }
    }
    %scan3A_17 = arith.constant 21 : i32
    %barrier3A_18 = arith.constant 0 : index
    tpu.barrier barrier_id(%barrier3A_18)
    %scan3A_19 = arith.constant 0 : i32
    %scan3A_20 = arith.constant 0 : i32
    %scan3A_21 = arith.constant 16 : i32
    %scan3A_22 = arith.addi %scan3A_20, %scan3A_21 : i32
    %scan3A_23 = arith.constant 1 : i32
    scf.for %scan3A_25 = %scan3A_20 to %scan3A_22 step %scan3A_23  : i32 {
      %mul3A_26 = arith.constant 16 : i32
      %mul3A_27 = arith.muli %mul3A_26, %scan3A_25 : i32
      %add3A_28 = arith.addi %arg1, %mul3A_27 : i32
      %lt3A = arith.constant 250 : i32
      %lt3A_29 = arith.cmpi slt, %add3A_28, %lt3A : i32
      %convert_element_type3A = arith.extui %lt3A_29 : i1 to i32
      %cond3A = arith.constant 0 : i32
      %cond3A_30 = arith.cmpi ne, %convert_element_type3A, %cond3A : i32
      scf.if %cond3A_30 {
        %mul3A_31 = arith.constant 40 : i32
        %mul3A_32 = arith.muli %add3A_28, %mul3A_31 : i32
        "tpu.region"() ({
          %run_scoped3A = tpu.sem_alloc : memref<!tpu.dma_semaphore, #tpu.memory_space<semaphore_mem>>
          %dma_start3A = arith.constant 0 : i32
          %dma_start3A_33 = tpu.memref_slice %arg8[%mul3A_32, %dma_start3A] : memref<10000x128xf32, #tpu.memory_space<vmem_shared>> -> memref<40x128xf32, #tpu.memory_space<vmem_shared>>
          %dma_start3A_34 = arith.constant 0 : i32
          %dma_start3A_35 = tpu.memref_slice %arg8[%mul3A_32, %dma_start3A_34] : memref<10000x128xf32, #tpu.memory_space<vmem_shared>> -> memref<40x128xf32, #tpu.memory_space<vmem_shared>>
          tpu.enqueue_dma source(%dma_start3A_35 : memref<40x128xf32, #tpu.memory_space<vmem_shared>>) target(%arg7 : memref<40x128xf32, #tpu.memory_space<vmem>>) target_semaphore(%run_scoped3A : memref<!tpu.dma_semaphore, #tpu.memory_space<semaphore_mem>>)
          %dma_wait3A = arith.constant 0 : i32
          %dma_wait3A_36 = tpu.memref_slice %arg8[%mul3A_32, %dma_wait3A] : memref<10000x128xf32, #tpu.memory_space<vmem_shared>> -> memref<40x128xf32, #tpu.memory_space<vmem_shared>>
          %dma_wait3A_37 = arith.constant 0 : i32
          %dma_wait3A_38 = tpu.memref_slice %arg8[%mul3A_32, %dma_wait3A_37] : memref<10000x128xf32, #tpu.memory_space<vmem_shared>> -> memref<40x128xf32, #tpu.memory_space<vmem_shared>>
          tpu.wait_dma2 semaphore(%run_scoped3A : memref<!tpu.dma_semaphore, #tpu.memory_space<semaphore_mem>>) src(%dma_wait3A_38 : memref<40x128xf32, #tpu.memory_space<vmem_shared>>) dst(%arg7 : memref<40x128xf32, #tpu.memory_space<vmem>>)
          tpu.yield
        }) : () -> ()
        "tpu.region"() ({
          %run_scoped3A = tpu.sem_alloc : memref<!tpu.dma_semaphore, #tpu.memory_space<semaphore_mem>>
          %dma_start3A = arith.constant 0 : i32
          %dma_start3A_33 = tpu.memref_slice %arg4[%arg0, %mul3A_32, %dma_start3A] : memref<2x10000x128xf32, #tpu.memory_space<hbm>> -> memref<1x40x128xf32, #tpu.memory_space<hbm>>
          %dma_start3A_34 = tpu.memref_squeeze %dma_start3A_33 : memref<1x40x128xf32, #tpu.memory_space<hbm>> -> memref<40x128xf32, #tpu.memory_space<hbm>>
          %dma_start3A_35 = arith.constant 0 : i32
          %dma_start3A_36 = tpu.memref_slice %arg4[%arg0, %mul3A_32, %dma_start3A_35] : memref<2x10000x128xf32, #tpu.memory_space<hbm>> -> memref<1x40x128xf32, #tpu.memory_space<hbm>>
          %dma_start3A_37 = tpu.memref_squeeze %dma_start3A_36 : memref<1x40x128xf32, #tpu.memory_space<hbm>> -> memref<40x128xf32, #tpu.memory_space<hbm>>
          tpu.enqueue_dma source(%arg7 : memref<40x128xf32, #tpu.memory_space<vmem>>) target(%dma_start3A_37 : memref<40x128xf32, #tpu.memory_space<hbm>>) target_semaphore(%run_scoped3A : memref<!tpu.dma_semaphore, #tpu.memory_space<semaphore_mem>>)
          %dma_wait3A = arith.constant 0 : i32
          %dma_wait3A_38 = tpu.memref_slice %arg4[%arg0, %mul3A_32, %dma_wait3A] : memref<2x10000x128xf32, #tpu.memory_space<hbm>> -> memref<1x40x128xf32, #tpu.memory_space<hbm>>
          %dma_wait3A_39 = tpu.memref_squeeze %dma_wait3A_38 : memref<1x40x128xf32, #tpu.memory_space<hbm>> -> memref<40x128xf32, #tpu.memory_space<hbm>>
          %dma_wait3A_40 = arith.constant 0 : i32
          %dma_wait3A_41 = tpu.memref_slice %arg4[%arg0, %mul3A_32, %dma_wait3A_40] : memref<2x10000x128xf32, #tpu.memory_space<hbm>> -> memref<1x40x128xf32, #tpu.memory_space<hbm>>
          %dma_wait3A_42 = tpu.memref_squeeze %dma_wait3A_41 : memref<1x40x128xf32, #tpu.memory_space<hbm>> -> memref<40x128xf32, #tpu.memory_space<hbm>>
          tpu.wait_dma2 semaphore(%run_scoped3A : memref<!tpu.dma_semaphore, #tpu.memory_space<semaphore_mem>>) src(%arg7 : memref<40x128xf32, #tpu.memory_space<vmem>>) dst(%dma_wait3A_42 : memref<40x128xf32, #tpu.memory_space<hbm>>)
          tpu.yield
        }) : () -> ()
      } else {
      }
    }
    %scan3A_24 = arith.constant 16 : i32
    return
  }
}

module attributes {stable_mosaic.version = 14 : i64} {
  func.func @_edge_body(%arg0: i32, %arg1: memref<2000x128xf32, #tpu.memory_space<vmem>>, %arg2: memref<2000x128xf32, #tpu.memory_space<vmem>>, %arg3: memref<2000x16xf32, #tpu.memory_space<vmem>>, %arg4: memref<128x128xf32, #tpu.memory_space<vmem>>, %arg5: memref<128x128xf32, #tpu.memory_space<vmem>>, %arg6: memref<16x128xf32, #tpu.memory_space<vmem>>, %arg7: memref<2x128xf32, #tpu.memory_space<vmem>>, %arg8: memref<1x128xf32, #tpu.memory_space<vmem>>, %arg9: memref<1x128xf32, #tpu.memory_space<vmem>>, %arg10: memref<1x128xf32, #tpu.memory_space<vmem>>, %arg11: memref<128x128xf32, #tpu.memory_space<vmem>>, %arg12: memref<1x128xf32, #tpu.memory_space<vmem>>, %arg13: memref<1x128xf32, #tpu.memory_space<vmem>>, %arg14: memref<1x128xf32, #tpu.memory_space<vmem>>, %arg15: memref<2000x128xf32, #tpu.memory_space<vmem>>) attributes {dimension_semantics = [#tpu.dimension_semantics<arbitrary>], iteration_bounds = array<i64: 80>, scalar_prefetch = 0 : i64, scratch_operands = 0 : i64, tpu.core_type = #tpu.core_type<tc>, window_params = [{transform_indices = @transform_0, window_bounds = array<i64: 2000, 128>}, {transform_indices = @transform_1, window_bounds = array<i64: 2000, 128>}, {transform_indices = @transform_2, window_bounds = array<i64: 2000, 16>}, {pipeline_mode = #tpu.pipeline_mode<synchronous>, transform_indices = @transform_3, window_bounds = array<i64: 128, 128>}, {pipeline_mode = #tpu.pipeline_mode<synchronous>, transform_indices = @transform_4, window_bounds = array<i64: 128, 128>}, {pipeline_mode = #tpu.pipeline_mode<synchronous>, transform_indices = @transform_5, window_bounds = array<i64: 16, 128>}, {pipeline_mode = #tpu.pipeline_mode<synchronous>, transform_indices = @transform_6, window_bounds = array<i64: 2, 128>}, {pipeline_mode = #tpu.pipeline_mode<synchronous>, transform_indices = @transform_7, window_bounds = array<i64: 1, 128>}, {pipeline_mode = #tpu.pipeline_mode<synchronous>, transform_indices = @transform_8, window_bounds = array<i64: 1, 128>}, {pipeline_mode = #tpu.pipeline_mode<synchronous>, transform_indices = @transform_9, window_bounds = array<i64: 1, 128>}, {pipeline_mode = #tpu.pipeline_mode<synchronous>, transform_indices = @transform_10, window_bounds = array<i64: 128, 128>}, {pipeline_mode = #tpu.pipeline_mode<synchronous>, transform_indices = @transform_11, window_bounds = array<i64: 1, 128>}, {pipeline_mode = #tpu.pipeline_mode<synchronous>, transform_indices = @transform_12, window_bounds = array<i64: 1, 128>}, {pipeline_mode = #tpu.pipeline_mode<synchronous>, transform_indices = @transform_13, window_bounds = array<i64: 1, 128>}, {transform_indices = @transform_14, window_bounds = array<i64: 2000, 128>}]} {
    %get3A = arith.constant 0 : index
    %get3A_0 = arith.constant 0 : index
    %get3A_1 = vector.load %arg1[%get3A, %get3A_0] : memref<2000x128xf32, #tpu.memory_space<vmem>>, vector<2000x128xf32>
    %get3A_2 = arith.constant 0 : index
    %get3A_3 = arith.constant 0 : index
    %get3A_4 = vector.load %arg2[%get3A_2, %get3A_3] : memref<2000x128xf32, #tpu.memory_space<vmem>>, vector<2000x128xf32>
    %mul3A = arith.mulf %get3A_1, %get3A_4 : vector<2000x128xf32>
    %reduce_sum3A = arith.constant dense<0.000000e+00> : vector<2000xf32>
    %reduce_sum3A_5 = vector.multi_reduction <add>, %mul3A, %reduce_sum3A [1] : vector<2000x128xf32> to vector<2000xf32>
    %broadcast_in_dim3A = vector.shape_cast %reduce_sum3A_5 : vector<2000xf32> to vector<2000x1xf32>
    %mul3A_6 = arith.mulf %get3A_1, %get3A_1 : vector<2000x128xf32>
    %reduce_sum3A_7 = arith.constant dense<0.000000e+00> : vector<2000xf32>
    %reduce_sum3A_8 = vector.multi_reduction <add>, %mul3A_6, %reduce_sum3A_7 [1] : vector<2000x128xf32> to vector<2000xf32>
    %broadcast_in_dim3A_9 = vector.shape_cast %reduce_sum3A_8 : vector<2000xf32> to vector<2000x1xf32>
    %mul3A_10 = arith.mulf %get3A_4, %get3A_4 : vector<2000x128xf32>
    %reduce_sum3A_11 = arith.constant dense<0.000000e+00> : vector<2000xf32>
    %reduce_sum3A_12 = vector.multi_reduction <add>, %mul3A_10, %reduce_sum3A_11 [1] : vector<2000x128xf32> to vector<2000xf32>
    %broadcast_in_dim3A_13 = vector.shape_cast %reduce_sum3A_12 : vector<2000xf32> to vector<2000x1xf32>
    %add3A = arith.addf %broadcast_in_dim3A_9, %broadcast_in_dim3A_13 : vector<2000x1xf32>
    %mul3A_14 = arith.constant 2.000000e+00 : f32
    %mul3A_15 = vector.broadcast %mul3A_14 : f32 to vector<2000x1xf32>
    %mul3A_16 = arith.mulf %mul3A_15, %broadcast_in_dim3A : vector<2000x1xf32>
    %sub3A = arith.subf %add3A, %mul3A_16 : vector<2000x1xf32>
    %max3A = arith.constant 0.000000e+00 : f32
    %max3A_17 = vector.broadcast %max3A : f32 to vector<2000x1xf32>
    %max3A_18 = arith.maximumf %sub3A, %max3A_17 : vector<2000x1xf32>
    %add3A_19 = arith.constant 9.99999996E-13 : f32
    %add3A_20 = vector.broadcast %add3A_19 : f32 to vector<2000x1xf32>
    %add3A_21 = arith.addf %max3A_18, %add3A_20 : vector<2000x1xf32>
    %sqrt3A = math.sqrt %add3A_21 : vector<2000x1xf32>
    %add3A_22 = arith.constant 9.99999996E-13 : f32
    %add3A_23 = vector.broadcast %add3A_22 : f32 to vector<2000x1xf32>
    %add3A_24 = arith.addf %broadcast_in_dim3A_9, %add3A_23 : vector<2000x1xf32>
    %sqrt3A_25 = math.sqrt %add3A_24 : vector<2000x1xf32>
    %add3A_26 = arith.constant 9.99999996E-13 : f32
    %add3A_27 = vector.broadcast %add3A_26 : f32 to vector<2000x1xf32>
    %add3A_28 = arith.addf %broadcast_in_dim3A_13, %add3A_27 : vector<2000x1xf32>
    %sqrt3A_29 = math.sqrt %add3A_28 : vector<2000x1xf32>
    %mul3A_30 = arith.mulf %sqrt3A_25, %sqrt3A_29 : vector<2000x1xf32>
    %div3A = arith.divf %broadcast_in_dim3A, %mul3A_30 : vector<2000x1xf32>
    %get3A_31 = arith.constant 0 : index
    %get3A_32 = arith.constant 0 : index
    %get3A_33 = vector.load %arg4[%get3A_31, %get3A_32] : memref<128x128xf32, #tpu.memory_space<vmem>>, vector<128x128xf32>
    %dot_general3A = arith.constant dense<0.000000e+00> : vector<2000x128xf32>
    %dot_general3A_34 = tpu.matmul %get3A_1, %get3A_33, %dot_general3A {dimension_numbers = #tpu.dot_dimension_numbers<[1], [0], [0], [1], [0, 0, 1, 1], [], []>, transpose_lhs_hint = false} : vector<2000x128xf32>, vector<128x128xf32>, vector<2000x128xf32> -> vector<2000x128xf32>
    %get3A_35 = arith.constant 0 : index
    %get3A_36 = arith.constant 0 : index
    %get3A_37 = vector.load %arg5[%get3A_35, %get3A_36] : memref<128x128xf32, #tpu.memory_space<vmem>>, vector<128x128xf32>
    %dot_general3A_38 = arith.constant dense<0.000000e+00> : vector<2000x128xf32>
    %dot_general3A_39 = tpu.matmul %get3A_4, %get3A_37, %dot_general3A_38 {dimension_numbers = #tpu.dot_dimension_numbers<[1], [0], [0], [1], [0, 0, 1, 1], [], []>, transpose_lhs_hint = false} : vector<2000x128xf32>, vector<128x128xf32>, vector<2000x128xf32> -> vector<2000x128xf32>
    %add3A_40 = arith.addf %dot_general3A_34, %dot_general3A_39 : vector<2000x128xf32>
    %get3A_41 = arith.constant 0 : index
    %get3A_42 = arith.constant 0 : index
    %get3A_43 = vector.load %arg3[%get3A_41, %get3A_42] : memref<2000x16xf32, #tpu.memory_space<vmem>>, vector<2000x16xf32>
    %get3A_44 = arith.constant 0 : index
    %get3A_45 = arith.constant 0 : index
    %get3A_46 = vector.load %arg6[%get3A_44, %get3A_45] : memref<16x128xf32, #tpu.memory_space<vmem>>, vector<16x128xf32>
    %dot_general3A_47 = arith.constant dense<0.000000e+00> : vector<2000x128xf32>
    %dot_general3A_48 = tpu.matmul %get3A_43, %get3A_46, %dot_general3A_47 {dimension_numbers = #tpu.dot_dimension_numbers<[1], [0], [0], [1], [0, 0, 1, 1], [], []>, transpose_lhs_hint = false} : vector<2000x16xf32>, vector<16x128xf32>, vector<2000x128xf32> -> vector<2000x128xf32>
    %add3A_49 = arith.addf %add3A_40, %dot_general3A_48 : vector<2000x128xf32>
    %get3A_50 = arith.constant 0 : index
    %get3A_51 = arith.constant 0 : index
    %get3A_52 = vector.load %arg7[%get3A_50, %get3A_51] : memref<2x128xf32, #tpu.memory_space<vmem>>, vector<1x128xf32>
    %mul3A_53 = vector.broadcast %sqrt3A : vector<2000x1xf32> to vector<2000x128xf32>
    %mul3A_54 = vector.broadcast %get3A_52 : vector<1x128xf32> to vector<2000x128xf32>
    %mul3A_55 = arith.mulf %mul3A_53, %mul3A_54 : vector<2000x128xf32>
    %add3A_56 = arith.addf %add3A_49, %mul3A_55 : vector<2000x128xf32>
    %get3A_57 = arith.constant 1 : index
    %get3A_58 = arith.constant 0 : index
    %get3A_59 = vector.load %arg7[%get3A_57, %get3A_58] : memref<2x128xf32, #tpu.memory_space<vmem>>, vector<1x128xf32>
    %mul3A_60 = vector.broadcast %div3A : vector<2000x1xf32> to vector<2000x128xf32>
    %mul3A_61 = vector.broadcast %get3A_59 : vector<1x128xf32> to vector<2000x128xf32>
    %mul3A_62 = arith.mulf %mul3A_60, %mul3A_61 : vector<2000x128xf32>
    %add3A_63 = arith.addf %add3A_56, %mul3A_62 : vector<2000x128xf32>
    %get3A_64 = arith.constant 0 : index
    %get3A_65 = arith.constant 0 : index
    %get3A_66 = vector.load %arg8[%get3A_64, %get3A_65] : memref<1x128xf32, #tpu.memory_space<vmem>>, vector<1x128xf32>
    %add3A_67 = vector.broadcast %get3A_66 : vector<1x128xf32> to vector<2000x128xf32>
    %add3A_68 = arith.addf %add3A_63, %add3A_67 : vector<2000x128xf32>
    %get3A_69 = arith.constant 0 : index
    %get3A_70 = arith.constant 0 : index
    %get3A_71 = vector.load %arg9[%get3A_69, %get3A_70] : memref<1x128xf32, #tpu.memory_space<vmem>>, vector<1x128xf32>
    %get3A_72 = arith.constant 0 : index
    %get3A_73 = arith.constant 0 : index
    %get3A_74 = vector.load %arg10[%get3A_72, %get3A_73] : memref<1x128xf32, #tpu.memory_space<vmem>>, vector<1x128xf32>
    %reduce_sum3A_75 = arith.constant dense<0.000000e+00> : vector<2000xf32>
    %reduce_sum3A_76 = vector.multi_reduction <add>, %add3A_68, %reduce_sum3A_75 [1] : vector<2000x128xf32> to vector<2000xf32>
    %broadcast_in_dim3A_77 = vector.shape_cast %reduce_sum3A_76 : vector<2000xf32> to vector<2000x1xf32>
    %mul3A_78 = arith.constant 7.812500e-03 : f32
    %mul3A_79 = vector.broadcast %mul3A_78 : f32 to vector<2000x1xf32>
    %mul3A_80 = arith.mulf %broadcast_in_dim3A_77, %mul3A_79 : vector<2000x1xf32>
    %sub3A_81 = vector.broadcast %mul3A_80 : vector<2000x1xf32> to vector<2000x128xf32>
    %sub3A_82 = arith.subf %add3A_68, %sub3A_81 : vector<2000x128xf32>
    %mul3A_83 = arith.mulf %sub3A_82, %sub3A_82 : vector<2000x128xf32>
    %reduce_sum3A_84 = arith.constant dense<0.000000e+00> : vector<2000xf32>
    %reduce_sum3A_85 = vector.multi_reduction <add>, %mul3A_83, %reduce_sum3A_84 [1] : vector<2000x128xf32> to vector<2000xf32>
    %broadcast_in_dim3A_86 = vector.shape_cast %reduce_sum3A_85 : vector<2000xf32> to vector<2000x1xf32>
    %mul3A_87 = arith.constant 7.812500e-03 : f32
    %mul3A_88 = vector.broadcast %mul3A_87 : f32 to vector<2000x1xf32>
    %mul3A_89 = arith.mulf %broadcast_in_dim3A_86, %mul3A_88 : vector<2000x1xf32>
    %add3A_90 = arith.constant 9.99999974E-6 : f32
    %add3A_91 = vector.broadcast %add3A_90 : f32 to vector<2000x1xf32>
    %add3A_92 = arith.addf %mul3A_89, %add3A_91 : vector<2000x1xf32>
    %rsqrt3A = math.rsqrt %add3A_92 : vector<2000x1xf32>
    %mul3A_93 = vector.broadcast %rsqrt3A : vector<2000x1xf32> to vector<2000x128xf32>
    %mul3A_94 = arith.mulf %sub3A_82, %mul3A_93 : vector<2000x128xf32>
    %mul3A_95 = vector.broadcast %get3A_71 : vector<1x128xf32> to vector<2000x128xf32>
    %mul3A_96 = arith.mulf %mul3A_94, %mul3A_95 : vector<2000x128xf32>
    %add3A_97 = vector.broadcast %get3A_74 : vector<1x128xf32> to vector<2000x128xf32>
    %add3A_98 = arith.addf %mul3A_96, %add3A_97 : vector<2000x128xf32>
    %mul3A_99 = arith.constant 5.000000e-01 : f32
    %mul3A_100 = vector.broadcast %mul3A_99 : f32 to vector<2000x128xf32>
    %mul3A_101 = arith.mulf %mul3A_100, %add3A_98 : vector<2000x128xf32>
    %mul3A_102 = arith.constant 0.707106769 : f32
    %mul3A_103 = vector.broadcast %mul3A_102 : f32 to vector<2000x128xf32>
    %mul3A_104 = arith.mulf %add3A_98, %mul3A_103 : vector<2000x128xf32>
    %erf3A = math.erf %mul3A_104 : vector<2000x128xf32>
    %add3A_105 = arith.constant 1.000000e+00 : f32
    %add3A_106 = vector.broadcast %add3A_105 : f32 to vector<2000x128xf32>
    %add3A_107 = arith.addf %add3A_106, %erf3A : vector<2000x128xf32>
    %mul3A_108 = arith.mulf %mul3A_101, %add3A_107 : vector<2000x128xf32>
    %get3A_109 = arith.constant 0 : index
    %get3A_110 = arith.constant 0 : index
    %get3A_111 = vector.load %arg11[%get3A_109, %get3A_110] : memref<128x128xf32, #tpu.memory_space<vmem>>, vector<128x128xf32>
    %dot_general3A_112 = arith.constant dense<0.000000e+00> : vector<2000x128xf32>
    %dot_general3A_113 = tpu.matmul %mul3A_108, %get3A_111, %dot_general3A_112 {dimension_numbers = #tpu.dot_dimension_numbers<[1], [0], [0], [1], [0, 0, 1, 1], [], []>, transpose_lhs_hint = false} : vector<2000x128xf32>, vector<128x128xf32>, vector<2000x128xf32> -> vector<2000x128xf32>
    %get3A_114 = arith.constant 0 : index
    %get3A_115 = arith.constant 0 : index
    %get3A_116 = vector.load %arg12[%get3A_114, %get3A_115] : memref<1x128xf32, #tpu.memory_space<vmem>>, vector<1x128xf32>
    %add3A_117 = vector.broadcast %get3A_116 : vector<1x128xf32> to vector<2000x128xf32>
    %add3A_118 = arith.addf %dot_general3A_113, %add3A_117 : vector<2000x128xf32>
    %get3A_119 = arith.constant 0 : index
    %get3A_120 = arith.constant 0 : index
    %get3A_121 = vector.load %arg13[%get3A_119, %get3A_120] : memref<1x128xf32, #tpu.memory_space<vmem>>, vector<1x128xf32>
    %get3A_122 = arith.constant 0 : index
    %get3A_123 = arith.constant 0 : index
    %get3A_124 = vector.load %arg14[%get3A_122, %get3A_123] : memref<1x128xf32, #tpu.memory_space<vmem>>, vector<1x128xf32>
    %reduce_sum3A_125 = arith.constant dense<0.000000e+00> : vector<2000xf32>
    %reduce_sum3A_126 = vector.multi_reduction <add>, %add3A_118, %reduce_sum3A_125 [1] : vector<2000x128xf32> to vector<2000xf32>
    %broadcast_in_dim3A_127 = vector.shape_cast %reduce_sum3A_126 : vector<2000xf32> to vector<2000x1xf32>
    %mul3A_128 = arith.constant 7.812500e-03 : f32
    %mul3A_129 = vector.broadcast %mul3A_128 : f32 to vector<2000x1xf32>
    %mul3A_130 = arith.mulf %broadcast_in_dim3A_127, %mul3A_129 : vector<2000x1xf32>
    %sub3A_131 = vector.broadcast %mul3A_130 : vector<2000x1xf32> to vector<2000x128xf32>
    %sub3A_132 = arith.subf %add3A_118, %sub3A_131 : vector<2000x128xf32>
    %mul3A_133 = arith.mulf %sub3A_132, %sub3A_132 : vector<2000x128xf32>
    %reduce_sum3A_134 = arith.constant dense<0.000000e+00> : vector<2000xf32>
    %reduce_sum3A_135 = vector.multi_reduction <add>, %mul3A_133, %reduce_sum3A_134 [1] : vector<2000x128xf32> to vector<2000xf32>
    %broadcast_in_dim3A_136 = vector.shape_cast %reduce_sum3A_135 : vector<2000xf32> to vector<2000x1xf32>
    %mul3A_137 = arith.constant 7.812500e-03 : f32
    %mul3A_138 = vector.broadcast %mul3A_137 : f32 to vector<2000x1xf32>
    %mul3A_139 = arith.mulf %broadcast_in_dim3A_136, %mul3A_138 : vector<2000x1xf32>
    %add3A_140 = arith.constant 9.99999974E-6 : f32
    %add3A_141 = vector.broadcast %add3A_140 : f32 to vector<2000x1xf32>
    %add3A_142 = arith.addf %mul3A_139, %add3A_141 : vector<2000x1xf32>
    %rsqrt3A_143 = math.rsqrt %add3A_142 : vector<2000x1xf32>
    %mul3A_144 = vector.broadcast %rsqrt3A_143 : vector<2000x1xf32> to vector<2000x128xf32>
    %mul3A_145 = arith.mulf %sub3A_132, %mul3A_144 : vector<2000x128xf32>
    %mul3A_146 = vector.broadcast %get3A_121 : vector<1x128xf32> to vector<2000x128xf32>
    %mul3A_147 = arith.mulf %mul3A_145, %mul3A_146 : vector<2000x128xf32>
    %add3A_148 = vector.broadcast %get3A_124 : vector<1x128xf32> to vector<2000x128xf32>
    %add3A_149 = arith.addf %mul3A_147, %add3A_148 : vector<2000x128xf32>
    %mul3A_150 = arith.constant 5.000000e-01 : f32
    %mul3A_151 = vector.broadcast %mul3A_150 : f32 to vector<2000x128xf32>
    %mul3A_152 = arith.mulf %mul3A_151, %add3A_149 : vector<2000x128xf32>
    %mul3A_153 = arith.constant 0.707106769 : f32
    %mul3A_154 = vector.broadcast %mul3A_153 : f32 to vector<2000x128xf32>
    %mul3A_155 = arith.mulf %add3A_149, %mul3A_154 : vector<2000x128xf32>
    %erf3A_156 = math.erf %mul3A_155 : vector<2000x128xf32>
    %add3A_157 = arith.constant 1.000000e+00 : f32
    %add3A_158 = vector.broadcast %add3A_157 : f32 to vector<2000x128xf32>
    %add3A_159 = arith.addf %add3A_158, %erf3A_156 : vector<2000x128xf32>
    %mul3A_160 = arith.mulf %mul3A_152, %add3A_159 : vector<2000x128xf32>
    %swap3A = arith.constant 0 : index
    %swap3A_161 = arith.constant 0 : index
    %swap3A_162 = vector.load %arg15[%swap3A, %swap3A_161] : memref<2000x128xf32, #tpu.memory_space<vmem>>, vector<2000x128xf32>
    tpu.vector_store %arg15[%swap3A, %swap3A_161], %mul3A_160 {strides = array<i32>} : memref<2000x128xf32, #tpu.memory_space<vmem>>, vector<2000x128xf32>,
    return
  }
  func.func @transform_0(%arg0: i32) -> (i32, i32) {
    %c0_i32 = arith.constant 0 : i32
    %c0_i32_0 = arith.constant 0 : i32
    return %arg0, %c0_i32 : i32, i32
  }
  func.func @transform_1(%arg0: i32) -> (i32, i32) {
    %c0_i32 = arith.constant 0 : i32
    %c0_i32_0 = arith.constant 0 : i32
    return %arg0, %c0_i32 : i32, i32
  }
  func.func @transform_2(%arg0: i32) -> (i32, i32) {
    %add3A = arith.constant 80 : i32
    %add3A_0 = arith.addi %add3A, %arg0 : i32
    %c0_i32 = arith.constant 0 : i32
    %c0_i32_1 = arith.constant 0 : i32
    return %add3A_0, %c0_i32 : i32, i32
  }
  func.func @transform_3(%arg0: i32) -> (i32, i32) {
    %c0_i32 = arith.constant 0 : i32
    %c0_i32_0 = arith.constant 0 : i32
    %c0_i32_1 = arith.constant 0 : i32
    return %c0_i32, %c0_i32_0 : i32, i32
  }
  func.func @transform_4(%arg0: i32) -> (i32, i32) {
    %c0_i32 = arith.constant 0 : i32
    %c0_i32_0 = arith.constant 0 : i32
    %c0_i32_1 = arith.constant 0 : i32
    return %c0_i32, %c0_i32_0 : i32, i32
  }
  func.func @transform_5(%arg0: i32) -> (i32, i32) {
    %c0_i32 = arith.constant 0 : i32
    %c0_i32_0 = arith.constant 0 : i32
    %c0_i32_1 = arith.constant 0 : i32
    return %c0_i32, %c0_i32_0 : i32, i32
  }
  func.func @transform_6(%arg0: i32) -> (i32, i32) {
    %c0_i32 = arith.constant 0 : i32
    %c0_i32_0 = arith.constant 0 : i32
    %c0_i32_1 = arith.constant 0 : i32
    return %c0_i32, %c0_i32_0 : i32, i32
  }
  func.func @transform_7(%arg0: i32) -> (i32, i32) {
    %c0_i32 = arith.constant 0 : i32
    %c0_i32_0 = arith.constant 0 : i32
    %c0_i32_1 = arith.constant 0 : i32
    return %c0_i32, %c0_i32_0 : i32, i32
  }
  func.func @transform_8(%arg0: i32) -> (i32, i32) {
    %c0_i32 = arith.constant 0 : i32
    %c0_i32_0 = arith.constant 0 : i32
    %c0_i32_1 = arith.constant 0 : i32
    return %c0_i32, %c0_i32_0 : i32, i32
  }
  func.func @transform_9(%arg0: i32) -> (i32, i32) {
    %c0_i32 = arith.constant 0 : i32
    %c0_i32_0 = arith.constant 0 : i32
    %c0_i32_1 = arith.constant 0 : i32
    return %c0_i32, %c0_i32_0 : i32, i32
  }
  func.func @transform_10(%arg0: i32) -> (i32, i32) {
    %c0_i32 = arith.constant 0 : i32
    %c0_i32_0 = arith.constant 0 : i32
    %c0_i32_1 = arith.constant 0 : i32
    return %c0_i32, %c0_i32_0 : i32, i32
  }
  func.func @transform_11(%arg0: i32) -> (i32, i32) {
    %c0_i32 = arith.constant 0 : i32
    %c0_i32_0 = arith.constant 0 : i32
    %c0_i32_1 = arith.constant 0 : i32
    return %c0_i32, %c0_i32_0 : i32, i32
  }
  func.func @transform_12(%arg0: i32) -> (i32, i32) {
    %c0_i32 = arith.constant 0 : i32
    %c0_i32_0 = arith.constant 0 : i32
    %c0_i32_1 = arith.constant 0 : i32
    return %c0_i32, %c0_i32_0 : i32, i32
  }
  func.func @transform_13(%arg0: i32) -> (i32, i32) {
    %c0_i32 = arith.constant 0 : i32
    %c0_i32_0 = arith.constant 0 : i32
    %c0_i32_1 = arith.constant 0 : i32
    return %c0_i32, %c0_i32_0 : i32, i32
  }
  func.func @transform_14(%arg0: i32) -> (i32, i32) {
    %c0_i32 = arith.constant 0 : i32
    %c0_i32_0 = arith.constant 0 : i32
    return %arg0, %c0_i32 : i32, i32
  }
}

module attributes {stable_mosaic.version = 14 : i64} {
  func.func @_edge_body(%arg0: i32, %arg1: memref<2000x128xf32, #tpu.memory_space<vmem>>, %arg2: memref<2000x128xf32, #tpu.memory_space<vmem>>, %arg3: memref<2000x16xf32, #tpu.memory_space<vmem>>, %arg4: memref<128x128xf32, #tpu.memory_space<vmem>>, %arg5: memref<128x128xf32, #tpu.memory_space<vmem>>, %arg6: memref<16x128xf32, #tpu.memory_space<vmem>>, %arg7: memref<2x128xf32, #tpu.memory_space<vmem>>, %arg8: memref<1x128xf32, #tpu.memory_space<vmem>>, %arg9: memref<1x128xf32, #tpu.memory_space<vmem>>, %arg10: memref<1x128xf32, #tpu.memory_space<vmem>>, %arg11: memref<128x128xf32, #tpu.memory_space<vmem>>, %arg12: memref<1x128xf32, #tpu.memory_space<vmem>>, %arg13: memref<1x128xf32, #tpu.memory_space<vmem>>, %arg14: memref<1x128xf32, #tpu.memory_space<vmem>>, %arg15: memref<2000x128xf32, #tpu.memory_space<vmem>>) attributes {dimension_semantics = [#tpu.dimension_semantics<arbitrary>], iteration_bounds = array<i64: 80>, scalar_prefetch = 0 : i64, scratch_operands = 0 : i64, tpu.core_type = #tpu.core_type<tc>, window_params = [{transform_indices = @transform_0, window_bounds = array<i64: 2000, 128>}, {transform_indices = @transform_1, window_bounds = array<i64: 2000, 128>}, {transform_indices = @transform_2, window_bounds = array<i64: 2000, 16>}, {pipeline_mode = #tpu.pipeline_mode<synchronous>, transform_indices = @transform_3, window_bounds = array<i64: 128, 128>}, {pipeline_mode = #tpu.pipeline_mode<synchronous>, transform_indices = @transform_4, window_bounds = array<i64: 128, 128>}, {pipeline_mode = #tpu.pipeline_mode<synchronous>, transform_indices = @transform_5, window_bounds = array<i64: 16, 128>}, {pipeline_mode = #tpu.pipeline_mode<synchronous>, transform_indices = @transform_6, window_bounds = array<i64: 2, 128>}, {pipeline_mode = #tpu.pipeline_mode<synchronous>, transform_indices = @transform_7, window_bounds = array<i64: 1, 128>}, {pipeline_mode = #tpu.pipeline_mode<synchronous>, transform_indices = @transform_8, window_bounds = array<i64: 1, 128>}, {pipeline_mode = #tpu.pipeline_mode<synchronous>, transform_indices = @transform_9, window_bounds = array<i64: 1, 128>}, {pipeline_mode = #tpu.pipeline_mode<synchronous>, transform_indices = @transform_10, window_bounds = array<i64: 128, 128>}, {pipeline_mode = #tpu.pipeline_mode<synchronous>, transform_indices = @transform_11, window_bounds = array<i64: 1, 128>}, {pipeline_mode = #tpu.pipeline_mode<synchronous>, transform_indices = @transform_12, window_bounds = array<i64: 1, 128>}, {pipeline_mode = #tpu.pipeline_mode<synchronous>, transform_indices = @transform_13, window_bounds = array<i64: 1, 128>}, {transform_indices = @transform_14, window_bounds = array<i64: 2000, 128>}]} {
    %get3A = arith.constant 0 : index
    %get3A_0 = arith.constant 0 : index
    %get3A_1 = vector.load %arg1[%get3A, %get3A_0] : memref<2000x128xf32, #tpu.memory_space<vmem>>, vector<2000x128xf32>
    %get3A_2 = arith.constant 0 : index
    %get3A_3 = arith.constant 0 : index
    %get3A_4 = vector.load %arg2[%get3A_2, %get3A_3] : memref<2000x128xf32, #tpu.memory_space<vmem>>, vector<2000x128xf32>
    %mul3A = arith.mulf %get3A_1, %get3A_4 : vector<2000x128xf32>
    %reduce_sum3A = arith.constant dense<0.000000e+00> : vector<2000xf32>
    %reduce_sum3A_5 = vector.multi_reduction <add>, %mul3A, %reduce_sum3A [1] : vector<2000x128xf32> to vector<2000xf32>
    %broadcast_in_dim3A = vector.shape_cast %reduce_sum3A_5 : vector<2000xf32> to vector<2000x1xf32>
    %mul3A_6 = arith.mulf %get3A_1, %get3A_1 : vector<2000x128xf32>
    %reduce_sum3A_7 = arith.constant dense<0.000000e+00> : vector<2000xf32>
    %reduce_sum3A_8 = vector.multi_reduction <add>, %mul3A_6, %reduce_sum3A_7 [1] : vector<2000x128xf32> to vector<2000xf32>
    %broadcast_in_dim3A_9 = vector.shape_cast %reduce_sum3A_8 : vector<2000xf32> to vector<2000x1xf32>
    %mul3A_10 = arith.mulf %get3A_4, %get3A_4 : vector<2000x128xf32>
    %reduce_sum3A_11 = arith.constant dense<0.000000e+00> : vector<2000xf32>
    %reduce_sum3A_12 = vector.multi_reduction <add>, %mul3A_10, %reduce_sum3A_11 [1] : vector<2000x128xf32> to vector<2000xf32>
    %broadcast_in_dim3A_13 = vector.shape_cast %reduce_sum3A_12 : vector<2000xf32> to vector<2000x1xf32>
    %add3A = arith.addf %broadcast_in_dim3A_9, %broadcast_in_dim3A_13 : vector<2000x1xf32>
    %mul3A_14 = arith.constant 2.000000e+00 : f32
    %mul3A_15 = vector.broadcast %mul3A_14 : f32 to vector<2000x1xf32>
    %mul3A_16 = arith.mulf %mul3A_15, %broadcast_in_dim3A : vector<2000x1xf32>
    %sub3A = arith.subf %add3A, %mul3A_16 : vector<2000x1xf32>
    %max3A = arith.constant 0.000000e+00 : f32
    %max3A_17 = vector.broadcast %max3A : f32 to vector<2000x1xf32>
    %max3A_18 = arith.maximumf %sub3A, %max3A_17 : vector<2000x1xf32>
    %add3A_19 = arith.constant 9.99999996E-13 : f32
    %add3A_20 = vector.broadcast %add3A_19 : f32 to vector<2000x1xf32>
    %add3A_21 = arith.addf %max3A_18, %add3A_20 : vector<2000x1xf32>
    %sqrt3A = math.sqrt %add3A_21 : vector<2000x1xf32>
    %add3A_22 = arith.constant 9.99999996E-13 : f32
    %add3A_23 = vector.broadcast %add3A_22 : f32 to vector<2000x1xf32>
    %add3A_24 = arith.addf %broadcast_in_dim3A_9, %add3A_23 : vector<2000x1xf32>
    %sqrt3A_25 = math.sqrt %add3A_24 : vector<2000x1xf32>
    %add3A_26 = arith.constant 9.99999996E-13 : f32
    %add3A_27 = vector.broadcast %add3A_26 : f32 to vector<2000x1xf32>
    %add3A_28 = arith.addf %broadcast_in_dim3A_13, %add3A_27 : vector<2000x1xf32>
    %sqrt3A_29 = math.sqrt %add3A_28 : vector<2000x1xf32>
    %mul3A_30 = arith.mulf %sqrt3A_25, %sqrt3A_29 : vector<2000x1xf32>
    %div3A = arith.divf %broadcast_in_dim3A, %mul3A_30 : vector<2000x1xf32>
    %get3A_31 = arith.constant 0 : index
    %get3A_32 = arith.constant 0 : index
    %get3A_33 = vector.load %arg4[%get3A_31, %get3A_32] : memref<128x128xf32, #tpu.memory_space<vmem>>, vector<128x128xf32>
    %dot_general3A = arith.constant dense<0.000000e+00> : vector<2000x128xf32>
    %dot_general3A_34 = tpu.matmul %get3A_1, %get3A_33, %dot_general3A {dimension_numbers = #tpu.dot_dimension_numbers<[1], [0], [0], [1], [0, 0, 1, 1], [], []>, transpose_lhs_hint = false} : vector<2000x128xf32>, vector<128x128xf32>, vector<2000x128xf32> -> vector<2000x128xf32>
    %get3A_35 = arith.constant 0 : index
    %get3A_36 = arith.constant 0 : index
    %get3A_37 = vector.load %arg5[%get3A_35, %get3A_36] : memref<128x128xf32, #tpu.memory_space<vmem>>, vector<128x128xf32>
    %dot_general3A_38 = arith.constant dense<0.000000e+00> : vector<2000x128xf32>
    %dot_general3A_39 = tpu.matmul %get3A_4, %get3A_37, %dot_general3A_38 {dimension_numbers = #tpu.dot_dimension_numbers<[1], [0], [0], [1], [0, 0, 1, 1], [], []>, transpose_lhs_hint = false} : vector<2000x128xf32>, vector<128x128xf32>, vector<2000x128xf32> -> vector<2000x128xf32>
    %add3A_40 = arith.addf %dot_general3A_34, %dot_general3A_39 : vector<2000x128xf32>
    %get3A_41 = arith.constant 0 : index
    %get3A_42 = arith.constant 0 : index
    %get3A_43 = vector.load %arg3[%get3A_41, %get3A_42] : memref<2000x16xf32, #tpu.memory_space<vmem>>, vector<2000x16xf32>
    %get3A_44 = arith.constant 0 : index
    %get3A_45 = arith.constant 0 : index
    %get3A_46 = vector.load %arg6[%get3A_44, %get3A_45] : memref<16x128xf32, #tpu.memory_space<vmem>>, vector<16x128xf32>
    %dot_general3A_47 = arith.constant dense<0.000000e+00> : vector<2000x128xf32>
    %dot_general3A_48 = tpu.matmul %get3A_43, %get3A_46, %dot_general3A_47 {dimension_numbers = #tpu.dot_dimension_numbers<[1], [0], [0], [1], [0, 0, 1, 1], [], []>, transpose_lhs_hint = false} : vector<2000x16xf32>, vector<16x128xf32>, vector<2000x128xf32> -> vector<2000x128xf32>
    %add3A_49 = arith.addf %add3A_40, %dot_general3A_48 : vector<2000x128xf32>
    %get3A_50 = arith.constant 0 : index
    %get3A_51 = arith.constant 0 : index
    %get3A_52 = vector.load %arg7[%get3A_50, %get3A_51] : memref<2x128xf32, #tpu.memory_space<vmem>>, vector<1x128xf32>
    %mul3A_53 = vector.broadcast %sqrt3A : vector<2000x1xf32> to vector<2000x128xf32>
    %mul3A_54 = vector.broadcast %get3A_52 : vector<1x128xf32> to vector<2000x128xf32>
    %mul3A_55 = arith.mulf %mul3A_53, %mul3A_54 : vector<2000x128xf32>
    %add3A_56 = arith.addf %add3A_49, %mul3A_55 : vector<2000x128xf32>
    %get3A_57 = arith.constant 1 : index
    %get3A_58 = arith.constant 0 : index
    %get3A_59 = vector.load %arg7[%get3A_57, %get3A_58] : memref<2x128xf32, #tpu.memory_space<vmem>>, vector<1x128xf32>
    %mul3A_60 = vector.broadcast %div3A : vector<2000x1xf32> to vector<2000x128xf32>
    %mul3A_61 = vector.broadcast %get3A_59 : vector<1x128xf32> to vector<2000x128xf32>
    %mul3A_62 = arith.mulf %mul3A_60, %mul3A_61 : vector<2000x128xf32>
    %add3A_63 = arith.addf %add3A_56, %mul3A_62 : vector<2000x128xf32>
    %get3A_64 = arith.constant 0 : index
    %get3A_65 = arith.constant 0 : index
    %get3A_66 = vector.load %arg8[%get3A_64, %get3A_65] : memref<1x128xf32, #tpu.memory_space<vmem>>, vector<1x128xf32>
    %add3A_67 = vector.broadcast %get3A_66 : vector<1x128xf32> to vector<2000x128xf32>
    %add3A_68 = arith.addf %add3A_63, %add3A_67 : vector<2000x128xf32>
    %get3A_69 = arith.constant 0 : index
    %get3A_70 = arith.constant 0 : index
    %get3A_71 = vector.load %arg9[%get3A_69, %get3A_70] : memref<1x128xf32, #tpu.memory_space<vmem>>, vector<1x128xf32>
    %get3A_72 = arith.constant 0 : index
    %get3A_73 = arith.constant 0 : index
    %get3A_74 = vector.load %arg10[%get3A_72, %get3A_73] : memref<1x128xf32, #tpu.memory_space<vmem>>, vector<1x128xf32>
    %reduce_sum3A_75 = arith.constant dense<0.000000e+00> : vector<2000xf32>
    %reduce_sum3A_76 = vector.multi_reduction <add>, %add3A_68, %reduce_sum3A_75 [1] : vector<2000x128xf32> to vector<2000xf32>
    %broadcast_in_dim3A_77 = vector.shape_cast %reduce_sum3A_76 : vector<2000xf32> to vector<2000x1xf32>
    %mul3A_78 = arith.constant 7.812500e-03 : f32
    %mul3A_79 = vector.broadcast %mul3A_78 : f32 to vector<2000x1xf32>
    %mul3A_80 = arith.mulf %broadcast_in_dim3A_77, %mul3A_79 : vector<2000x1xf32>
    %sub3A_81 = vector.broadcast %mul3A_80 : vector<2000x1xf32> to vector<2000x128xf32>
    %sub3A_82 = arith.subf %add3A_68, %sub3A_81 : vector<2000x128xf32>
    %mul3A_83 = arith.mulf %sub3A_82, %sub3A_82 : vector<2000x128xf32>
    %reduce_sum3A_84 = arith.constant dense<0.000000e+00> : vector<2000xf32>
    %reduce_sum3A_85 = vector.multi_reduction <add>, %mul3A_83, %reduce_sum3A_84 [1] : vector<2000x128xf32> to vector<2000xf32>
    %broadcast_in_dim3A_86 = vector.shape_cast %reduce_sum3A_85 : vector<2000xf32> to vector<2000x1xf32>
    %mul3A_87 = arith.constant 7.812500e-03 : f32
    %mul3A_88 = vector.broadcast %mul3A_87 : f32 to vector<2000x1xf32>
    %mul3A_89 = arith.mulf %broadcast_in_dim3A_86, %mul3A_88 : vector<2000x1xf32>
    %add3A_90 = arith.constant 9.99999974E-6 : f32
    %add3A_91 = vector.broadcast %add3A_90 : f32 to vector<2000x1xf32>
    %add3A_92 = arith.addf %mul3A_89, %add3A_91 : vector<2000x1xf32>
    %rsqrt3A = math.rsqrt %add3A_92 : vector<2000x1xf32>
    %mul3A_93 = vector.broadcast %rsqrt3A : vector<2000x1xf32> to vector<2000x128xf32>
    %mul3A_94 = arith.mulf %sub3A_82, %mul3A_93 : vector<2000x128xf32>
    %mul3A_95 = vector.broadcast %get3A_71 : vector<1x128xf32> to vector<2000x128xf32>
    %mul3A_96 = arith.mulf %mul3A_94, %mul3A_95 : vector<2000x128xf32>
    %add3A_97 = vector.broadcast %get3A_74 : vector<1x128xf32> to vector<2000x128xf32>
    %add3A_98 = arith.addf %mul3A_96, %add3A_97 : vector<2000x128xf32>
    %mul3A_99 = arith.constant 5.000000e-01 : f32
    %mul3A_100 = vector.broadcast %mul3A_99 : f32 to vector<2000x128xf32>
    %mul3A_101 = arith.mulf %mul3A_100, %add3A_98 : vector<2000x128xf32>
    %mul3A_102 = arith.constant 0.707106769 : f32
    %mul3A_103 = vector.broadcast %mul3A_102 : f32 to vector<2000x128xf32>
    %mul3A_104 = arith.mulf %add3A_98, %mul3A_103 : vector<2000x128xf32>
    %erf3A = math.erf %mul3A_104 : vector<2000x128xf32>
    %add3A_105 = arith.constant 1.000000e+00 : f32
    %add3A_106 = vector.broadcast %add3A_105 : f32 to vector<2000x128xf32>
    %add3A_107 = arith.addf %add3A_106, %erf3A : vector<2000x128xf32>
    %mul3A_108 = arith.mulf %mul3A_101, %add3A_107 : vector<2000x128xf32>
    %get3A_109 = arith.constant 0 : index
    %get3A_110 = arith.constant 0 : index
    %get3A_111 = vector.load %arg11[%get3A_109, %get3A_110] : memref<128x128xf32, #tpu.memory_space<vmem>>, vector<128x128xf32>
    %dot_general3A_112 = arith.constant dense<0.000000e+00> : vector<2000x128xf32>
    %dot_general3A_113 = tpu.matmul %mul3A_108, %get3A_111, %dot_general3A_112 {dimension_numbers = #tpu.dot_dimension_numbers<[1], [0], [0], [1], [0, 0, 1, 1], [], []>, transpose_lhs_hint = false} : vector<2000x128xf32>, vector<128x128xf32>, vector<2000x128xf32> -> vector<2000x128xf32>
    %get3A_114 = arith.constant 0 : index
    %get3A_115 = arith.constant 0 : index
    %get3A_116 = vector.load %arg12[%get3A_114, %get3A_115] : memref<1x128xf32, #tpu.memory_space<vmem>>, vector<1x128xf32>
    %add3A_117 = vector.broadcast %get3A_116 : vector<1x128xf32> to vector<2000x128xf32>
    %add3A_118 = arith.addf %dot_general3A_113, %add3A_117 : vector<2000x128xf32>
    %get3A_119 = arith.constant 0 : index
    %get3A_120 = arith.constant 0 : index
    %get3A_121 = vector.load %arg13[%get3A_119, %get3A_120] : memref<1x128xf32, #tpu.memory_space<vmem>>, vector<1x128xf32>
    %get3A_122 = arith.constant 0 : index
    %get3A_123 = arith.constant 0 : index
    %get3A_124 = vector.load %arg14[%get3A_122, %get3A_123] : memref<1x128xf32, #tpu.memory_space<vmem>>, vector<1x128xf32>
    %reduce_sum3A_125 = arith.constant dense<0.000000e+00> : vector<2000xf32>
    %reduce_sum3A_126 = vector.multi_reduction <add>, %add3A_118, %reduce_sum3A_125 [1] : vector<2000x128xf32> to vector<2000xf32>
    %broadcast_in_dim3A_127 = vector.shape_cast %reduce_sum3A_126 : vector<2000xf32> to vector<2000x1xf32>
    %mul3A_128 = arith.constant 7.812500e-03 : f32
    %mul3A_129 = vector.broadcast %mul3A_128 : f32 to vector<2000x1xf32>
    %mul3A_130 = arith.mulf %broadcast_in_dim3A_127, %mul3A_129 : vector<2000x1xf32>
    %sub3A_131 = vector.broadcast %mul3A_130 : vector<2000x1xf32> to vector<2000x128xf32>
    %sub3A_132 = arith.subf %add3A_118, %sub3A_131 : vector<2000x128xf32>
    %mul3A_133 = arith.mulf %sub3A_132, %sub3A_132 : vector<2000x128xf32>
    %reduce_sum3A_134 = arith.constant dense<0.000000e+00> : vector<2000xf32>
    %reduce_sum3A_135 = vector.multi_reduction <add>, %mul3A_133, %reduce_sum3A_134 [1] : vector<2000x128xf32> to vector<2000xf32>
    %broadcast_in_dim3A_136 = vector.shape_cast %reduce_sum3A_135 : vector<2000xf32> to vector<2000x1xf32>
    %mul3A_137 = arith.constant 7.812500e-03 : f32
    %mul3A_138 = vector.broadcast %mul3A_137 : f32 to vector<2000x1xf32>
    %mul3A_139 = arith.mulf %broadcast_in_dim3A_136, %mul3A_138 : vector<2000x1xf32>
    %add3A_140 = arith.constant 9.99999974E-6 : f32
    %add3A_141 = vector.broadcast %add3A_140 : f32 to vector<2000x1xf32>
    %add3A_142 = arith.addf %mul3A_139, %add3A_141 : vector<2000x1xf32>
    %rsqrt3A_143 = math.rsqrt %add3A_142 : vector<2000x1xf32>
    %mul3A_144 = vector.broadcast %rsqrt3A_143 : vector<2000x1xf32> to vector<2000x128xf32>
    %mul3A_145 = arith.mulf %sub3A_132, %mul3A_144 : vector<2000x128xf32>
    %mul3A_146 = vector.broadcast %get3A_121 : vector<1x128xf32> to vector<2000x128xf32>
    %mul3A_147 = arith.mulf %mul3A_145, %mul3A_146 : vector<2000x128xf32>
    %add3A_148 = vector.broadcast %get3A_124 : vector<1x128xf32> to vector<2000x128xf32>
    %add3A_149 = arith.addf %mul3A_147, %add3A_148 : vector<2000x128xf32>
    %mul3A_150 = arith.constant 5.000000e-01 : f32
    %mul3A_151 = vector.broadcast %mul3A_150 : f32 to vector<2000x128xf32>
    %mul3A_152 = arith.mulf %mul3A_151, %add3A_149 : vector<2000x128xf32>
    %mul3A_153 = arith.constant 0.707106769 : f32
    %mul3A_154 = vector.broadcast %mul3A_153 : f32 to vector<2000x128xf32>
    %mul3A_155 = arith.mulf %add3A_149, %mul3A_154 : vector<2000x128xf32>
    %erf3A_156 = math.erf %mul3A_155 : vector<2000x128xf32>
    %add3A_157 = arith.constant 1.000000e+00 : f32
    %add3A_158 = vector.broadcast %add3A_157 : f32 to vector<2000x128xf32>
    %add3A_159 = arith.addf %add3A_158, %erf3A_156 : vector<2000x128xf32>
    %mul3A_160 = arith.mulf %mul3A_152, %add3A_159 : vector<2000x128xf32>
    %swap3A = arith.constant 0 : index
    %swap3A_161 = arith.constant 0 : index
    %swap3A_162 = vector.load %arg15[%swap3A, %swap3A_161] : memref<2000x128xf32, #tpu.memory_space<vmem>>, vector<2000x128xf32>
    tpu.vector_store %arg15[%swap3A, %swap3A_161], %mul3A_160 {strides = array<i32>} : memref<2000x128xf32, #tpu.memory_space<vmem>>, vector<2000x128xf32>,
    return
  }
  func.func @transform_0(%arg0: i32) -> (i32, i32) {
    %c0_i32 = arith.constant 0 : i32
    %c0_i32_0 = arith.constant 0 : i32
    return %arg0, %c0_i32 : i32, i32
  }
  func.func @transform_1(%arg0: i32) -> (i32, i32) {
    %c0_i32 = arith.constant 0 : i32
    %c0_i32_0 = arith.constant 0 : i32
    return %arg0, %c0_i32 : i32, i32
  }
  func.func @transform_2(%arg0: i32) -> (i32, i32) {
    %add3A = arith.constant 0 : i32
    %add3A_0 = arith.addi %add3A, %arg0 : i32
    %c0_i32 = arith.constant 0 : i32
    %c0_i32_1 = arith.constant 0 : i32
    return %add3A_0, %c0_i32 : i32, i32
  }
  func.func @transform_3(%arg0: i32) -> (i32, i32) {
    %c0_i32 = arith.constant 0 : i32
    %c0_i32_0 = arith.constant 0 : i32
    %c0_i32_1 = arith.constant 0 : i32
    return %c0_i32, %c0_i32_0 : i32, i32
  }
  func.func @transform_4(%arg0: i32) -> (i32, i32) {
    %c0_i32 = arith.constant 0 : i32
    %c0_i32_0 = arith.constant 0 : i32
    %c0_i32_1 = arith.constant 0 : i32
    return %c0_i32, %c0_i32_0 : i32, i32
  }
  func.func @transform_5(%arg0: i32) -> (i32, i32) {
    %c0_i32 = arith.constant 0 : i32
    %c0_i32_0 = arith.constant 0 : i32
    %c0_i32_1 = arith.constant 0 : i32
    return %c0_i32, %c0_i32_0 : i32, i32
  }
  func.func @transform_6(%arg0: i32) -> (i32, i32) {
    %c0_i32 = arith.constant 0 : i32
    %c0_i32_0 = arith.constant 0 : i32
    %c0_i32_1 = arith.constant 0 : i32
    return %c0_i32, %c0_i32_0 : i32, i32
  }
  func.func @transform_7(%arg0: i32) -> (i32, i32) {
    %c0_i32 = arith.constant 0 : i32
    %c0_i32_0 = arith.constant 0 : i32
    %c0_i32_1 = arith.constant 0 : i32
    return %c0_i32, %c0_i32_0 : i32, i32
  }
  func.func @transform_8(%arg0: i32) -> (i32, i32) {
    %c0_i32 = arith.constant 0 : i32
    %c0_i32_0 = arith.constant 0 : i32
    %c0_i32_1 = arith.constant 0 : i32
    return %c0_i32, %c0_i32_0 : i32, i32
  }
  func.func @transform_9(%arg0: i32) -> (i32, i32) {
    %c0_i32 = arith.constant 0 : i32
    %c0_i32_0 = arith.constant 0 : i32
    %c0_i32_1 = arith.constant 0 : i32
    return %c0_i32, %c0_i32_0 : i32, i32
  }
  func.func @transform_10(%arg0: i32) -> (i32, i32) {
    %c0_i32 = arith.constant 0 : i32
    %c0_i32_0 = arith.constant 0 : i32
    %c0_i32_1 = arith.constant 0 : i32
    return %c0_i32, %c0_i32_0 : i32, i32
  }
  func.func @transform_11(%arg0: i32) -> (i32, i32) {
    %c0_i32 = arith.constant 0 : i32
    %c0_i32_0 = arith.constant 0 : i32
    %c0_i32_1 = arith.constant 0 : i32
    return %c0_i32, %c0_i32_0 : i32, i32
  }
  func.func @transform_12(%arg0: i32) -> (i32, i32) {
    %c0_i32 = arith.constant 0 : i32
    %c0_i32_0 = arith.constant 0 : i32
    %c0_i32_1 = arith.constant 0 : i32
    return %c0_i32, %c0_i32_0 : i32, i32
  }
  func.func @transform_13(%arg0: i32) -> (i32, i32) {
    %c0_i32 = arith.constant 0 : i32
    %c0_i32_0 = arith.constant 0 : i32
    %c0_i32_1 = arith.constant 0 : i32
    return %c0_i32, %c0_i32_0 : i32, i32
  }
  func.func @transform_14(%arg0: i32) -> (i32, i32) {
    %c0_i32 = arith.constant 0 : i32
    %c0_i32_0 = arith.constant 0 : i32
    return %arg0, %c0_i32 : i32, i32
  }
}

module attributes {stable_mosaic.version = 14 : i64} {
  func.func @body(%arg0: i32, %arg1: memref<1000x128xf32, #tpu.memory_space<vmem>>, %arg2: memref<2x1000x128xf32, #tpu.memory_space<vmem>>, %arg3: memref<2x1000x128xf32, #tpu.memory_space<vmem>>, %arg4: memref<128x128xf32, #tpu.memory_space<vmem>>, %arg5: memref<128x128xf32, #tpu.memory_space<vmem>>, %arg6: memref<1x128xf32, #tpu.memory_space<vmem>>, %arg7: memref<1x128xf32, #tpu.memory_space<vmem>>, %arg8: memref<1x128xf32, #tpu.memory_space<vmem>>, %arg9: memref<128x128xf32, #tpu.memory_space<vmem>>, %arg10: memref<1x128xf32, #tpu.memory_space<vmem>>, %arg11: memref<1x128xf32, #tpu.memory_space<vmem>>, %arg12: memref<1x128xf32, #tpu.memory_space<vmem>>, %arg13: memref<1000x128xf32, #tpu.memory_space<vmem>>) attributes {dimension_semantics = [#tpu.dimension_semantics<arbitrary>], iteration_bounds = array<i64: 10>, scalar_prefetch = 0 : i64, scratch_operands = 0 : i64, tpu.core_type = #tpu.core_type<tc>, window_params = [{transform_indices = @transform_0, window_bounds = array<i64: 1000, 128>}, {transform_indices = @transform_1, window_bounds = array<i64: 2, 1000, 128>}, {transform_indices = @transform_2, window_bounds = array<i64: 2, 1000, 128>}, {pipeline_mode = #tpu.pipeline_mode<synchronous>, transform_indices = @transform_3, window_bounds = array<i64: 128, 128>}, {pipeline_mode = #tpu.pipeline_mode<synchronous>, transform_indices = @transform_4, window_bounds = array<i64: 128, 128>}, {pipeline_mode = #tpu.pipeline_mode<synchronous>, transform_indices = @transform_5, window_bounds = array<i64: 1, 128>}, {pipeline_mode = #tpu.pipeline_mode<synchronous>, transform_indices = @transform_6, window_bounds = array<i64: 1, 128>}, {pipeline_mode = #tpu.pipeline_mode<synchronous>, transform_indices = @transform_7, window_bounds = array<i64: 1, 128>}, {pipeline_mode = #tpu.pipeline_mode<synchronous>, transform_indices = @transform_8, window_bounds = array<i64: 128, 128>}, {pipeline_mode = #tpu.pipeline_mode<synchronous>, transform_indices = @transform_9, window_bounds = array<i64: 1, 128>}, {pipeline_mode = #tpu.pipeline_mode<synchronous>, transform_indices = @transform_10, window_bounds = array<i64: 1, 128>}, {pipeline_mode = #tpu.pipeline_mode<synchronous>, transform_indices = @transform_11, window_bounds = array<i64: 1, 128>}, {transform_indices = @transform_12, window_bounds = array<i64: 1000, 128>}]} {
    %get3A = arith.constant 0 : index
    %get3A_0 = arith.constant 0 : index
    %get3A_1 = vector.load %arg1[%get3A, %get3A_0] : memref<1000x128xf32, #tpu.memory_space<vmem>>, vector<1000x128xf32>
    %get3A_2 = arith.constant 0 : index
    %get3A_3 = arith.constant 0 : index
    %get3A_4 = arith.constant 0 : index
    %get3A_5 = vector.load %arg2[%get3A_2, %get3A_3, %get3A_4] : memref<2x1000x128xf32, #tpu.memory_space<vmem>>, vector<1x1000x128xf32>
    %get3A_6 = vector.shape_cast %get3A_5 : vector<1x1000x128xf32> to vector<1000x128xf32>
    %get3A_7 = arith.constant 1 : index
    %get3A_8 = arith.constant 0 : index
    %get3A_9 = arith.constant 0 : index
    %get3A_10 = vector.load %arg2[%get3A_7, %get3A_8, %get3A_9] : memref<2x1000x128xf32, #tpu.memory_space<vmem>>, vector<1x1000x128xf32>
    %get3A_11 = vector.shape_cast %get3A_10 : vector<1x1000x128xf32> to vector<1000x128xf32>
    %add3A = arith.addf %get3A_6, %get3A_11 : vector<1000x128xf32>
    %get3A_12 = arith.constant 0 : index
    %get3A_13 = arith.constant 0 : index
    %get3A_14 = arith.constant 0 : index
    %get3A_15 = vector.load %arg3[%get3A_12, %get3A_13, %get3A_14] : memref<2x1000x128xf32, #tpu.memory_space<vmem>>, vector<1x1000x128xf32>
    %get3A_16 = vector.shape_cast %get3A_15 : vector<1x1000x128xf32> to vector<1000x128xf32>
    %add3A_17 = arith.addf %add3A, %get3A_16 : vector<1000x128xf32>
    %get3A_18 = arith.constant 1 : index
    %get3A_19 = arith.constant 0 : index
    %get3A_20 = arith.constant 0 : index
    %get3A_21 = vector.load %arg3[%get3A_18, %get3A_19, %get3A_20] : memref<2x1000x128xf32, #tpu.memory_space<vmem>>, vector<1x1000x128xf32>
    %get3A_22 = vector.shape_cast %get3A_21 : vector<1x1000x128xf32> to vector<1000x128xf32>
    %add3A_23 = arith.addf %add3A_17, %get3A_22 : vector<1000x128xf32>
    %get3A_24 = arith.constant 0 : index
    %get3A_25 = arith.constant 0 : index
    %get3A_26 = vector.load %arg4[%get3A_24, %get3A_25] : memref<128x128xf32, #tpu.memory_space<vmem>>, vector<128x128xf32>
    %dot_general3A = arith.constant dense<0.000000e+00> : vector<1000x128xf32>
    %dot_general3A_27 = tpu.matmul %get3A_1, %get3A_26, %dot_general3A {dimension_numbers = #tpu.dot_dimension_numbers<[1], [0], [0], [1], [0, 0, 1, 1], [], []>, transpose_lhs_hint = false} : vector<1000x128xf32>, vector<128x128xf32>, vector<1000x128xf32> -> vector<1000x128xf32>
    %get3A_28 = arith.constant 0 : index
    %get3A_29 = arith.constant 0 : index
    %get3A_30 = vector.load %arg5[%get3A_28, %get3A_29] : memref<128x128xf32, #tpu.memory_space<vmem>>, vector<128x128xf32>
    %dot_general3A_31 = arith.constant dense<0.000000e+00> : vector<1000x128xf32>
    %dot_general3A_32 = tpu.matmul %add3A_23, %get3A_30, %dot_general3A_31 {dimension_numbers = #tpu.dot_dimension_numbers<[1], [0], [0], [1], [0, 0, 1, 1], [], []>, transpose_lhs_hint = false} : vector<1000x128xf32>, vector<128x128xf32>, vector<1000x128xf32> -> vector<1000x128xf32>
    %add3A_33 = arith.addf %dot_general3A_27, %dot_general3A_32 : vector<1000x128xf32>
    %get3A_34 = arith.constant 0 : index
    %get3A_35 = arith.constant 0 : index
    %get3A_36 = vector.load %arg6[%get3A_34, %get3A_35] : memref<1x128xf32, #tpu.memory_space<vmem>>, vector<1x128xf32>
    %add3A_37 = vector.broadcast %get3A_36 : vector<1x128xf32> to vector<1000x128xf32>
    %add3A_38 = arith.addf %add3A_33, %add3A_37 : vector<1000x128xf32>
    %get3A_39 = arith.constant 0 : index
    %get3A_40 = arith.constant 0 : index
    %get3A_41 = vector.load %arg7[%get3A_39, %get3A_40] : memref<1x128xf32, #tpu.memory_space<vmem>>, vector<1x128xf32>
    %get3A_42 = arith.constant 0 : index
    %get3A_43 = arith.constant 0 : index
    %get3A_44 = vector.load %arg8[%get3A_42, %get3A_43] : memref<1x128xf32, #tpu.memory_space<vmem>>, vector<1x128xf32>
    %reduce_sum3A = arith.constant dense<0.000000e+00> : vector<1000xf32>
    %reduce_sum3A_45 = vector.multi_reduction <add>, %add3A_38, %reduce_sum3A [1] : vector<1000x128xf32> to vector<1000xf32>
    %broadcast_in_dim3A = vector.shape_cast %reduce_sum3A_45 : vector<1000xf32> to vector<1000x1xf32>
    %mul3A = arith.constant 7.812500e-03 : f32
    %mul3A_46 = vector.broadcast %mul3A : f32 to vector<1000x1xf32>
    %mul3A_47 = arith.mulf %broadcast_in_dim3A, %mul3A_46 : vector<1000x1xf32>
    %sub3A = vector.broadcast %mul3A_47 : vector<1000x1xf32> to vector<1000x128xf32>
    %sub3A_48 = arith.subf %add3A_38, %sub3A : vector<1000x128xf32>
    %mul3A_49 = arith.mulf %sub3A_48, %sub3A_48 : vector<1000x128xf32>
    %reduce_sum3A_50 = arith.constant dense<0.000000e+00> : vector<1000xf32>
    %reduce_sum3A_51 = vector.multi_reduction <add>, %mul3A_49, %reduce_sum3A_50 [1] : vector<1000x128xf32> to vector<1000xf32>
    %broadcast_in_dim3A_52 = vector.shape_cast %reduce_sum3A_51 : vector<1000xf32> to vector<1000x1xf32>
    %mul3A_53 = arith.constant 7.812500e-03 : f32
    %mul3A_54 = vector.broadcast %mul3A_53 : f32 to vector<1000x1xf32>
    %mul3A_55 = arith.mulf %broadcast_in_dim3A_52, %mul3A_54 : vector<1000x1xf32>
    %add3A_56 = arith.constant 9.99999974E-6 : f32
    %add3A_57 = vector.broadcast %add3A_56 : f32 to vector<1000x1xf32>
    %add3A_58 = arith.addf %mul3A_55, %add3A_57 : vector<1000x1xf32>
    %rsqrt3A = math.rsqrt %add3A_58 : vector<1000x1xf32>
    %mul3A_59 = vector.broadcast %rsqrt3A : vector<1000x1xf32> to vector<1000x128xf32>
    %mul3A_60 = arith.mulf %sub3A_48, %mul3A_59 : vector<1000x128xf32>
    %mul3A_61 = vector.broadcast %get3A_41 : vector<1x128xf32> to vector<1000x128xf32>
    %mul3A_62 = arith.mulf %mul3A_60, %mul3A_61 : vector<1000x128xf32>
    %add3A_63 = vector.broadcast %get3A_44 : vector<1x128xf32> to vector<1000x128xf32>
    %add3A_64 = arith.addf %mul3A_62, %add3A_63 : vector<1000x128xf32>
    %mul3A_65 = arith.constant 5.000000e-01 : f32
    %mul3A_66 = vector.broadcast %mul3A_65 : f32 to vector<1000x128xf32>
    %mul3A_67 = arith.mulf %mul3A_66, %add3A_64 : vector<1000x128xf32>
    %mul3A_68 = arith.constant 0.707106769 : f32
    %mul3A_69 = vector.broadcast %mul3A_68 : f32 to vector<1000x128xf32>
    %mul3A_70 = arith.mulf %add3A_64, %mul3A_69 : vector<1000x128xf32>
    %erf3A = math.erf %mul3A_70 : vector<1000x128xf32>
    %add3A_71 = arith.constant 1.000000e+00 : f32
    %add3A_72 = vector.broadcast %add3A_71 : f32 to vector<1000x128xf32>
    %add3A_73 = arith.addf %add3A_72, %erf3A : vector<1000x128xf32>
    %mul3A_74 = arith.mulf %mul3A_67, %add3A_73 : vector<1000x128xf32>
    %get3A_75 = arith.constant 0 : index
    %get3A_76 = arith.constant 0 : index
    %get3A_77 = vector.load %arg9[%get3A_75, %get3A_76] : memref<128x128xf32, #tpu.memory_space<vmem>>, vector<128x128xf32>
    %dot_general3A_78 = arith.constant dense<0.000000e+00> : vector<1000x128xf32>
    %dot_general3A_79 = tpu.matmul %mul3A_74, %get3A_77, %dot_general3A_78 {dimension_numbers = #tpu.dot_dimension_numbers<[1], [0], [0], [1], [0, 0, 1, 1], [], []>, transpose_lhs_hint = false} : vector<1000x128xf32>, vector<128x128xf32>, vector<1000x128xf32> -> vector<1000x128xf32>
    %get3A_80 = arith.constant 0 : index
    %get3A_81 = arith.constant 0 : index
    %get3A_82 = vector.load %arg10[%get3A_80, %get3A_81] : memref<1x128xf32, #tpu.memory_space<vmem>>, vector<1x128xf32>
    %add3A_83 = vector.broadcast %get3A_82 : vector<1x128xf32> to vector<1000x128xf32>
    %add3A_84 = arith.addf %dot_general3A_79, %add3A_83 : vector<1000x128xf32>
    %get3A_85 = arith.constant 0 : index
    %get3A_86 = arith.constant 0 : index
    %get3A_87 = vector.load %arg11[%get3A_85, %get3A_86] : memref<1x128xf32, #tpu.memory_space<vmem>>, vector<1x128xf32>
    %get3A_88 = arith.constant 0 : index
    %get3A_89 = arith.constant 0 : index
    %get3A_90 = vector.load %arg12[%get3A_88, %get3A_89] : memref<1x128xf32, #tpu.memory_space<vmem>>, vector<1x128xf32>
    %reduce_sum3A_91 = arith.constant dense<0.000000e+00> : vector<1000xf32>
    %reduce_sum3A_92 = vector.multi_reduction <add>, %add3A_84, %reduce_sum3A_91 [1] : vector<1000x128xf32> to vector<1000xf32>
    %broadcast_in_dim3A_93 = vector.shape_cast %reduce_sum3A_92 : vector<1000xf32> to vector<1000x1xf32>
    %mul3A_94 = arith.constant 7.812500e-03 : f32
    %mul3A_95 = vector.broadcast %mul3A_94 : f32 to vector<1000x1xf32>
    %mul3A_96 = arith.mulf %broadcast_in_dim3A_93, %mul3A_95 : vector<1000x1xf32>
    %sub3A_97 = vector.broadcast %mul3A_96 : vector<1000x1xf32> to vector<1000x128xf32>
    %sub3A_98 = arith.subf %add3A_84, %sub3A_97 : vector<1000x128xf32>
    %mul3A_99 = arith.mulf %sub3A_98, %sub3A_98 : vector<1000x128xf32>
    %reduce_sum3A_100 = arith.constant dense<0.000000e+00> : vector<1000xf32>
    %reduce_sum3A_101 = vector.multi_reduction <add>, %mul3A_99, %reduce_sum3A_100 [1] : vector<1000x128xf32> to vector<1000xf32>
    %broadcast_in_dim3A_102 = vector.shape_cast %reduce_sum3A_101 : vector<1000xf32> to vector<1000x1xf32>
    %mul3A_103 = arith.constant 7.812500e-03 : f32
    %mul3A_104 = vector.broadcast %mul3A_103 : f32 to vector<1000x1xf32>
    %mul3A_105 = arith.mulf %broadcast_in_dim3A_102, %mul3A_104 : vector<1000x1xf32>
    %add3A_106 = arith.constant 9.99999974E-6 : f32
    %add3A_107 = vector.broadcast %add3A_106 : f32 to vector<1000x1xf32>
    %add3A_108 = arith.addf %mul3A_105, %add3A_107 : vector<1000x1xf32>
    %rsqrt3A_109 = math.rsqrt %add3A_108 : vector<1000x1xf32>
    %mul3A_110 = vector.broadcast %rsqrt3A_109 : vector<1000x1xf32> to vector<1000x128xf32>
    %mul3A_111 = arith.mulf %sub3A_98, %mul3A_110 : vector<1000x128xf32>
    %mul3A_112 = vector.broadcast %get3A_87 : vector<1x128xf32> to vector<1000x128xf32>
    %mul3A_113 = arith.mulf %mul3A_111, %mul3A_112 : vector<1000x128xf32>
    %add3A_114 = vector.broadcast %get3A_90 : vector<1x128xf32> to vector<1000x128xf32>
    %add3A_115 = arith.addf %mul3A_113, %add3A_114 : vector<1000x128xf32>
    %mul3A_116 = arith.constant 5.000000e-01 : f32
    %mul3A_117 = vector.broadcast %mul3A_116 : f32 to vector<1000x128xf32>
    %mul3A_118 = arith.mulf %mul3A_117, %add3A_115 : vector<1000x128xf32>
    %mul3A_119 = arith.constant 0.707106769 : f32
    %mul3A_120 = vector.broadcast %mul3A_119 : f32 to vector<1000x128xf32>
    %mul3A_121 = arith.mulf %add3A_115, %mul3A_120 : vector<1000x128xf32>
    %erf3A_122 = math.erf %mul3A_121 : vector<1000x128xf32>
    %add3A_123 = arith.constant 1.000000e+00 : f32
    %add3A_124 = vector.broadcast %add3A_123 : f32 to vector<1000x128xf32>
    %add3A_125 = arith.addf %add3A_124, %erf3A_122 : vector<1000x128xf32>
    %mul3A_126 = arith.mulf %mul3A_118, %add3A_125 : vector<1000x128xf32>
    %swap3A = arith.constant 0 : index
    %swap3A_127 = arith.constant 0 : index
    %swap3A_128 = vector.load %arg13[%swap3A, %swap3A_127] : memref<1000x128xf32, #tpu.memory_space<vmem>>, vector<1000x128xf32>
    tpu.vector_store %arg13[%swap3A, %swap3A_127], %mul3A_126 {strides = array<i32>} : memref<1000x128xf32, #tpu.memory_space<vmem>>, vector<1000x128xf32>,
    return
  }
  func.func @transform_0(%arg0: i32) -> (i32, i32) {
    %c0_i32 = arith.constant 0 : i32
    %c0_i32_0 = arith.constant 0 : i32
    return %arg0, %c0_i32 : i32, i32
  }
  func.func @transform_1(%arg0: i32) -> (i32, i32, i32) {
    %c0_i32 = arith.constant 0 : i32
    %c0_i32_0 = arith.constant 0 : i32
    %c0_i32_1 = arith.constant 0 : i32
    return %c0_i32, %arg0, %c0_i32_0 : i32, i32, i32
  }
  func.func @transform_2(%arg0: i32) -> (i32, i32, i32) {
    %c0_i32 = arith.constant 0 : i32
    %c0_i32_0 = arith.constant 0 : i32
    %c0_i32_1 = arith.constant 0 : i32
    return %c0_i32, %arg0, %c0_i32_0 : i32, i32, i32
  }
  func.func @transform_3(%arg0: i32) -> (i32, i32) {
    %c0_i32 = arith.constant 0 : i32
    %c0_i32_0 = arith.constant 0 : i32
    %c0_i32_1 = arith.constant 0 : i32
    return %c0_i32, %c0_i32_0 : i32, i32
  }
  func.func @transform_4(%arg0: i32) -> (i32, i32) {
    %c0_i32 = arith.constant 0 : i32
    %c0_i32_0 = arith.constant 0 : i32
    %c0_i32_1 = arith.constant 0 : i32
    return %c0_i32, %c0_i32_0 : i32, i32
  }
  func.func @transform_5(%arg0: i32) -> (i32, i32) {
    %c0_i32 = arith.constant 0 : i32
    %c0_i32_0 = arith.constant 0 : i32
    %c0_i32_1 = arith.constant 0 : i32
    return %c0_i32, %c0_i32_0 : i32, i32
  }
  func.func @transform_6(%arg0: i32) -> (i32, i32) {
    %c0_i32 = arith.constant 0 : i32
    %c0_i32_0 = arith.constant 0 : i32
    %c0_i32_1 = arith.constant 0 : i32
    return %c0_i32, %c0_i32_0 : i32, i32
  }
  func.func @transform_7(%arg0: i32) -> (i32, i32) {
    %c0_i32 = arith.constant 0 : i32
    %c0_i32_0 = arith.constant 0 : i32
    %c0_i32_1 = arith.constant 0 : i32
    return %c0_i32, %c0_i32_0 : i32, i32
  }
  func.func @transform_8(%arg0: i32) -> (i32, i32) {
    %c0_i32 = arith.constant 0 : i32
    %c0_i32_0 = arith.constant 0 : i32
    %c0_i32_1 = arith.constant 0 : i32
    return %c0_i32, %c0_i32_0 : i32, i32
  }
  func.func @transform_9(%arg0: i32) -> (i32, i32) {
    %c0_i32 = arith.constant 0 : i32
    %c0_i32_0 = arith.constant 0 : i32
    %c0_i32_1 = arith.constant 0 : i32
    return %c0_i32, %c0_i32_0 : i32, i32
  }
  func.func @transform_10(%arg0: i32) -> (i32, i32) {
    %c0_i32 = arith.constant 0 : i32
    %c0_i32_0 = arith.constant 0 : i32
    %c0_i32_1 = arith.constant 0 : i32
    return %c0_i32, %c0_i32_0 : i32, i32
  }
  func.func @transform_11(%arg0: i32) -> (i32, i32) {
    %c0_i32 = arith.constant 0 : i32
    %c0_i32_0 = arith.constant 0 : i32
    %c0_i32_1 = arith.constant 0 : i32
    return %c0_i32, %c0_i32_0 : i32, i32
  }
  func.func @transform_12(%arg0: i32) -> (i32, i32) {
    %c0_i32 = arith.constant 0 : i32
    %c0_i32_0 = arith.constant 0 : i32
    return %arg0, %c0_i32 : i32, i32
  }
}

</mosaic_0001>

<sc_bundles>
// kernel: kernel.12.cloned.1.call-start
scs
__scs_entry_jumppad:
0x0: {  	(pc) =	sbr.rel $0x88, $3  }
0x1: {  	(tag) =	ssettag $0x0;
	lr =	simm.s32 $0x1  }
0x2: {  	[smem:$0x3F8E] =	sst lr;
	_ =	strace $0xD0000000  }
0x3: {  	_ = 	snop  }
0x4: {  	_ = 	snop  }
0x5: {  	_ = 	snop  }
0x6: {  	_ = 	snop  }
0x7: {  	_ = 	snop  }
__scs_overlays_trampoline_lowered:
0x8: {  	[smem:$0x3F9D] =	sst s0  }
0x9: {  	[smem:$0x3F9E] =	sst s1  }
0xa: {  	[smem:$0x3F9F] =	sst s2  }
0xb: {  	[smem:$0x3FA0] =	sst s3  }
0xc: {  	[smem:$0x3FA1] =	sst s4  }
0xd: {  	[smem:$0x3FA2] =	sst s5  }
0xe: {  	[smem:$0x3FA3] =	sst s6  }
0xf: {  	[smem:$0x3FA4] =	sst s7  }
0x10: {  	[smem:$0x3FA5] =	sst s8  }
0x11: {  	[smem:$0x3FA6] =	sst s9;
	s0 =	simm.s32 @!p0 $0x0  }
0x12: {  	s1 =	sld [smem:$0x3F8C];
	s0 =	simm.s32 @p0 $0x1  }
0x13: {  	[smem:$0x3FA7] =	sst s0;
	s0 =	simm.s32 @!p1 $0x0  }
0x14: {  	s2 =	sld [smem:$0x3F8B];
	s0 =	simm.s32 @p1 $0x1  }
0x15: {  	[smem:$0x3FA8] =	sst s0;
	s0 =	simm.s32 @!p2 $0x0  }
0x16: {  	s3 =	sld [smem:$0x3FDB];
	s0 =	simm.s32 @p2 $0x1  }
0x17: {  	s4 =	simm.s32 $0x1BF5;
	[smem:$0x3FAA] =	sst s0  }
0x18: {  	s0 =	sld [smem:$0x3F8D];
	_ =	swait.ge [sflag:s4], $0x0  }
0x19: {  	s7 =	sld [smem:$0x3F8E]  }
0x1a: {  	s8 =	sadd.s32 $0xFFFFE003, lr  }
0x1b: {  	s9 =	sadd.s32 $0xFFFFFEF7, lr;
	s5 =	simm.s32 $0xFFFFFFFF;
	p2 =	slt.u32 s8, $0xFFFFF086  }
0x1c: {  	p1 =	slt.u32 s9, $0xF7A;
	s5 =	simm.s32 @!p2 $0x0  }
0x1d: {  	s5 =	simm.s32 @p1 $0x1;
	p0 =	seq.s32 s7, s2  }
0x1e: {  	s7 =	smul.u32 @!p0 $0xF7A, s2;
	p2 =	seq.s32 @!p0 s5, $0x0  }
0x1f: {  	s9 =	smul.u32 $0xF7A, s1;
	s8 =	simm.s32 @!p0 $0x1BF5;
	p2 =	por !p2, p0  }
0x20: {  	[sflag:s8] =	ssyncset.s32 @!p0 $0xFFFFF086;
	s6 =	sadd.s32 @!p0 s3, s7;
	s7 =	simm.s32 @!p0 $0x108  }
0x21: {  	s3 =	sadd.s32 s3, s9;
	s6 =	sadd.s32 @!p0 $0x88, s6;
	s7 =	simm.s32 @p2 $0x1082  }
0x22: {  	[simem:s7], [sflag:s8] =	dma.local @!p0 [hbm:s6], $0xF7A  }
0x23: {  	s9 =	sor.u32 $0xD0000000, s2;
	s6 =	simm.s32 $0x108;
	_ =	swait.ge @!p0 [sflag:s8], $0x0  }
0x24: {  	s3 =	sadd.s32 $0x88, s3;
	s6 =	simm.s32 @!p1 $0x1082;
	[sflag:s4] =	ssyncset.s32 $0xFFFFF086  }
0x25: {  	[simem:s6], [sflag:s4] =	dma.local [hbm:s3], $0xF7A  }
0x26: {  	[smem:$0x3F8E] =	sst s1;
	(tag) =	ssettag s2;
	_ =	strace s9  }
0x27: {  	s1 =	sld [smem:$0x3F9E]  }
0x28: {  	s2 =	sld [smem:$0x3F9F]  }
0x29: {  	s4 =	sld [smem:$0x3FA1]  }
0x2a: {  	p0 =	seq.s32 s5, $0x0;
	s5 =	sld [smem:$0x3FA2]  }
0x2b: {  	s6 =	sld [smem:$0x3FA3]  }
0x2c: {  	s7 =	sld [smem:$0x3FA4]  }
0x2d: {  	s3 =	simm.s32 $0x108;
	s8 =	sld [smem:$0x3FA5]  }
0x2e: {  	s3 =	simm.s32 @!p0 $0x1082;
	s9 =	sld [smem:$0x3FA6]  }
0x2f: {  	lr =	sadd.s32 s0, s3;
	s0 =	sld [smem:$0x3F9D]  }
0x30: {  	s3 =	sld [smem:$0x3FA0]  }
0x31: {  	[smem:$0x3FA9] =	sst s10  }
0x32: {  	s10 =	sld [smem:$0x3FA7];
	_ =	sdelay $0x3  }
0x33: {  	p0 =	seq.s32 s10, $0x1;
	s10 =	sld [smem:$0x3FA9];
	_ =	sdelay $0x3  }
0x34: {  	[smem:$0x3FA9] =	sst s10  }
0x35: {  	s10 =	sld [smem:$0x3FA8];
	_ =	sdelay $0x3  }
0x36: {  	p1 =	seq.s32 s10, $0x1;
	s10 =	sld [smem:$0x3FA9];
	_ =	sdelay $0x3  }
0x37: {  	[smem:$0x3FA9] =	sst s10  }
0x38: {  	s10 =	sld [smem:$0x3FAA]  }
0x39: {  	_ = 	snop;
	(pc) =	sbr.ind lr, $3  }
0x3a: {  	_ = 	snop  }
0x3b: {  	_ = 	snop  }
0x3c: {  	p2 =	seq.s32 s10, $0x1;
	s10 =	sld [smem:$0x3FA9]  }
0x3d: {  	_ =	shalt  }
0x3e: {  	_ =	shalt  }
0x3f: {  	_ =	shalt  }
0x40: {  	_ =	shalt  }
0x41: {  	_ =	shalt  }
0x42: {  	_ =	shalt  }
0x43: {  	_ =	shalt  }
0x44: {  	_ =	shalt  }
0x45: {  	_ =	shalt  }
0x46: {  	_ =	shalt  }
0x47: {  	_ =	shalt  }
0x48: {  	_ =	shalt  }
0x49: {  	_ =	shalt  }
0x4a: {  	_ =	shalt  }
0x4b: {  	_ =	shalt  }
0x4c: {  	_ =	shalt  }
0x4d: {  	_ =	shalt  }
0x4e: {  	_ =	shalt  }
0x4f: {  	_ =	shalt  }
0x50: {  	_ =	shalt  }
0x51: {  	_ =	shalt  }
0x52: {  	_ =	shalt  }
0x53: {  	_ =	shalt  }
0x54: {  	_ =	shalt  }
0x55: {  	_ =	shalt  }
0x56: {  	_ =	shalt  }
0x57: {  	_ =	shalt  }
0x58: {  	_ =	shalt  }
0x59: {  	_ =	shalt  }
0x5a: {  	_ =	shalt  }
0x5b: {  	_ =	shalt  }
0x5c: {  	_ =	shalt  }
0x5d: {  	_ =	shalt  }
0x5e: {  	_ =	shalt  }
0x5f: {  	_ =	shalt  }
0x60: {  	_ =	shalt  }
0x61: {  	_ =	shalt  }
0x62: {  	_ =	shalt  }
0x63: {  	_ =	shalt  }
0x64: {  	_ =	shalt  }
0x65: {  	_ =	shalt  }
0x66: {  	_ =	shalt  }
0x67: {  	_ =	shalt  }
0x68: {  	_ =	shalt  }
0x69: {  	_ =	shalt  }
0x6a: {  	_ =	shalt  }
0x6b: {  	_ =	shalt  }
0x6c: {  	_ =	shalt  }
0x6d: {  	_ =	shalt  }
0x6e: {  	_ =	shalt  }
0x6f: {  	_ =	shalt  }
0x70: {  	_ =	shalt  }
0x71: {  	_ =	shalt  }
0x72: {  	_ =	shalt  }
0x73: {  	_ =	shalt  }
0x74: {  	_ =	shalt  }
0x75: {  	_ =	shalt  }
0x76: {  	_ =	shalt  }
0x77: {  	_ =	shalt  }
0x78: {  	_ =	shalt  }
0x79: {  	_ =	shalt  }
0x7a: {  	_ =	shalt  }
0x7b: {  	_ =	shalt  }
0x7c: {  	_ =	shalt  }
0x7d: {  	_ =	shalt  }
0x7e: {  	_ =	shalt  }
0x7f: {  	_ =	shalt  }
0x80: {  	_ =	shalt  }
0x81: {  	_ =	shalt  }
0x82: {  	_ =	shalt  }
0x83: {  	_ =	shalt  }
0x84: {  	_ =	shalt  }
0x85: {  	_ =	shalt  }
0x86: {  	_ =	shalt  }
0x87: {  	_ =	shalt  }
.Lfunc_end0:
.L_simem_size_0:
called_computation.1_lowered:
.L_overlay_start_0:
0x88: {  	s2 =	sld [smem:$0x3FD9]  }
0x89: {  	s3 =	sld [smem:$0x3FFE];
	_ =	sdelay $0x1  }
0x8a: {  	s1 =	srdreg.scid  }
0x8b: {  	s0 =	sand.u32 $0x1, s1  }
0x8c: {  	s15 =	sshll.u32 s0, $0xA;
	s2 =	sadd.s32 s3, s2  }
0x8d: {  	s2 =	sadd.s32 s2, s15  }
0x8e: {  	[smem:$0x3FB5] =	sst s2  }
0x8f: {  	_ = 	snop  }
0x90: {  	s2 =	sld [smem:$0x3FD0];
	_ =	sdelay $0x2  }
0x91: {  	s16 =	simm.s32 $0xB;
	s4 =	simm.s32 $0x10  }
0x92: {  	[smem:s4], [sflag:s16] =	dma.local [hbm:s2], $0x1  }
0x93: {  	_ =	swait.eq [sflag:s16], $0x1  }
0x94: {  	[sflag:s16] =	ssyncset.done $0x0  }
0x95: {  	[sflag:s16] =	ssyncadd.s32 $0xFFFFFFFF  }
0x96: {  	s17 =	sld [smem:$0x10];
	(tm) =	ssettm $0x1  }
0x97: {  	s18 =	sld [smem:$0x3FFB];
	_ =	sdelay $0x3  }
0x98: {  	_ =	strace s18  }
0x99: {  	s2 =	sld [smem:$0x3FFC];
	_ =	sdelay $0x3  }
0x9a: {  	_ =	strace s2  }
0x9b: {  	s2 =	sld [smem:$0x3FFD];
	_ =	sdelay $0x3  }
0x9c: {  	_ =	strace s2  }
0x9d: {  	_ =	strace $0x8FFFFFFF  }
0x9e: {  	s19 =	sld [smem:$0x3FDB];
	_ =	sdelay $0x1  }
0x9f: {  	s20 =	simm.s32 $_scs_section_size  }
0xa0: {  	s5 =	simm.s32 $_size__tile_overlayer_lowered;
	s6 =	simm.s32 $_tile_overlayer_lowered  }
0xa1: {  	s7 =	simm.s32 $0x1BFF;
	s21 =	sshll.u32 s6, $0x1;
	s4 =	sadd.s32 s20, s19  }
0xa2: {  	s22 =	simm.s32 $0x0;
	s5 =	sshll.u32 s5, $0x1;
	s6 =	sadd.s32 s21, s4  }
0xa3: {  	[timem:s22], [sflag:s7] =	dma.local [hbm:s6], s5  }
0xa4: {  	_ =	swait.ge [sflag:s7], s5  }
0xa5: {  	s5 =	ssub.s32 $0x0, s5;
	[sflag:s7] =	ssyncset.done $0x0  }
0xa6: {  	[sflag:s7] =	ssyncadd.s32 s5;
	_ =	sdelay $0x1  }
0xa7: {  	s23 =	simm.s32 $0x1B8B  }
0xa8: {  	_ =	swait.ge [sflag:s23], $0x1  }
0xa9: {  	[sflag:s23] =	ssyncset.done $0x0  }
0xaa: {  	[sflag:s23] =	ssyncadd.s32 $0xFFFFFFFF  }
0xab: {  	s5 =	sld [smem:$0x0]  }
0xac: {  	s6 =	sand.u32 $0xFFFFFFFE, s1  }
0xad: {  	p0 =	sne.s32 s1, s6  }
0xae: {  	s6 =	sshll.u32 @p0 s6, $0xE  }
0xaf: {  	s6 =	sadd.s32 @p0 $0x11B8D, s6;
	s7 =	sshll.u32 @p0 s5, $0x11  }
0xb0: {  	s6 =	sor.u32 @p0 s7, s6  }
0xb1: {  	[sflag:s6] =	ssyncadd.remote.s32 @p0 $0x1;
	_ =	sdelay $0x1  }
0xb2: {  	s6 =	simm.s32 @p0 $0x1B8D  }
0xb3: {  	_ =	swait.eq @p0 [sflag:s6], $0x1  }
0xb4: {  	[sflag:s6] =	ssyncadd.s32 @p0 $0xFFFFFFFF  }
0xb5: {  	s7 =	sshll.u32 @!p0 s1, $0xE  }
0xb6: {  	s7 =	sor.u32 @!p0 $0x4000, s7;
	s6 =	simm.s32 @!p0 $0x1B8D  }
0xb7: {  	s5 =	sshll.u32 @!p0 s5, $0x11;
	s7 =	sadd.s32 @!p0 $0x11B8D, s7;
	_ =	swait.eq @!p0 [sflag:s6], $0x1  }
0xb8: {  	s5 =	sor.u32 @!p0 s5, s7;
	[sflag:s6] =	ssyncadd.s32 @!p0 $0xFFFFFFFF  }
0xb9: {  	s25 =	simm.s32 $0x1B8E;
	s24 =	sld [smem:$0x3FFE];
	[sflag:s5] =	ssyncadd.remote.s32 @!p0 $0x1  }
0xba: {  	s26 =	simm.s32 $execute0_lowered;
	[smem:$0x3FD2] =	sst s25  }
0xbb: {  	s6 =	sshll.u32 s26, $0x1;
	_ =	strace $0x8000004F;
	[dreg:$0x1] =	wrdreg $0xFFFFFFFF  }
0xbc: {  	s28 =	simm.s32 $_size_execute0_lowered;
	s4 =	sadd.s32 s4, s6;
	[dreg:$0x0] =	wrdreg $0x0  }
0xbd: {  	s6 =	sshll.u32 s28, $0x1;
	[dreg:$0x2] =	wrdreg s4  }
0xbe: {  	[dreg:$0x3] =	wrdreg s6  }
0xbf: {  	[dreg:$0x4] =	wrdreg $0xC0  }
0xc0: {  	_ =	task [dreg:s22], $0x5FFFF  }
0xc1: {  	[dreg:$0x1] =	wrdreg $0xFFFFFFFF  }
0xc2: {  	[dreg:$0x0] =	wrdreg $0x60  }
0xc3: {  	[dreg:$0x2] =	wrdreg s24  }
0xc4: {  	[dreg:$0x3] =	wrdreg s17  }
0xc5: {  	[dreg:$0x4] =	wrdreg $0x95000  }
0xc6: {  	[dreg:$0x5] =	wrdreg $0x9  }
0xc7: {  	_ =	task.clear_ibuf [dreg:s22], $0x6FFFF;
	_ =	strace $0x9000004F  }
0xc8: {  	s29 =	simm.s32 $0x9;
	_ =	strace $0x80000051  }
0xc9: {  	_ =	swait.ge [sflag:s29], $0x1  }
0xca: {  	[sflag:s29] =	ssyncadd.s32 $0xFFFFFFFF  }
0xcb: {  	_ =	strace $0x90000051  }
0xcc: {  	_ =	sfence  }
0xcd: {  	s30 =	sld [smem:$0x0];
	_ =	sdelay $0x2  }
0xce: {  	s31 =	sshll.u32 s1, $0xD;
	s1 =	sshrl.u32 s1, $0x2  }
0xcf: {  	s4 =	sand.u32 $0x4000, s31;
	s1 =	sadd.s32 s1, s30  }
0xd0: {  	s0 =	sor.u32 s4, s0;
	s1 =	sshll.u32 s1, $0x11  }
0xd1: {  	s0 =	sor.u32 s1, s0  }
0xd2: {  	s0 =	sadd.s32 $0x8F2B, s0  }
0xd3: {  	[sflag:s0] =	ssyncadd.remote.s32 $0x1  }
0xd4: {  	_ =	sfence.sel $0xFFFF  }
0xd5: {  	[dreg:$0x0] =	wrdreg $0xFFFFFFFF;
	(pc) =	sbr.abs _section_cstart, $3  }
0xd6: {  	[dreg:$0x1] =	wrdreg $0xFFFFFFFF  }
0xd7: {  	_ =	task.clear_ibuf [dreg:s22], $0x2FFFF;
	_ =	strace $0x9FFFFFFF  }
0xd8: {  	(tm) =	ssettm $0x7FFFFFFF  }
0xd9: {  	_ =	shalt  }
tec
execute0_lowered:
.L_overlay_start_1:
0x0: {  	(tag) =	ssettag $0x1  }
0x1: {  	s4 =	rddreg [dreg:$0x0]  }
0x2: {  	s9 =	rddreg [dreg:$0x1]  }
0x3: {  	s1 =	rddreg [dreg:$0x2];
	s2 =	srdreg.scid  }
0x4: {  	s0 =	rddreg [dreg:$0x3];
	s3 =	simm.s32 $0x0;
	s18 =	simm.s32 $0x3  }
0x5: {  	s19 =	simm.s32 $0x2;
	s10 =	sand.u32 $0x1, s2;
	s2 =	stileid.u32  }
0x6: {  	s20 =	simm.s32 $0x4;
	[smem:$0x7FF] =	sst s3;
	s5 =	smul.u32 $0x138800, s10  }
0x7: {  	s11 =	sadd.s32 $0x5B800, s4;
	s6 =	smul.u32 $0x1400, s2;
	_ =	strace $0x80000050  }
0x8: {  	s7 =	ssub.s32 $0x2, s10;
	s12 =	sshll.u32 s2, $0x1;
	s15 =	smul.u32 $0x5000, s2  }
0x9: {  	s30 =	sshll.u32 s2, $0x5;
	s31 =	sshll.u32 s2, $0xC;
	s16 =	sshll.u32 s10, $0x4  }
0xa: {  	s17 =	sshll.u32 s10, $0xB;
	s25 =	sshrl.u32 s7, $0x1;
	s14 =	sor.u32 s10, s12  }
0xb: {  	s21 =	sor.u32 $0x500, s12;
	s12 =	sadd.s32 s30, s9;
	s5 =	sadd.s32 s6, s5  }
0xc: {  	s6 =	ssub.s32 s7, s25;
	s26 =	sshll.u32 s14, $0x4;
	s28 =	sshll.u32 s14, $0xB  }
0xd: {  	s8 =	sor.u32 $0x20, s14;
	s15 =	sshrl.u32 s15, $0x2;
	s10 =	sadd.s32 s16, s12  }
0xe: {  	s12 =	sor.u32 $0x60, s14;
	s14 =	simm.s32 $0x100;
	s16 =	simm.s32 $0x4100  }
0xf: {  	p0 =	sgt.u32 s21, $0x501;
	s21 =	simm.s32 $0x0;
	s5 =	sshrl.u32 s5, $0x3  }
0x10: {  	s29 =	sshll.u32 s8, $0x4;
	s8 =	sshll.u32 s8, $0xB;
	s13 =	sadd.s32 s5, s4  }
0x11: {  	s4 =	smax.u32 s6, $0x1;
	s5 =	sadd.s32 s9, s26;
	s6 =	sadd.s32 s11, s28  }
0x12: {  	s7 =	sadd.s32 s9, s29;
	s8 =	sadd.s32 s11, s8;
	s11 =	sadd.s32 s31, s11  }
0x13: {  	s9 =	sadd.s32 s15, s1;
	s15 =	simm.s32 $0x80;
	s11 =	sadd.s32 s17, s11  }
0x14: {  	v0 =	vimm.f32 $0.0e+00;
	s13 =	sadd.s32 $0x2CC800, s13;
	s17 =	simm.s32 $0x1;
	s11 =	sadd.s32 $0x20000, s11  }
.LBB2_1:
0x15: {  	s22 =	simm.s32 $0x70;
	s23 =	simm.s32 $0x3C0  }
.LBB2_2:
0x16: {  	p1 =	sne.s32 s23, $0x4FC0;
	[tilespmem:s22+$0x8100] =	vst v0  }
0x17: {  	[tilespmem:s22+$0x8090] =	vst v0  }
0x18: {  	[tilespmem:s22+$0x80A0] =	vst v0  }
.Ltmp0:
0x19: {  	[tilespmem:s22+$0x80B0] =	vst v0;
	(pc) =	sbr.rel @p1 .LBB2_2-.Ltmp0, $4  }
0x1a: {  	[tilespmem:s22+$0x80C0] =	vst v0  }
0x1b: {  	[tilespmem:s22+$0x80D0] =	vst v0  }
0x1c: {  	[tilespmem:s22+$0x80E0] =	vst v0  }
0x1d: {  	[tilespmem:s22+$0x80F0] =	vst v0;
	s22 =	sshra.s32 s23, $0x2;
	s23 =	sadd.s32 $0x200, s23  }
0x1e: {  	[tilespmem:s22+$0x8100] =	vst v0  }
0x1f: {  	[tilespmem:s22+$0x8090] =	vst v0  }
0x20: {  	[tilespmem:s22+$0x80A0] =	vst v0  }
0x21: {  	[tilespmem:s22+$0x80B0] =	vst v0  }
0x22: {  	[tilespmem:s22+$0x80C0] =	vst v0  }
0x23: {  	[tilespmem:s22+$0x80D0] =	vst v0;
	s23 =	sadd.s32 $0x0, s2  }
0x24: {  	[tilespmem:s22+$0x80E0] =	vst v0;
	p1 =	sgt.u32 s23, $0xF9  }
0x25: {  	[tilespmem:s22+$0x80F0] =	vst v0;
	s22 =	simm.s32 @!p1 $0x8100;
	s25 =	simm.s32 @!p1 $0x3  }
0x26: {  	[spmem:s9] =	stream.linear.scatter @!p1 [tilespmem:s22], [sflag:$0x3], $0x1400, $0x38;
	[tilespmem:$0x1CD80] =	vst v63  }
0x27: {  	s24 =	simm.s32 $0x20;
	_ =	swait.ge @!p1 [sflag:s25], $0x1400  }
0x28: {  	s23 =	simm.s32 $0x10;
	s22 =	sadd.s32 $0x14000, s9;
	[sflag:s25] =	ssyncset.done @!p1 $0x0  }
.LBB2_4:
0x29: {  	s26 =	sadd.s32 s23, s2;
	s23 =	smov.u32 s24;
	s24 =	sadd.s32 $0x10, s24  }
0x2a: {  	[sflag:s25] =	ssyncadd.s32 @!p1 $0xFFFFEC00;
	p2 =	sne.s32 s24, $0x100  }
.Ltmp1:
0x2b: {  	p1 =	sgt.u32 s26, $0xF9;
	(pc) =	sbr.rel @p2 .LBB2_4-.Ltmp1, $4  }
0x2c: {  	s26 =	simm.s32 @!p1 $0x8100;
	s25 =	simm.s32 @!p1 $0x3  }
0x2d: {  	[spmem:s22] =	stream.linear.scatter @!p1 [tilespmem:s26], [sflag:$0x3], $0x1400, $0x38;
	[tilespmem:$0x1CD80] =	vst v63  }
0x2e: {  	_ =	swait.ge @!p1 [sflag:s25], $0x1400  }
0x2f: {  	s22 =	sadd.s32 $0x14000, s22;
	[sflag:s25] =	ssyncset.done @!p1 $0x0  }
0x30: {  	s23 =	sadd.s32 s23, s2  }
0x31: {  	p2 =	sgt.u32 s23, $0xF9  }
0x32: {  	[sflag:s25] =	ssyncadd.s32 @!p1 $0xFFFFEC00;
	s23 =	simm.s32 @!p2 $0x8100;
	s24 =	simm.s32 @!p2 $0x3  }
0x33: {  	[spmem:s22] =	stream.linear.scatter @!p2 [tilespmem:s23], [sflag:$0x3], $0x1400, $0x38;
	[tilespmem:$0x1CD80] =	vst v63  }
0x34: {  	_ =	swait.ge @!p2 [sflag:s24], $0x1400  }
0x35: {  	[sflag:s24] =	ssyncset.done @!p2 $0x0  }
0x36: {  	[sflag:s24] =	ssyncadd.s32 @!p2 $0xFFFFEC00  }
0x37: {  	s30 =	simm.s32 $0x0;
	[bflag:$0x0] =	sbarrier.arrive $0xFFFF  }
0x38: {  	[tilespmem:s30], [sflag:$0x1] =	stream.linear.gather [hbm4b:s5+s30], $0x80, $0x38;
	[tilespmem:$0x1CD80] =	vst v63  }
0x39: {  	_ = 	snop  }
0x3a: {  	[tilespmem:s14], [sflag:$0x1] =	stream.linear.gather [hbm4b:s6+s30], $0x4000, $0x38;
	[tilespmem:$0x1CD80] =	vst v63  }
0x3b: {  	_ = 	snop  }
0x3c: {  	[tilespmem:s15], [sflag:$0x2] =	stream.linear.gather [hbm4b:s7+s30], $0x80, $0x38;
	[tilespmem:$0x1CD80] =	vst v63  }
0x3d: {  	_ = 	snop  }
0x3e: {  	[tilespmem:s16], [sflag:$0x2] =	stream.linear.gather [hbm4b:s8+s30], $0x4000, $0x38;
	[tilespmem:$0x1CD80] =	vst v63  }
0x3f: {  	_ =	swait.ge [sflag:s17], $0x80  }
0x40: {  	[sflag:s17] =	ssyncset.done $0x0  }
0x41: {  	[sflag:s17] =	ssyncadd.s32 $0xFFFFFF80  }
0x42: {  	_ =	swait.ge [sflag:s17], $0x4000  }
0x43: {  	[sflag:s17] =	ssyncset.done $0x0  }
0x44: {  	[sflag:s17] =	ssyncadd.s32 $0xFFFFC000  }
0x45: {  	[spmem:s1] =	stream.indirect.scatter.add.f32 [tilespmem:s14], [sflag:$0x3], $0x80, s30, s15, $0xb8;
	[tilespmem:$0x1CD80] =	vst v63  }
0x46: {  	_ =	swait.ge [sflag:s18], $0x4000  }
0x47: {  	s31 =	sadd.s32 $0x0, s10;
	[sflag:s18] =	ssyncset.done $0x0  }
0x48: {  	s22 =	sadd.s32 $0x400, s31;
	[sflag:s18] =	ssyncadd.s32 $0xFFFFC000  }
0x49: {  	[tilespmem:s3], [sflag:$0x1] =	stream.linear.gather [hbm4b:s22+s3], $0x80, $0x38;
	[tilespmem:$0x1CD80] =	vst v63  }
0x4a: {  	_ = 	snop  }
0x4b: {  	[tilespmem:s14], [sflag:$0x1] =	stream.linear.gather [hbm4b:s11+s3], $0x4000, $0x38;
	[tilespmem:$0x1CD80] =	vst v63  }
0x4c: {  	_ =	swait.ge [sflag:s19], $0x80  }
0x4d: {  	[sflag:s19] =	ssyncset.done $0x0  }
0x4e: {  	[sflag:s19] =	ssyncadd.s32 $0xFFFFFF80  }
0x4f: {  	_ =	swait.ge [sflag:s19], $0x4000  }
0x50: {  	[sflag:s19] =	ssyncset.done $0x0  }
0x51: {  	[sflag:s19] =	ssyncadd.s32 $0xFFFFC000  }
0x52: {  	[spmem:s1] =	stream.indirect.scatter.add.f32 [tilespmem:s16], [sflag:$0x4], $0x80, s15, s15, $0xb8;
	[tilespmem:$0x1CD80] =	vst v63  }
0x53: {  	p1 =	sgt.u32 s12, $0x4E1;
	_ =	swait.ge [sflag:s20], $0x4000  }
0x54: {  	s23 =	simm.s32 @!p1 $0x80;
	s22 =	sadd.s32 @!p1 $0x0, s10;
	[sflag:s20] =	ssyncset.done $0x0  }
0x55: {  	s24 =	simm.s32 @!p1 $0x0;
	s22 =	sadd.s32 @!p1 $0x600, s22;
	[sflag:s20] =	ssyncadd.s32 $0xFFFFC000  }
0x56: {  	[tilespmem:s23], [sflag:$0x2] =	stream.linear.gather @!p1 [hbm4b:s22+s24], $0x80, $0x38;
	[tilespmem:$0x1CD80] =	vst v63  }
0x57: {  	s22 =	sadd.s32 @!p1 $0x10000, s11;
	s23 =	simm.s32 @!p1 $0x4100  }
0x58: {  	[tilespmem:s23], [sflag:$0x2] =	stream.linear.gather @!p1 [hbm4b:s22+s24], $0x4000, $0x38;
	[tilespmem:$0x1CD80] =	vst v63  }
0x59: {  	_ =	swait.ge [sflag:s17], $0x80  }
0x5a: {  	[sflag:s17] =	ssyncset.done $0x0  }
0x5b: {  	[sflag:s17] =	ssyncadd.s32 $0xFFFFFF80  }
0x5c: {  	_ =	swait.ge [sflag:s17], $0x4000  }
0x5d: {  	[sflag:s17] =	ssyncset.done $0x0  }
0x5e: {  	s25 =	simm.s32 $0x800;
	[sflag:s17] =	ssyncadd.s32 $0xFFFFC000  }
0x5f: {  	[spmem:s1] =	stream.indirect.scatter.add.f32 [tilespmem:s14], [sflag:$0x3], $0x80, s3, s15, $0xb8;
	[tilespmem:$0x1CD80] =	vst v63  }
0x60: {  	s26 =	sadd.s32 $0x400, s10;
	s24 =	simm.s32 $0x400;
	_ =	swait.ge [sflag:s18], $0x4000  }
0x61: {  	s23 =	sadd.s32 $0x40, s12;
	s22 =	sadd.s32 $0x20000, s11;
	[sflag:s18] =	ssyncset.done $0x0  }
.LBB2_6:
0x62: {  	s26 =	sadd.s32 $0x400, s26  }
0x63: {  	[sflag:s18] =	ssyncadd.s32 $0xFFFFC000;
	s28 =	smov.u32 s25;
	s25 =	sadd.s32 $0x400, s25  }
0x64: {  	[tilespmem:s3], [sflag:$0x1] =	stream.linear.gather [hbm4b:s26+s3], $0x80, $0x38;
	[tilespmem:$0x1CD80] =	vst v63  }
0x65: {  	p1 =	sne.s32 s25, $0x4C00  }
0x66: {  	[tilespmem:s14], [sflag:$0x1] =	stream.linear.gather [hbm4b:s22+s3], $0x4000, $0x38;
	[tilespmem:$0x1CD80] =	vst v63  }
0x67: {  	_ =	swait.ge [sflag:s19], $0x80  }
0x68: {  	[sflag:s19] =	ssyncset.done $0x0  }
0x69: {  	[sflag:s19] =	ssyncadd.s32 $0xFFFFFF80  }
0x6a: {  	_ =	swait.ge [sflag:s19], $0x4000  }
0x6b: {  	[sflag:s19] =	ssyncset.done $0x0  }
0x6c: {  	[sflag:s19] =	ssyncadd.s32 $0xFFFFC000  }
0x6d: {  	[spmem:s1] =	stream.indirect.scatter.add.f32 [tilespmem:s16], [sflag:$0x4], $0x80, s15, s15, $0xb8;
	[tilespmem:$0x1CD80] =	vst v63  }
0x6e: {  	p2 =	sgt.u32 s23, $0x4E1;
	_ =	swait.ge [sflag:s20], $0x4000  }
0x6f: {  	s24 =	sadd.s32 @!p2 s24, s10;
	s26 =	simm.s32 @!p2 $0x80;
	[sflag:s20] =	ssyncset.done $0x0  }
0x70: {  	s29 =	simm.s32 @!p2 $0x0;
	s24 =	sadd.s32 @!p2 $0x600, s24;
	[sflag:s20] =	ssyncadd.s32 $0xFFFFC000  }
0x71: {  	[tilespmem:s26], [sflag:$0x2] =	stream.linear.gather @!p2 [hbm4b:s24+s29], $0x80, $0x38;
	[tilespmem:$0x1CD80] =	vst v63  }
0x72: {  	s30 =	simm.s32 @!p2 $0x4100;
	s26 =	sadd.s32 @!p2 $0x10000, s22;
	s24 =	smov.u32 s28  }
0x73: {  	[tilespmem:s30], [sflag:$0x2] =	stream.linear.gather @!p2 [hbm4b:s26+s29], $0x4000, $0x38;
	[tilespmem:$0x1CD80] =	vst v63  }
0x74: {  	_ =	swait.ge [sflag:s17], $0x80  }
0x75: {  	[sflag:s17] =	ssyncset.done $0x0  }
0x76: {  	[sflag:s17] =	ssyncadd.s32 $0xFFFFFF80  }
0x77: {  	_ =	swait.ge [sflag:s17], $0x4000  }
.Ltmp2:
0x78: {  	[sflag:s17] =	ssyncset.done $0x0;
	(pc) =	sbr.rel @p1 .LBB2_6-.Ltmp2, $4  }
0x79: {  	[sflag:s17] =	ssyncadd.s32 $0xFFFFC000  }
0x7a: {  	[spmem:s1] =	stream.indirect.scatter.add.f32 [tilespmem:s14], [sflag:$0x3], $0x80, s3, s15, $0xb8;
	[tilespmem:$0x1CD80] =	vst v63  }
0x7b: {  	s23 =	sadd.s32 $0x40, s23;
	_ =	swait.ge [sflag:s18], $0x4000  }
0x7c: {  	s22 =	sadd.s32 $0x20000, s22;
	s26 =	sadd.s32 s24, s10;
	[sflag:s18] =	ssyncset.done $0x0  }
0x7d: {  	s25 =	sadd.s32 $0x400, s26;
	[sflag:s18] =	ssyncadd.s32 $0xFFFFC000  }
0x7e: {  	[tilespmem:s3], [sflag:$0x1] =	stream.linear.gather [hbm4b:s25+s3], $0x80, $0x38;
	[tilespmem:$0x1CD80] =	vst v63  }
0x7f: {  	_ = 	snop  }
0x80: {  	[tilespmem:s14], [sflag:$0x1] =	stream.linear.gather [hbm4b:s22+s3], $0x4000, $0x38;
	[tilespmem:$0x1CD80] =	vst v63  }
0x81: {  	_ =	swait.ge [sflag:s19], $0x80  }
0x82: {  	[sflag:s19] =	ssyncset.done $0x0  }
0x83: {  	[sflag:s19] =	ssyncadd.s32 $0xFFFFFF80  }
0x84: {  	_ =	swait.ge [sflag:s19], $0x4000  }
0x85: {  	[sflag:s19] =	ssyncset.done $0x0  }
0x86: {  	[sflag:s19] =	ssyncadd.s32 $0xFFFFC000  }
0x87: {  	[spmem:s1] =	stream.indirect.scatter.add.f32 [tilespmem:s16], [sflag:$0x4], $0x80, s15, s15, $0xb8;
	[tilespmem:$0x1CD80] =	vst v63  }
0x88: {  	p1 =	sgt.u32 s23, $0x4E1;
	_ =	swait.ge [sflag:s20], $0x4000  }
0x89: {  	s23 =	sadd.s32 @!p1 s24, s10;
	s24 =	simm.s32 @!p1 $0x80;
	[sflag:s20] =	ssyncset.done $0x0  }
0x8a: {  	s25 =	simm.s32 @!p1 $0x0;
	s23 =	sadd.s32 @!p1 $0x600, s23;
	[sflag:s20] =	ssyncadd.s32 $0xFFFFC000  }
0x8b: {  	[tilespmem:s24], [sflag:$0x2] =	stream.linear.gather @!p1 [hbm4b:s23+s25], $0x80, $0x38;
	[tilespmem:$0x1CD80] =	vst v63  }
0x8c: {  	s22 =	sadd.s32 @!p1 $0x10000, s22;
	s23 =	simm.s32 @!p1 $0x4100  }
0x8d: {  	[tilespmem:s23], [sflag:$0x2] =	stream.linear.gather @!p1 [hbm4b:s22+s25], $0x4000, $0x38;
	[tilespmem:$0x1CD80] =	vst v63  }
0x8e: {  	_ =	swait.ge [sflag:s17], $0x80  }
0x8f: {  	[sflag:s17] =	ssyncset.done $0x0  }
0x90: {  	[sflag:s17] =	ssyncadd.s32 $0xFFFFFF80  }
0x91: {  	_ =	swait.ge [sflag:s17], $0x4000  }
0x92: {  	[sflag:s17] =	ssyncset.done $0x0  }
0x93: {  	[sflag:s17] =	ssyncadd.s32 $0xFFFFC000  }
0x94: {  	[spmem:s1] =	stream.indirect.scatter.add.f32 [tilespmem:s14], [sflag:$0x3], $0x80, s3, s15, $0xb8;
	[tilespmem:$0x1CD80] =	vst v63  }
0x95: {  	_ =	swait.ge [sflag:s18], $0x4000  }
0x96: {  	[sflag:s18] =	ssyncset.done $0x0  }
0x97: {  	s22 =	simm.s32 @!p0 $0x2;
	[sflag:s18] =	ssyncadd.s32 $0xFFFFC000  }
0x98: {  	_ =	swait.ge @!p0 [sflag:s22], $0x80  }
0x99: {  	[sflag:s22] =	ssyncset.done @!p0 $0x0  }
0x9a: {  	[sflag:s22] =	ssyncadd.s32 @!p0 $0xFFFFFF80  }
0x9b: {  	_ =	swait.ge @!p0 [sflag:s22], $0x4000  }
0x9c: {  	[sflag:s22] =	ssyncset.done @!p0 $0x0  }
0x9d: {  	s23 =	simm.s32 @!p0 $0x4100;
	[sflag:s22] =	ssyncadd.s32 @!p0 $0xFFFFC000;
	s22 =	simm.s32 @!p0 $0x80  }
0x9e: {  	[spmem:s1] =	stream.indirect.scatter.add.f32 @!p0 [tilespmem:s23], [sflag:$0x4], $0x80, s22, s22, $0xb8;
	[tilespmem:$0x1CD80] =	vst v63  }
0x9f: {  	s22 =	simm.s32 @!p0 $0x4  }
0xa0: {  	s30 =	sadd.s32 $0x0, s2;
	_ =	swait.ge @!p0 [sflag:s22], $0x4000  }
0xa1: {  	p1 =	sgt.u32 s30, $0xF9;
	[sflag:s22] =	ssyncset.done @!p0 $0x0  }
0xa2: {  	s24 =	simm.s32 @!p1 $0x4;
	[sflag:s22] =	ssyncadd.s32 @!p0 $0xFFFFC000  }
0xa3: {  	s22 =	simm.s32 @!p1 $0x8100;
	p1 =	por p1, p1;
	[bflag:$0x0] =	sbarrier.arrive $0xFFFF  }
0xa4: {  	[tilespmem:s22], [sflag:$0x4] =	stream.linear.gather @!p1 [spmem:s9], $0x1400, $0x38;
	[tilespmem:$0x1CD80] =	vst v63  }
0xa5: {  	_ =	swait.ge @!p1 [sflag:s24], $0x1400  }
0xa6: {  	s31 =	sadd.s32 $0x10, s2;
	[sflag:s24] =	ssyncset.done @!p1 $0x0  }
0xa7: {  	s25 =	simm.s32 @!p1 $0x3;
	[sflag:s24] =	ssyncadd.s32 @!p1 $0xFFFFEC00;
	s24 =	simm.s32 @!p1 $0x0  }
0xa8: {  	[hbm4b:s13+s24] =	stream.linear.scatter @!p1 [tilespmem:s22], [sflag:$0x3], $0x1400, $0x38;
	[tilespmem:$0x1CD80] =	vst v63  }
0xa9: {  	p2 =	sgt.u32 s31, $0xF9;
	s23 =	simm.s32 $0x20;
	_ =	swait.ge @!p1 [sflag:s25], $0x1400  }
0xaa: {  	s22 =	sadd.s32 $0x2800, s13;
	s24 =	sadd.s32 $0x14000, s9;
	[sflag:s25] =	ssyncset.done @!p1 $0x0  }
.LBB2_8:
0xab: {  	s26 =	simm.s32 @!p2 $0x8100;
	s28 =	simm.s32 @!p2 $0x4;
	[sflag:s25] =	ssyncadd.s32 @!p1 $0xFFFFEC00  }
0xac: {  	s29 =	smov.u32 s23;
	p1 =	por p2, p2;
	s23 =	sadd.s32 $0x10, s23  }
0xad: {  	[tilespmem:s26], [sflag:$0x4] =	stream.linear.gather @!p1 [spmem:s24], $0x1400, $0x38;
	[tilespmem:$0x1CD80] =	vst v63  }
0xae: {  	p3 =	sne.s32 s23, $0x100;
	_ =	swait.ge @!p1 [sflag:s28], $0x1400  }
.Ltmp3:
0xaf: {  	[sflag:s28] =	ssyncset.done @!p1 $0x0;
	(pc) =	sbr.rel @p3 .LBB2_8-.Ltmp3, $4  }
0xb0: {  	s25 =	simm.s32 @!p1 $0x3;
	[sflag:s28] =	ssyncadd.s32 @!p1 $0xFFFFEC00;
	s28 =	simm.s32 @!p1 $0x0  }
0xb1: {  	[hbm4b:s22+s28] =	stream.linear.scatter @!p1 [tilespmem:s26], [sflag:$0x3], $0x1400, $0x38;
	[tilespmem:$0x1CD80] =	vst v63  }
0xb2: {  	s26 =	sadd.s32 s29, s2;
	s22 =	sadd.s32 $0x2800, s22;
	_ =	swait.ge @!p1 [sflag:s25], $0x1400  }
0xb3: {  	s24 =	sadd.s32 $0x14000, s24;
	p2 =	sgt.u32 s26, $0xF9;
	[sflag:s25] =	ssyncset.done @!p1 $0x0  }
0xb4: {  	s23 =	simm.s32 @!p2 $0x8100  }
0xb5: {  	s26 =	simm.s32 @!p2 $0x4;
	[sflag:s25] =	ssyncadd.s32 @!p1 $0xFFFFEC00;
	p1 =	por p2, p2  }
0xb6: {  	[tilespmem:s23], [sflag:$0x4] =	stream.linear.gather @!p1 [spmem:s24], $0x1400, $0x38;
	[tilespmem:$0x1CD80] =	vst v63  }
0xb7: {  	s21 =	sadd.s32 $0x1, s21;
	_ =	swait.ge @!p1 [sflag:s26], $0x1400  }
0xb8: {  	s24 =	simm.s32 @!p1 $0x0;
	p2 =	sne.s32 s21, s4;
	[sflag:s26] =	ssyncset.done @!p1 $0x0  }
.Ltmp4:
0xb9: {  	s25 =	simm.s32 @!p1 $0x3;
	[sflag:s26] =	ssyncadd.s32 @!p1 $0xFFFFEC00;
	(pc) =	sbr.rel @p2 .LBB2_1-.Ltmp4, $4  }
0xba: {  	[hbm4b:s22+s24] =	stream.linear.scatter @!p1 [tilespmem:s23], [sflag:$0x3], $0x1400, $0x38;
	[tilespmem:$0x1CD80] =	vst v63  }
0xbb: {  	_ =	swait.ge @!p1 [sflag:s25], $0x1400  }
0xbc: {  	[sflag:s25] =	ssyncset.done @!p1 $0x0  }
0xbd: {  	[sflag:s25] =	ssyncadd.s32 @!p1 $0xFFFFEC00  }
0xbe: {  	_ =	sfence.sel $0x180000  }
0xbf: {  	[bflag:$0x0] =	sbarrier.arrive $0xFFFF  }
0xc0: {  	p0 =	sne.s32 s2, $0x0;
	_ =	strace $0x90000050  }
0xc1: {  	s0 =	sadd.s32 @!p0 $0x100000, s0;
	[bflag:$0x2] =	sbarrier.arrive $0xFFFF  }
0xc2: {  	[sflag:s0] =	ssyncadd.tile.s32 @!p0 $0x1;
	_ =	shalt  }
.Lfunc_end2:
_tile_overlayer_lowered:
.L_overlay_start_2:
0xc3: {  	(tag) =	ssettag $0x2  }
0xc4: {  	s0 =	rddreg [dreg:$0x0];
	s2 =	stileid.u32  }
0xc5: {  	s1 =	rddreg [dreg:$0x1];
	p0 =	sne.s32 s2, $0x0  }
0xc6: {  	s3 =	rddreg [dreg:$0x2];
	[bflag:$0x3] =	sbarrier.arrive $0xFFFF;
	s2 =	simm.s32 @!p0 $0x1C03  }
0xc7: {  	[timem:s3], [sflag:s2] =	dma.local @!p0 [hbm:s0], s1  }
0xc8: {  	s0 =	simm.s32 @!p0 $0x3  }
0xc9: {  	_ =	swait.ge @!p0 [sflag:s0], s1  }
0xca: {  	s1 =	ssub.s32 @!p0 $0x0, s1;
	[sflag:s0] =	ssyncset.done @!p0 $0x0  }
0xcb: {  	[sflag:s0] =	ssyncadd.s32 @!p0 s1  }
0xcc: {  	[bflag:$0x3] =	sbarrier.arrive $0xFFFF  }
0xcd: {  	_ =	shalt  }

// kernel: kernel.15.cloned.1.call-start
scs
__scs_entry_jumppad:
0x0: {  	(pc) =	sbr.rel $0x88, $3  }
0x1: {  	(tag) =	ssettag $0x0;
	lr =	simm.s32 $0x1  }
0x2: {  	[smem:$0x3F8E] =	sst lr;
	_ =	strace $0xD0000000  }
0x3: {  	_ = 	snop  }
0x4: {  	_ = 	snop  }
0x5: {  	_ = 	snop  }
0x6: {  	_ = 	snop  }
0x7: {  	_ = 	snop  }
__scs_overlays_trampoline_lowered:
0x8: {  	[smem:$0x3F9D] =	sst s0  }
0x9: {  	[smem:$0x3F9E] =	sst s1  }
0xa: {  	[smem:$0x3F9F] =	sst s2  }
0xb: {  	[smem:$0x3FA0] =	sst s3  }
0xc: {  	[smem:$0x3FA1] =	sst s4  }
0xd: {  	[smem:$0x3FA2] =	sst s5  }
0xe: {  	[smem:$0x3FA3] =	sst s6  }
0xf: {  	[smem:$0x3FA4] =	sst s7  }
0x10: {  	[smem:$0x3FA5] =	sst s8  }
0x11: {  	[smem:$0x3FA6] =	sst s9;
	s0 =	simm.s32 @!p0 $0x0  }
0x12: {  	s1 =	sld [smem:$0x3F8C];
	s0 =	simm.s32 @p0 $0x1  }
0x13: {  	[smem:$0x3FA7] =	sst s0;
	s0 =	simm.s32 @!p1 $0x0  }
0x14: {  	s2 =	sld [smem:$0x3F8B];
	s0 =	simm.s32 @p1 $0x1  }
0x15: {  	[smem:$0x3FA8] =	sst s0;
	s0 =	simm.s32 @!p2 $0x0  }
0x16: {  	s3 =	sld [smem:$0x3FDB];
	s0 =	simm.s32 @p2 $0x1  }
0x17: {  	s4 =	simm.s32 $0x1BF5;
	[smem:$0x3FAA] =	sst s0  }
0x18: {  	s0 =	sld [smem:$0x3F8D];
	_ =	swait.ge [sflag:s4], $0x0  }
0x19: {  	s7 =	sld [smem:$0x3F8E]  }
0x1a: {  	s8 =	sadd.s32 $0xFFFFE003, lr  }
0x1b: {  	s9 =	sadd.s32 $0xFFFFFEF7, lr;
	s5 =	simm.s32 $0xFFFFFFFF;
	p2 =	slt.u32 s8, $0xFFFFF086  }
0x1c: {  	p1 =	slt.u32 s9, $0xF7A;
	s5 =	simm.s32 @!p2 $0x0  }
0x1d: {  	s5 =	simm.s32 @p1 $0x1;
	p0 =	seq.s32 s7, s2  }
0x1e: {  	s7 =	smul.u32 @!p0 $0xF7A, s2;
	p2 =	seq.s32 @!p0 s5, $0x0  }
0x1f: {  	s9 =	smul.u32 $0xF7A, s1;
	s8 =	simm.s32 @!p0 $0x1BF5;
	p2 =	por !p2, p0  }
0x20: {  	[sflag:s8] =	ssyncset.s32 @!p0 $0xFFFFF086;
	s6 =	sadd.s32 @!p0 s3, s7;
	s7 =	simm.s32 @!p0 $0x108  }
0x21: {  	s3 =	sadd.s32 s3, s9;
	s6 =	sadd.s32 @!p0 $0x88, s6;
	s7 =	simm.s32 @p2 $0x1082  }
0x22: {  	[simem:s7], [sflag:s8] =	dma.local @!p0 [hbm:s6], $0xF7A  }
0x23: {  	s9 =	sor.u32 $0xD0000000, s2;
	s6 =	simm.s32 $0x108;
	_ =	swait.ge @!p0 [sflag:s8], $0x0  }
0x24: {  	s3 =	sadd.s32 $0x88, s3;
	s6 =	simm.s32 @!p1 $0x1082;
	[sflag:s4] =	ssyncset.s32 $0xFFFFF086  }
0x25: {  	[simem:s6], [sflag:s4] =	dma.local [hbm:s3], $0xF7A  }
0x26: {  	[smem:$0x3F8E] =	sst s1;
	(tag) =	ssettag s2;
	_ =	strace s9  }
0x27: {  	s1 =	sld [smem:$0x3F9E]  }
0x28: {  	s2 =	sld [smem:$0x3F9F]  }
0x29: {  	s4 =	sld [smem:$0x3FA1]  }
0x2a: {  	p0 =	seq.s32 s5, $0x0;
	s5 =	sld [smem:$0x3FA2]  }
0x2b: {  	s6 =	sld [smem:$0x3FA3]  }
0x2c: {  	s7 =	sld [smem:$0x3FA4]  }
0x2d: {  	s3 =	simm.s32 $0x108;
	s8 =	sld [smem:$0x3FA5]  }
0x2e: {  	s3 =	simm.s32 @!p0 $0x1082;
	s9 =	sld [smem:$0x3FA6]  }
0x2f: {  	lr =	sadd.s32 s0, s3;
	s0 =	sld [smem:$0x3F9D]  }
0x30: {  	s3 =	sld [smem:$0x3FA0]  }
0x31: {  	[smem:$0x3FA9] =	sst s10  }
0x32: {  	s10 =	sld [smem:$0x3FA7];
	_ =	sdelay $0x3  }
0x33: {  	p0 =	seq.s32 s10, $0x1;
	s10 =	sld [smem:$0x3FA9];
	_ =	sdelay $0x3  }
0x34: {  	[smem:$0x3FA9] =	sst s10  }
0x35: {  	s10 =	sld [smem:$0x3FA8];
	_ =	sdelay $0x3  }
0x36: {  	p1 =	seq.s32 s10, $0x1;
	s10 =	sld [smem:$0x3FA9];
	_ =	sdelay $0x3  }
0x37: {  	[smem:$0x3FA9] =	sst s10  }
0x38: {  	s10 =	sld [smem:$0x3FAA]  }
0x39: {  	_ = 	snop;
	(pc) =	sbr.ind lr, $3  }
0x3a: {  	_ = 	snop  }
0x3b: {  	_ = 	snop  }
0x3c: {  	p2 =	seq.s32 s10, $0x1;
	s10 =	sld [smem:$0x3FA9]  }
0x3d: {  	_ =	shalt  }
0x3e: {  	_ =	shalt  }
0x3f: {  	_ =	shalt  }
0x40: {  	_ =	shalt  }
0x41: {  	_ =	shalt  }
0x42: {  	_ =	shalt  }
0x43: {  	_ =	shalt  }
0x44: {  	_ =	shalt  }
0x45: {  	_ =	shalt  }
0x46: {  	_ =	shalt  }
0x47: {  	_ =	shalt  }
0x48: {  	_ =	shalt  }
0x49: {  	_ =	shalt  }
0x4a: {  	_ =	shalt  }
0x4b: {  	_ =	shalt  }
0x4c: {  	_ =	shalt  }
0x4d: {  	_ =	shalt  }
0x4e: {  	_ =	shalt  }
0x4f: {  	_ =	shalt  }
0x50: {  	_ =	shalt  }
0x51: {  	_ =	shalt  }
0x52: {  	_ =	shalt  }
0x53: {  	_ =	shalt  }
0x54: {  	_ =	shalt  }
0x55: {  	_ =	shalt  }
0x56: {  	_ =	shalt  }
0x57: {  	_ =	shalt  }
0x58: {  	_ =	shalt  }
0x59: {  	_ =	shalt  }
0x5a: {  	_ =	shalt  }
0x5b: {  	_ =	shalt  }
0x5c: {  	_ =	shalt  }
0x5d: {  	_ =	shalt  }
0x5e: {  	_ =	shalt  }
0x5f: {  	_ =	shalt  }
0x60: {  	_ =	shalt  }
0x61: {  	_ =	shalt  }
0x62: {  	_ =	shalt  }
0x63: {  	_ =	shalt  }
0x64: {  	_ =	shalt  }
0x65: {  	_ =	shalt  }
0x66: {  	_ =	shalt  }
0x67: {  	_ =	shalt  }
0x68: {  	_ =	shalt  }
0x69: {  	_ =	shalt  }
0x6a: {  	_ =	shalt  }
0x6b: {  	_ =	shalt  }
0x6c: {  	_ =	shalt  }
0x6d: {  	_ =	shalt  }
0x6e: {  	_ =	shalt  }
0x6f: {  	_ =	shalt  }
0x70: {  	_ =	shalt  }
0x71: {  	_ =	shalt  }
0x72: {  	_ =	shalt  }
0x73: {  	_ =	shalt  }
0x74: {  	_ =	shalt  }
0x75: {  	_ =	shalt  }
0x76: {  	_ =	shalt  }
0x77: {  	_ =	shalt  }
0x78: {  	_ =	shalt  }
0x79: {  	_ =	shalt  }
0x7a: {  	_ =	shalt  }
0x7b: {  	_ =	shalt  }
0x7c: {  	_ =	shalt  }
0x7d: {  	_ =	shalt  }
0x7e: {  	_ =	shalt  }
0x7f: {  	_ =	shalt  }
0x80: {  	_ =	shalt  }
0x81: {  	_ =	shalt  }
0x82: {  	_ =	shalt  }
0x83: {  	_ =	shalt  }
0x84: {  	_ =	shalt  }
0x85: {  	_ =	shalt  }
0x86: {  	_ =	shalt  }
0x87: {  	_ =	shalt  }
.Lfunc_end0:
.L_simem_size_0:
called_computation.2_lowered:
.L_overlay_start_0:
0x88: {  	s2 =	sld [smem:$0x3FD9]  }
0x89: {  	s3 =	sld [smem:$0x3FFE];
	_ =	sdelay $0x1  }
0x8a: {  	s1 =	srdreg.scid  }
0x8b: {  	s0 =	sand.u32 $0x1, s1  }
0x8c: {  	s14 =	sshll.u32 s0, $0xA;
	s2 =	sadd.s32 s3, s2  }
0x8d: {  	s2 =	sadd.s32 s2, s14  }
0x8e: {  	[smem:$0x3FB5] =	sst s2  }
0x8f: {  	_ = 	snop  }
0x90: {  	s2 =	sld [smem:$0x3FD0];
	_ =	sdelay $0x2  }
0x91: {  	s4 =	simm.s32 $0xB;
	s5 =	simm.s32 $0x10;
	s15 =	sld [smem:$0x3FC9]  }
0x92: {  	[smem:s5], [sflag:s4] =	dma.local [hbm:s2], $0x1  }
0x93: {  	_ =	swait.eq [sflag:s4], $0x1  }
0x94: {  	[sflag:s4] =	ssyncset.done $0x0  }
0x95: {  	[sflag:s4] =	ssyncadd.s32 $0xFFFFFFFF  }
0x96: {  	s16 =	sld [smem:$0x10];
	(tm) =	ssettm $0x1  }
0x97: {  	s17 =	sld [smem:$0x3FFB];
	_ =	sdelay $0x3  }
0x98: {  	_ =	strace s17  }
0x99: {  	s4 =	sld [smem:$0x3FFC];
	_ =	sdelay $0x3  }
0x9a: {  	_ =	strace s4  }
0x9b: {  	s4 =	sld [smem:$0x3FFD];
	_ =	sdelay $0x3  }
0x9c: {  	_ =	strace s4  }
0x9d: {  	_ =	strace $0x8FFFFFFF  }
0x9e: {  	s18 =	sld [smem:$0x3FDB];
	_ =	sdelay $0x1  }
0x9f: {  	s19 =	simm.s32 $_scs_section_size  }
0xa0: {  	s6 =	simm.s32 $_size__tile_overlayer_lowered;
	s7 =	simm.s32 $_tile_overlayer_lowered  }
0xa1: {  	s22 =	simm.s32 $0x1BFF;
	s21 =	sshll.u32 s7, $0x1;
	s4 =	sadd.s32 s19, s18  }
0xa2: {  	s8 =	simm.s32 $0x0;
	s20 =	sshll.u32 s6, $0x1;
	s6 =	sadd.s32 s21, s4  }
0xa3: {  	[timem:s8], [sflag:s22] =	dma.local [hbm:s6], s20  }
0xa4: {  	_ =	swait.ge [sflag:s22], s20  }
0xa5: {  	s5 =	ssub.s32 $0x0, s20;
	[sflag:s22] =	ssyncset.done $0x0  }
0xa6: {  	[sflag:s22] =	ssyncadd.s32 s5;
	_ =	sdelay $0x1  }
0xa7: {  	s23 =	simm.s32 $0x1B8B  }
0xa8: {  	_ =	swait.ge [sflag:s23], $0x1  }
0xa9: {  	[sflag:s23] =	ssyncset.done $0x0  }
0xaa: {  	s25 =	simm.s32 $0x1B8E;
	s24 =	sld [smem:$0x3FFE];
	[sflag:s23] =	ssyncadd.s32 $0xFFFFFFFF  }
0xab: {  	s26 =	simm.s32 $execute0_lowered;
	[smem:$0x3FD2] =	sst s25  }
0xac: {  	s6 =	sshll.u32 s26, $0x1;
	_ =	strace $0x80000046;
	[dreg:$0x1] =	wrdreg $0xFFFFFFFF  }
0xad: {  	s28 =	simm.s32 $_size_execute0_lowered;
	s4 =	sadd.s32 s4, s6;
	[dreg:$0x0] =	wrdreg $0x0  }
0xae: {  	s6 =	sshll.u32 s28, $0x1;
	[dreg:$0x2] =	wrdreg s4  }
0xaf: {  	[dreg:$0x3] =	wrdreg s6  }
0xb0: {  	[dreg:$0x4] =	wrdreg $0xC0  }
0xb1: {  	_ =	task [dreg:s8], $0x5FFFF  }
0xb2: {  	[dreg:$0x1] =	wrdreg $0xFFFFFFFF  }
0xb3: {  	[dreg:$0x0] =	wrdreg $0x60  }
0xb4: {  	[dreg:$0x2] =	wrdreg s15  }
0xb5: {  	[dreg:$0x3] =	wrdreg s24  }
0xb6: {  	[dreg:$0x4] =	wrdreg s16  }
0xb7: {  	[dreg:$0x5] =	wrdreg $0xA  }
0xb8: {  	_ =	task.clear_ibuf [dreg:s8], $0x6FFFF;
	_ =	strace $0x90000046  }
0xb9: {  	s29 =	simm.s32 $0xA;
	_ =	strace $0x80000048  }
0xba: {  	_ =	swait.ge [sflag:s29], $0x1  }
0xbb: {  	[sflag:s29] =	ssyncadd.s32 $0xFFFFFFFF  }
0xbc: {  	_ =	strace $0x90000048  }
0xbd: {  	_ =	sfence  }
0xbe: {  	s30 =	sld [smem:$0x0];
	_ =	sdelay $0x2  }
0xbf: {  	s31 =	sshll.u32 s1, $0xD;
	s1 =	sshrl.u32 s1, $0x2  }
0xc0: {  	s3 =	sand.u32 $0x4000, s31;
	s1 =	sadd.s32 s1, s30  }
0xc1: {  	s0 =	sor.u32 s3, s0;
	s1 =	sshll.u32 s1, $0x11  }
0xc2: {  	s0 =	sor.u32 s1, s0  }
0xc3: {  	s0 =	sadd.s32 $0x8F2B, s0  }
0xc4: {  	[sflag:s0] =	ssyncadd.remote.s32 $0x1  }
0xc5: {  	_ =	sfence.sel $0xFFFF  }
0xc6: {  	[dreg:$0x0] =	wrdreg $0xFFFFFFFF;
	(pc) =	sbr.abs _section_cstart, $3  }
0xc7: {  	[dreg:$0x1] =	wrdreg $0xFFFFFFFF  }
0xc8: {  	_ =	task.clear_ibuf [dreg:s8], $0x2FFFF;
	_ =	strace $0x9FFFFFFF  }
0xc9: {  	(tm) =	ssettm $0x7FFFFFFF  }
tec
execute0_lowered:
.L_overlay_start_1:
0x0: {  	(tag) =	ssettag $0x1  }
0x1: {  	s1 =	rddreg [dreg:$0x0]  }
0x2: {  	s5 =	rddreg [dreg:$0x1]  }
0x3: {  	s9 =	rddreg [dreg:$0x2];
	s3 =	simm.s32 $0x0  }
0x4: {  	s2 =	stileid.u32;
	s4 =	srdreg.scid;
	s15 =	simm.s32 $0x3  }
0x5: {  	s16 =	simm.s32 $0x180;
	s17 =	simm.s32 $0x4200;
	s18 =	simm.s32 $0xC200  }
0x6: {  	s19 =	simm.s32 $0x1;
	s20 =	simm.s32 $0x200;
	s21 =	simm.s32 $0x8200  }
0x7: {  	s22 =	simm.s32 $0x0;
	[smem:$0x7FF] =	sst s3;
	s10 =	sshll.u32 s2, $0x5  }
0x8: {  	s11 =	sand.u32 $0x1, s4;
	s4 =	sadd.s32 $0xD600, s5;
	s14 =	sshll.u32 s2, $0xC  }
0x9: {  	_ =	strace $0x80000047;
	s12 =	sadd.s32 s10, s5;
	s6 =	ssub.s32 $0x2, s11  }
0xa: {  	s5 =	sadd.s32 $0x27E600, s5;
	s13 =	sshll.u32 s11, $0x4;
	s8 =	sor.u32 $0x20, s11  }
.Ltmp0:
0xb: {  	s10 =	sadd.s32 s10, s9;
	s11 =	sshll.u32 s11, $0xB;
	(pc) =	sbr.rel .LBB2_1-.Ltmp0, $4  }
0xc: {  	s7 =	sshrl.u32 s6, $0x1;
	s12 =	sadd.s32 s13, s12;
	s10 =	sadd.s32 s13, s10  }
0xd: {  	s31 =	sor.u32 s11, s14;
	s14 =	simm.s32 $0x80;
	s7 =	ssub.s32 s6, s7  }
0xe: {  	s6 =	sshll.u32 s2, $0x1;
	s9 =	sadd.s32 $0x3800, s12;
	s11 =	sadd.s32 s31, s4  }
0xf: {  	s12 =	sadd.s32 s31, s5;
	s13 =	sor.u32 $0x1FFF0000, s31;
	s7 =	smax.u32 s7, $0x1  }
.LBB2_7:
0x10: {  	s22 =	sadd.s32 $0x1, s22  }
0x11: {  	p0 =	sne.s32 s22, s7  }
.Ltmp1:
0x12: {  	_ = 	snop;
	(pc) =	sbr.rel @!p0 .LBB2_8-.Ltmp1, $1  }
0x13: {  	_ =	sdelay $0x3  }
.LBB2_1:
.Ltmp2:
0x14: {  	(pc) =	sbr.rel .LBB2_2-.Ltmp2, $3  }
0x15: {  	_ =	sdelay $0x1  }
0x16: {  	s23 =	smov.u32 s13;
	s24 =	smov.u32 s12  }
0x17: {  	s25 =	smov.u32 s11;
	s26 =	smov.u32 s6;
	s28 =	simm.s32 $0x0  }
.LBB2_3:
0x18: {  	s0 =	sadd.s32 s28, s9  }
0x19: {  	s0 =	sadd.s32 $0x5020, s0  }
0x1a: {  	[tilespmem:s14], [sflag:$0x3] =	stream.linear.gather [hbm4b:s0+s3], $0x80, $0x38;
	[tilespmem:$0x10200] =	vst v63  }
0x1b: {  	_ =	swait.ge [sflag:s15], $0x80  }
0x1c: {  	s31 =	sadd.s32 s28, s10;
	[sflag:s15] =	ssyncset.done $0x0  }
0x1d: {  	s0 =	sadd.s32 $0x5020, s31;
	[sflag:s15] =	ssyncadd.s32 $0xFFFFFF80  }
0x1e: {  	[tilespmem:s16], [sflag:$0x3] =	stream.linear.gather [hbm4b:s0+s3], $0x80, $0x38;
	[tilespmem:$0x10200] =	vst v63  }
0x1f: {  	_ =	swait.ge [sflag:s15], $0x80  }
0x20: {  	[sflag:s15] =	ssyncset.done $0x0  }
0x21: {  	[sflag:s15] =	ssyncadd.s32 $0xFFFFFF80  }
0x22: {  	[tilespmem:s17], [sflag:$0x2] =	stream.indirect.gather [hbm4b:s1+s14], $0x80, s14, s14, $0xb8;
	[tilespmem:$0x10200] =	vst v63  }
0x23: {  	_ = 	snop  }
0x24: {  	[tilespmem:s18], [sflag:$0x2] =	stream.indirect.gather [hbm4b:s1+s14], $0x80, s16, s14, $0xb8;
	[tilespmem:$0x10200] =	vst v63  }
.LBB2_5:
0x25: {  	_ =	swait.ge [sflag:s19], $0x4000  }
0x26: {  	[sflag:s19] =	ssyncset.done $0x0  }
0x27: {  	[sflag:s19] =	ssyncadd.s32 $0xFFFFC000  }
0x28: {  	_ =	swait.ge [sflag:s19], $0x4000  }
0x29: {  	[sflag:s19] =	ssyncset.done $0x0  }
0x2a: {  	[sflag:s19] =	ssyncadd.s32 $0xFFFFC000  }
0x2b: {  	[hbm4b:s25+s3] =	stream.linear.scatter [tilespmem:s20], [sflag:$0x1], $0x4000, $0x38;
	[tilespmem:$0x10200] =	vst v63  }
0x2c: {  	_ = 	snop  }
0x2d: {  	[hbm4b:s24+s3] =	stream.linear.scatter [tilespmem:s21], [sflag:$0x1], $0x4000, $0x38;
	[tilespmem:$0x10200] =	vst v63  }
.LBB2_6:
0x2e: {  	s28 =	sadd.s32 $0x400, s28  }
0x2f: {  	p0 =	sne.s32 s28, $0x5800  }
.Ltmp3:
0x30: {  	_ = 	snop;
	(pc) =	sbr.rel @!p0 .LBB2_7-.Ltmp3, $3  }
0x31: {  	_ =	sdelay $0x1  }
0x32: {  	s26 =	sadd.s32 $0x40, s26  }
0x33: {  	s25 =	sadd.s32 $0x20000, s25;
	s24 =	sadd.s32 $0x20000, s24;
	s23 =	sadd.s32 $0x20000, s23  }
.LBB2_2:
0x34: {  	p0 =	seq.s32 s28, $0x0  }
0x35: {  	p1 =	sgt.u32 @!p0 s26, $0x521  }
0x36: {  	p2 =	por p1, p0  }
0x37: {  	s29 =	simm.s32 @!p2 $0x1  }
0x38: {  	_ =	swait.ge @!p2 [sflag:s29], $0x4000  }
0x39: {  	[sflag:s29] =	ssyncset.done @!p2 $0x0  }
0x3a: {  	[sflag:s29] =	ssyncadd.s32 @!p2 $0xFFFFC000  }
0x3b: {  	p1 =	sgt.u32 s26, $0x4E1;
	_ =	swait.ge @!p2 [sflag:s29], $0x4000  }
0x3c: {  	s30 =	sadd.s32 @!p1 s28, s9;
	[sflag:s29] =	ssyncset.done @!p2 $0x0  }
0x3d: {  	[sflag:s29] =	ssyncadd.s32 @!p2 $0xFFFFC000;
	s29 =	sadd.s32 @!p1 $0x4E20, s30;
	s30 =	simm.s32 @!p1 $0x0  }
0x3e: {  	[tilespmem:s30], [sflag:$0x3] =	stream.linear.gather @!p1 [hbm4b:s29+s30], $0x80, $0x38;
	[tilespmem:$0x10200] =	vst v63  }
0x3f: {  	s29 =	simm.s32 @!p1 $0x3  }
0x40: {  	_ =	swait.ge @!p1 [sflag:s29], $0x80  }
0x41: {  	s31 =	sadd.s32 @!p1 s28, s10;
	[sflag:s29] =	ssyncset.done @!p1 $0x0  }
0x42: {  	s0 =	simm.s32 @!p1 $0x100;
	s31 =	sadd.s32 @!p1 $0x4E20, s31;
	[sflag:s29] =	ssyncadd.s32 @!p1 $0xFFFFFF80  }
0x43: {  	[tilespmem:s0], [sflag:$0x3] =	stream.linear.gather @!p1 [hbm4b:s31+s30], $0x80, $0x38;
	[tilespmem:$0x10200] =	vst v63  }
0x44: {  	_ =	swait.ge @!p1 [sflag:s29], $0x80  }
0x45: {  	[sflag:s29] =	ssyncset.done @!p1 $0x0  }
0x46: {  	s31 =	simm.s32 @!p1 $0x200;
	[sflag:s29] =	ssyncadd.s32 @!p1 $0xFFFFFF80;
	s29 =	simm.s32 @!p1 $0x80  }
0x47: {  	[tilespmem:s31], [sflag:$0x1] =	stream.indirect.gather @!p1 [hbm4b:s1+s29], $0x80, s30, s29, $0xb8;
	[tilespmem:$0x10200] =	vst v63  }
0x48: {  	s30 =	simm.s32 @!p1 $0x8200  }
0x49: {  	[tilespmem:s30], [sflag:$0x1] =	stream.indirect.gather @!p1 [hbm4b:s1+s29], $0x80, s0, s29, $0xb8;
	[tilespmem:$0x10200] =	vst v63  }
0x4a: {  	p1 =	sgt.u32 @!p0 s26, $0x501  }
0x4b: {  	p1 =	por p1, p0  }
0x4c: {  	s0 =	simm.s32 @!p1 $0x2  }
0x4d: {  	_ =	swait.ge @!p1 [sflag:s0], $0x4000  }
0x4e: {  	[sflag:s0] =	ssyncset.done @!p1 $0x0  }
0x4f: {  	[sflag:s0] =	ssyncadd.s32 @!p1 $0xFFFFC000  }
0x50: {  	_ =	swait.ge @!p1 [sflag:s0], $0x4000  }
0x51: {  	[sflag:s0] =	ssyncset.done @!p1 $0x0  }
0x52: {  	[sflag:s0] =	ssyncadd.s32 @!p1 $0xFFFFC000;
	s0 =	sand.u32 @!p1 $0x1FFFF800, s23  }
0x53: {  	s30 =	simm.s32 @!p1 $0x0;
	s31 =	simm.s32 @!p1 $0x4200;
	s29 =	sadd.s32 @!p1 s4, s0  }
0x54: {  	[hbm4b:s29+s30] =	stream.linear.scatter @!p1 [tilespmem:s31], [sflag:$0x2], $0x4000, $0x38;
	[tilespmem:$0x10200] =	vst v63  }
0x55: {  	s0 =	sadd.s32 @!p1 s5, s0;
	s29 =	simm.s32 @!p1 $0xC200  }
0x56: {  	[hbm4b:s0+s30] =	stream.linear.scatter @!p1 [tilespmem:s29], [sflag:$0x2], $0x4000, $0x38;
	[tilespmem:$0x10200] =	vst v63  }
0x57: {  	s29 =	sadd.s32 s26, s8  }
0x58: {  	p1 =	sgt.u32 @!p0 s29, $0x521  }
0x59: {  	p0 =	por p1, p0  }
0x5a: {  	s0 =	simm.s32 @!p0 $0x2  }
0x5b: {  	p1 =	sgt.u32 s29, $0x4E1;
	_ =	swait.ge @!p0 [sflag:s0], $0x4000  }
.Ltmp4:
0x5c: {  	[sflag:s0] =	ssyncset.done @!p0 $0x0;
	(pc) =	sbr.rel @!p1 .LBB2_3-.Ltmp4, $4  }
0x5d: {  	[sflag:s0] =	ssyncadd.s32 @!p0 $0xFFFFC000  }
0x5e: {  	_ =	swait.ge @!p0 [sflag:s0], $0x4000  }
0x5f: {  	[sflag:s0] =	ssyncset.done @!p0 $0x0  }
0x60: {  	[sflag:s0] =	ssyncadd.s32 @!p0 $0xFFFFC000  }
0x61: {  	p0 =	sgt.u32 s29, $0x501  }
.Ltmp5:
0x62: {  	_ = 	snop;
	(pc) =	sbr.rel @p0 .LBB2_6-.Ltmp5, $4  }
.Ltmp6:
0x63: {  	_ = 	snop;
	(pc) =	sbr.rel @!p0 .LBB2_5-.Ltmp6, $4  }
0x64: {  	_ = 	snop  }
0x65: {  	_ = 	snop  }
0x66: {  	_ = 	snop  }
0x67: {  	_ = 	snop  }
.LBB2_8:
0x68: {  	_ =	sfence.sel $0x180000  }
0x69: {  	[bflag:$0x0] =	sbarrier.arrive $0xFFFF  }
0x6a: {  	_ =	strace $0x90000047  }
0x6b: {  	[bflag:$0x2] =	sbarrier.arrive $0xFFFF  }
0x6c: {  	p0 =	sne.s32 s2, $0x0;
	s0 =	rddreg [dreg:$0x3]  }
0x6d: {  	s0 =	sadd.s32 @!p0 $0x100000, s0  }
0x6e: {  	[sflag:s0] =	ssyncadd.tile.s32 @!p0 $0x1;
	_ =	shalt  }
.Lfunc_end2:
_tile_overlayer_lowered:
.L_overlay_start_2:
0x6f: {  	(tag) =	ssettag $0x2  }
0x70: {  	s0 =	rddreg [dreg:$0x0];
	s2 =	stileid.u32  }
0x71: {  	s1 =	rddreg [dreg:$0x1];
	p0 =	sne.s32 s2, $0x0  }
0x72: {  	s3 =	rddreg [dreg:$0x2];
	[bflag:$0x3] =	sbarrier.arrive $0xFFFF;
	s2 =	simm.s32 @!p0 $0x1C03  }
0x73: {  	[timem:s3], [sflag:s2] =	dma.local @!p0 [hbm:s0], s1  }
0x74: {  	s0 =	simm.s32 @!p0 $0x3  }
0x75: {  	_ =	swait.ge @!p0 [sflag:s0], s1  }
0x76: {  	s1 =	ssub.s32 @!p0 $0x0, s1;
	[sflag:s0] =	ssyncset.done @!p0 $0x0  }
0x77: {  	[sflag:s0] =	ssyncadd.s32 @!p0 s1  }
0x78: {  	[bflag:$0x3] =	sbarrier.arrive $0xFFFF  }
0x79: {  	_ =	shalt  }

// kernel: kernel.18.cloned.1.call-start
scs
__scs_entry_jumppad:
0x0: {  	(pc) =	sbr.rel $0x88, $3  }
0x1: {  	(tag) =	ssettag $0x0;
	lr =	simm.s32 $0x1  }
0x2: {  	[smem:$0x3F8E] =	sst lr;
	_ =	strace $0xD0000000  }
0x3: {  	_ = 	snop  }
0x4: {  	_ = 	snop  }
0x5: {  	_ = 	snop  }
0x6: {  	_ = 	snop  }
0x7: {  	_ = 	snop  }
__scs_overlays_trampoline_lowered:
0x8: {  	[smem:$0x3F9D] =	sst s0  }
0x9: {  	[smem:$0x3F9E] =	sst s1  }
0xa: {  	[smem:$0x3F9F] =	sst s2  }
0xb: {  	[smem:$0x3FA0] =	sst s3  }
0xc: {  	[smem:$0x3FA1] =	sst s4  }
0xd: {  	[smem:$0x3FA2] =	sst s5  }
0xe: {  	[smem:$0x3FA3] =	sst s6  }
0xf: {  	[smem:$0x3FA4] =	sst s7  }
0x10: {  	[smem:$0x3FA5] =	sst s8  }
0x11: {  	[smem:$0x3FA6] =	sst s9;
	s0 =	simm.s32 @!p0 $0x0  }
0x12: {  	s1 =	sld [smem:$0x3F8C];
	s0 =	simm.s32 @p0 $0x1  }
0x13: {  	[smem:$0x3FA7] =	sst s0;
	s0 =	simm.s32 @!p1 $0x0  }
0x14: {  	s2 =	sld [smem:$0x3F8B];
	s0 =	simm.s32 @p1 $0x1  }
0x15: {  	[smem:$0x3FA8] =	sst s0;
	s0 =	simm.s32 @!p2 $0x0  }
0x16: {  	s3 =	sld [smem:$0x3FDB];
	s0 =	simm.s32 @p2 $0x1  }
0x17: {  	s4 =	simm.s32 $0x1BF5;
	[smem:$0x3FAA] =	sst s0  }
0x18: {  	s0 =	sld [smem:$0x3F8D];
	_ =	swait.ge [sflag:s4], $0x0  }
0x19: {  	s7 =	sld [smem:$0x3F8E]  }
0x1a: {  	s8 =	sadd.s32 $0xFFFFE003, lr  }
0x1b: {  	s9 =	sadd.s32 $0xFFFFFEF7, lr;
	s5 =	simm.s32 $0xFFFFFFFF;
	p2 =	slt.u32 s8, $0xFFFFF086  }
0x1c: {  	p1 =	slt.u32 s9, $0xF7A;
	s5 =	simm.s32 @!p2 $0x0  }
0x1d: {  	s5 =	simm.s32 @p1 $0x1;
	p0 =	seq.s32 s7, s2  }
0x1e: {  	s7 =	smul.u32 @!p0 $0xF7A, s2;
	p2 =	seq.s32 @!p0 s5, $0x0  }
0x1f: {  	s9 =	smul.u32 $0xF7A, s1;
	s8 =	simm.s32 @!p0 $0x1BF5;
	p2 =	por !p2, p0  }
0x20: {  	[sflag:s8] =	ssyncset.s32 @!p0 $0xFFFFF086;
	s6 =	sadd.s32 @!p0 s3, s7;
	s7 =	simm.s32 @!p0 $0x108  }
0x21: {  	s3 =	sadd.s32 s3, s9;
	s6 =	sadd.s32 @!p0 $0x88, s6;
	s7 =	simm.s32 @p2 $0x1082  }
0x22: {  	[simem:s7], [sflag:s8] =	dma.local @!p0 [hbm:s6], $0xF7A  }
0x23: {  	s9 =	sor.u32 $0xD0000000, s2;
	s6 =	simm.s32 $0x108;
	_ =	swait.ge @!p0 [sflag:s8], $0x0  }
0x24: {  	s3 =	sadd.s32 $0x88, s3;
	s6 =	simm.s32 @!p1 $0x1082;
	[sflag:s4] =	ssyncset.s32 $0xFFFFF086  }
0x25: {  	[simem:s6], [sflag:s4] =	dma.local [hbm:s3], $0xF7A  }
0x26: {  	[smem:$0x3F8E] =	sst s1;
	(tag) =	ssettag s2;
	_ =	strace s9  }
0x27: {  	s1 =	sld [smem:$0x3F9E]  }
0x28: {  	s2 =	sld [smem:$0x3F9F]  }
0x29: {  	s4 =	sld [smem:$0x3FA1]  }
0x2a: {  	p0 =	seq.s32 s5, $0x0;
	s5 =	sld [smem:$0x3FA2]  }
0x2b: {  	s6 =	sld [smem:$0x3FA3]  }
0x2c: {  	s7 =	sld [smem:$0x3FA4]  }
0x2d: {  	s3 =	simm.s32 $0x108;
	s8 =	sld [smem:$0x3FA5]  }
0x2e: {  	s3 =	simm.s32 @!p0 $0x1082;
	s9 =	sld [smem:$0x3FA6]  }
0x2f: {  	lr =	sadd.s32 s0, s3;
	s0 =	sld [smem:$0x3F9D]  }
0x30: {  	s3 =	sld [smem:$0x3FA0]  }
0x31: {  	[smem:$0x3FA9] =	sst s10  }
0x32: {  	s10 =	sld [smem:$0x3FA7];
	_ =	sdelay $0x3  }
0x33: {  	p0 =	seq.s32 s10, $0x1;
	s10 =	sld [smem:$0x3FA9];
	_ =	sdelay $0x3  }
0x34: {  	[smem:$0x3FA9] =	sst s10  }
0x35: {  	s10 =	sld [smem:$0x3FA8];
	_ =	sdelay $0x3  }
0x36: {  	p1 =	seq.s32 s10, $0x1;
	s10 =	sld [smem:$0x3FA9];
	_ =	sdelay $0x3  }
0x37: {  	[smem:$0x3FA9] =	sst s10  }
0x38: {  	s10 =	sld [smem:$0x3FAA]  }
0x39: {  	_ = 	snop;
	(pc) =	sbr.ind lr, $3  }
0x3a: {  	_ = 	snop  }
0x3b: {  	_ = 	snop  }
0x3c: {  	p2 =	seq.s32 s10, $0x1;
	s10 =	sld [smem:$0x3FA9]  }
0x3d: {  	_ =	shalt  }
0x3e: {  	_ =	shalt  }
0x3f: {  	_ =	shalt  }
0x40: {  	_ =	shalt  }
0x41: {  	_ =	shalt  }
0x42: {  	_ =	shalt  }
0x43: {  	_ =	shalt  }
0x44: {  	_ =	shalt  }
0x45: {  	_ =	shalt  }
0x46: {  	_ =	shalt  }
0x47: {  	_ =	shalt  }
0x48: {  	_ =	shalt  }
0x49: {  	_ =	shalt  }
0x4a: {  	_ =	shalt  }
0x4b: {  	_ =	shalt  }
0x4c: {  	_ =	shalt  }
0x4d: {  	_ =	shalt  }
0x4e: {  	_ =	shalt  }
0x4f: {  	_ =	shalt  }
0x50: {  	_ =	shalt  }
0x51: {  	_ =	shalt  }
0x52: {  	_ =	shalt  }
0x53: {  	_ =	shalt  }
0x54: {  	_ =	shalt  }
0x55: {  	_ =	shalt  }
0x56: {  	_ =	shalt  }
0x57: {  	_ =	shalt  }
0x58: {  	_ =	shalt  }
0x59: {  	_ =	shalt  }
0x5a: {  	_ =	shalt  }
0x5b: {  	_ =	shalt  }
0x5c: {  	_ =	shalt  }
0x5d: {  	_ =	shalt  }
0x5e: {  	_ =	shalt  }
0x5f: {  	_ =	shalt  }
0x60: {  	_ =	shalt  }
0x61: {  	_ =	shalt  }
0x62: {  	_ =	shalt  }
0x63: {  	_ =	shalt  }
0x64: {  	_ =	shalt  }
0x65: {  	_ =	shalt  }
0x66: {  	_ =	shalt  }
0x67: {  	_ =	shalt  }
0x68: {  	_ =	shalt  }
0x69: {  	_ =	shalt  }
0x6a: {  	_ =	shalt  }
0x6b: {  	_ =	shalt  }
0x6c: {  	_ =	shalt  }
0x6d: {  	_ =	shalt  }
0x6e: {  	_ =	shalt  }
0x6f: {  	_ =	shalt  }
0x70: {  	_ =	shalt  }
0x71: {  	_ =	shalt  }
0x72: {  	_ =	shalt  }
0x73: {  	_ =	shalt  }
0x74: {  	_ =	shalt  }
0x75: {  	_ =	shalt  }
0x76: {  	_ =	shalt  }
0x77: {  	_ =	shalt  }
0x78: {  	_ =	shalt  }
0x79: {  	_ =	shalt  }
0x7a: {  	_ =	shalt  }
0x7b: {  	_ =	shalt  }
0x7c: {  	_ =	shalt  }
0x7d: {  	_ =	shalt  }
0x7e: {  	_ =	shalt  }
0x7f: {  	_ =	shalt  }
0x80: {  	_ =	shalt  }
0x81: {  	_ =	shalt  }
0x82: {  	_ =	shalt  }
0x83: {  	_ =	shalt  }
0x84: {  	_ =	shalt  }
0x85: {  	_ =	shalt  }
0x86: {  	_ =	shalt  }
0x87: {  	_ =	shalt  }
.Lfunc_end0:
.L_simem_size_0:
called_computation.3_lowered:
.L_overlay_start_0:
0x88: {  	s2 =	sld [smem:$0x3FD9]  }
0x89: {  	s3 =	sld [smem:$0x3FFE];
	_ =	sdelay $0x1  }
0x8a: {  	s1 =	srdreg.scid  }
0x8b: {  	s0 =	sand.u32 $0x1, s1  }
0x8c: {  	s15 =	sshll.u32 s0, $0xA;
	s2 =	sadd.s32 s3, s2  }
0x8d: {  	s2 =	sadd.s32 s2, s15  }
0x8e: {  	[smem:$0x3FB5] =	sst s2  }
0x8f: {  	_ = 	snop  }
0x90: {  	s2 =	sld [smem:$0x3FD0];
	_ =	sdelay $0x2  }
0x91: {  	s16 =	simm.s32 $0xB;
	s4 =	simm.s32 $0x10  }
0x92: {  	[smem:s4], [sflag:s16] =	dma.local [hbm:s2], $0x1  }
0x93: {  	_ =	swait.eq [sflag:s16], $0x1  }
0x94: {  	[sflag:s16] =	ssyncset.done $0x0  }
0x95: {  	[sflag:s16] =	ssyncadd.s32 $0xFFFFFFFF  }
0x96: {  	s17 =	sld [smem:$0x10];
	(tm) =	ssettm $0x1  }
0x97: {  	s18 =	sld [smem:$0x3FFB];
	_ =	sdelay $0x3  }
0x98: {  	_ =	strace s18  }
0x99: {  	s2 =	sld [smem:$0x3FFC];
	_ =	sdelay $0x3  }
0x9a: {  	_ =	strace s2  }
0x9b: {  	s2 =	sld [smem:$0x3FFD];
	_ =	sdelay $0x3  }
0x9c: {  	_ =	strace s2  }
0x9d: {  	_ =	strace $0x8FFFFFFF  }
0x9e: {  	s19 =	sld [smem:$0x3FDB];
	_ =	sdelay $0x1  }
0x9f: {  	s20 =	simm.s32 $_scs_section_size  }
0xa0: {  	s5 =	simm.s32 $_size__tile_overlayer_lowered;
	s6 =	simm.s32 $_tile_overlayer_lowered  }
0xa1: {  	s7 =	simm.s32 $0x1BFF;
	s21 =	sshll.u32 s6, $0x1;
	s4 =	sadd.s32 s20, s19  }
0xa2: {  	s22 =	simm.s32 $0x0;
	s5 =	sshll.u32 s5, $0x1;
	s6 =	sadd.s32 s21, s4  }
0xa3: {  	[timem:s22], [sflag:s7] =	dma.local [hbm:s6], s5  }
0xa4: {  	_ =	swait.ge [sflag:s7], s5  }
0xa5: {  	s5 =	ssub.s32 $0x0, s5;
	[sflag:s7] =	ssyncset.done $0x0  }
0xa6: {  	[sflag:s7] =	ssyncadd.s32 s5;
	_ =	sdelay $0x1  }
0xa7: {  	s23 =	simm.s32 $0x1B8B  }
0xa8: {  	_ =	swait.ge [sflag:s23], $0x1  }
0xa9: {  	[sflag:s23] =	ssyncset.done $0x0  }
0xaa: {  	[sflag:s23] =	ssyncadd.s32 $0xFFFFFFFF  }
0xab: {  	s5 =	sld [smem:$0x0]  }
0xac: {  	s6 =	sand.u32 $0xFFFFFFFE, s1  }
0xad: {  	p0 =	sne.s32 s1, s6  }
0xae: {  	s6 =	sshll.u32 @p0 s6, $0xE  }
0xaf: {  	s6 =	sadd.s32 @p0 $0x11B8D, s6;
	s7 =	sshll.u32 @p0 s5, $0x11  }
0xb0: {  	s6 =	sor.u32 @p0 s7, s6  }
0xb1: {  	[sflag:s6] =	ssyncadd.remote.s32 @p0 $0x1;
	_ =	sdelay $0x1  }
0xb2: {  	s6 =	simm.s32 @p0 $0x1B8D  }
0xb3: {  	_ =	swait.eq @p0 [sflag:s6], $0x1  }
0xb4: {  	[sflag:s6] =	ssyncadd.s32 @p0 $0xFFFFFFFF  }
0xb5: {  	s7 =	sshll.u32 @!p0 s1, $0xE  }
0xb6: {  	s7 =	sor.u32 @!p0 $0x4000, s7;
	s6 =	simm.s32 @!p0 $0x1B8D  }
0xb7: {  	s5 =	sshll.u32 @!p0 s5, $0x11;
	s7 =	sadd.s32 @!p0 $0x11B8D, s7;
	_ =	swait.eq @!p0 [sflag:s6], $0x1  }
0xb8: {  	s5 =	sor.u32 @!p0 s5, s7;
	[sflag:s6] =	ssyncadd.s32 @!p0 $0xFFFFFFFF  }
0xb9: {  	s25 =	simm.s32 $0x1B8E;
	s24 =	sld [smem:$0x3FFE];
	[sflag:s5] =	ssyncadd.remote.s32 @!p0 $0x1  }
0xba: {  	s26 =	simm.s32 $execute0_lowered;
	[smem:$0x3FD2] =	sst s25  }
0xbb: {  	s6 =	sshll.u32 s26, $0x1;
	_ =	strace $0x8000004C;
	[dreg:$0x1] =	wrdreg $0xFFFFFFFF  }
0xbc: {  	s28 =	simm.s32 $_size_execute0_lowered;
	s4 =	sadd.s32 s4, s6;
	[dreg:$0x0] =	wrdreg $0x0  }
0xbd: {  	s6 =	sshll.u32 s28, $0x1;
	[dreg:$0x2] =	wrdreg s4  }
0xbe: {  	[dreg:$0x3] =	wrdreg s6  }
0xbf: {  	[dreg:$0x4] =	wrdreg $0xC0  }
0xc0: {  	_ =	task [dreg:s22], $0x5FFFF  }
0xc1: {  	[dreg:$0x1] =	wrdreg $0xFFFFFFFF  }
0xc2: {  	[dreg:$0x0] =	wrdreg $0x60  }
0xc3: {  	[dreg:$0x2] =	wrdreg s24  }
0xc4: {  	[dreg:$0x3] =	wrdreg s17  }
0xc5: {  	[dreg:$0x4] =	wrdreg $0x95000  }
0xc6: {  	[dreg:$0x5] =	wrdreg $0xA  }
0xc7: {  	_ =	task.clear_ibuf [dreg:s22], $0x6FFFF;
	_ =	strace $0x9000004C  }
0xc8: {  	s29 =	simm.s32 $0xA;
	_ =	strace $0x8000004E  }
0xc9: {  	_ =	swait.ge [sflag:s29], $0x1  }
0xca: {  	[sflag:s29] =	ssyncadd.s32 $0xFFFFFFFF  }
0xcb: {  	_ =	strace $0x9000004E  }
0xcc: {  	_ =	sfence  }
0xcd: {  	s30 =	sld [smem:$0x0];
	_ =	sdelay $0x2  }
0xce: {  	s31 =	sshll.u32 s1, $0xD;
	s1 =	sshrl.u32 s1, $0x2  }
0xcf: {  	s4 =	sand.u32 $0x4000, s31;
	s1 =	sadd.s32 s1, s30  }
0xd0: {  	s0 =	sor.u32 s4, s0;
	s1 =	sshll.u32 s1, $0x11  }
0xd1: {  	s0 =	sor.u32 s1, s0  }
0xd2: {  	s0 =	sadd.s32 $0x8F2B, s0  }
0xd3: {  	[sflag:s0] =	ssyncadd.remote.s32 $0x1  }
0xd4: {  	_ =	sfence.sel $0xFFFF  }
0xd5: {  	[dreg:$0x0] =	wrdreg $0xFFFFFFFF;
	(pc) =	sbr.abs _section_cstart, $3  }
0xd6: {  	[dreg:$0x1] =	wrdreg $0xFFFFFFFF  }
0xd7: {  	_ =	task.clear_ibuf [dreg:s22], $0x2FFFF;
	_ =	strace $0x9FFFFFFF  }
0xd8: {  	(tm) =	ssettm $0x7FFFFFFF  }
0xd9: {  	_ =	shalt  }
tec
execute0_lowered:
.L_overlay_start_1:
0x0: {  	(tag) =	ssettag $0x1  }
0x1: {  	s4 =	rddreg [dreg:$0x0]  }
0x2: {  	s9 =	rddreg [dreg:$0x1];
	s0 =	srdreg.scid  }
0x3: {  	s2 =	rddreg [dreg:$0x2];
	s1 =	stileid.u32  }
0x4: {  	s3 =	simm.s32 $0x0;
	s18 =	simm.s32 $0x3;
	s19 =	simm.s32 $0x2  }
0x5: {  	s20 =	simm.s32 $0x4;
	s10 =	sand.u32 $0x1, s0;
	s0 =	rddreg [dreg:$0x3]  }
0x6: {  	s6 =	smul.u32 $0x1400, s1;
	[smem:$0x7FF] =	sst s3;
	s11 =	sadd.s32 $0x9D1600, s4  }
0x7: {  	s12 =	sshll.u32 s1, $0x1;
	s25 =	sadd.s32 $0x4E20, s9;
	s29 =	smul.u32 $0x5000, s1  }
0x8: {  	s30 =	sshll.u32 s1, $0x5;
	s31 =	sshll.u32 s1, $0xC;
	s5 =	smul.u32 $0x138800, s10  }
0x9: {  	_ =	strace $0x8000004D;
	s23 =	ssub.s32 $0x2, s10;
	s14 =	sor.u32 s10, s12  }
0xa: {  	s21 =	sor.u32 $0x500, s12;
	s12 =	sadd.s32 s30, s9;
	s16 =	sshll.u32 s10, $0x4  }
0xb: {  	s17 =	sshll.u32 s10, $0xB;
	s7 =	sshrl.u32 s23, $0x1;
	s26 =	sshll.u32 s14, $0x4  }
0xc: {  	s28 =	sshll.u32 s14, $0xB;
	s8 =	sor.u32 $0x20, s14;
	s10 =	sadd.s32 s16, s12  }
0xd: {  	s12 =	sor.u32 $0x60, s14;
	s14 =	simm.s32 $0x100;
	s16 =	simm.s32 $0x4100  }
0xe: {  	p0 =	sgt.u32 s21, $0x501;
	s21 =	simm.s32 $0x0;
	s5 =	sadd.s32 s6, s5  }
0xf: {  	s24 =	ssub.s32 s23, s7;
	s6 =	sadd.s32 s11, s28;
	s15 =	sshll.u32 s8, $0x4  }
0x10: {  	s8 =	sshll.u32 s8, $0xB;
	s5 =	sshrl.u32 s5, $0x3;
	s7 =	sadd.s32 s15, s25  }
0x11: {  	s8 =	sadd.s32 s11, s8;
	s15 =	sshrl.u32 s29, $0x2;
	s11 =	sadd.s32 s31, s11  }
0x12: {  	s13 =	sadd.s32 s5, s4;
	s4 =	smax.u32 s24, $0x1;
	s5 =	sadd.s32 s26, s25  }
0x13: {  	s9 =	sadd.s32 s15, s2;
	s11 =	sadd.s32 s17, s11;
	s15 =	simm.s32 $0x80  }
0x14: {  	v0 =	vimm.f32 $0.0e+00;
	s17 =	simm.s32 $0x1;
	s11 =	sadd.s32 $0x20000, s11;
	s13 =	sadd.s32 $0xD600, s13  }
.LBB2_1:
0x15: {  	s22 =	simm.s32 $0x70;
	s23 =	simm.s32 $0x3C0  }
.LBB2_2:
0x16: {  	p1 =	sne.s32 s23, $0x4FC0;
	[tilespmem:s22+$0x8100] =	vst v0  }
0x17: {  	[tilespmem:s22+$0x8090] =	vst v0  }
0x18: {  	[tilespmem:s22+$0x80A0] =	vst v0  }
.Ltmp0:
0x19: {  	[tilespmem:s22+$0x80B0] =	vst v0;
	(pc) =	sbr.rel @p1 .LBB2_2-.Ltmp0, $4  }
0x1a: {  	[tilespmem:s22+$0x80C0] =	vst v0  }
0x1b: {  	[tilespmem:s22+$0x80D0] =	vst v0  }
0x1c: {  	[tilespmem:s22+$0x80E0] =	vst v0  }
0x1d: {  	[tilespmem:s22+$0x80F0] =	vst v0;
	s22 =	sshra.s32 s23, $0x2;
	s23 =	sadd.s32 $0x200, s23  }
0x1e: {  	[tilespmem:s22+$0x8100] =	vst v0  }
0x1f: {  	[tilespmem:s22+$0x8090] =	vst v0  }
0x20: {  	[tilespmem:s22+$0x80A0] =	vst v0  }
0x21: {  	[tilespmem:s22+$0x80B0] =	vst v0  }
0x22: {  	[tilespmem:s22+$0x80C0] =	vst v0  }
0x23: {  	[tilespmem:s22+$0x80D0] =	vst v0;
	s23 =	sadd.s32 $0x0, s1  }
0x24: {  	[tilespmem:s22+$0x80E0] =	vst v0;
	p1 =	sgt.u32 s23, $0xF9  }
0x25: {  	[tilespmem:s22+$0x80F0] =	vst v0;
	s22 =	simm.s32 @!p1 $0x8100;
	s25 =	simm.s32 @!p1 $0x3  }
0x26: {  	[spmem:s9] =	stream.linear.scatter @!p1 [tilespmem:s22], [sflag:$0x3], $0x1400, $0x38;
	[tilespmem:$0x1CD80] =	vst v63  }
0x27: {  	s24 =	simm.s32 $0x20;
	_ =	swait.ge @!p1 [sflag:s25], $0x1400  }
0x28: {  	s23 =	simm.s32 $0x10;
	s22 =	sadd.s32 $0x14000, s9;
	[sflag:s25] =	ssyncset.done @!p1 $0x0  }
.LBB2_4:
0x29: {  	s26 =	sadd.s32 s23, s1;
	s23 =	smov.u32 s24;
	s24 =	sadd.s32 $0x10, s24  }
0x2a: {  	[sflag:s25] =	ssyncadd.s32 @!p1 $0xFFFFEC00;
	p2 =	sne.s32 s24, $0x100  }
.Ltmp1:
0x2b: {  	p1 =	sgt.u32 s26, $0xF9;
	(pc) =	sbr.rel @p2 .LBB2_4-.Ltmp1, $4  }
0x2c: {  	s26 =	simm.s32 @!p1 $0x8100;
	s25 =	simm.s32 @!p1 $0x3  }
0x2d: {  	[spmem:s22] =	stream.linear.scatter @!p1 [tilespmem:s26], [sflag:$0x3], $0x1400, $0x38;
	[tilespmem:$0x1CD80] =	vst v63  }
0x2e: {  	_ =	swait.ge @!p1 [sflag:s25], $0x1400  }
0x2f: {  	s22 =	sadd.s32 $0x14000, s22;
	[sflag:s25] =	ssyncset.done @!p1 $0x0  }
0x30: {  	s23 =	sadd.s32 s23, s1  }
0x31: {  	p2 =	sgt.u32 s23, $0xF9  }
0x32: {  	[sflag:s25] =	ssyncadd.s32 @!p1 $0xFFFFEC00;
	s23 =	simm.s32 @!p2 $0x8100;
	s24 =	simm.s32 @!p2 $0x3  }
0x33: {  	[spmem:s22] =	stream.linear.scatter @!p2 [tilespmem:s23], [sflag:$0x3], $0x1400, $0x38;
	[tilespmem:$0x1CD80] =	vst v63  }
0x34: {  	_ =	swait.ge @!p2 [sflag:s24], $0x1400  }
0x35: {  	[sflag:s24] =	ssyncset.done @!p2 $0x0  }
0x36: {  	[sflag:s24] =	ssyncadd.s32 @!p2 $0xFFFFEC00  }
0x37: {  	s30 =	simm.s32 $0x0;
	[bflag:$0x0] =	sbarrier.arrive $0xFFFF  }
0x38: {  	[tilespmem:s30], [sflag:$0x1] =	stream.linear.gather [hbm4b:s5+s30], $0x80, $0x38;
	[tilespmem:$0x1CD80] =	vst v63  }
0x39: {  	_ = 	snop  }
0x3a: {  	[tilespmem:s14], [sflag:$0x1] =	stream.linear.gather [hbm4b:s6+s30], $0x4000, $0x38;
	[tilespmem:$0x1CD80] =	vst v63  }
0x3b: {  	_ = 	snop  }
0x3c: {  	[tilespmem:s15], [sflag:$0x2] =	stream.linear.gather [hbm4b:s7+s30], $0x80, $0x38;
	[tilespmem:$0x1CD80] =	vst v63  }
0x3d: {  	_ = 	snop  }
0x3e: {  	[tilespmem:s16], [sflag:$0x2] =	stream.linear.gather [hbm4b:s8+s30], $0x4000, $0x38;
	[tilespmem:$0x1CD80] =	vst v63  }
0x3f: {  	_ =	swait.ge [sflag:s17], $0x80  }
0x40: {  	[sflag:s17] =	ssyncset.done $0x0  }
0x41: {  	[sflag:s17] =	ssyncadd.s32 $0xFFFFFF80  }
0x42: {  	_ =	swait.ge [sflag:s17], $0x4000  }
0x43: {  	[sflag:s17] =	ssyncset.done $0x0  }
0x44: {  	[sflag:s17] =	ssyncadd.s32 $0xFFFFC000  }
0x45: {  	[spmem:s2] =	stream.indirect.scatter.add.f32 [tilespmem:s14], [sflag:$0x3], $0x80, s30, s15, $0xb8;
	[tilespmem:$0x1CD80] =	vst v63  }
0x46: {  	_ =	swait.ge [sflag:s18], $0x4000  }
0x47: {  	s31 =	sadd.s32 $0x0, s10;
	[sflag:s18] =	ssyncset.done $0x0  }
0x48: {  	s22 =	sadd.s32 $0x5220, s31;
	[sflag:s18] =	ssyncadd.s32 $0xFFFFC000  }
0x49: {  	[tilespmem:s3], [sflag:$0x1] =	stream.linear.gather [hbm4b:s22+s3], $0x80, $0x38;
	[tilespmem:$0x1CD80] =	vst v63  }
0x4a: {  	_ = 	snop  }
0x4b: {  	[tilespmem:s14], [sflag:$0x1] =	stream.linear.gather [hbm4b:s11+s3], $0x4000, $0x38;
	[tilespmem:$0x1CD80] =	vst v63  }
0x4c: {  	_ =	swait.ge [sflag:s19], $0x80  }
0x4d: {  	[sflag:s19] =	ssyncset.done $0x0  }
0x4e: {  	[sflag:s19] =	ssyncadd.s32 $0xFFFFFF80  }
0x4f: {  	_ =	swait.ge [sflag:s19], $0x4000  }
0x50: {  	[sflag:s19] =	ssyncset.done $0x0  }
0x51: {  	[sflag:s19] =	ssyncadd.s32 $0xFFFFC000  }
0x52: {  	[spmem:s2] =	stream.indirect.scatter.add.f32 [tilespmem:s16], [sflag:$0x4], $0x80, s15, s15, $0xb8;
	[tilespmem:$0x1CD80] =	vst v63  }
0x53: {  	p1 =	sgt.u32 s12, $0x4E1;
	_ =	swait.ge [sflag:s20], $0x4000  }
0x54: {  	s23 =	simm.s32 @!p1 $0x80;
	s22 =	sadd.s32 @!p1 $0x0, s10;
	[sflag:s20] =	ssyncset.done $0x0  }
0x55: {  	s24 =	simm.s32 @!p1 $0x0;
	s22 =	sadd.s32 @!p1 $0x5420, s22;
	[sflag:s20] =	ssyncadd.s32 $0xFFFFC000  }
0x56: {  	[tilespmem:s23], [sflag:$0x2] =	stream.linear.gather @!p1 [hbm4b:s22+s24], $0x80, $0x38;
	[tilespmem:$0x1CD80] =	vst v63  }
0x57: {  	s22 =	sadd.s32 @!p1 $0x10000, s11;
	s23 =	simm.s32 @!p1 $0x4100  }
0x58: {  	[tilespmem:s23], [sflag:$0x2] =	stream.linear.gather @!p1 [hbm4b:s22+s24], $0x4000, $0x38;
	[tilespmem:$0x1CD80] =	vst v63  }
0x59: {  	_ =	swait.ge [sflag:s17], $0x80  }
0x5a: {  	[sflag:s17] =	ssyncset.done $0x0  }
0x5b: {  	[sflag:s17] =	ssyncadd.s32 $0xFFFFFF80  }
0x5c: {  	_ =	swait.ge [sflag:s17], $0x4000  }
0x5d: {  	[sflag:s17] =	ssyncset.done $0x0  }
0x5e: {  	s25 =	simm.s32 $0x800;
	[sflag:s17] =	ssyncadd.s32 $0xFFFFC000  }
0x5f: {  	[spmem:s2] =	stream.indirect.scatter.add.f32 [tilespmem:s14], [sflag:$0x3], $0x80, s3, s15, $0xb8;
	[tilespmem:$0x1CD80] =	vst v63  }
0x60: {  	s26 =	sadd.s32 $0x400, s10;
	s24 =	simm.s32 $0x400;
	_ =	swait.ge [sflag:s18], $0x4000  }
0x61: {  	s23 =	sadd.s32 $0x40, s12;
	s22 =	sadd.s32 $0x20000, s11;
	[sflag:s18] =	ssyncset.done $0x0  }
.LBB2_6:
0x62: {  	s26 =	sadd.s32 $0x5220, s26  }
0x63: {  	[sflag:s18] =	ssyncadd.s32 $0xFFFFC000;
	s28 =	smov.u32 s25;
	s25 =	sadd.s32 $0x400, s25  }
0x64: {  	[tilespmem:s3], [sflag:$0x1] =	stream.linear.gather [hbm4b:s26+s3], $0x80, $0x38;
	[tilespmem:$0x1CD80] =	vst v63  }
0x65: {  	p1 =	sne.s32 s25, $0x4C00  }
0x66: {  	[tilespmem:s14], [sflag:$0x1] =	stream.linear.gather [hbm4b:s22+s3], $0x4000, $0x38;
	[tilespmem:$0x1CD80] =	vst v63  }
0x67: {  	_ =	swait.ge [sflag:s19], $0x80  }
0x68: {  	[sflag:s19] =	ssyncset.done $0x0  }
0x69: {  	[sflag:s19] =	ssyncadd.s32 $0xFFFFFF80  }
0x6a: {  	_ =	swait.ge [sflag:s19], $0x4000  }
0x6b: {  	[sflag:s19] =	ssyncset.done $0x0  }
0x6c: {  	[sflag:s19] =	ssyncadd.s32 $0xFFFFC000  }
0x6d: {  	[spmem:s2] =	stream.indirect.scatter.add.f32 [tilespmem:s16], [sflag:$0x4], $0x80, s15, s15, $0xb8;
	[tilespmem:$0x1CD80] =	vst v63  }
0x6e: {  	p2 =	sgt.u32 s23, $0x4E1;
	_ =	swait.ge [sflag:s20], $0x4000  }
0x6f: {  	s24 =	sadd.s32 @!p2 s24, s10;
	s26 =	simm.s32 @!p2 $0x80;
	[sflag:s20] =	ssyncset.done $0x0  }
0x70: {  	s29 =	simm.s32 @!p2 $0x0;
	s24 =	sadd.s32 @!p2 $0x5420, s24;
	[sflag:s20] =	ssyncadd.s32 $0xFFFFC000  }
0x71: {  	[tilespmem:s26], [sflag:$0x2] =	stream.linear.gather @!p2 [hbm4b:s24+s29], $0x80, $0x38;
	[tilespmem:$0x1CD80] =	vst v63  }
0x72: {  	s30 =	simm.s32 @!p2 $0x4100;
	s26 =	sadd.s32 @!p2 $0x10000, s22;
	s24 =	smov.u32 s28  }
0x73: {  	[tilespmem:s30], [sflag:$0x2] =	stream.linear.gather @!p2 [hbm4b:s26+s29], $0x4000, $0x38;
	[tilespmem:$0x1CD80] =	vst v63  }
0x74: {  	_ =	swait.ge [sflag:s17], $0x80  }
0x75: {  	[sflag:s17] =	ssyncset.done $0x0  }
0x76: {  	[sflag:s17] =	ssyncadd.s32 $0xFFFFFF80  }
0x77: {  	_ =	swait.ge [sflag:s17], $0x4000  }
.Ltmp2:
0x78: {  	[sflag:s17] =	ssyncset.done $0x0;
	(pc) =	sbr.rel @p1 .LBB2_6-.Ltmp2, $4  }
0x79: {  	[sflag:s17] =	ssyncadd.s32 $0xFFFFC000  }
0x7a: {  	[spmem:s2] =	stream.indirect.scatter.add.f32 [tilespmem:s14], [sflag:$0x3], $0x80, s3, s15, $0xb8;
	[tilespmem:$0x1CD80] =	vst v63  }
0x7b: {  	s23 =	sadd.s32 $0x40, s23;
	_ =	swait.ge [sflag:s18], $0x4000  }
0x7c: {  	s22 =	sadd.s32 $0x20000, s22;
	s26 =	sadd.s32 s24, s10;
	[sflag:s18] =	ssyncset.done $0x0  }
0x7d: {  	s25 =	sadd.s32 $0x5220, s26;
	[sflag:s18] =	ssyncadd.s32 $0xFFFFC000  }
0x7e: {  	[tilespmem:s3], [sflag:$0x1] =	stream.linear.gather [hbm4b:s25+s3], $0x80, $0x38;
	[tilespmem:$0x1CD80] =	vst v63  }
0x7f: {  	_ = 	snop  }
0x80: {  	[tilespmem:s14], [sflag:$0x1] =	stream.linear.gather [hbm4b:s22+s3], $0x4000, $0x38;
	[tilespmem:$0x1CD80] =	vst v63  }
0x81: {  	_ =	swait.ge [sflag:s19], $0x80  }
0x82: {  	[sflag:s19] =	ssyncset.done $0x0  }
0x83: {  	[sflag:s19] =	ssyncadd.s32 $0xFFFFFF80  }
0x84: {  	_ =	swait.ge [sflag:s19], $0x4000  }
0x85: {  	[sflag:s19] =	ssyncset.done $0x0  }
0x86: {  	[sflag:s19] =	ssyncadd.s32 $0xFFFFC000  }
0x87: {  	[spmem:s2] =	stream.indirect.scatter.add.f32 [tilespmem:s16], [sflag:$0x4], $0x80, s15, s15, $0xb8;
	[tilespmem:$0x1CD80] =	vst v63  }
0x88: {  	p1 =	sgt.u32 s23, $0x4E1;
	_ =	swait.ge [sflag:s20], $0x4000  }
0x89: {  	s23 =	sadd.s32 @!p1 s24, s10;
	s24 =	simm.s32 @!p1 $0x80;
	[sflag:s20] =	ssyncset.done $0x0  }
0x8a: {  	s25 =	simm.s32 @!p1 $0x0;
	s23 =	sadd.s32 @!p1 $0x5420, s23;
	[sflag:s20] =	ssyncadd.s32 $0xFFFFC000  }
0x8b: {  	[tilespmem:s24], [sflag:$0x2] =	stream.linear.gather @!p1 [hbm4b:s23+s25], $0x80, $0x38;
	[tilespmem:$0x1CD80] =	vst v63  }
0x8c: {  	s22 =	sadd.s32 @!p1 $0x10000, s22;
	s23 =	simm.s32 @!p1 $0x4100  }
0x8d: {  	[tilespmem:s23], [sflag:$0x2] =	stream.linear.gather @!p1 [hbm4b:s22+s25], $0x4000, $0x38;
	[tilespmem:$0x1CD80] =	vst v63  }
0x8e: {  	_ =	swait.ge [sflag:s17], $0x80  }
0x8f: {  	[sflag:s17] =	ssyncset.done $0x0  }
0x90: {  	[sflag:s17] =	ssyncadd.s32 $0xFFFFFF80  }
0x91: {  	_ =	swait.ge [sflag:s17], $0x4000  }
0x92: {  	[sflag:s17] =	ssyncset.done $0x0  }
0x93: {  	[sflag:s17] =	ssyncadd.s32 $0xFFFFC000  }
0x94: {  	[spmem:s2] =	stream.indirect.scatter.add.f32 [tilespmem:s14], [sflag:$0x3], $0x80, s3, s15, $0xb8;
	[tilespmem:$0x1CD80] =	vst v63  }
0x95: {  	_ =	swait.ge [sflag:s18], $0x4000  }
0x96: {  	[sflag:s18] =	ssyncset.done $0x0  }
0x97: {  	s22 =	simm.s32 @!p0 $0x2;
	[sflag:s18] =	ssyncadd.s32 $0xFFFFC000  }
0x98: {  	_ =	swait.ge @!p0 [sflag:s22], $0x80  }
0x99: {  	[sflag:s22] =	ssyncset.done @!p0 $0x0  }
0x9a: {  	[sflag:s22] =	ssyncadd.s32 @!p0 $0xFFFFFF80  }
0x9b: {  	_ =	swait.ge @!p0 [sflag:s22], $0x4000  }
0x9c: {  	[sflag:s22] =	ssyncset.done @!p0 $0x0  }
0x9d: {  	s23 =	simm.s32 @!p0 $0x4100;
	[sflag:s22] =	ssyncadd.s32 @!p0 $0xFFFFC000;
	s22 =	simm.s32 @!p0 $0x80  }
0x9e: {  	[spmem:s2] =	stream.indirect.scatter.add.f32 @!p0 [tilespmem:s23], [sflag:$0x4], $0x80, s22, s22, $0xb8;
	[tilespmem:$0x1CD80] =	vst v63  }
0x9f: {  	s22 =	simm.s32 @!p0 $0x4  }
0xa0: {  	s30 =	sadd.s32 $0x0, s1;
	_ =	swait.ge @!p0 [sflag:s22], $0x4000  }
0xa1: {  	p1 =	sgt.u32 s30, $0xF9;
	[sflag:s22] =	ssyncset.done @!p0 $0x0  }
0xa2: {  	s24 =	simm.s32 @!p1 $0x4;
	[sflag:s22] =	ssyncadd.s32 @!p0 $0xFFFFC000  }
0xa3: {  	s22 =	simm.s32 @!p1 $0x8100;
	p1 =	por p1, p1;
	[bflag:$0x0] =	sbarrier.arrive $0xFFFF  }
0xa4: {  	[tilespmem:s22], [sflag:$0x4] =	stream.linear.gather @!p1 [spmem:s9], $0x1400, $0x38;
	[tilespmem:$0x1CD80] =	vst v63  }
0xa5: {  	_ =	swait.ge @!p1 [sflag:s24], $0x1400  }
0xa6: {  	s31 =	sadd.s32 $0x10, s1;
	[sflag:s24] =	ssyncset.done @!p1 $0x0  }
0xa7: {  	s25 =	simm.s32 @!p1 $0x3;
	[sflag:s24] =	ssyncadd.s32 @!p1 $0xFFFFEC00;
	s24 =	simm.s32 @!p1 $0x0  }
0xa8: {  	[hbm4b:s13+s24] =	stream.linear.scatter @!p1 [tilespmem:s22], [sflag:$0x3], $0x1400, $0x38;
	[tilespmem:$0x1CD80] =	vst v63  }
0xa9: {  	p2 =	sgt.u32 s31, $0xF9;
	s23 =	simm.s32 $0x20;
	_ =	swait.ge @!p1 [sflag:s25], $0x1400  }
0xaa: {  	s22 =	sadd.s32 $0x2800, s13;
	s24 =	sadd.s32 $0x14000, s9;
	[sflag:s25] =	ssyncset.done @!p1 $0x0  }
.LBB2_8:
0xab: {  	s26 =	simm.s32 @!p2 $0x8100;
	s28 =	simm.s32 @!p2 $0x4;
	[sflag:s25] =	ssyncadd.s32 @!p1 $0xFFFFEC00  }
0xac: {  	s29 =	smov.u32 s23;
	p1 =	por p2, p2;
	s23 =	sadd.s32 $0x10, s23  }
0xad: {  	[tilespmem:s26], [sflag:$0x4] =	stream.linear.gather @!p1 [spmem:s24], $0x1400, $0x38;
	[tilespmem:$0x1CD80] =	vst v63  }
0xae: {  	p3 =	sne.s32 s23, $0x100;
	_ =	swait.ge @!p1 [sflag:s28], $0x1400  }
.Ltmp3:
0xaf: {  	[sflag:s28] =	ssyncset.done @!p1 $0x0;
	(pc) =	sbr.rel @p3 .LBB2_8-.Ltmp3, $4  }
0xb0: {  	s25 =	simm.s32 @!p1 $0x3;
	[sflag:s28] =	ssyncadd.s32 @!p1 $0xFFFFEC00;
	s28 =	simm.s32 @!p1 $0x0  }
0xb1: {  	[hbm4b:s22+s28] =	stream.linear.scatter @!p1 [tilespmem:s26], [sflag:$0x3], $0x1400, $0x38;
	[tilespmem:$0x1CD80] =	vst v63  }
0xb2: {  	s26 =	sadd.s32 s29, s1;
	s22 =	sadd.s32 $0x2800, s22;
	_ =	swait.ge @!p1 [sflag:s25], $0x1400  }
0xb3: {  	s24 =	sadd.s32 $0x14000, s24;
	p2 =	sgt.u32 s26, $0xF9;
	[sflag:s25] =	ssyncset.done @!p1 $0x0  }
0xb4: {  	s23 =	simm.s32 @!p2 $0x8100  }
0xb5: {  	s26 =	simm.s32 @!p2 $0x4;
	[sflag:s25] =	ssyncadd.s32 @!p1 $0xFFFFEC00;
	p1 =	por p2, p2  }
0xb6: {  	[tilespmem:s23], [sflag:$0x4] =	stream.linear.gather @!p1 [spmem:s24], $0x1400, $0x38;
	[tilespmem:$0x1CD80] =	vst v63  }
0xb7: {  	s21 =	sadd.s32 $0x1, s21;
	_ =	swait.ge @!p1 [sflag:s26], $0x1400  }
0xb8: {  	s24 =	simm.s32 @!p1 $0x0;
	p2 =	sne.s32 s21, s4;
	[sflag:s26] =	ssyncset.done @!p1 $0x0  }
.Ltmp4:
0xb9: {  	s25 =	simm.s32 @!p1 $0x3;
	[sflag:s26] =	ssyncadd.s32 @!p1 $0xFFFFEC00;
	(pc) =	sbr.rel @p2 .LBB2_1-.Ltmp4, $4  }
0xba: {  	[hbm4b:s22+s24] =	stream.linear.scatter @!p1 [tilespmem:s23], [sflag:$0x3], $0x1400, $0x38;
	[tilespmem:$0x1CD80] =	vst v63  }
0xbb: {  	_ =	swait.ge @!p1 [sflag:s25], $0x1400  }
0xbc: {  	[sflag:s25] =	ssyncset.done @!p1 $0x0  }
0xbd: {  	[sflag:s25] =	ssyncadd.s32 @!p1 $0xFFFFEC00  }
0xbe: {  	_ =	sfence.sel $0x180000  }
0xbf: {  	[bflag:$0x0] =	sbarrier.arrive $0xFFFF  }
0xc0: {  	p0 =	sne.s32 s1, $0x0;
	_ =	strace $0x9000004D  }
0xc1: {  	s0 =	sadd.s32 @!p0 $0x100000, s0;
	[bflag:$0x2] =	sbarrier.arrive $0xFFFF  }
0xc2: {  	[sflag:s0] =	ssyncadd.tile.s32 @!p0 $0x1;
	_ =	shalt  }
.Lfunc_end2:
_tile_overlayer_lowered:
.L_overlay_start_2:
0xc3: {  	(tag) =	ssettag $0x2  }
0xc4: {  	s0 =	rddreg [dreg:$0x0];
	s2 =	stileid.u32  }
0xc5: {  	s1 =	rddreg [dreg:$0x1];
	p0 =	sne.s32 s2, $0x0  }
0xc6: {  	s3 =	rddreg [dreg:$0x2];
	[bflag:$0x3] =	sbarrier.arrive $0xFFFF;
	s2 =	simm.s32 @!p0 $0x1C03  }
0xc7: {  	[timem:s3], [sflag:s2] =	dma.local @!p0 [hbm:s0], s1  }
0xc8: {  	s0 =	simm.s32 @!p0 $0x3  }
0xc9: {  	_ =	swait.ge @!p0 [sflag:s0], s1  }
0xca: {  	s1 =	ssub.s32 @!p0 $0x0, s1;
	[sflag:s0] =	ssyncset.done @!p0 $0x0  }
0xcb: {  	[sflag:s0] =	ssyncadd.s32 @!p0 s1  }
0xcc: {  	[bflag:$0x3] =	sbarrier.arrive $0xFFFF  }
0xcd: {  	_ =	shalt  }

// kernel: kernel.9.cloned.1.call-start
scs
__scs_entry_jumppad:
0x0: {  	(pc) =	sbr.rel $0x88, $3  }
0x1: {  	(tag) =	ssettag $0x0;
	lr =	simm.s32 $0x1  }
0x2: {  	[smem:$0x3F8E] =	sst lr;
	_ =	strace $0xD0000000  }
0x3: {  	_ = 	snop  }
0x4: {  	_ = 	snop  }
0x5: {  	_ = 	snop  }
0x6: {  	_ = 	snop  }
0x7: {  	_ = 	snop  }
__scs_overlays_trampoline_lowered:
0x8: {  	[smem:$0x3F9D] =	sst s0  }
0x9: {  	[smem:$0x3F9E] =	sst s1  }
0xa: {  	[smem:$0x3F9F] =	sst s2  }
0xb: {  	[smem:$0x3FA0] =	sst s3  }
0xc: {  	[smem:$0x3FA1] =	sst s4  }
0xd: {  	[smem:$0x3FA2] =	sst s5  }
0xe: {  	[smem:$0x3FA3] =	sst s6  }
0xf: {  	[smem:$0x3FA4] =	sst s7  }
0x10: {  	[smem:$0x3FA5] =	sst s8  }
0x11: {  	[smem:$0x3FA6] =	sst s9;
	s0 =	simm.s32 @!p0 $0x0  }
0x12: {  	s1 =	sld [smem:$0x3F8C];
	s0 =	simm.s32 @p0 $0x1  }
0x13: {  	[smem:$0x3FA7] =	sst s0;
	s0 =	simm.s32 @!p1 $0x0  }
0x14: {  	s2 =	sld [smem:$0x3F8B];
	s0 =	simm.s32 @p1 $0x1  }
0x15: {  	[smem:$0x3FA8] =	sst s0;
	s0 =	simm.s32 @!p2 $0x0  }
0x16: {  	s3 =	sld [smem:$0x3FDB];
	s0 =	simm.s32 @p2 $0x1  }
0x17: {  	s4 =	simm.s32 $0x1BF5;
	[smem:$0x3FAA] =	sst s0  }
0x18: {  	s0 =	sld [smem:$0x3F8D];
	_ =	swait.ge [sflag:s4], $0x0  }
0x19: {  	s7 =	sld [smem:$0x3F8E]  }
0x1a: {  	s8 =	sadd.s32 $0xFFFFE003, lr  }
0x1b: {  	s9 =	sadd.s32 $0xFFFFFEF7, lr;
	s5 =	simm.s32 $0xFFFFFFFF;
	p2 =	slt.u32 s8, $0xFFFFF086  }
0x1c: {  	p1 =	slt.u32 s9, $0xF7A;
	s5 =	simm.s32 @!p2 $0x0  }
0x1d: {  	s5 =	simm.s32 @p1 $0x1;
	p0 =	seq.s32 s7, s2  }
0x1e: {  	s7 =	smul.u32 @!p0 $0xF7A, s2;
	p2 =	seq.s32 @!p0 s5, $0x0  }
0x1f: {  	s9 =	smul.u32 $0xF7A, s1;
	s8 =	simm.s32 @!p0 $0x1BF5;
	p2 =	por !p2, p0  }
0x20: {  	[sflag:s8] =	ssyncset.s32 @!p0 $0xFFFFF086;
	s6 =	sadd.s32 @!p0 s3, s7;
	s7 =	simm.s32 @!p0 $0x108  }
0x21: {  	s3 =	sadd.s32 s3, s9;
	s6 =	sadd.s32 @!p0 $0x88, s6;
	s7 =	simm.s32 @p2 $0x1082  }
0x22: {  	[simem:s7], [sflag:s8] =	dma.local @!p0 [hbm:s6], $0xF7A  }
0x23: {  	s9 =	sor.u32 $0xD0000000, s2;
	s6 =	simm.s32 $0x108;
	_ =	swait.ge @!p0 [sflag:s8], $0x0  }
0x24: {  	s3 =	sadd.s32 $0x88, s3;
	s6 =	simm.s32 @!p1 $0x1082;
	[sflag:s4] =	ssyncset.s32 $0xFFFFF086  }
0x25: {  	[simem:s6], [sflag:s4] =	dma.local [hbm:s3], $0xF7A  }
0x26: {  	[smem:$0x3F8E] =	sst s1;
	(tag) =	ssettag s2;
	_ =	strace s9  }
0x27: {  	s1 =	sld [smem:$0x3F9E]  }
0x28: {  	s2 =	sld [smem:$0x3F9F]  }
0x29: {  	s4 =	sld [smem:$0x3FA1]  }
0x2a: {  	p0 =	seq.s32 s5, $0x0;
	s5 =	sld [smem:$0x3FA2]  }
0x2b: {  	s6 =	sld [smem:$0x3FA3]  }
0x2c: {  	s7 =	sld [smem:$0x3FA4]  }
0x2d: {  	s3 =	simm.s32 $0x108;
	s8 =	sld [smem:$0x3FA5]  }
0x2e: {  	s3 =	simm.s32 @!p0 $0x1082;
	s9 =	sld [smem:$0x3FA6]  }
0x2f: {  	lr =	sadd.s32 s0, s3;
	s0 =	sld [smem:$0x3F9D]  }
0x30: {  	s3 =	sld [smem:$0x3FA0]  }
0x31: {  	[smem:$0x3FA9] =	sst s10  }
0x32: {  	s10 =	sld [smem:$0x3FA7];
	_ =	sdelay $0x3  }
0x33: {  	p0 =	seq.s32 s10, $0x1;
	s10 =	sld [smem:$0x3FA9];
	_ =	sdelay $0x3  }
0x34: {  	[smem:$0x3FA9] =	sst s10  }
0x35: {  	s10 =	sld [smem:$0x3FA8];
	_ =	sdelay $0x3  }
0x36: {  	p1 =	seq.s32 s10, $0x1;
	s10 =	sld [smem:$0x3FA9];
	_ =	sdelay $0x3  }
0x37: {  	[smem:$0x3FA9] =	sst s10  }
0x38: {  	s10 =	sld [smem:$0x3FAA]  }
0x39: {  	_ = 	snop;
	(pc) =	sbr.ind lr, $3  }
0x3a: {  	_ = 	snop  }
0x3b: {  	_ = 	snop  }
0x3c: {  	p2 =	seq.s32 s10, $0x1;
	s10 =	sld [smem:$0x3FA9]  }
0x3d: {  	_ =	shalt  }
0x3e: {  	_ =	shalt  }
0x3f: {  	_ =	shalt  }
0x40: {  	_ =	shalt  }
0x41: {  	_ =	shalt  }
0x42: {  	_ =	shalt  }
0x43: {  	_ =	shalt  }
0x44: {  	_ =	shalt  }
0x45: {  	_ =	shalt  }
0x46: {  	_ =	shalt  }
0x47: {  	_ =	shalt  }
0x48: {  	_ =	shalt  }
0x49: {  	_ =	shalt  }
0x4a: {  	_ =	shalt  }
0x4b: {  	_ =	shalt  }
0x4c: {  	_ =	shalt  }
0x4d: {  	_ =	shalt  }
0x4e: {  	_ =	shalt  }
0x4f: {  	_ =	shalt  }
0x50: {  	_ =	shalt  }
0x51: {  	_ =	shalt  }
0x52: {  	_ =	shalt  }
0x53: {  	_ =	shalt  }
0x54: {  	_ =	shalt  }
0x55: {  	_ =	shalt  }
0x56: {  	_ =	shalt  }
0x57: {  	_ =	shalt  }
0x58: {  	_ =	shalt  }
0x59: {  	_ =	shalt  }
0x5a: {  	_ =	shalt  }
0x5b: {  	_ =	shalt  }
0x5c: {  	_ =	shalt  }
0x5d: {  	_ =	shalt  }
0x5e: {  	_ =	shalt  }
0x5f: {  	_ =	shalt  }
0x60: {  	_ =	shalt  }
0x61: {  	_ =	shalt  }
0x62: {  	_ =	shalt  }
0x63: {  	_ =	shalt  }
0x64: {  	_ =	shalt  }
0x65: {  	_ =	shalt  }
0x66: {  	_ =	shalt  }
0x67: {  	_ =	shalt  }
0x68: {  	_ =	shalt  }
0x69: {  	_ =	shalt  }
0x6a: {  	_ =	shalt  }
0x6b: {  	_ =	shalt  }
0x6c: {  	_ =	shalt  }
0x6d: {  	_ =	shalt  }
0x6e: {  	_ =	shalt  }
0x6f: {  	_ =	shalt  }
0x70: {  	_ =	shalt  }
0x71: {  	_ =	shalt  }
0x72: {  	_ =	shalt  }
0x73: {  	_ =	shalt  }
0x74: {  	_ =	shalt  }
0x75: {  	_ =	shalt  }
0x76: {  	_ =	shalt  }
0x77: {  	_ =	shalt  }
0x78: {  	_ =	shalt  }
0x79: {  	_ =	shalt  }
0x7a: {  	_ =	shalt  }
0x7b: {  	_ =	shalt  }
0x7c: {  	_ =	shalt  }
0x7d: {  	_ =	shalt  }
0x7e: {  	_ =	shalt  }
0x7f: {  	_ =	shalt  }
0x80: {  	_ =	shalt  }
0x81: {  	_ =	shalt  }
0x82: {  	_ =	shalt  }
0x83: {  	_ =	shalt  }
0x84: {  	_ =	shalt  }
0x85: {  	_ =	shalt  }
0x86: {  	_ =	shalt  }
0x87: {  	_ =	shalt  }
.Lfunc_end0:
.L_simem_size_0:
called_computation_lowered:
.L_overlay_start_0:
0x88: {  	s2 =	sld [smem:$0x3FD9]  }
0x89: {  	s3 =	sld [smem:$0x3FFE];
	_ =	sdelay $0x1  }
0x8a: {  	s1 =	srdreg.scid  }
0x8b: {  	s0 =	sand.u32 $0x1, s1  }
0x8c: {  	s15 =	sshll.u32 s0, $0xA;
	s2 =	sadd.s32 s3, s2  }
0x8d: {  	s2 =	sadd.s32 s2, s15  }
0x8e: {  	[smem:$0x3FB5] =	sst s2  }
0x8f: {  	_ = 	snop  }
0x90: {  	s16 =	sld [smem:$0x3FD0];
	_ =	sdelay $0x2  }
0x91: {  	s4 =	simm.s32 $0xB;
	s5 =	simm.s32 $0x10;
	s2 =	sld [smem:$0x3FC9]  }
0x92: {  	[smem:s5], [sflag:s4] =	dma.local [hbm:s16], $0x1  }
0x93: {  	_ =	swait.eq [sflag:s4], $0x1  }
0x94: {  	[sflag:s4] =	ssyncset.done $0x0  }
0x95: {  	[sflag:s4] =	ssyncadd.s32 $0xFFFFFFFF  }
0x96: {  	s17 =	sld [smem:$0x10];
	(tm) =	ssettm $0x1  }
0x97: {  	s18 =	sld [smem:$0x3FFB];
	_ =	sdelay $0x3  }
0x98: {  	_ =	strace s18  }
0x99: {  	s3 =	sld [smem:$0x3FFC];
	_ =	sdelay $0x3  }
0x9a: {  	_ =	strace s3  }
0x9b: {  	s3 =	sld [smem:$0x3FFD];
	_ =	sdelay $0x3  }
0x9c: {  	_ =	strace s3  }
0x9d: {  	_ =	strace $0x8FFFFFFF  }
0x9e: {  	s19 =	sld [smem:$0x3FDB];
	_ =	sdelay $0x1  }
0x9f: {  	s20 =	simm.s32 $_scs_section_size  }
0xa0: {  	s6 =	simm.s32 $_size__tile_overlayer_lowered;
	s7 =	simm.s32 $_tile_overlayer_lowered  }
0xa1: {  	s8 =	simm.s32 $0x1BFF;
	s21 =	sshll.u32 s7, $0x1;
	s5 =	sadd.s32 s20, s19  }
0xa2: {  	s22 =	simm.s32 $0x0;
	s6 =	sshll.u32 s6, $0x1;
	s7 =	sadd.s32 s21, s5  }
0xa3: {  	[timem:s22], [sflag:s8] =	dma.local [hbm:s7], s6  }
0xa4: {  	_ =	swait.ge [sflag:s8], s6  }
0xa5: {  	s6 =	ssub.s32 $0x0, s6;
	[sflag:s8] =	ssyncset.done $0x0  }
0xa6: {  	[sflag:s8] =	ssyncadd.s32 s6;
	_ =	sdelay $0x1  }
0xa7: {  	s23 =	simm.s32 $0x1B8B  }
0xa8: {  	_ =	swait.ge [sflag:s23], $0x1  }
0xa9: {  	[sflag:s23] =	ssyncset.done $0x0  }
0xaa: {  	[sflag:s23] =	ssyncadd.s32 $0xFFFFFFFF  }
0xab: {  	s6 =	sld [smem:$0x0]  }
0xac: {  	s7 =	sand.u32 $0xFFFFFFFE, s1  }
0xad: {  	p0 =	sne.s32 s1, s7  }
0xae: {  	s7 =	sshll.u32 @p0 s7, $0xE  }
0xaf: {  	s7 =	sadd.s32 @p0 $0x11B8D, s7;
	s8 =	sshll.u32 @p0 s6, $0x11  }
0xb0: {  	s7 =	sor.u32 @p0 s8, s7  }
0xb1: {  	[sflag:s7] =	ssyncadd.remote.s32 @p0 $0x1;
	_ =	sdelay $0x1  }
0xb2: {  	s7 =	simm.s32 @p0 $0x1B8D  }
0xb3: {  	_ =	swait.eq @p0 [sflag:s7], $0x1  }
0xb4: {  	[sflag:s7] =	ssyncadd.s32 @p0 $0xFFFFFFFF  }
0xb5: {  	s8 =	sshll.u32 @!p0 s1, $0xE  }
0xb6: {  	s8 =	sor.u32 @!p0 $0x4000, s8;
	s7 =	simm.s32 @!p0 $0x1B8D  }
0xb7: {  	s6 =	sshll.u32 @!p0 s6, $0x11;
	s8 =	sadd.s32 @!p0 $0x11B8D, s8;
	_ =	swait.eq @!p0 [sflag:s7], $0x1  }
0xb8: {  	s6 =	sor.u32 @!p0 s6, s8;
	[sflag:s7] =	ssyncadd.s32 @!p0 $0xFFFFFFFF  }
0xb9: {  	s25 =	simm.s32 $0x1B8E;
	s24 =	sld [smem:$0x3FFE];
	[sflag:s6] =	ssyncadd.remote.s32 @!p0 $0x1  }
0xba: {  	s26 =	simm.s32 $execute0_lowered;
	[smem:$0x3FD2] =	sst s25  }
0xbb: {  	s7 =	sshll.u32 s26, $0x1;
	_ =	strace $0x80000049;
	[dreg:$0x1] =	wrdreg $0xFFFFFFFF  }
0xbc: {  	s28 =	simm.s32 $_size_execute0_lowered;
	s5 =	sadd.s32 s5, s7;
	[dreg:$0x0] =	wrdreg $0x0  }
0xbd: {  	s7 =	sshll.u32 s28, $0x1;
	[dreg:$0x2] =	wrdreg s5  }
0xbe: {  	[dreg:$0x3] =	wrdreg s7  }
0xbf: {  	[dreg:$0x4] =	wrdreg $0xC0  }
0xc0: {  	_ =	task [dreg:s22], $0x5FFFF  }
0xc1: {  	[dreg:$0x1] =	wrdreg $0xFFFFFFFF  }
0xc2: {  	[dreg:$0x0] =	wrdreg $0x60  }
0xc3: {  	[dreg:$0x2] =	wrdreg s2  }
0xc4: {  	[dreg:$0x3] =	wrdreg s24  }
0xc5: {  	[dreg:$0x4] =	wrdreg s17  }
0xc6: {  	[dreg:$0x5] =	wrdreg $0x9  }
0xc7: {  	_ =	task.clear_ibuf [dreg:s22], $0x6FFFF;
	_ =	strace $0x90000049  }
0xc8: {  	s29 =	simm.s32 $0x9;
	_ =	strace $0x8000004B  }
0xc9: {  	_ =	swait.ge [sflag:s29], $0x1  }
0xca: {  	[sflag:s29] =	ssyncadd.s32 $0xFFFFFFFF  }
0xcb: {  	_ =	strace $0x9000004B  }
0xcc: {  	_ =	sfence  }
0xcd: {  	s30 =	sld [smem:$0x0];
	_ =	sdelay $0x2  }
0xce: {  	s31 =	sshll.u32 s1, $0xD;
	s1 =	sshrl.u32 s1, $0x2  }
0xcf: {  	s4 =	sand.u32 $0x4000, s31;
	s1 =	sadd.s32 s1, s30  }
0xd0: {  	s0 =	sor.u32 s4, s0;
	s1 =	sshll.u32 s1, $0x11  }
0xd1: {  	s0 =	sor.u32 s1, s0  }
0xd2: {  	s0 =	sadd.s32 $0x8F2B, s0  }
0xd3: {  	[sflag:s0] =	ssyncadd.remote.s32 $0x1  }
0xd4: {  	_ =	sfence.sel $0xFFFF  }
0xd5: {  	[dreg:$0x0] =	wrdreg $0xFFFFFFFF;
	(pc) =	sbr.abs _section_cstart, $3  }
0xd6: {  	[dreg:$0x1] =	wrdreg $0xFFFFFFFF  }
0xd7: {  	_ =	task.clear_ibuf [dreg:s22], $0x2FFFF;
	_ =	strace $0x9FFFFFFF  }
0xd8: {  	(tm) =	ssettm $0x7FFFFFFF  }
0xd9: {  	_ =	shalt  }
tec
execute0_lowered:
.L_overlay_start_1:
0x0: {  	(tag) =	ssettag $0x1  }
0x1: {  	s1 =	rddreg [dreg:$0x0]  }
0x2: {  	s5 =	rddreg [dreg:$0x1]  }
0x3: {  	s9 =	rddreg [dreg:$0x2];
	s2 =	srdreg.scid  }
0x4: {  	s3 =	simm.s32 $0x0;
	s15 =	simm.s32 $0x3;
	s16 =	simm.s32 $0x180  }
0x5: {  	s17 =	simm.s32 $0x4200;
	s18 =	simm.s32 $0xC200;
	s19 =	simm.s32 $0x1  }
0x6: {  	s20 =	simm.s32 $0x200;
	s21 =	simm.s32 $0x8200;
	s22 =	simm.s32 $0x0  }
0x7: {  	s10 =	sand.u32 $0x1, s2;
	[smem:$0x7FF] =	sst s3;
	s2 =	stileid.u32  }
0x8: {  	s4 =	sadd.s32 $0x4EF600, s5;
	s6 =	ssub.s32 $0x2, s10;
	_ =	strace $0x8000004A  }
0x9: {  	s11 =	sshll.u32 s2, $0x5;
	s8 =	sor.u32 $0x20, s10;
	s31 =	sshll.u32 s10, $0x4  }
0xa: {  	s13 =	sshll.u32 s2, $0xC;
	s14 =	sshll.u32 s10, $0xB;
	s7 =	sshrl.u32 s6, $0x1  }
.Ltmp0:
0xb: {  	s12 =	sadd.s32 s11, s5;
	s5 =	sadd.s32 $0x760600, s5;
	(pc) =	sbr.rel .LBB2_1-.Ltmp0, $4  }
0xc: {  	s9 =	sadd.s32 s11, s9;
	s13 =	sor.u32 s14, s13;
	s14 =	simm.s32 $0x80  }
0xd: {  	s7 =	ssub.s32 s6, s7;
	s6 =	sshll.u32 s2, $0x1;
	s12 =	sadd.s32 s31, s12  }
0xe: {  	s9 =	sadd.s32 s31, s9;
	s11 =	sadd.s32 s13, s4;
	s7 =	smax.u32 s7, $0x1  }
0xf: {  	s10 =	sadd.s32 $0x3800, s12;
	s12 =	sadd.s32 s13, s5;
	s13 =	sor.u32 $0x1FFF0000, s13  }
.LBB2_7:
0x10: {  	s22 =	sadd.s32 $0x1, s22  }
0x11: {  	p0 =	sne.s32 s22, s7  }
.Ltmp1:
0x12: {  	_ = 	snop;
	(pc) =	sbr.rel @!p0 .LBB2_8-.Ltmp1, $1  }
0x13: {  	_ =	sdelay $0x3  }
.LBB2_1:
.Ltmp2:
0x14: {  	(pc) =	sbr.rel .LBB2_2-.Ltmp2, $3  }
0x15: {  	_ =	sdelay $0x1  }
0x16: {  	s23 =	smov.u32 s13;
	s24 =	smov.u32 s12  }
0x17: {  	s25 =	smov.u32 s11;
	s26 =	smov.u32 s6;
	s28 =	simm.s32 $0x0  }
.LBB2_3:
0x18: {  	s0 =	sadd.s32 s28, s10  }
0x19: {  	s0 =	sadd.s32 $0x200, s0  }
0x1a: {  	[tilespmem:s14], [sflag:$0x3] =	stream.linear.gather [hbm4b:s0+s3], $0x80, $0x38;
	[tilespmem:$0x10200] =	vst v63  }
0x1b: {  	_ =	swait.ge [sflag:s15], $0x80  }
0x1c: {  	s31 =	sadd.s32 s28, s9;
	[sflag:s15] =	ssyncset.done $0x0  }
0x1d: {  	s0 =	sadd.s32 $0x200, s31;
	[sflag:s15] =	ssyncadd.s32 $0xFFFFFF80  }
0x1e: {  	[tilespmem:s16], [sflag:$0x3] =	stream.linear.gather [hbm4b:s0+s3], $0x80, $0x38;
	[tilespmem:$0x10200] =	vst v63  }
0x1f: {  	_ =	swait.ge [sflag:s15], $0x80  }
0x20: {  	[sflag:s15] =	ssyncset.done $0x0  }
0x21: {  	[sflag:s15] =	ssyncadd.s32 $0xFFFFFF80  }
0x22: {  	[tilespmem:s17], [sflag:$0x2] =	stream.indirect.gather [hbm4b:s1+s14], $0x80, s14, s14, $0xb8;
	[tilespmem:$0x10200] =	vst v63  }
0x23: {  	_ = 	snop  }
0x24: {  	[tilespmem:s18], [sflag:$0x2] =	stream.indirect.gather [hbm4b:s1+s14], $0x80, s16, s14, $0xb8;
	[tilespmem:$0x10200] =	vst v63  }
.LBB2_5:
0x25: {  	_ =	swait.ge [sflag:s19], $0x4000  }
0x26: {  	[sflag:s19] =	ssyncset.done $0x0  }
0x27: {  	[sflag:s19] =	ssyncadd.s32 $0xFFFFC000  }
0x28: {  	_ =	swait.ge [sflag:s19], $0x4000  }
0x29: {  	[sflag:s19] =	ssyncset.done $0x0  }
0x2a: {  	[sflag:s19] =	ssyncadd.s32 $0xFFFFC000  }
0x2b: {  	[hbm4b:s25+s3] =	stream.linear.scatter [tilespmem:s20], [sflag:$0x1], $0x4000, $0x38;
	[tilespmem:$0x10200] =	vst v63  }
0x2c: {  	_ = 	snop  }
0x2d: {  	[hbm4b:s24+s3] =	stream.linear.scatter [tilespmem:s21], [sflag:$0x1], $0x4000, $0x38;
	[tilespmem:$0x10200] =	vst v63  }
.LBB2_6:
0x2e: {  	s28 =	sadd.s32 $0x400, s28  }
0x2f: {  	p0 =	sne.s32 s28, $0x5800  }
.Ltmp3:
0x30: {  	_ = 	snop;
	(pc) =	sbr.rel @!p0 .LBB2_7-.Ltmp3, $3  }
0x31: {  	_ =	sdelay $0x1  }
0x32: {  	s26 =	sadd.s32 $0x40, s26  }
0x33: {  	s25 =	sadd.s32 $0x20000, s25;
	s24 =	sadd.s32 $0x20000, s24;
	s23 =	sadd.s32 $0x20000, s23  }
.LBB2_2:
0x34: {  	p0 =	seq.s32 s28, $0x0  }
0x35: {  	p1 =	sgt.u32 @!p0 s26, $0x521  }
0x36: {  	p2 =	por p1, p0  }
0x37: {  	s29 =	simm.s32 @!p2 $0x1  }
0x38: {  	_ =	swait.ge @!p2 [sflag:s29], $0x4000  }
0x39: {  	[sflag:s29] =	ssyncset.done @!p2 $0x0  }
0x3a: {  	[sflag:s29] =	ssyncadd.s32 @!p2 $0xFFFFC000  }
0x3b: {  	_ =	swait.ge @!p2 [sflag:s29], $0x4000  }
0x3c: {  	p1 =	sgt.u32 s26, $0x4E1;
	[sflag:s29] =	ssyncset.done @!p2 $0x0  }
0x3d: {  	s30 =	simm.s32 @!p1 $0x0;
	[sflag:s29] =	ssyncadd.s32 @!p2 $0xFFFFC000;
	s29 =	sadd.s32 @!p1 s28, s10  }
0x3e: {  	[tilespmem:s30], [sflag:$0x3] =	stream.linear.gather @!p1 [hbm4b:s29+s30], $0x80, $0x38;
	[tilespmem:$0x10200] =	vst v63  }
0x3f: {  	s29 =	simm.s32 @!p1 $0x3  }
0x40: {  	_ =	swait.ge @!p1 [sflag:s29], $0x80  }
0x41: {  	[sflag:s29] =	ssyncset.done @!p1 $0x0  }
0x42: {  	s31 =	sadd.s32 @!p1 s28, s9;
	s0 =	simm.s32 @!p1 $0x100;
	[sflag:s29] =	ssyncadd.s32 @!p1 $0xFFFFFF80  }
0x43: {  	[tilespmem:s0], [sflag:$0x3] =	stream.linear.gather @!p1 [hbm4b:s31+s30], $0x80, $0x38;
	[tilespmem:$0x10200] =	vst v63  }
0x44: {  	_ =	swait.ge @!p1 [sflag:s29], $0x80  }
0x45: {  	[sflag:s29] =	ssyncset.done @!p1 $0x0  }
0x46: {  	s31 =	simm.s32 @!p1 $0x200;
	[sflag:s29] =	ssyncadd.s32 @!p1 $0xFFFFFF80;
	s29 =	simm.s32 @!p1 $0x80  }
0x47: {  	[tilespmem:s31], [sflag:$0x1] =	stream.indirect.gather @!p1 [hbm4b:s1+s29], $0x80, s30, s29, $0xb8;
	[tilespmem:$0x10200] =	vst v63  }
0x48: {  	s30 =	simm.s32 @!p1 $0x8200  }
0x49: {  	[tilespmem:s30], [sflag:$0x1] =	stream.indirect.gather @!p1 [hbm4b:s1+s29], $0x80, s0, s29, $0xb8;
	[tilespmem:$0x10200] =	vst v63  }
0x4a: {  	p1 =	sgt.u32 @!p0 s26, $0x501  }
0x4b: {  	p1 =	por p1, p0  }
0x4c: {  	s0 =	simm.s32 @!p1 $0x2  }
0x4d: {  	_ =	swait.ge @!p1 [sflag:s0], $0x4000  }
0x4e: {  	[sflag:s0] =	ssyncset.done @!p1 $0x0  }
0x4f: {  	[sflag:s0] =	ssyncadd.s32 @!p1 $0xFFFFC000  }
0x50: {  	_ =	swait.ge @!p1 [sflag:s0], $0x4000  }
0x51: {  	[sflag:s0] =	ssyncset.done @!p1 $0x0  }
0x52: {  	[sflag:s0] =	ssyncadd.s32 @!p1 $0xFFFFC000;
	s0 =	sand.u32 @!p1 $0x1FFFF800, s23  }
0x53: {  	s30 =	simm.s32 @!p1 $0x0;
	s31 =	simm.s32 @!p1 $0x4200;
	s29 =	sadd.s32 @!p1 s4, s0  }
0x54: {  	[hbm4b:s29+s30] =	stream.linear.scatter @!p1 [tilespmem:s31], [sflag:$0x2], $0x4000, $0x38;
	[tilespmem:$0x10200] =	vst v63  }
0x55: {  	s0 =	sadd.s32 @!p1 s5, s0;
	s29 =	simm.s32 @!p1 $0xC200  }
0x56: {  	[hbm4b:s0+s30] =	stream.linear.scatter @!p1 [tilespmem:s29], [sflag:$0x2], $0x4000, $0x38;
	[tilespmem:$0x10200] =	vst v63  }
0x57: {  	s29 =	sadd.s32 s26, s8  }
0x58: {  	p1 =	sgt.u32 @!p0 s29, $0x521  }
0x59: {  	p0 =	por p1, p0  }
0x5a: {  	s0 =	simm.s32 @!p0 $0x2  }
0x5b: {  	p1 =	sgt.u32 s29, $0x4E1;
	_ =	swait.ge @!p0 [sflag:s0], $0x4000  }
.Ltmp4:
0x5c: {  	[sflag:s0] =	ssyncset.done @!p0 $0x0;
	(pc) =	sbr.rel @!p1 .LBB2_3-.Ltmp4, $4  }
0x5d: {  	[sflag:s0] =	ssyncadd.s32 @!p0 $0xFFFFC000  }
0x5e: {  	_ =	swait.ge @!p0 [sflag:s0], $0x4000  }
0x5f: {  	[sflag:s0] =	ssyncset.done @!p0 $0x0  }
0x60: {  	[sflag:s0] =	ssyncadd.s32 @!p0 $0xFFFFC000  }
0x61: {  	p0 =	sgt.u32 s29, $0x501  }
.Ltmp5:
0x62: {  	_ = 	snop;
	(pc) =	sbr.rel @p0 .LBB2_6-.Ltmp5, $4  }
.Ltmp6:
0x63: {  	_ = 	snop;
	(pc) =	sbr.rel @!p0 .LBB2_5-.Ltmp6, $4  }
0x64: {  	_ = 	snop  }
0x65: {  	_ = 	snop  }
0x66: {  	_ = 	snop  }
0x67: {  	_ = 	snop  }
.LBB2_8:
0x68: {  	_ =	sfence.sel $0x180000  }
0x69: {  	[bflag:$0x0] =	sbarrier.arrive $0xFFFF  }
0x6a: {  	_ =	strace $0x9000004A  }
0x6b: {  	[bflag:$0x2] =	sbarrier.arrive $0xFFFF  }
0x6c: {  	p0 =	sne.s32 s2, $0x0;
	s0 =	rddreg [dreg:$0x3]  }
0x6d: {  	s0 =	sadd.s32 @!p0 $0x100000, s0  }
0x6e: {  	[sflag:s0] =	ssyncadd.tile.s32 @!p0 $0x1;
	_ =	shalt  }
.Lfunc_end2:
_tile_overlayer_lowered:
.L_overlay_start_2:
0x6f: {  	(tag) =	ssettag $0x2  }
0x70: {  	s0 =	rddreg [dreg:$0x0];
	s2 =	stileid.u32  }
0x71: {  	s1 =	rddreg [dreg:$0x1];
	p0 =	sne.s32 s2, $0x0  }
0x72: {  	s3 =	rddreg [dreg:$0x2];
	[bflag:$0x3] =	sbarrier.arrive $0xFFFF;
	s2 =	simm.s32 @!p0 $0x1C03  }
0x73: {  	[timem:s3], [sflag:s2] =	dma.local @!p0 [hbm:s0], s1  }
0x74: {  	s0 =	simm.s32 @!p0 $0x3  }
0x75: {  	_ =	swait.ge @!p0 [sflag:s0], s1  }
0x76: {  	s1 =	ssub.s32 @!p0 $0x0, s1;
	[sflag:s0] =	ssyncset.done @!p0 $0x0  }
0x77: {  	[sflag:s0] =	ssyncadd.s32 @!p0 s1  }
0x78: {  	[bflag:$0x3] =	sbarrier.arrive $0xFFFF  }
0x79: {  	_ =	shalt  }

</sc_bundles>
